<compile_context>
chip_gen: v7x
topology: tpu7x:2x2x1
jax: 0.10.2.dev20260603
libtpu: 0.0.44.dev20260713+nightly
codegen_flags: <defaults>
</compile_context>

<pallas_src>
import jax
import jax.numpy as jnp
from jax import lax
from jax.experimental import pallas as pl
from jax.experimental.pallas import tpu as pltpu
from jax.experimental.pallas import tpu_sc as plsc

VOCAB = 1_000_000
L = 200
D = 32
B = 4096

NC, NS = 2, 16
NW = NC * NS
BW = B // NW

LH, LL = L // 8, 8
DH, DL = D // 8, 8
PL = 4
G = L // PL
NBUF = 2
BWP = BW + 1


def _emb_body(x4_hbm, tok_hbm, pos_hbm, out_hbm, idx_v, rows_v, tblk_v, pos_v, gsem, wsem):
    cid = lax.axis_index("c")
    sid = lax.axis_index("s")
    wid = sid * NC + cid

    pltpu.sync_copy(pos_hbm, pos_v)

    iota = lax.iota(jnp.int32, 16)

    def fire(g):
        p = lax.rem(g, NBUF)
        lh = lax.div(g, LL // PL)
        ll0 = lax.rem(g, LL // PL) * PL
        pltpu.sync_copy(x4_hbm.at[lh, wid, pl.ds(ll0, PL)], idx_v.at[p])
        for j in range(PL):
            pltpu.async_copy(
                tok_hbm.at[idx_v.at[p, j]], rows_v.at[p, j], gsem.at[p]
            )

    fire(0)

    def chunk(g, _):
        p = lax.rem(g, NBUF)

        @pl.when(g + 1 < G)
        def _fire_next():
            fire(g + 1)

        for j in range(PL):
            pltpu.make_async_copy(
                tok_hbm.at[pl.ds(0, BW)], rows_v.at[p, j], gsem.at[p]
            ).wait()

        @pl.when(g >= NBUF)
        def _wait_writeback():
            for j in range(PL):
                for dh in range(DH):
                    pltpu.make_async_copy(
                        tblk_v.at[p, j, pl.ds(dh * DL, DL), pl.ds(0, BW)],
                        out_hbm.at[0, dh, 0],
                        wsem.at[p],
                    ).wait()

        for j in range(PL):
            lpos = g * PL + j
            prow0 = pos_v[lpos, pl.ds(0, 16)]
            prow1 = pos_v[lpos, pl.ds(16, 16)]
            rows = rows_v.at[p, j]
            tblk = tblk_v.at[p, j]

            @plsc.parallel_loop(0, BW, unroll=8)
            def _transpose(b):
                bsplat = jnp.broadcast_to(b, (16,))
                v0 = rows[b, pl.ds(0, 16)] + prow0
                v1 = rows[b, pl.ds(16, 16)] + prow1
                plsc.store_scatter(tblk, [iota, bsplat], v0)
                plsc.store_scatter(tblk, [iota + 16, bsplat], v1)

        for j in range(PL):
            for dh in range(DH):
                pltpu.async_copy(
                    tblk_v.at[p, j, pl.ds(dh * DL, DL), pl.ds(0, BW)],
                    out_hbm.at[g * PL + j, dh, wid],
                    wsem.at[p],
                )
        return 0

    lax.fori_loop(0, G, chunk, 0)

    for b in range(NBUF):
        for j in range(PL):
            for dh in range(DH):
                pltpu.make_async_copy(
                    tblk_v.at[b, j, pl.ds(dh * DL, DL), pl.ds(0, BW)],
                    out_hbm.at[0, dh, 0],
                    wsem.at[b],
                ).wait()


@jax.jit
def _emb(x4, token_table, pos_table):
    mesh = plsc.VectorSubcoreMesh(core_axis_name="c", subcore_axis_name="s")
    return pl.kernel(
        _emb_body,
        out_type=jax.ShapeDtypeStruct((L, DH, NW, DL, BW), jnp.float32),
        mesh=mesh,
        compiler_params=pltpu.CompilerParams(
            use_tc_tiling_on_sc=False, needs_layout_passes=False
        ),
        scratch_types=[
            pltpu.VMEM((NBUF, PL, BW), jnp.int32),
            pltpu.VMEM((NBUF, PL, BW, D), jnp.float32),
            pltpu.VMEM((NBUF, PL, D, BWP), jnp.float32),
            pltpu.VMEM((L, D), jnp.float32),
            pltpu.SemaphoreType.DMA((NBUF,)),
            pltpu.SemaphoreType.DMA((NBUF,)),
        ],
    )(x4, token_table, pos_table)


def kernel(x, token_table, pos_table):
    x4 = (
        x.astype(jnp.int32)
        .reshape(NW, BW, LH, LL)
        .transpose(2, 0, 3, 1)
    )
    out5 = _emb(x4, token_table, pos_table)
    return jnp.transpose(out5, (2, 4, 0, 1, 3)).reshape(B, L, D)

# --- scband reference (transcript-rebuilt; emitter-appended) ---
"""Pipeline reference for scband-token-and-position-embedding-40630390621078 (READ-ONLY COPY).

The authoritative reference and input builder live on the scoring server;
editing this copy changes nothing except your own understanding.
"""

import jax, jax.numpy as jnp
import numpy as np

VOCAB_SIZE = 1000000
MAXLEN = 200
EMBED_DIM = 32
BATCH = 4096


def setup_inputs(seed: int = 0) -> dict:
    key = jax.random.key(seed)
    k1, k2, k3 = jax.random.split(key, 3)
    x = jax.random.randint(k1, (BATCH, MAXLEN), 0, VOCAB_SIZE, dtype=jnp.int64 if jax.config.jax_enable_x64 else jnp.int32)
    token_table = jax.random.normal(k2, (VOCAB_SIZE, EMBED_DIM), dtype=jnp.float32) * 0.05
    pos_table = jax.random.normal(k3, (MAXLEN, EMBED_DIM), dtype=jnp.float32) * 0.05
    return {"x": x, "token_table": token_table, "pos_table": pos_table}


def reference(x, token_table, pos_table):
    # maxlen = shape(x)[-1]; positions = arange(0, maxlen)
    seq_len = x.shape[-1]
    positions = jnp.arange(0, seq_len, 1)
    pos_embedded = jnp.take(pos_table, positions, axis=0)       # [L, D]
    tok_embedded = jnp.take(token_table, x, axis=0)             # [B, L, D]
    return tok_embedded + pos_embedded[None, :, :]

if __name__ == "__main__":
    import jax
    _d = setup_inputs()
    print(jax.jit(kernel)(*tuple(_d.values())))

</pallas_src>

<mosaic_0001>
#map = affine_map<(d0, d1) -> (0, 0, 0, 0)>
#map1 = affine_map<(d0, d1) -> (0, 0)>
#map2 = affine_map<(d0, d1) -> (0, 0, 0, 0, 0)>
module attributes {stable_mosaic.version = 14 : i64} {
  func.func @_emb_body(%arg0: i32, %arg1: i32, %arg2: memref<25x32x8x128xi32, #tpu.memory_space<hbm>>, %arg3: memref<1000000x32xf32, #tpu.memory_space<hbm>>, %arg4: memref<200x32xf32, #tpu.memory_space<hbm>>, %arg5: memref<200x4x32x8x128xf32, #tpu.memory_space<hbm>>, %arg6: memref<2x4x128xi32, #tpu.memory_space<vmem>>, %arg7: memref<2x4x128x32xf32, #tpu.memory_space<vmem>>, %arg8: memref<2x4x32x129xf32, #tpu.memory_space<vmem>>, %arg9: memref<200x32xf32, #tpu.memory_space<vmem>>, %arg10: memref<2x!tpu.dma_semaphore, #tpu.memory_space<semaphore_mem>>, %arg11: memref<2x!tpu.dma_semaphore, #tpu.memory_space<semaphore_mem>>) attributes {dimension_semantics = [#tpu.dimension_semantics<core_parallel>, #tpu.dimension_semantics<subcore_parallel>], iteration_bounds = array<i64: 2, 16>, scalar_prefetch = 0 : i64, scratch_operands = 6 : i64, tpu.core_type = #tpu.core_type<sc_vector_subcore>, window_params = [{transform_indices = #map}, {transform_indices = #map1}, {transform_indices = #map1}, {transform_indices = #map2}]} {
    %mul3A = arith.constant 2 : i32
    %mul3A_0 = arith.muli %arg1, %mul3A : i32
    %add3A = arith.addi %mul3A_0, %arg0 : i32
    "tpu.region"() ({
      %run_scoped3A = tpu.sem_alloc : memref<!tpu.dma_semaphore, #tpu.memory_space<semaphore_mem>>
      tpu.enqueue_dma source(%arg4 : memref<200x32xf32, #tpu.memory_space<hbm>>) target(%arg9 : memref<200x32xf32, #tpu.memory_space<vmem>>) target_semaphore(%run_scoped3A : memref<!tpu.dma_semaphore, #tpu.memory_space<semaphore_mem>>)
      tpu.wait_dma2 semaphore(%run_scoped3A : memref<!tpu.dma_semaphore, #tpu.memory_space<semaphore_mem>>) src(%arg4 : memref<200x32xf32, #tpu.memory_space<hbm>>) dst(%arg9 : memref<200x32xf32, #tpu.memory_space<vmem>>)
      tpu.yield
    }) : () -> ()
    %iota3A = tpu.iota {dimensions = array<i32: 0>} : vector<16xi32>
    %rem3A = arith.constant 0 : i32
    %rem3A_1 = arith.constant 2 : i32
    %rem3A_2 = arith.remsi %rem3A, %rem3A_1 : i32
    %div3A = arith.constant 0 : i32
    %div3A_3 = arith.constant 2 : i32
    %div3A_4 = arith.divsi %div3A, %div3A_3 : i32
    %rem3A_5 = arith.constant 0 : i32
    %rem3A_6 = arith.constant 2 : i32
    %rem3A_7 = arith.remsi %rem3A_5, %rem3A_6 : i32
    %mul3A_8 = arith.constant 4 : i32
    %mul3A_9 = arith.muli %rem3A_7, %mul3A_8 : i32
    "tpu.region"() ({
      %run_scoped3A = tpu.sem_alloc : memref<!tpu.dma_semaphore, #tpu.memory_space<semaphore_mem>>
      %dma_start3A_838 = arith.constant 0 : i32
      %dma_start3A_839 = arith.constant 0 : i32
      %dma_start3A_840 = tpu.memref_slice %arg6[%rem3A_2, %dma_start3A_838, %dma_start3A_839] : memref<2x4x128xi32, #tpu.memory_space<vmem>> -> memref<1x4x128xi32, #tpu.memory_space<vmem>>
      %dma_start3A_841 = tpu.memref_squeeze %dma_start3A_840 : memref<1x4x128xi32, #tpu.memory_space<vmem>> -> memref<4x128xi32, #tpu.memory_space<vmem>>
      %dma_start3A_842 = arith.constant 0 : i32
      %dma_start3A_843 = tpu.memref_slice %arg2[%div3A_4, %add3A, %mul3A_9, %dma_start3A_842] : memref<25x32x8x128xi32, #tpu.memory_space<hbm>> -> memref<1x1x4x128xi32, #tpu.memory_space<hbm>>
      %dma_start3A_844 = tpu.memref_squeeze %dma_start3A_843 : memref<1x1x4x128xi32, #tpu.memory_space<hbm>> -> memref<4x128xi32, #tpu.memory_space<hbm>>
      %dma_start3A_845 = arith.constant 0 : i32
      %dma_start3A_846 = arith.constant 0 : i32
      %dma_start3A_847 = tpu.memref_slice %arg6[%rem3A_2, %dma_start3A_845, %dma_start3A_846] : memref<2x4x128xi32, #tpu.memory_space<vmem>> -> memref<1x4x128xi32, #tpu.memory_space<vmem>>
      %dma_start3A_848 = tpu.memref_squeeze %dma_start3A_847 : memref<1x4x128xi32, #tpu.memory_space<vmem>> -> memref<4x128xi32, #tpu.memory_space<vmem>>
      %dma_start3A_849 = arith.constant 0 : i32
      %dma_start3A_850 = tpu.memref_slice %arg2[%div3A_4, %add3A, %mul3A_9, %dma_start3A_849] : memref<25x32x8x128xi32, #tpu.memory_space<hbm>> -> memref<1x1x4x128xi32, #tpu.memory_space<hbm>>
      %dma_start3A_851 = tpu.memref_squeeze %dma_start3A_850 : memref<1x1x4x128xi32, #tpu.memory_space<hbm>> -> memref<4x128xi32, #tpu.memory_space<hbm>>
      tpu.enqueue_dma source(%dma_start3A_851 : memref<4x128xi32, #tpu.memory_space<hbm>>) target(%dma_start3A_848 : memref<4x128xi32, #tpu.memory_space<vmem>>) target_semaphore(%run_scoped3A : memref<!tpu.dma_semaphore, #tpu.memory_space<semaphore_mem>>)
      %dma_wait3A_852 = arith.constant 0 : i32
      %dma_wait3A_853 = arith.constant 0 : i32
      %dma_wait3A_854 = tpu.memref_slice %arg6[%rem3A_2, %dma_wait3A_852, %dma_wait3A_853] : memref<2x4x128xi32, #tpu.memory_space<vmem>> -> memref<1x4x128xi32, #tpu.memory_space<vmem>>
      %dma_wait3A_855 = tpu.memref_squeeze %dma_wait3A_854 : memref<1x4x128xi32, #tpu.memory_space<vmem>> -> memref<4x128xi32, #tpu.memory_space<vmem>>
      %dma_wait3A_856 = arith.constant 0 : i32
      %dma_wait3A_857 = tpu.memref_slice %arg2[%div3A_4, %add3A, %mul3A_9, %dma_wait3A_856] : memref<25x32x8x128xi32, #tpu.memory_space<hbm>> -> memref<1x1x4x128xi32, #tpu.memory_space<hbm>>
      %dma_wait3A_858 = tpu.memref_squeeze %dma_wait3A_857 : memref<1x1x4x128xi32, #tpu.memory_space<hbm>> -> memref<4x128xi32, #tpu.memory_space<hbm>>
      %dma_wait3A_859 = arith.constant 0 : i32
      %dma_wait3A_860 = arith.constant 0 : i32
      %dma_wait3A_861 = tpu.memref_slice %arg6[%rem3A_2, %dma_wait3A_859, %dma_wait3A_860] : memref<2x4x128xi32, #tpu.memory_space<vmem>> -> memref<1x4x128xi32, #tpu.memory_space<vmem>>
      %dma_wait3A_862 = tpu.memref_squeeze %dma_wait3A_861 : memref<1x4x128xi32, #tpu.memory_space<vmem>> -> memref<4x128xi32, #tpu.memory_space<vmem>>
      %dma_wait3A_863 = arith.constant 0 : i32
      %dma_wait3A_864 = tpu.memref_slice %arg2[%div3A_4, %add3A, %mul3A_9, %dma_wait3A_863] : memref<25x32x8x128xi32, #tpu.memory_space<hbm>> -> memref<1x1x4x128xi32, #tpu.memory_space<hbm>>
      %dma_wait3A_865 = tpu.memref_squeeze %dma_wait3A_864 : memref<1x1x4x128xi32, #tpu.memory_space<hbm>> -> memref<4x128xi32, #tpu.memory_space<hbm>>
      tpu.wait_dma2 semaphore(%run_scoped3A : memref<!tpu.dma_semaphore, #tpu.memory_space<semaphore_mem>>) src(%dma_wait3A_865 : memref<4x128xi32, #tpu.memory_space<hbm>>) dst(%dma_wait3A_862 : memref<4x128xi32, #tpu.memory_space<vmem>>)
      tpu.yield
    }) : () -> ()
    %dma_start3A = arith.constant 0 : i32
    %dma_start3A_10 = arith.constant 0 : i32
    %dma_start3A_11 = arith.constant 0 : i32
    %dma_start3A_12 = arith.constant 0 : i32
    %dma_start3A_13 = tpu.memref_slice %arg7[%rem3A_2, %dma_start3A_10, %dma_start3A_11, %dma_start3A_12] : memref<2x4x128x32xf32, #tpu.memory_space<vmem>> -> memref<1x1x128x32xf32, #tpu.memory_space<vmem>>
    %dma_start3A_14 = tpu.memref_squeeze %dma_start3A_13 : memref<1x1x128x32xf32, #tpu.memory_space<vmem>> -> memref<128x32xf32, #tpu.memory_space<vmem>>
    %dma_start3A_15 = arith.constant 0 : i32
    %dma_start3A_16 = tpu.memref_slice %arg6[%rem3A_2, %dma_start3A, %dma_start3A_15] : memref<2x4x128xi32, #tpu.memory_space<vmem>> -> memref<1x1x128xi32, #tpu.memory_space<vmem>>
    %dma_start3A_17 = tpu.memref_squeeze %dma_start3A_16 : memref<1x1x128xi32, #tpu.memory_space<vmem>> -> memref<128xi32, #tpu.memory_space<vmem>>
    %dma_start3A_18 = arith.constant 0 : i32
    %dma_start3A_19 = arith.constant 0 : i32
    %dma_start3A_20 = tpu.memref_slice %arg3[%dma_start3A_18, %dma_start3A_19] : memref<1000000x32xf32, #tpu.memory_space<hbm>> -> memref<1000000x32xf32, #tpu.memory_space<hbm>>
    %dma_start3A_21 = tpu.memref_slice %arg10[%rem3A_2] : memref<2x!tpu.dma_semaphore, #tpu.memory_space<semaphore_mem>> -> memref<1x!tpu.dma_semaphore, #tpu.memory_space<semaphore_mem>>
    %dma_start3A_22 = tpu.memref_squeeze %dma_start3A_21 : memref<1x!tpu.dma_semaphore, #tpu.memory_space<semaphore_mem>> -> memref<!tpu.dma_semaphore, #tpu.memory_space<semaphore_mem>>
    tpu.enqueue_indirect_dma source(%dma_start3A_20 : memref<1000000x32xf32, #tpu.memory_space<hbm>>) target(%dma_start3A_14 : memref<128x32xf32, #tpu.memory_space<vmem>>) offsets(%dma_start3A_17 : memref<128xi32, #tpu.memory_space<vmem>>) semaphore(%dma_start3A_22 : memref<!tpu.dma_semaphore, #tpu.memory_space<semaphore_mem>>)
    %dma_start3A_23 = arith.constant 1 : i32
    %dma_start3A_24 = arith.constant 1 : i32
    %dma_start3A_25 = arith.constant 0 : i32
    %dma_start3A_26 = arith.constant 0 : i32
    %dma_start3A_27 = tpu.memref_slice %arg7[%rem3A_2, %dma_start3A_24, %dma_start3A_25, %dma_start3A_26] : memref<2x4x128x32xf32, #tpu.memory_space<vmem>> -> memref<1x1x128x32xf32, #tpu.memory_space<vmem>>
    %dma_start3A_28 = tpu.memref_squeeze %dma_start3A_27 : memref<1x1x128x32xf32, #tpu.memory_space<vmem>> -> memref<128x32xf32, #tpu.memory_space<vmem>>
    %dma_start3A_29 = arith.constant 0 : i32
    %dma_start3A_30 = tpu.memref_slice %arg6[%rem3A_2, %dma_start3A_23, %dma_start3A_29] : memref<2x4x128xi32, #tpu.memory_space<vmem>> -> memref<1x1x128xi32, #tpu.memory_space<vmem>>
    %dma_start3A_31 = tpu.memref_squeeze %dma_start3A_30 : memref<1x1x128xi32, #tpu.memory_space<vmem>> -> memref<128xi32, #tpu.memory_space<vmem>>
    %dma_start3A_32 = arith.constant 0 : i32
    %dma_start3A_33 = arith.constant 0 : i32
    %dma_start3A_34 = tpu.memref_slice %arg3[%dma_start3A_32, %dma_start3A_33] : memref<1000000x32xf32, #tpu.memory_space<hbm>> -> memref<1000000x32xf32, #tpu.memory_space<hbm>>
    %dma_start3A_35 = tpu.memref_slice %arg10[%rem3A_2] : memref<2x!tpu.dma_semaphore, #tpu.memory_space<semaphore_mem>> -> memref<1x!tpu.dma_semaphore, #tpu.memory_space<semaphore_mem>>
    %dma_start3A_36 = tpu.memref_squeeze %dma_start3A_35 : memref<1x!tpu.dma_semaphore, #tpu.memory_space<semaphore_mem>> -> memref<!tpu.dma_semaphore, #tpu.memory_space<semaphore_mem>>
    tpu.enqueue_indirect_dma source(%dma_start3A_34 : memref<1000000x32xf32, #tpu.memory_space<hbm>>) target(%dma_start3A_28 : memref<128x32xf32, #tpu.memory_space<vmem>>) offsets(%dma_start3A_31 : memref<128xi32, #tpu.memory_space<vmem>>) semaphore(%dma_start3A_36 : memref<!tpu.dma_semaphore, #tpu.memory_space<semaphore_mem>>)
    %dma_start3A_37 = arith.constant 2 : i32
    %dma_start3A_38 = arith.constant 2 : i32
    %dma_start3A_39 = arith.constant 0 : i32
    %dma_start3A_40 = arith.constant 0 : i32
    %dma_start3A_41 = tpu.memref_slice %arg7[%rem3A_2, %dma_start3A_38, %dma_start3A_39, %dma_start3A_40] : memref<2x4x128x32xf32, #tpu.memory_space<vmem>> -> memref<1x1x128x32xf32, #tpu.memory_space<vmem>>
    %dma_start3A_42 = tpu.memref_squeeze %dma_start3A_41 : memref<1x1x128x32xf32, #tpu.memory_space<vmem>> -> memref<128x32xf32, #tpu.memory_space<vmem>>
    %dma_start3A_43 = arith.constant 0 : i32
    %dma_start3A_44 = tpu.memref_slice %arg6[%rem3A_2, %dma_start3A_37, %dma_start3A_43] : memref<2x4x128xi32, #tpu.memory_space<vmem>> -> memref<1x1x128xi32, #tpu.memory_space<vmem>>
    %dma_start3A_45 = tpu.memref_squeeze %dma_start3A_44 : memref<1x1x128xi32, #tpu.memory_space<vmem>> -> memref<128xi32, #tpu.memory_space<vmem>>
    %dma_start3A_46 = arith.constant 0 : i32
    %dma_start3A_47 = arith.constant 0 : i32
    %dma_start3A_48 = tpu.memref_slice %arg3[%dma_start3A_46, %dma_start3A_47] : memref<1000000x32xf32, #tpu.memory_space<hbm>> -> memref<1000000x32xf32, #tpu.memory_space<hbm>>
    %dma_start3A_49 = tpu.memref_slice %arg10[%rem3A_2] : memref<2x!tpu.dma_semaphore, #tpu.memory_space<semaphore_mem>> -> memref<1x!tpu.dma_semaphore, #tpu.memory_space<semaphore_mem>>
    %dma_start3A_50 = tpu.memref_squeeze %dma_start3A_49 : memref<1x!tpu.dma_semaphore, #tpu.memory_space<semaphore_mem>> -> memref<!tpu.dma_semaphore, #tpu.memory_space<semaphore_mem>>
    tpu.enqueue_indirect_dma source(%dma_start3A_48 : memref<1000000x32xf32, #tpu.memory_space<hbm>>) target(%dma_start3A_42 : memref<128x32xf32, #tpu.memory_space<vmem>>) offsets(%dma_start3A_45 : memref<128xi32, #tpu.memory_space<vmem>>) semaphore(%dma_start3A_50 : memref<!tpu.dma_semaphore, #tpu.memory_space<semaphore_mem>>)
    %dma_start3A_51 = arith.constant 3 : i32
    %dma_start3A_52 = arith.constant 3 : i32
    %dma_start3A_53 = arith.constant 0 : i32
    %dma_start3A_54 = arith.constant 0 : i32
    %dma_start3A_55 = tpu.memref_slice %arg7[%rem3A_2, %dma_start3A_52, %dma_start3A_53, %dma_start3A_54] : memref<2x4x128x32xf32, #tpu.memory_space<vmem>> -> memref<1x1x128x32xf32, #tpu.memory_space<vmem>>
    %dma_start3A_56 = tpu.memref_squeeze %dma_start3A_55 : memref<1x1x128x32xf32, #tpu.memory_space<vmem>> -> memref<128x32xf32, #tpu.memory_space<vmem>>
    %dma_start3A_57 = arith.constant 0 : i32
    %dma_start3A_58 = tpu.memref_slice %arg6[%rem3A_2, %dma_start3A_51, %dma_start3A_57] : memref<2x4x128xi32, #tpu.memory_space<vmem>> -> memref<1x1x128xi32, #tpu.memory_space<vmem>>
    %dma_start3A_59 = tpu.memref_squeeze %dma_start3A_58 : memref<1x1x128xi32, #tpu.memory_space<vmem>> -> memref<128xi32, #tpu.memory_space<vmem>>
    %dma_start3A_60 = arith.constant 0 : i32
    %dma_start3A_61 = arith.constant 0 : i32
    %dma_start3A_62 = tpu.memref_slice %arg3[%dma_start3A_60, %dma_start3A_61] : memref<1000000x32xf32, #tpu.memory_space<hbm>> -> memref<1000000x32xf32, #tpu.memory_space<hbm>>
    %dma_start3A_63 = tpu.memref_slice %arg10[%rem3A_2] : memref<2x!tpu.dma_semaphore, #tpu.memory_space<semaphore_mem>> -> memref<1x!tpu.dma_semaphore, #tpu.memory_space<semaphore_mem>>
    %dma_start3A_64 = tpu.memref_squeeze %dma_start3A_63 : memref<1x!tpu.dma_semaphore, #tpu.memory_space<semaphore_mem>> -> memref<!tpu.dma_semaphore, #tpu.memory_space<semaphore_mem>>
    tpu.enqueue_indirect_dma source(%dma_start3A_62 : memref<1000000x32xf32, #tpu.memory_space<hbm>>) target(%dma_start3A_56 : memref<128x32xf32, #tpu.memory_space<vmem>>) offsets(%dma_start3A_59 : memref<128xi32, #tpu.memory_space<vmem>>) semaphore(%dma_start3A_64 : memref<!tpu.dma_semaphore, #tpu.memory_space<semaphore_mem>>)
    %scan3A = arith.constant 0 : i32
    %scan3A_65 = arith.constant 0 : i32
    %scan3A_66 = arith.constant 50 : i32
    %scan3A_67 = arith.addi %scan3A_65, %scan3A_66 : i32
    %scan3A_68 = arith.constant 1 : i32
    %scan3A_69 = scf.for %scan3A_838 = %scan3A_65 to %scan3A_67 step %scan3A_68 iter_args(%scan3A_839 = %scan3A) -> (i32)  : i32 {
      %rem3A_840 = arith.constant 2 : i32
      %rem3A_841 = arith.remsi %scan3A_838, %rem3A_840 : i32
      %add3A_842 = arith.constant 1 : i32
      %add3A_843 = arith.addi %scan3A_838, %add3A_842 : i32
      %lt3A = arith.constant 50 : i32
      %lt3A_844 = arith.cmpi slt, %add3A_843, %lt3A : i32
      %convert_element_type3A = arith.extui %lt3A_844 : i1 to i32
      %cond3A = arith.constant 0 : i32
      %cond3A_845 = arith.cmpi ne, %convert_element_type3A, %cond3A : i32
      scf.if %cond3A_845 {
        %add3A_1361 = arith.constant 1 : i32
        %add3A_1362 = arith.addi %scan3A_838, %add3A_1361 : i32
        %rem3A_1363 = arith.constant 2 : i32
        %rem3A_1364 = arith.remsi %add3A_1362, %rem3A_1363 : i32
        %div3A_1365 = arith.constant 2 : i32
        %div3A_1366 = arith.divsi %add3A_1362, %div3A_1365 : i32
        %rem3A_1367 = arith.constant 2 : i32
        %rem3A_1368 = arith.remsi %add3A_1362, %rem3A_1367 : i32
        %mul3A_1369 = arith.constant 4 : i32
        %mul3A_1370 = arith.muli %rem3A_1368, %mul3A_1369 : i32
        "tpu.region"() ({
          %run_scoped3A = tpu.sem_alloc : memref<!tpu.dma_semaphore, #tpu.memory_space<semaphore_mem>>
          %dma_start3A_1427 = arith.constant 0 : i32
          %dma_start3A_1428 = arith.constant 0 : i32
          %dma_start3A_1429 = tpu.memref_slice %arg6[%rem3A_1364, %dma_start3A_1427, %dma_start3A_1428] : memref<2x4x128xi32, #tpu.memory_space<vmem>> -> memref<1x4x128xi32, #tpu.memory_space<vmem>>
          %dma_start3A_1430 = tpu.memref_squeeze %dma_start3A_1429 : memref<1x4x128xi32, #tpu.memory_space<vmem>> -> memref<4x128xi32, #tpu.memory_space<vmem>>
          %dma_start3A_1431 = arith.constant 0 : i32
          %dma_start3A_1432 = tpu.memref_slice %arg2[%div3A_1366, %add3A, %mul3A_1370, %dma_start3A_1431] : memref<25x32x8x128xi32, #tpu.memory_space<hbm>> -> memref<1x1x4x128xi32, #tpu.memory_space<hbm>>
          %dma_start3A_1433 = tpu.memref_squeeze %dma_start3A_1432 : memref<1x1x4x128xi32, #tpu.memory_space<hbm>> -> memref<4x128xi32, #tpu.memory_space<hbm>>
          %dma_start3A_1434 = arith.constant 0 : i32
          %dma_start3A_1435 = arith.constant 0 : i32
          %dma_start3A_1436 = tpu.memref_slice %arg6[%rem3A_1364, %dma_start3A_1434, %dma_start3A_1435] : memref<2x4x128xi32, #tpu.memory_space<vmem>> -> memref<1x4x128xi32, #tpu.memory_space<vmem>>
          %dma_start3A_1437 = tpu.memref_squeeze %dma_start3A_1436 : memref<1x4x128xi32, #tpu.memory_space<vmem>> -> memref<4x128xi32, #tpu.memory_space<vmem>>
          %dma_start3A_1438 = arith.constant 0 : i32
          %dma_start3A_1439 = tpu.memref_slice %arg2[%div3A_1366, %add3A, %mul3A_1370, %dma_start3A_1438] : memref<25x32x8x128xi32, #tpu.memory_space<hbm>> -> memref<1x1x4x128xi32, #tpu.memory_space<hbm>>
          %dma_start3A_1440 = tpu.memref_squeeze %dma_start3A_1439 : memref<1x1x4x128xi32, #tpu.memory_space<hbm>> -> memref<4x128xi32, #tpu.memory_space<hbm>>
          tpu.enqueue_dma source(%dma_start3A_1440 : memref<4x128xi32, #tpu.memory_space<hbm>>) target(%dma_start3A_1437 : memref<4x128xi32, #tpu.memory_space<vmem>>) target_semaphore(%run_scoped3A : memref<!tpu.dma_semaphore, #tpu.memory_space<semaphore_mem>>)
          %dma_wait3A_1441 = arith.constant 0 : i32
          %dma_wait3A_1442 = arith.constant 0 : i32
          %dma_wait3A_1443 = tpu.memref_slice %arg6[%rem3A_1364, %dma_wait3A_1441, %dma_wait3A_1442] : memref<2x4x128xi32, #tpu.memory_space<vmem>> -> memref<1x4x128xi32, #tpu.memory_space<vmem>>
          %dma_wait3A_1444 = tpu.memref_squeeze %dma_wait3A_1443 : memref<1x4x128xi32, #tpu.memory_space<vmem>> -> memref<4x128xi32, #tpu.memory_space<vmem>>
          %dma_wait3A_1445 = arith.constant 0 : i32
          %dma_wait3A_1446 = tpu.memref_slice %arg2[%div3A_1366, %add3A, %mul3A_1370, %dma_wait3A_1445] : memref<25x32x8x128xi32, #tpu.memory_space<hbm>> -> memref<1x1x4x128xi32, #tpu.memory_space<hbm>>
          %dma_wait3A_1447 = tpu.memref_squeeze %dma_wait3A_1446 : memref<1x1x4x128xi32, #tpu.memory_space<hbm>> -> memref<4x128xi32, #tpu.memory_space<hbm>>
          %dma_wait3A_1448 = arith.constant 0 : i32
          %dma_wait3A_1449 = arith.constant 0 : i32
          %dma_wait3A_1450 = tpu.memref_slice %arg6[%rem3A_1364, %dma_wait3A_1448, %dma_wait3A_1449] : memref<2x4x128xi32, #tpu.memory_space<vmem>> -> memref<1x4x128xi32, #tpu.memory_space<vmem>>
          %dma_wait3A_1451 = tpu.memref_squeeze %dma_wait3A_1450 : memref<1x4x128xi32, #tpu.memory_space<vmem>> -> memref<4x128xi32, #tpu.memory_space<vmem>>
          %dma_wait3A_1452 = arith.constant 0 : i32
          %dma_wait3A_1453 = tpu.memref_slice %arg2[%div3A_1366, %add3A, %mul3A_1370, %dma_wait3A_1452] : memref<25x32x8x128xi32, #tpu.memory_space<hbm>> -> memref<1x1x4x128xi32, #tpu.memory_space<hbm>>
          %dma_wait3A_1454 = tpu.memref_squeeze %dma_wait3A_1453 : memref<1x1x4x128xi32, #tpu.memory_space<hbm>> -> memref<4x128xi32, #tpu.memory_space<hbm>>
          tpu.wait_dma2 semaphore(%run_scoped3A : memref<!tpu.dma_semaphore, #tpu.memory_space<semaphore_mem>>) src(%dma_wait3A_1454 : memref<4x128xi32, #tpu.memory_space<hbm>>) dst(%dma_wait3A_1451 : memref<4x128xi32, #tpu.memory_space<vmem>>)
          tpu.yield
        }) : () -> ()
        %dma_start3A_1371 = arith.constant 0 : i32
        %dma_start3A_1372 = arith.constant 0 : i32
        %dma_start3A_1373 = arith.constant 0 : i32
        %dma_start3A_1374 = arith.constant 0 : i32
        %dma_start3A_1375 = tpu.memref_slice %arg7[%rem3A_1364, %dma_start3A_1372, %dma_start3A_1373, %dma_start3A_1374] : memref<2x4x128x32xf32, #tpu.memory_space<vmem>> -> memref<1x1x128x32xf32, #tpu.memory_space<vmem>>
        %dma_start3A_1376 = tpu.memref_squeeze %dma_start3A_1375 : memref<1x1x128x32xf32, #tpu.memory_space<vmem>> -> memref<128x32xf32, #tpu.memory_space<vmem>>
        %dma_start3A_1377 = arith.constant 0 : i32
        %dma_start3A_1378 = tpu.memref_slice %arg6[%rem3A_1364, %dma_start3A_1371, %dma_start3A_1377] : memref<2x4x128xi32, #tpu.memory_space<vmem>> -> memref<1x1x128xi32, #tpu.memory_space<vmem>>
        %dma_start3A_1379 = tpu.memref_squeeze %dma_start3A_1378 : memref<1x1x128xi32, #tpu.memory_space<vmem>> -> memref<128xi32, #tpu.memory_space<vmem>>
        %dma_start3A_1380 = arith.constant 0 : i32
        %dma_start3A_1381 = arith.constant 0 : i32
        %dma_start3A_1382 = tpu.memref_slice %arg3[%dma_start3A_1380, %dma_start3A_1381] : memref<1000000x32xf32, #tpu.memory_space<hbm>> -> memref<1000000x32xf32, #tpu.memory_space<hbm>>
        %dma_start3A_1383 = tpu.memref_slice %arg10[%rem3A_1364] : memref<2x!tpu.dma_semaphore, #tpu.memory_space<semaphore_mem>> -> memref<1x!tpu.dma_semaphore, #tpu.memory_space<semaphore_mem>>
        %dma_start3A_1384 = tpu.memref_squeeze %dma_start3A_1383 : memref<1x!tpu.dma_semaphore, #tpu.memory_space<semaphore_mem>> -> memref<!tpu.dma_semaphore, #tpu.memory_space<semaphore_mem>>
        tpu.enqueue_indirect_dma source(%dma_start3A_1382 : memref<1000000x32xf32, #tpu.memory_space<hbm>>) target(%dma_start3A_1376 : memref<128x32xf32, #tpu.memory_space<vmem>>) offsets(%dma_start3A_1379 : memref<128xi32, #tpu.memory_space<vmem>>) semaphore(%dma_start3A_1384 : memref<!tpu.dma_semaphore, #tpu.memory_space<semaphore_mem>>)
        %dma_start3A_1385 = arith.constant 1 : i32
        %dma_start3A_1386 = arith.constant 1 : i32
        %dma_start3A_1387 = arith.constant 0 : i32
        %dma_start3A_1388 = arith.constant 0 : i32
        %dma_start3A_1389 = tpu.memref_slice %arg7[%rem3A_1364, %dma_start3A_1386, %dma_start3A_1387, %dma_start3A_1388] : memref<2x4x128x32xf32, #tpu.memory_space<vmem>> -> memref<1x1x128x32xf32, #tpu.memory_space<vmem>>
        %dma_start3A_1390 = tpu.memref_squeeze %dma_start3A_1389 : memref<1x1x128x32xf32, #tpu.memory_space<vmem>> -> memref<128x32xf32, #tpu.memory_space<vmem>>
        %dma_start3A_1391 = arith.constant 0 : i32
        %dma_start3A_1392 = tpu.memref_slice %arg6[%rem3A_1364, %dma_start3A_1385, %dma_start3A_1391] : memref<2x4x128xi32, #tpu.memory_space<vmem>> -> memref<1x1x128xi32, #tpu.memory_space<vmem>>
        %dma_start3A_1393 = tpu.memref_squeeze %dma_start3A_1392 : memref<1x1x128xi32, #tpu.memory_space<vmem>> -> memref<128xi32, #tpu.memory_space<vmem>>
        %dma_start3A_1394 = arith.constant 0 : i32
        %dma_start3A_1395 = arith.constant 0 : i32
        %dma_start3A_1396 = tpu.memref_slice %arg3[%dma_start3A_1394, %dma_start3A_1395] : memref<1000000x32xf32, #tpu.memory_space<hbm>> -> memref<1000000x32xf32, #tpu.memory_space<hbm>>
        %dma_start3A_1397 = tpu.memref_slice %arg10[%rem3A_1364] : memref<2x!tpu.dma_semaphore, #tpu.memory_space<semaphore_mem>> -> memref<1x!tpu.dma_semaphore, #tpu.memory_space<semaphore_mem>>
        %dma_start3A_1398 = tpu.memref_squeeze %dma_start3A_1397 : memref<1x!tpu.dma_semaphore, #tpu.memory_space<semaphore_mem>> -> memref<!tpu.dma_semaphore, #tpu.memory_space<semaphore_mem>>
        tpu.enqueue_indirect_dma source(%dma_start3A_1396 : memref<1000000x32xf32, #tpu.memory_space<hbm>>) target(%dma_start3A_1390 : memref<128x32xf32, #tpu.memory_space<vmem>>) offsets(%dma_start3A_1393 : memref<128xi32, #tpu.memory_space<vmem>>) semaphore(%dma_start3A_1398 : memref<!tpu.dma_semaphore, #tpu.memory_space<semaphore_mem>>)
        %dma_start3A_1399 = arith.constant 2 : i32
        %dma_start3A_1400 = arith.constant 2 : i32
        %dma_start3A_1401 = arith.constant 0 : i32
        %dma_start3A_1402 = arith.constant 0 : i32
        %dma_start3A_1403 = tpu.memref_slice %arg7[%rem3A_1364, %dma_start3A_1400, %dma_start3A_1401, %dma_start3A_1402] : memref<2x4x128x32xf32, #tpu.memory_space<vmem>> -> memref<1x1x128x32xf32, #tpu.memory_space<vmem>>
        %dma_start3A_1404 = tpu.memref_squeeze %dma_start3A_1403 : memref<1x1x128x32xf32, #tpu.memory_space<vmem>> -> memref<128x32xf32, #tpu.memory_space<vmem>>
        %dma_start3A_1405 = arith.constant 0 : i32
        %dma_start3A_1406 = tpu.memref_slice %arg6[%rem3A_1364, %dma_start3A_1399, %dma_start3A_1405] : memref<2x4x128xi32, #tpu.memory_space<vmem>> -> memref<1x1x128xi32, #tpu.memory_space<vmem>>
        %dma_start3A_1407 = tpu.memref_squeeze %dma_start3A_1406 : memref<1x1x128xi32, #tpu.memory_space<vmem>> -> memref<128xi32, #tpu.memory_space<vmem>>
        %dma_start3A_1408 = arith.constant 0 : i32
        %dma_start3A_1409 = arith.constant 0 : i32
        %dma_start3A_1410 = tpu.memref_slice %arg3[%dma_start3A_1408, %dma_start3A_1409] : memref<1000000x32xf32, #tpu.memory_space<hbm>> -> memref<1000000x32xf32, #tpu.memory_space<hbm>>
        %dma_start3A_1411 = tpu.memref_slice %arg10[%rem3A_1364] : memref<2x!tpu.dma_semaphore, #tpu.memory_space<semaphore_mem>> -> memref<1x!tpu.dma_semaphore, #tpu.memory_space<semaphore_mem>>
        %dma_start3A_1412 = tpu.memref_squeeze %dma_start3A_1411 : memref<1x!tpu.dma_semaphore, #tpu.memory_space<semaphore_mem>> -> memref<!tpu.dma_semaphore, #tpu.memory_space<semaphore_mem>>
        tpu.enqueue_indirect_dma source(%dma_start3A_1410 : memref<1000000x32xf32, #tpu.memory_space<hbm>>) target(%dma_start3A_1404 : memref<128x32xf32, #tpu.memory_space<vmem>>) offsets(%dma_start3A_1407 : memref<128xi32, #tpu.memory_space<vmem>>) semaphore(%dma_start3A_1412 : memref<!tpu.dma_semaphore, #tpu.memory_space<semaphore_mem>>)
        %dma_start3A_1413 = arith.constant 3 : i32
        %dma_start3A_1414 = arith.constant 3 : i32
        %dma_start3A_1415 = arith.constant 0 : i32
        %dma_start3A_1416 = arith.constant 0 : i32
        %dma_start3A_1417 = tpu.memref_slice %arg7[%rem3A_1364, %dma_start3A_1414, %dma_start3A_1415, %dma_start3A_1416] : memref<2x4x128x32xf32, #tpu.memory_space<vmem>> -> memref<1x1x128x32xf32, #tpu.memory_space<vmem>>
        %dma_start3A_1418 = tpu.memref_squeeze %dma_start3A_1417 : memref<1x1x128x32xf32, #tpu.memory_space<vmem>> -> memref<128x32xf32, #tpu.memory_space<vmem>>
        %dma_start3A_1419 = arith.constant 0 : i32
        %dma_start3A_1420 = tpu.memref_slice %arg6[%rem3A_1364, %dma_start3A_1413, %dma_start3A_1419] : memref<2x4x128xi32, #tpu.memory_space<vmem>> -> memref<1x1x128xi32, #tpu.memory_space<vmem>>
        %dma_start3A_1421 = tpu.memref_squeeze %dma_start3A_1420 : memref<1x1x128xi32, #tpu.memory_space<vmem>> -> memref<128xi32, #tpu.memory_space<vmem>>
        %dma_start3A_1422 = arith.constant 0 : i32
        %dma_start3A_1423 = arith.constant 0 : i32
        %dma_start3A_1424 = tpu.memref_slice %arg3[%dma_start3A_1422, %dma_start3A_1423] : memref<1000000x32xf32, #tpu.memory_space<hbm>> -> memref<1000000x32xf32, #tpu.memory_space<hbm>>
        %dma_start3A_1425 = tpu.memref_slice %arg10[%rem3A_1364] : memref<2x!tpu.dma_semaphore, #tpu.memory_space<semaphore_mem>> -> memref<1x!tpu.dma_semaphore, #tpu.memory_space<semaphore_mem>>
        %dma_start3A_1426 = tpu.memref_squeeze %dma_start3A_1425 : memref<1x!tpu.dma_semaphore, #tpu.memory_space<semaphore_mem>> -> memref<!tpu.dma_semaphore, #tpu.memory_space<semaphore_mem>>
        tpu.enqueue_indirect_dma source(%dma_start3A_1424 : memref<1000000x32xf32, #tpu.memory_space<hbm>>) target(%dma_start3A_1418 : memref<128x32xf32, #tpu.memory_space<vmem>>) offsets(%dma_start3A_1421 : memref<128xi32, #tpu.memory_space<vmem>>) semaphore(%dma_start3A_1426 : memref<!tpu.dma_semaphore, #tpu.memory_space<semaphore_mem>>)
      } else {
      }
      %dma_wait3A_846 = arith.constant 0 : i32
      %dma_wait3A_847 = arith.constant 0 : i32
      %dma_wait3A_848 = arith.constant 0 : i32
      %dma_wait3A_849 = tpu.memref_slice %arg7[%rem3A_841, %dma_wait3A_846, %dma_wait3A_847, %dma_wait3A_848] : memref<2x4x128x32xf32, #tpu.memory_space<vmem>> -> memref<1x1x128x32xf32, #tpu.memory_space<vmem>>
      %dma_wait3A_850 = tpu.memref_squeeze %dma_wait3A_849 : memref<1x1x128x32xf32, #tpu.memory_space<vmem>> -> memref<128x32xf32, #tpu.memory_space<vmem>>
      %dma_wait3A_851 = arith.constant 0 : i32
      %dma_wait3A_852 = arith.constant 0 : i32
      %dma_wait3A_853 = tpu.memref_slice %arg3[%dma_wait3A_851, %dma_wait3A_852] : memref<1000000x32xf32, #tpu.memory_space<hbm>> -> memref<128x32xf32, #tpu.memory_space<hbm>>
      %dma_wait3A_854 = tpu.memref_slice %arg10[%rem3A_841] : memref<2x!tpu.dma_semaphore, #tpu.memory_space<semaphore_mem>> -> memref<1x!tpu.dma_semaphore, #tpu.memory_space<semaphore_mem>>
      %dma_wait3A_855 = tpu.memref_squeeze %dma_wait3A_854 : memref<1x!tpu.dma_semaphore, #tpu.memory_space<semaphore_mem>> -> memref<!tpu.dma_semaphore, #tpu.memory_space<semaphore_mem>>
      %dma_wait3A_856 = arith.constant 0 : i32
      %dma_wait3A_857 = arith.constant 0 : i32
      %dma_wait3A_858 = tpu.memref_slice %arg7[%rem3A_841, %dma_wait3A_846, %dma_wait3A_856, %dma_wait3A_857] : memref<2x4x128x32xf32, #tpu.memory_space<vmem>> -> memref<1x1x128x32xf32, #tpu.memory_space<vmem>>
      %dma_wait3A_859 = tpu.memref_squeeze %dma_wait3A_858 : memref<1x1x128x32xf32, #tpu.memory_space<vmem>> -> memref<128x32xf32, #tpu.memory_space<vmem>>
      %dma_wait3A_860 = arith.constant 0 : i32
      %dma_wait3A_861 = arith.constant 0 : i32
      %dma_wait3A_862 = tpu.memref_slice %arg3[%dma_wait3A_860, %dma_wait3A_861] : memref<1000000x32xf32, #tpu.memory_space<hbm>> -> memref<128x32xf32, #tpu.memory_space<hbm>>
      tpu.wait_dma2 semaphore(%dma_wait3A_855 : memref<!tpu.dma_semaphore, #tpu.memory_space<semaphore_mem>>) src(%dma_wait3A_862 : memref<128x32xf32, #tpu.memory_space<hbm>>) dst(%dma_wait3A_859 : memref<128x32xf32, #tpu.memory_space<vmem>>)
      %dma_wait3A_863 = arith.constant 1 : i32
      %dma_wait3A_864 = arith.constant 0 : i32
      %dma_wait3A_865 = arith.constant 0 : i32
      %dma_wait3A_866 = tpu.memref_slice %arg7[%rem3A_841, %dma_wait3A_863, %dma_wait3A_864, %dma_wait3A_865] : memref<2x4x128x32xf32, #tpu.memory_space<vmem>> -> memref<1x1x128x32xf32, #tpu.memory_space<vmem>>
      %dma_wait3A_867 = tpu.memref_squeeze %dma_wait3A_866 : memref<1x1x128x32xf32, #tpu.memory_space<vmem>> -> memref<128x32xf32, #tpu.memory_space<vmem>>
      %dma_wait3A_868 = arith.constant 0 : i32
      %dma_wait3A_869 = arith.constant 0 : i32
      %dma_wait3A_870 = tpu.memref_slice %arg3[%dma_wait3A_868, %dma_wait3A_869] : memref<1000000x32xf32, #tpu.memory_space<hbm>> -> memref<128x32xf32, #tpu.memory_space<hbm>>
      %dma_wait3A_871 = tpu.memref_slice %arg10[%rem3A_841] : memref<2x!tpu.dma_semaphore, #tpu.memory_space<semaphore_mem>> -> memref<1x!tpu.dma_semaphore, #tpu.memory_space<semaphore_mem>>
      %dma_wait3A_872 = tpu.memref_squeeze %dma_wait3A_871 : memref<1x!tpu.dma_semaphore, #tpu.memory_space<semaphore_mem>> -> memref<!tpu.dma_semaphore, #tpu.memory_space<semaphore_mem>>
      %dma_wait3A_873 = arith.constant 0 : i32
      %dma_wait3A_874 = arith.constant 0 : i32
      %dma_wait3A_875 = tpu.memref_slice %arg7[%rem3A_841, %dma_wait3A_863, %dma_wait3A_873, %dma_wait3A_874] : memref<2x4x128x32xf32, #tpu.memory_space<vmem>> -> memref<1x1x128x32xf32, #tpu.memory_space<vmem>>
      %dma_wait3A_876 = tpu.memref_squeeze %dma_wait3A_875 : memref<1x1x128x32xf32, #tpu.memory_space<vmem>> -> memref<128x32xf32, #tpu.memory_space<vmem>>
      %dma_wait3A_877 = arith.constant 0 : i32
      %dma_wait3A_878 = arith.constant 0 : i32
      %dma_wait3A_879 = tpu.memref_slice %arg3[%dma_wait3A_877, %dma_wait3A_878] : memref<1000000x32xf32, #tpu.memory_space<hbm>> -> memref<128x32xf32, #tpu.memory_space<hbm>>
      tpu.wait_dma2 semaphore(%dma_wait3A_872 : memref<!tpu.dma_semaphore, #tpu.memory_space<semaphore_mem>>) src(%dma_wait3A_879 : memref<128x32xf32, #tpu.memory_space<hbm>>) dst(%dma_wait3A_876 : memref<128x32xf32, #tpu.memory_space<vmem>>)
      %dma_wait3A_880 = arith.constant 2 : i32
      %dma_wait3A_881 = arith.constant 0 : i32
      %dma_wait3A_882 = arith.constant 0 : i32
      %dma_wait3A_883 = tpu.memref_slice %arg7[%rem3A_841, %dma_wait3A_880, %dma_wait3A_881, %dma_wait3A_882] : memref<2x4x128x32xf32, #tpu.memory_space<vmem>> -> memref<1x1x128x32xf32, #tpu.memory_space<vmem>>
      %dma_wait3A_884 = tpu.memref_squeeze %dma_wait3A_883 : memref<1x1x128x32xf32, #tpu.memory_space<vmem>> -> memref<128x32xf32, #tpu.memory_space<vmem>>
      %dma_wait3A_885 = arith.constant 0 : i32
      %dma_wait3A_886 = arith.constant 0 : i32
      %dma_wait3A_887 = tpu.memref_slice %arg3[%dma_wait3A_885, %dma_wait3A_886] : memref<1000000x32xf32, #tpu.memory_space<hbm>> -> memref<128x32xf32, #tpu.memory_space<hbm>>
      %dma_wait3A_888 = tpu.memref_slice %arg10[%rem3A_841] : memref<2x!tpu.dma_semaphore, #tpu.memory_space<semaphore_mem>> -> memref<1x!tpu.dma_semaphore, #tpu.memory_space<semaphore_mem>>
      %dma_wait3A_889 = tpu.memref_squeeze %dma_wait3A_888 : memref<1x!tpu.dma_semaphore, #tpu.memory_space<semaphore_mem>> -> memref<!tpu.dma_semaphore, #tpu.memory_space<semaphore_mem>>
      %dma_wait3A_890 = arith.constant 0 : i32
      %dma_wait3A_891 = arith.constant 0 : i32
      %dma_wait3A_892 = tpu.memref_slice %arg7[%rem3A_841, %dma_wait3A_880, %dma_wait3A_890, %dma_wait3A_891] : memref<2x4x128x32xf32, #tpu.memory_space<vmem>> -> memref<1x1x128x32xf32, #tpu.memory_space<vmem>>
      %dma_wait3A_893 = tpu.memref_squeeze %dma_wait3A_892 : memref<1x1x128x32xf32, #tpu.memory_space<vmem>> -> memref<128x32xf32, #tpu.memory_space<vmem>>
      %dma_wait3A_894 = arith.constant 0 : i32
      %dma_wait3A_895 = arith.constant 0 : i32
      %dma_wait3A_896 = tpu.memref_slice %arg3[%dma_wait3A_894, %dma_wait3A_895] : memref<1000000x32xf32, #tpu.memory_space<hbm>> -> memref<128x32xf32, #tpu.memory_space<hbm>>
      tpu.wait_dma2 semaphore(%dma_wait3A_889 : memref<!tpu.dma_semaphore, #tpu.memory_space<semaphore_mem>>) src(%dma_wait3A_896 : memref<128x32xf32, #tpu.memory_space<hbm>>) dst(%dma_wait3A_893 : memref<128x32xf32, #tpu.memory_space<vmem>>)
      %dma_wait3A_897 = arith.constant 3 : i32
      %dma_wait3A_898 = arith.constant 0 : i32
      %dma_wait3A_899 = arith.constant 0 : i32
      %dma_wait3A_900 = tpu.memref_slice %arg7[%rem3A_841, %dma_wait3A_897, %dma_wait3A_898, %dma_wait3A_899] : memref<2x4x128x32xf32, #tpu.memory_space<vmem>> -> memref<1x1x128x32xf32, #tpu.memory_space<vmem>>
      %dma_wait3A_901 = tpu.memref_squeeze %dma_wait3A_900 : memref<1x1x128x32xf32, #tpu.memory_space<vmem>> -> memref<128x32xf32, #tpu.memory_space<vmem>>
      %dma_wait3A_902 = arith.constant 0 : i32
      %dma_wait3A_903 = arith.constant 0 : i32
      %dma_wait3A_904 = tpu.memref_slice %arg3[%dma_wait3A_902, %dma_wait3A_903] : memref<1000000x32xf32, #tpu.memory_space<hbm>> -> memref<128x32xf32, #tpu.memory_space<hbm>>
      %dma_wait3A_905 = tpu.memref_slice %arg10[%rem3A_841] : memref<2x!tpu.dma_semaphore, #tpu.memory_space<semaphore_mem>> -> memref<1x!tpu.dma_semaphore, #tpu.memory_space<semaphore_mem>>
      %dma_wait3A_906 = tpu.memref_squeeze %dma_wait3A_905 : memref<1x!tpu.dma_semaphore, #tpu.memory_space<semaphore_mem>> -> memref<!tpu.dma_semaphore, #tpu.memory_space<semaphore_mem>>
      %dma_wait3A_907 = arith.constant 0 : i32
      %dma_wait3A_908 = arith.constant 0 : i32
      %dma_wait3A_909 = tpu.memref_slice %arg7[%rem3A_841, %dma_wait3A_897, %dma_wait3A_907, %dma_wait3A_908] : memref<2x4x128x32xf32, #tpu.memory_space<vmem>> -> memref<1x1x128x32xf32, #tpu.memory_space<vmem>>
      %dma_wait3A_910 = tpu.memref_squeeze %dma_wait3A_909 : memref<1x1x128x32xf32, #tpu.memory_space<vmem>> -> memref<128x32xf32, #tpu.memory_space<vmem>>
      %dma_wait3A_911 = arith.constant 0 : i32
      %dma_wait3A_912 = arith.constant 0 : i32
      %dma_wait3A_913 = tpu.memref_slice %arg3[%dma_wait3A_911, %dma_wait3A_912] : memref<1000000x32xf32, #tpu.memory_space<hbm>> -> memref<128x32xf32, #tpu.memory_space<hbm>>
      tpu.wait_dma2 semaphore(%dma_wait3A_906 : memref<!tpu.dma_semaphore, #tpu.memory_space<semaphore_mem>>) src(%dma_wait3A_913 : memref<128x32xf32, #tpu.memory_space<hbm>>) dst(%dma_wait3A_910 : memref<128x32xf32, #tpu.memory_space<vmem>>)
      %ge3A = arith.constant 2 : i32
      %ge3A_914 = arith.cmpi sge, %scan3A_838, %ge3A : i32
      %convert_element_type3A_915 = arith.extui %ge3A_914 : i1 to i32
      %cond3A_916 = arith.constant 0 : i32
      %cond3A_917 = arith.cmpi ne, %convert_element_type3A_915, %cond3A_916 : i32
      scf.if %cond3A_917 {
        %dma_wait3A_1361 = arith.constant 0 : i32
        %dma_wait3A_1362 = arith.constant 0 : i32
        %dma_wait3A_1363 = arith.constant 0 : i32
        %dma_wait3A_1364 = arith.constant 0 : i32
        %dma_wait3A_1365 = arith.constant 0 : i32
        %dma_wait3A_1366 = arith.constant 0 : i32
        %dma_wait3A_1367 = tpu.memref_slice %arg8[%rem3A_841, %dma_wait3A_1361, %dma_wait3A_1365, %dma_wait3A_1366] : memref<2x4x32x129xf32, #tpu.memory_space<vmem>> -> memref<1x1x8x128xf32, #tpu.memory_space<vmem>>
        %dma_wait3A_1368 = tpu.memref_squeeze %dma_wait3A_1367 : memref<1x1x8x128xf32, #tpu.memory_space<vmem>> -> memref<8x128xf32, #tpu.memory_space<vmem>>
        %dma_wait3A_1369 = arith.constant 0 : i32
        %dma_wait3A_1370 = arith.constant 0 : i32
        %dma_wait3A_1371 = tpu.memref_slice %arg5[%dma_wait3A_1362, %dma_wait3A_1363, %dma_wait3A_1364, %dma_wait3A_1369, %dma_wait3A_1370] : memref<200x4x32x8x128xf32, #tpu.memory_space<hbm>> -> memref<1x1x1x8x128xf32, #tpu.memory_space<hbm>>
        %dma_wait3A_1372 = tpu.memref_squeeze %dma_wait3A_1371 : memref<1x1x1x8x128xf32, #tpu.memory_space<hbm>> -> memref<8x128xf32, #tpu.memory_space<hbm>>
        %dma_wait3A_1373 = tpu.memref_slice %arg11[%rem3A_841] : memref<2x!tpu.dma_semaphore, #tpu.memory_space<semaphore_mem>> -> memref<1x!tpu.dma_semaphore, #tpu.memory_space<semaphore_mem>>
        %dma_wait3A_1374 = tpu.memref_squeeze %dma_wait3A_1373 : memref<1x!tpu.dma_semaphore, #tpu.memory_space<semaphore_mem>> -> memref<!tpu.dma_semaphore, #tpu.memory_space<semaphore_mem>>
        %dma_wait3A_1375 = arith.constant 0 : i32
        %dma_wait3A_1376 = arith.constant 0 : i32
        %dma_wait3A_1377 = tpu.memref_slice %arg5[%dma_wait3A_1362, %dma_wait3A_1363, %dma_wait3A_1364, %dma_wait3A_1375, %dma_wait3A_1376] : memref<200x4x32x8x128xf32, #tpu.memory_space<hbm>> -> memref<1x1x1x8x128xf32, #tpu.memory_space<hbm>>
        %dma_wait3A_1378 = tpu.memref_squeeze %dma_wait3A_1377 : memref<1x1x1x8x128xf32, #tpu.memory_space<hbm>> -> memref<8x128xf32, #tpu.memory_space<hbm>>
        %dma_wait3A_1379 = arith.constant 0 : i32
        %dma_wait3A_1380 = arith.constant 0 : i32
        %dma_wait3A_1381 = tpu.memref_slice %arg8[%rem3A_841, %dma_wait3A_1361, %dma_wait3A_1379, %dma_wait3A_1380] : memref<2x4x32x129xf32, #tpu.memory_space<vmem>> -> memref<1x1x8x128xf32, #tpu.memory_space<vmem>>
        %dma_wait3A_1382 = tpu.memref_squeeze %dma_wait3A_1381 : memref<1x1x8x128xf32, #tpu.memory_space<vmem>> -> memref<8x128xf32, #tpu.memory_space<vmem>>
        tpu.wait_dma2 semaphore(%dma_wait3A_1374 : memref<!tpu.dma_semaphore, #tpu.memory_space<semaphore_mem>>) src(%dma_wait3A_1382 : memref<8x128xf32, #tpu.memory_space<vmem>>) dst(%dma_wait3A_1378 : memref<8x128xf32, #tpu.memory_space<hbm>>)
        %dma_wait3A_1383 = arith.constant 0 : i32
        %dma_wait3A_1384 = arith.constant 0 : i32
        %dma_wait3A_1385 = arith.constant 1 : i32
        %dma_wait3A_1386 = arith.constant 0 : i32
        %dma_wait3A_1387 = arith.constant 8 : i32
        %dma_wait3A_1388 = arith.constant 0 : i32
        %dma_wait3A_1389 = tpu.memref_slice %arg8[%rem3A_841, %dma_wait3A_1383, %dma_wait3A_1387, %dma_wait3A_1388] : memref<2x4x32x129xf32, #tpu.memory_space<vmem>> -> memref<1x1x8x128xf32, #tpu.memory_space<vmem>>
        %dma_wait3A_1390 = tpu.memref_squeeze %dma_wait3A_1389 : memref<1x1x8x128xf32, #tpu.memory_space<vmem>> -> memref<8x128xf32, #tpu.memory_space<vmem>>
        %dma_wait3A_1391 = arith.constant 0 : i32
        %dma_wait3A_1392 = arith.constant 0 : i32
        %dma_wait3A_1393 = tpu.memref_slice %arg5[%dma_wait3A_1384, %dma_wait3A_1385, %dma_wait3A_1386, %dma_wait3A_1391, %dma_wait3A_1392] : memref<200x4x32x8x128xf32, #tpu.memory_space<hbm>> -> memref<1x1x1x8x128xf32, #tpu.memory_space<hbm>>
        %dma_wait3A_1394 = tpu.memref_squeeze %dma_wait3A_1393 : memref<1x1x1x8x128xf32, #tpu.memory_space<hbm>> -> memref<8x128xf32, #tpu.memory_space<hbm>>
        %dma_wait3A_1395 = tpu.memref_slice %arg11[%rem3A_841] : memref<2x!tpu.dma_semaphore, #tpu.memory_space<semaphore_mem>> -> memref<1x!tpu.dma_semaphore, #tpu.memory_space<semaphore_mem>>
        %dma_wait3A_1396 = tpu.memref_squeeze %dma_wait3A_1395 : memref<1x!tpu.dma_semaphore, #tpu.memory_space<semaphore_mem>> -> memref<!tpu.dma_semaphore, #tpu.memory_space<semaphore_mem>>
        %dma_wait3A_1397 = arith.constant 0 : i32
        %dma_wait3A_1398 = arith.constant 0 : i32
        %dma_wait3A_1399 = tpu.memref_slice %arg5[%dma_wait3A_1384, %dma_wait3A_1385, %dma_wait3A_1386, %dma_wait3A_1397, %dma_wait3A_1398] : memref<200x4x32x8x128xf32, #tpu.memory_space<hbm>> -> memref<1x1x1x8x128xf32, #tpu.memory_space<hbm>>
        %dma_wait3A_1400 = tpu.memref_squeeze %dma_wait3A_1399 : memref<1x1x1x8x128xf32, #tpu.memory_space<hbm>> -> memref<8x128xf32, #tpu.memory_space<hbm>>
        %dma_wait3A_1401 = arith.constant 8 : i32
        %dma_wait3A_1402 = arith.constant 0 : i32
        %dma_wait3A_1403 = tpu.memref_slice %arg8[%rem3A_841, %dma_wait3A_1383, %dma_wait3A_1401, %dma_wait3A_1402] : memref<2x4x32x129xf32, #tpu.memory_space<vmem>> -> memref<1x1x8x128xf32, #tpu.memory_space<vmem>>
        %dma_wait3A_1404 = tpu.memref_squeeze %dma_wait3A_1403 : memref<1x1x8x128xf32, #tpu.memory_space<vmem>> -> memref<8x128xf32, #tpu.memory_space<vmem>>
        tpu.wait_dma2 semaphore(%dma_wait3A_1396 : memref<!tpu.dma_semaphore, #tpu.memory_space<semaphore_mem>>) src(%dma_wait3A_1404 : memref<8x128xf32, #tpu.memory_space<vmem>>) dst(%dma_wait3A_1400 : memref<8x128xf32, #tpu.memory_space<hbm>>)
        %dma_wait3A_1405 = arith.constant 0 : i32
        %dma_wait3A_1406 = arith.constant 0 : i32
        %dma_wait3A_1407 = arith.constant 2 : i32
        %dma_wait3A_1408 = arith.constant 0 : i32
        %dma_wait3A_1409 = arith.constant 16 : i32
        %dma_wait3A_1410 = arith.constant 0 : i32
        %dma_wait3A_1411 = tpu.memref_slice %arg8[%rem3A_841, %dma_wait3A_1405, %dma_wait3A_1409, %dma_wait3A_1410] : memref<2x4x32x129xf32, #tpu.memory_space<vmem>> -> memref<1x1x8x128xf32, #tpu.memory_space<vmem>>
        %dma_wait3A_1412 = tpu.memref_squeeze %dma_wait3A_1411 : memref<1x1x8x128xf32, #tpu.memory_space<vmem>> -> memref<8x128xf32, #tpu.memory_space<vmem>>
        %dma_wait3A_1413 = arith.constant 0 : i32
        %dma_wait3A_1414 = arith.constant 0 : i32
        %dma_wait3A_1415 = tpu.memref_slice %arg5[%dma_wait3A_1406, %dma_wait3A_1407, %dma_wait3A_1408, %dma_wait3A_1413, %dma_wait3A_1414] : memref<200x4x32x8x128xf32, #tpu.memory_space<hbm>> -> memref<1x1x1x8x128xf32, #tpu.memory_space<hbm>>
        %dma_wait3A_1416 = tpu.memref_squeeze %dma_wait3A_1415 : memref<1x1x1x8x128xf32, #tpu.memory_space<hbm>> -> memref<8x128xf32, #tpu.memory_space<hbm>>
        %dma_wait3A_1417 = tpu.memref_slice %arg11[%rem3A_841] : memref<2x!tpu.dma_semaphore, #tpu.memory_space<semaphore_mem>> -> memref<1x!tpu.dma_semaphore, #tpu.memory_space<semaphore_mem>>
        %dma_wait3A_1418 = tpu.memref_squeeze %dma_wait3A_1417 : memref<1x!tpu.dma_semaphore, #tpu.memory_space<semaphore_mem>> -> memref<!tpu.dma_semaphore, #tpu.memory_space<semaphore_mem>>
        %dma_wait3A_1419 = arith.constant 0 : i32
        %dma_wait3A_1420 = arith.constant 0 : i32
        %dma_wait3A_1421 = tpu.memref_slice %arg5[%dma_wait3A_1406, %dma_wait3A_1407, %dma_wait3A_1408, %dma_wait3A_1419, %dma_wait3A_1420] : memref<200x4x32x8x128xf32, #tpu.memory_space<hbm>> -> memref<1x1x1x8x128xf32, #tpu.memory_space<hbm>>
        %dma_wait3A_1422 = tpu.memref_squeeze %dma_wait3A_1421 : memref<1x1x1x8x128xf32, #tpu.memory_space<hbm>> -> memref<8x128xf32, #tpu.memory_space<hbm>>
        %dma_wait3A_1423 = arith.constant 16 : i32
        %dma_wait3A_1424 = arith.constant 0 : i32
        %dma_wait3A_1425 = tpu.memref_slice %arg8[%rem3A_841, %dma_wait3A_1405, %dma_wait3A_1423, %dma_wait3A_1424] : memref<2x4x32x129xf32, #tpu.memory_space<vmem>> -> memref<1x1x8x128xf32, #tpu.memory_space<vmem>>
        %dma_wait3A_1426 = tpu.memref_squeeze %dma_wait3A_1425 : memref<1x1x8x128xf32, #tpu.memory_space<vmem>> -> memref<8x128xf32, #tpu.memory_space<vmem>>
        tpu.wait_dma2 semaphore(%dma_wait3A_1418 : memref<!tpu.dma_semaphore, #tpu.memory_space<semaphore_mem>>) src(%dma_wait3A_1426 : memref<8x128xf32, #tpu.memory_space<vmem>>) dst(%dma_wait3A_1422 : memref<8x128xf32, #tpu.memory_space<hbm>>)
        %dma_wait3A_1427 = arith.constant 0 : i32
        %dma_wait3A_1428 = arith.constant 0 : i32
        %dma_wait3A_1429 = arith.constant 3 : i32
        %dma_wait3A_1430 = arith.constant 0 : i32
        %dma_wait3A_1431 = arith.constant 24 : i32
        %dma_wait3A_1432 = arith.constant 0 : i32
        %dma_wait3A_1433 = tpu.memref_slice %arg8[%rem3A_841, %dma_wait3A_1427, %dma_wait3A_1431, %dma_wait3A_1432] : memref<2x4x32x129xf32, #tpu.memory_space<vmem>> -> memref<1x1x8x128xf32, #tpu.memory_space<vmem>>
        %dma_wait3A_1434 = tpu.memref_squeeze %dma_wait3A_1433 : memref<1x1x8x128xf32, #tpu.memory_space<vmem>> -> memref<8x128xf32, #tpu.memory_space<vmem>>
        %dma_wait3A_1435 = arith.constant 0 : i32
        %dma_wait3A_1436 = arith.constant 0 : i32
        %dma_wait3A_1437 = tpu.memref_slice %arg5[%dma_wait3A_1428, %dma_wait3A_1429, %dma_wait3A_1430, %dma_wait3A_1435, %dma_wait3A_1436] : memref<200x4x32x8x128xf32, #tpu.memory_space<hbm>> -> memref<1x1x1x8x128xf32, #tpu.memory_space<hbm>>
        %dma_wait3A_1438 = tpu.memref_squeeze %dma_wait3A_1437 : memref<1x1x1x8x128xf32, #tpu.memory_space<hbm>> -> memref<8x128xf32, #tpu.memory_space<hbm>>
        %dma_wait3A_1439 = tpu.memref_slice %arg11[%rem3A_841] : memref<2x!tpu.dma_semaphore, #tpu.memory_space<semaphore_mem>> -> memref<1x!tpu.dma_semaphore, #tpu.memory_space<semaphore_mem>>
        %dma_wait3A_1440 = tpu.memref_squeeze %dma_wait3A_1439 : memref<1x!tpu.dma_semaphore, #tpu.memory_space<semaphore_mem>> -> memref<!tpu.dma_semaphore, #tpu.memory_space<semaphore_mem>>
        %dma_wait3A_1441 = arith.constant 0 : i32
        %dma_wait3A_1442 = arith.constant 0 : i32
        %dma_wait3A_1443 = tpu.memref_slice %arg5[%dma_wait3A_1428, %dma_wait3A_1429, %dma_wait3A_1430, %dma_wait3A_1441, %dma_wait3A_1442] : memref<200x4x32x8x128xf32, #tpu.memory_space<hbm>> -> memref<1x1x1x8x128xf32, #tpu.memory_space<hbm>>
        %dma_wait3A_1444 = tpu.memref_squeeze %dma_wait3A_1443 : memref<1x1x1x8x128xf32, #tpu.memory_space<hbm>> -> memref<8x128xf32, #tpu.memory_space<hbm>>
        %dma_wait3A_1445 = arith.constant 24 : i32
        %dma_wait3A_1446 = arith.constant 0 : i32
        %dma_wait3A_1447 = tpu.memref_slice %arg8[%rem3A_841, %dma_wait3A_1427, %dma_wait3A_1445, %dma_wait3A_1446] : memref<2x4x32x129xf32, #tpu.memory_space<vmem>> -> memref<1x1x8x128xf32, #tpu.memory_space<vmem>>
        %dma_wait3A_1448 = tpu.memref_squeeze %dma_wait3A_1447 : memref<1x1x8x128xf32, #tpu.memory_space<vmem>> -> memref<8x128xf32, #tpu.memory_space<vmem>>
        tpu.wait_dma2 semaphore(%dma_wait3A_1440 : memref<!tpu.dma_semaphore, #tpu.memory_space<semaphore_mem>>) src(%dma_wait3A_1448 : memref<8x128xf32, #tpu.memory_space<vmem>>) dst(%dma_wait3A_1444 : memref<8x128xf32, #tpu.memory_space<hbm>>)
        %dma_wait3A_1449 = arith.constant 1 : i32
        %dma_wait3A_1450 = arith.constant 0 : i32
        %dma_wait3A_1451 = arith.constant 0 : i32
        %dma_wait3A_1452 = arith.constant 0 : i32
        %dma_wait3A_1453 = arith.constant 0 : i32
        %dma_wait3A_1454 = arith.constant 0 : i32
        %dma_wait3A_1455 = tpu.memref_slice %arg8[%rem3A_841, %dma_wait3A_1449, %dma_wait3A_1453, %dma_wait3A_1454] : memref<2x4x32x129xf32, #tpu.memory_space<vmem>> -> memref<1x1x8x128xf32, #tpu.memory_space<vmem>>
        %dma_wait3A_1456 = tpu.memref_squeeze %dma_wait3A_1455 : memref<1x1x8x128xf32, #tpu.memory_space<vmem>> -> memref<8x128xf32, #tpu.memory_space<vmem>>
        %dma_wait3A_1457 = arith.constant 0 : i32
        %dma_wait3A_1458 = arith.constant 0 : i32
        %dma_wait3A_1459 = tpu.memref_slice %arg5[%dma_wait3A_1450, %dma_wait3A_1451, %dma_wait3A_1452, %dma_wait3A_1457, %dma_wait3A_1458] : memref<200x4x32x8x128xf32, #tpu.memory_space<hbm>> -> memref<1x1x1x8x128xf32, #tpu.memory_space<hbm>>
        %dma_wait3A_1460 = tpu.memref_squeeze %dma_wait3A_1459 : memref<1x1x1x8x128xf32, #tpu.memory_space<hbm>> -> memref<8x128xf32, #tpu.memory_space<hbm>>
        %dma_wait3A_1461 = tpu.memref_slice %arg11[%rem3A_841] : memref<2x!tpu.dma_semaphore, #tpu.memory_space<semaphore_mem>> -> memref<1x!tpu.dma_semaphore, #tpu.memory_space<semaphore_mem>>
        %dma_wait3A_1462 = tpu.memref_squeeze %dma_wait3A_1461 : memref<1x!tpu.dma_semaphore, #tpu.memory_space<semaphore_mem>> -> memref<!tpu.dma_semaphore, #tpu.memory_space<semaphore_mem>>
        %dma_wait3A_1463 = arith.constant 0 : i32
        %dma_wait3A_1464 = arith.constant 0 : i32
        %dma_wait3A_1465 = tpu.memref_slice %arg5[%dma_wait3A_1450, %dma_wait3A_1451, %dma_wait3A_1452, %dma_wait3A_1463, %dma_wait3A_1464] : memref<200x4x32x8x128xf32, #tpu.memory_space<hbm>> -> memref<1x1x1x8x128xf32, #tpu.memory_space<hbm>>
        %dma_wait3A_1466 = tpu.memref_squeeze %dma_wait3A_1465 : memref<1x1x1x8x128xf32, #tpu.memory_space<hbm>> -> memref<8x128xf32, #tpu.memory_space<hbm>>
        %dma_wait3A_1467 = arith.constant 0 : i32
        %dma_wait3A_1468 = arith.constant 0 : i32
        %dma_wait3A_1469 = tpu.memref_slice %arg8[%rem3A_841, %dma_wait3A_1449, %dma_wait3A_1467, %dma_wait3A_1468] : memref<2x4x32x129xf32, #tpu.memory_space<vmem>> -> memref<1x1x8x128xf32, #tpu.memory_space<vmem>>
        %dma_wait3A_1470 = tpu.memref_squeeze %dma_wait3A_1469 : memref<1x1x8x128xf32, #tpu.memory_space<vmem>> -> memref<8x128xf32, #tpu.memory_space<vmem>>
        tpu.wait_dma2 semaphore(%dma_wait3A_1462 : memref<!tpu.dma_semaphore, #tpu.memory_space<semaphore_mem>>) src(%dma_wait3A_1470 : memref<8x128xf32, #tpu.memory_space<vmem>>) dst(%dma_wait3A_1466 : memref<8x128xf32, #tpu.memory_space<hbm>>)
        %dma_wait3A_1471 = arith.constant 1 : i32
        %dma_wait3A_1472 = arith.constant 0 : i32
        %dma_wait3A_1473 = arith.constant 1 : i32
        %dma_wait3A_1474 = arith.constant 0 : i32
        %dma_wait3A_1475 = arith.constant 8 : i32
        %dma_wait3A_1476 = arith.constant 0 : i32
        %dma_wait3A_1477 = tpu.memref_slice %arg8[%rem3A_841, %dma_wait3A_1471, %dma_wait3A_1475, %dma_wait3A_1476] : memref<2x4x32x129xf32, #tpu.memory_space<vmem>> -> memref<1x1x8x128xf32, #tpu.memory_space<vmem>>
        %dma_wait3A_1478 = tpu.memref_squeeze %dma_wait3A_1477 : memref<1x1x8x128xf32, #tpu.memory_space<vmem>> -> memref<8x128xf32, #tpu.memory_space<vmem>>
        %dma_wait3A_1479 = arith.constant 0 : i32
        %dma_wait3A_1480 = arith.constant 0 : i32
        %dma_wait3A_1481 = tpu.memref_slice %arg5[%dma_wait3A_1472, %dma_wait3A_1473, %dma_wait3A_1474, %dma_wait3A_1479, %dma_wait3A_1480] : memref<200x4x32x8x128xf32, #tpu.memory_space<hbm>> -> memref<1x1x1x8x128xf32, #tpu.memory_space<hbm>>
        %dma_wait3A_1482 = tpu.memref_squeeze %dma_wait3A_1481 : memref<1x1x1x8x128xf32, #tpu.memory_space<hbm>> -> memref<8x128xf32, #tpu.memory_space<hbm>>
        %dma_wait3A_1483 = tpu.memref_slice %arg11[%rem3A_841] : memref<2x!tpu.dma_semaphore, #tpu.memory_space<semaphore_mem>> -> memref<1x!tpu.dma_semaphore, #tpu.memory_space<semaphore_mem>>
        %dma_wait3A_1484 = tpu.memref_squeeze %dma_wait3A_1483 : memref<1x!tpu.dma_semaphore, #tpu.memory_space<semaphore_mem>> -> memref<!tpu.dma_semaphore, #tpu.memory_space<semaphore_mem>>
        %dma_wait3A_1485 = arith.constant 0 : i32
        %dma_wait3A_1486 = arith.constant 0 : i32
        %dma_wait3A_1487 = tpu.memref_slice %arg5[%dma_wait3A_1472, %dma_wait3A_1473, %dma_wait3A_1474, %dma_wait3A_1485, %dma_wait3A_1486] : memref<200x4x32x8x128xf32, #tpu.memory_space<hbm>> -> memref<1x1x1x8x128xf32, #tpu.memory_space<hbm>>
        %dma_wait3A_1488 = tpu.memref_squeeze %dma_wait3A_1487 : memref<1x1x1x8x128xf32, #tpu.memory_space<hbm>> -> memref<8x128xf32, #tpu.memory_space<hbm>>
        %dma_wait3A_1489 = arith.constant 8 : i32
        %dma_wait3A_1490 = arith.constant 0 : i32
        %dma_wait3A_1491 = tpu.memref_slice %arg8[%rem3A_841, %dma_wait3A_1471, %dma_wait3A_1489, %dma_wait3A_1490] : memref<2x4x32x129xf32, #tpu.memory_space<vmem>> -> memref<1x1x8x128xf32, #tpu.memory_space<vmem>>
        %dma_wait3A_1492 = tpu.memref_squeeze %dma_wait3A_1491 : memref<1x1x8x128xf32, #tpu.memory_space<vmem>> -> memref<8x128xf32, #tpu.memory_space<vmem>>
        tpu.wait_dma2 semaphore(%dma_wait3A_1484 : memref<!tpu.dma_semaphore, #tpu.memory_space<semaphore_mem>>) src(%dma_wait3A_1492 : memref<8x128xf32, #tpu.memory_space<vmem>>) dst(%dma_wait3A_1488 : memref<8x128xf32, #tpu.memory_space<hbm>>)
        %dma_wait3A_1493 = arith.constant 1 : i32
        %dma_wait3A_1494 = arith.constant 0 : i32
        %dma_wait3A_1495 = arith.constant 2 : i32
        %dma_wait3A_1496 = arith.constant 0 : i32
        %dma_wait3A_1497 = arith.constant 16 : i32
        %dma_wait3A_1498 = arith.constant 0 : i32
        %dma_wait3A_1499 = tpu.memref_slice %arg8[%rem3A_841, %dma_wait3A_1493, %dma_wait3A_1497, %dma_wait3A_1498] : memref<2x4x32x129xf32, #tpu.memory_space<vmem>> -> memref<1x1x8x128xf32, #tpu.memory_space<vmem>>
        %dma_wait3A_1500 = tpu.memref_squeeze %dma_wait3A_1499 : memref<1x1x8x128xf32, #tpu.memory_space<vmem>> -> memref<8x128xf32, #tpu.memory_space<vmem>>
        %dma_wait3A_1501 = arith.constant 0 : i32
        %dma_wait3A_1502 = arith.constant 0 : i32
        %dma_wait3A_1503 = tpu.memref_slice %arg5[%dma_wait3A_1494, %dma_wait3A_1495, %dma_wait3A_1496, %dma_wait3A_1501, %dma_wait3A_1502] : memref<200x4x32x8x128xf32, #tpu.memory_space<hbm>> -> memref<1x1x1x8x128xf32, #tpu.memory_space<hbm>>
        %dma_wait3A_1504 = tpu.memref_squeeze %dma_wait3A_1503 : memref<1x1x1x8x128xf32, #tpu.memory_space<hbm>> -> memref<8x128xf32, #tpu.memory_space<hbm>>
        %dma_wait3A_1505 = tpu.memref_slice %arg11[%rem3A_841] : memref<2x!tpu.dma_semaphore, #tpu.memory_space<semaphore_mem>> -> memref<1x!tpu.dma_semaphore, #tpu.memory_space<semaphore_mem>>
        %dma_wait3A_1506 = tpu.memref_squeeze %dma_wait3A_1505 : memref<1x!tpu.dma_semaphore, #tpu.memory_space<semaphore_mem>> -> memref<!tpu.dma_semaphore, #tpu.memory_space<semaphore_mem>>
        %dma_wait3A_1507 = arith.constant 0 : i32
        %dma_wait3A_1508 = arith.constant 0 : i32
        %dma_wait3A_1509 = tpu.memref_slice %arg5[%dma_wait3A_1494, %dma_wait3A_1495, %dma_wait3A_1496, %dma_wait3A_1507, %dma_wait3A_1508] : memref<200x4x32x8x128xf32, #tpu.memory_space<hbm>> -> memref<1x1x1x8x128xf32, #tpu.memory_space<hbm>>
        %dma_wait3A_1510 = tpu.memref_squeeze %dma_wait3A_1509 : memref<1x1x1x8x128xf32, #tpu.memory_space<hbm>> -> memref<8x128xf32, #tpu.memory_space<hbm>>
        %dma_wait3A_1511 = arith.constant 16 : i32
        %dma_wait3A_1512 = arith.constant 0 : i32
        %dma_wait3A_1513 = tpu.memref_slice %arg8[%rem3A_841, %dma_wait3A_1493, %dma_wait3A_1511, %dma_wait3A_1512] : memref<2x4x32x129xf32, #tpu.memory_space<vmem>> -> memref<1x1x8x128xf32, #tpu.memory_space<vmem>>
        %dma_wait3A_1514 = tpu.memref_squeeze %dma_wait3A_1513 : memref<1x1x8x128xf32, #tpu.memory_space<vmem>> -> memref<8x128xf32, #tpu.memory_space<vmem>>
        tpu.wait_dma2 semaphore(%dma_wait3A_1506 : memref<!tpu.dma_semaphore, #tpu.memory_space<semaphore_mem>>) src(%dma_wait3A_1514 : memref<8x128xf32, #tpu.memory_space<vmem>>) dst(%dma_wait3A_1510 : memref<8x128xf32, #tpu.memory_space<hbm>>)
        %dma_wait3A_1515 = arith.constant 1 : i32
        %dma_wait3A_1516 = arith.constant 0 : i32
        %dma_wait3A_1517 = arith.constant 3 : i32
        %dma_wait3A_1518 = arith.constant 0 : i32
        %dma_wait3A_1519 = arith.constant 24 : i32
        %dma_wait3A_1520 = arith.constant 0 : i32
        %dma_wait3A_1521 = tpu.memref_slice %arg8[%rem3A_841, %dma_wait3A_1515, %dma_wait3A_1519, %dma_wait3A_1520] : memref<2x4x32x129xf32, #tpu.memory_space<vmem>> -> memref<1x1x8x128xf32, #tpu.memory_space<vmem>>
        %dma_wait3A_1522 = tpu.memref_squeeze %dma_wait3A_1521 : memref<1x1x8x128xf32, #tpu.memory_space<vmem>> -> memref<8x128xf32, #tpu.memory_space<vmem>>
        %dma_wait3A_1523 = arith.constant 0 : i32
        %dma_wait3A_1524 = arith.constant 0 : i32
        %dma_wait3A_1525 = tpu.memref_slice %arg5[%dma_wait3A_1516, %dma_wait3A_1517, %dma_wait3A_1518, %dma_wait3A_1523, %dma_wait3A_1524] : memref<200x4x32x8x128xf32, #tpu.memory_space<hbm>> -> memref<1x1x1x8x128xf32, #tpu.memory_space<hbm>>
        %dma_wait3A_1526 = tpu.memref_squeeze %dma_wait3A_1525 : memref<1x1x1x8x128xf32, #tpu.memory_space<hbm>> -> memref<8x128xf32, #tpu.memory_space<hbm>>
        %dma_wait3A_1527 = tpu.memref_slice %arg11[%rem3A_841] : memref<2x!tpu.dma_semaphore, #tpu.memory_space<semaphore_mem>> -> memref<1x!tpu.dma_semaphore, #tpu.memory_space<semaphore_mem>>
        %dma_wait3A_1528 = tpu.memref_squeeze %dma_wait3A_1527 : memref<1x!tpu.dma_semaphore, #tpu.memory_space<semaphore_mem>> -> memref<!tpu.dma_semaphore, #tpu.memory_space<semaphore_mem>>
        %dma_wait3A_1529 = arith.constant 0 : i32
        %dma_wait3A_1530 = arith.constant 0 : i32
        %dma_wait3A_1531 = tpu.memref_slice %arg5[%dma_wait3A_1516, %dma_wait3A_1517, %dma_wait3A_1518, %dma_wait3A_1529, %dma_wait3A_1530] : memref<200x4x32x8x128xf32, #tpu.memory_space<hbm>> -> memref<1x1x1x8x128xf32, #tpu.memory_space<hbm>>
        %dma_wait3A_1532 = tpu.memref_squeeze %dma_wait3A_1531 : memref<1x1x1x8x128xf32, #tpu.memory_space<hbm>> -> memref<8x128xf32, #tpu.memory_space<hbm>>
        %dma_wait3A_1533 = arith.constant 24 : i32
        %dma_wait3A_1534 = arith.constant 0 : i32
        %dma_wait3A_1535 = tpu.memref_slice %arg8[%rem3A_841, %dma_wait3A_1515, %dma_wait3A_1533, %dma_wait3A_1534] : memref<2x4x32x129xf32, #tpu.memory_space<vmem>> -> memref<1x1x8x128xf32, #tpu.memory_space<vmem>>
        %dma_wait3A_1536 = tpu.memref_squeeze %dma_wait3A_1535 : memref<1x1x8x128xf32, #tpu.memory_space<vmem>> -> memref<8x128xf32, #tpu.memory_space<vmem>>
        tpu.wait_dma2 semaphore(%dma_wait3A_1528 : memref<!tpu.dma_semaphore, #tpu.memory_space<semaphore_mem>>) src(%dma_wait3A_1536 : memref<8x128xf32, #tpu.memory_space<vmem>>) dst(%dma_wait3A_1532 : memref<8x128xf32, #tpu.memory_space<hbm>>)
        %dma_wait3A_1537 = arith.constant 2 : i32
        %dma_wait3A_1538 = arith.constant 0 : i32
        %dma_wait3A_1539 = arith.constant 0 : i32
        %dma_wait3A_1540 = arith.constant 0 : i32
        %dma_wait3A_1541 = arith.constant 0 : i32
        %dma_wait3A_1542 = arith.constant 0 : i32
        %dma_wait3A_1543 = tpu.memref_slice %arg8[%rem3A_841, %dma_wait3A_1537, %dma_wait3A_1541, %dma_wait3A_1542] : memref<2x4x32x129xf32, #tpu.memory_space<vmem>> -> memref<1x1x8x128xf32, #tpu.memory_space<vmem>>
        %dma_wait3A_1544 = tpu.memref_squeeze %dma_wait3A_1543 : memref<1x1x8x128xf32, #tpu.memory_space<vmem>> -> memref<8x128xf32, #tpu.memory_space<vmem>>
        %dma_wait3A_1545 = arith.constant 0 : i32
        %dma_wait3A_1546 = arith.constant 0 : i32
        %dma_wait3A_1547 = tpu.memref_slice %arg5[%dma_wait3A_1538, %dma_wait3A_1539, %dma_wait3A_1540, %dma_wait3A_1545, %dma_wait3A_1546] : memref<200x4x32x8x128xf32, #tpu.memory_space<hbm>> -> memref<1x1x1x8x128xf32, #tpu.memory_space<hbm>>
        %dma_wait3A_1548 = tpu.memref_squeeze %dma_wait3A_1547 : memref<1x1x1x8x128xf32, #tpu.memory_space<hbm>> -> memref<8x128xf32, #tpu.memory_space<hbm>>
        %dma_wait3A_1549 = tpu.memref_slice %arg11[%rem3A_841] : memref<2x!tpu.dma_semaphore, #tpu.memory_space<semaphore_mem>> -> memref<1x!tpu.dma_semaphore, #tpu.memory_space<semaphore_mem>>
        %dma_wait3A_1550 = tpu.memref_squeeze %dma_wait3A_1549 : memref<1x!tpu.dma_semaphore, #tpu.memory_space<semaphore_mem>> -> memref<!tpu.dma_semaphore, #tpu.memory_space<semaphore_mem>>
        %dma_wait3A_1551 = arith.constant 0 : i32
        %dma_wait3A_1552 = arith.constant 0 : i32
        %dma_wait3A_1553 = tpu.memref_slice %arg5[%dma_wait3A_1538, %dma_wait3A_1539, %dma_wait3A_1540, %dma_wait3A_1551, %dma_wait3A_1552] : memref<200x4x32x8x128xf32, #tpu.memory_space<hbm>> -> memref<1x1x1x8x128xf32, #tpu.memory_space<hbm>>
        %dma_wait3A_1554 = tpu.memref_squeeze %dma_wait3A_1553 : memref<1x1x1x8x128xf32, #tpu.memory_space<hbm>> -> memref<8x128xf32, #tpu.memory_space<hbm>>
        %dma_wait3A_1555 = arith.constant 0 : i32
        %dma_wait3A_1556 = arith.constant 0 : i32
        %dma_wait3A_1557 = tpu.memref_slice %arg8[%rem3A_841, %dma_wait3A_1537, %dma_wait3A_1555, %dma_wait3A_1556] : memref<2x4x32x129xf32, #tpu.memory_space<vmem>> -> memref<1x1x8x128xf32, #tpu.memory_space<vmem>>
        %dma_wait3A_1558 = tpu.memref_squeeze %dma_wait3A_1557 : memref<1x1x8x128xf32, #tpu.memory_space<vmem>> -> memref<8x128xf32, #tpu.memory_space<vmem>>
        tpu.wait_dma2 semaphore(%dma_wait3A_1550 : memref<!tpu.dma_semaphore, #tpu.memory_space<semaphore_mem>>) src(%dma_wait3A_1558 : memref<8x128xf32, #tpu.memory_space<vmem>>) dst(%dma_wait3A_1554 : memref<8x128xf32, #tpu.memory_space<hbm>>)
        %dma_wait3A_1559 = arith.constant 2 : i32
        %dma_wait3A_1560 = arith.constant 0 : i32
        %dma_wait3A_1561 = arith.constant 1 : i32
        %dma_wait3A_1562 = arith.constant 0 : i32
        %dma_wait3A_1563 = arith.constant 8 : i32
        %dma_wait3A_1564 = arith.constant 0 : i32
        %dma_wait3A_1565 = tpu.memref_slice %arg8[%rem3A_841, %dma_wait3A_1559, %dma_wait3A_1563, %dma_wait3A_1564] : memref<2x4x32x129xf32, #tpu.memory_space<vmem>> -> memref<1x1x8x128xf32, #tpu.memory_space<vmem>>
        %dma_wait3A_1566 = tpu.memref_squeeze %dma_wait3A_1565 : memref<1x1x8x128xf32, #tpu.memory_space<vmem>> -> memref<8x128xf32, #tpu.memory_space<vmem>>
        %dma_wait3A_1567 = arith.constant 0 : i32
        %dma_wait3A_1568 = arith.constant 0 : i32
        %dma_wait3A_1569 = tpu.memref_slice %arg5[%dma_wait3A_1560, %dma_wait3A_1561, %dma_wait3A_1562, %dma_wait3A_1567, %dma_wait3A_1568] : memref<200x4x32x8x128xf32, #tpu.memory_space<hbm>> -> memref<1x1x1x8x128xf32, #tpu.memory_space<hbm>>
        %dma_wait3A_1570 = tpu.memref_squeeze %dma_wait3A_1569 : memref<1x1x1x8x128xf32, #tpu.memory_space<hbm>> -> memref<8x128xf32, #tpu.memory_space<hbm>>
        %dma_wait3A_1571 = tpu.memref_slice %arg11[%rem3A_841] : memref<2x!tpu.dma_semaphore, #tpu.memory_space<semaphore_mem>> -> memref<1x!tpu.dma_semaphore, #tpu.memory_space<semaphore_mem>>
        %dma_wait3A_1572 = tpu.memref_squeeze %dma_wait3A_1571 : memref<1x!tpu.dma_semaphore, #tpu.memory_space<semaphore_mem>> -> memref<!tpu.dma_semaphore, #tpu.memory_space<semaphore_mem>>
        %dma_wait3A_1573 = arith.constant 0 : i32
        %dma_wait3A_1574 = arith.constant 0 : i32
        %dma_wait3A_1575 = tpu.memref_slice %arg5[%dma_wait3A_1560, %dma_wait3A_1561, %dma_wait3A_1562, %dma_wait3A_1573, %dma_wait3A_1574] : memref<200x4x32x8x128xf32, #tpu.memory_space<hbm>> -> memref<1x1x1x8x128xf32, #tpu.memory_space<hbm>>
        %dma_wait3A_1576 = tpu.memref_squeeze %dma_wait3A_1575 : memref<1x1x1x8x128xf32, #tpu.memory_space<hbm>> -> memref<8x128xf32, #tpu.memory_space<hbm>>
        %dma_wait3A_1577 = arith.constant 8 : i32
        %dma_wait3A_1578 = arith.constant 0 : i32
        %dma_wait3A_1579 = tpu.memref_slice %arg8[%rem3A_841, %dma_wait3A_1559, %dma_wait3A_1577, %dma_wait3A_1578] : memref<2x4x32x129xf32, #tpu.memory_space<vmem>> -> memref<1x1x8x128xf32, #tpu.memory_space<vmem>>
        %dma_wait3A_1580 = tpu.memref_squeeze %dma_wait3A_1579 : memref<1x1x8x128xf32, #tpu.memory_space<vmem>> -> memref<8x128xf32, #tpu.memory_space<vmem>>
        tpu.wait_dma2 semaphore(%dma_wait3A_1572 : memref<!tpu.dma_semaphore, #tpu.memory_space<semaphore_mem>>) src(%dma_wait3A_1580 : memref<8x128xf32, #tpu.memory_space<vmem>>) dst(%dma_wait3A_1576 : memref<8x128xf32, #tpu.memory_space<hbm>>)
        %dma_wait3A_1581 = arith.constant 2 : i32
        %dma_wait3A_1582 = arith.constant 0 : i32
        %dma_wait3A_1583 = arith.constant 2 : i32
        %dma_wait3A_1584 = arith.constant 0 : i32
        %dma_wait3A_1585 = arith.constant 16 : i32
        %dma_wait3A_1586 = arith.constant 0 : i32
        %dma_wait3A_1587 = tpu.memref_slice %arg8[%rem3A_841, %dma_wait3A_1581, %dma_wait3A_1585, %dma_wait3A_1586] : memref<2x4x32x129xf32, #tpu.memory_space<vmem>> -> memref<1x1x8x128xf32, #tpu.memory_space<vmem>>
        %dma_wait3A_1588 = tpu.memref_squeeze %dma_wait3A_1587 : memref<1x1x8x128xf32, #tpu.memory_space<vmem>> -> memref<8x128xf32, #tpu.memory_space<vmem>>
        %dma_wait3A_1589 = arith.constant 0 : i32
        %dma_wait3A_1590 = arith.constant 0 : i32
        %dma_wait3A_1591 = tpu.memref_slice %arg5[%dma_wait3A_1582, %dma_wait3A_1583, %dma_wait3A_1584, %dma_wait3A_1589, %dma_wait3A_1590] : memref<200x4x32x8x128xf32, #tpu.memory_space<hbm>> -> memref<1x1x1x8x128xf32, #tpu.memory_space<hbm>>
        %dma_wait3A_1592 = tpu.memref_squeeze %dma_wait3A_1591 : memref<1x1x1x8x128xf32, #tpu.memory_space<hbm>> -> memref<8x128xf32, #tpu.memory_space<hbm>>
        %dma_wait3A_1593 = tpu.memref_slice %arg11[%rem3A_841] : memref<2x!tpu.dma_semaphore, #tpu.memory_space<semaphore_mem>> -> memref<1x!tpu.dma_semaphore, #tpu.memory_space<semaphore_mem>>
        %dma_wait3A_1594 = tpu.memref_squeeze %dma_wait3A_1593 : memref<1x!tpu.dma_semaphore, #tpu.memory_space<semaphore_mem>> -> memref<!tpu.dma_semaphore, #tpu.memory_space<semaphore_mem>>
        %dma_wait3A_1595 = arith.constant 0 : i32
        %dma_wait3A_1596 = arith.constant 0 : i32
        %dma_wait3A_1597 = tpu.memref_slice %arg5[%dma_wait3A_1582, %dma_wait3A_1583, %dma_wait3A_1584, %dma_wait3A_1595, %dma_wait3A_1596] : memref<200x4x32x8x128xf32, #tpu.memory_space<hbm>> -> memref<1x1x1x8x128xf32, #tpu.memory_space<hbm>>
        %dma_wait3A_1598 = tpu.memref_squeeze %dma_wait3A_1597 : memref<1x1x1x8x128xf32, #tpu.memory_space<hbm>> -> memref<8x128xf32, #tpu.memory_space<hbm>>
        %dma_wait3A_1599 = arith.constant 16 : i32
        %dma_wait3A_1600 = arith.constant 0 : i32
        %dma_wait3A_1601 = tpu.memref_slice %arg8[%rem3A_841, %dma_wait3A_1581, %dma_wait3A_1599, %dma_wait3A_1600] : memref<2x4x32x129xf32, #tpu.memory_space<vmem>> -> memref<1x1x8x128xf32, #tpu.memory_space<vmem>>
        %dma_wait3A_1602 = tpu.memref_squeeze %dma_wait3A_1601 : memref<1x1x8x128xf32, #tpu.memory_space<vmem>> -> memref<8x128xf32, #tpu.memory_space<vmem>>
        tpu.wait_dma2 semaphore(%dma_wait3A_1594 : memref<!tpu.dma_semaphore, #tpu.memory_space<semaphore_mem>>) src(%dma_wait3A_1602 : memref<8x128xf32, #tpu.memory_space<vmem>>) dst(%dma_wait3A_1598 : memref<8x128xf32, #tpu.memory_space<hbm>>)
        %dma_wait3A_1603 = arith.constant 2 : i32
        %dma_wait3A_1604 = arith.constant 0 : i32
        %dma_wait3A_1605 = arith.constant 3 : i32
        %dma_wait3A_1606 = arith.constant 0 : i32
        %dma_wait3A_1607 = arith.constant 24 : i32
        %dma_wait3A_1608 = arith.constant 0 : i32
        %dma_wait3A_1609 = tpu.memref_slice %arg8[%rem3A_841, %dma_wait3A_1603, %dma_wait3A_1607, %dma_wait3A_1608] : memref<2x4x32x129xf32, #tpu.memory_space<vmem>> -> memref<1x1x8x128xf32, #tpu.memory_space<vmem>>
        %dma_wait3A_1610 = tpu.memref_squeeze %dma_wait3A_1609 : memref<1x1x8x128xf32, #tpu.memory_space<vmem>> -> memref<8x128xf32, #tpu.memory_space<vmem>>
        %dma_wait3A_1611 = arith.constant 0 : i32
        %dma_wait3A_1612 = arith.constant 0 : i32
        %dma_wait3A_1613 = tpu.memref_slice %arg5[%dma_wait3A_1604, %dma_wait3A_1605, %dma_wait3A_1606, %dma_wait3A_1611, %dma_wait3A_1612] : memref<200x4x32x8x128xf32, #tpu.memory_space<hbm>> -> memref<1x1x1x8x128xf32, #tpu.memory_space<hbm>>
        %dma_wait3A_1614 = tpu.memref_squeeze %dma_wait3A_1613 : memref<1x1x1x8x128xf32, #tpu.memory_space<hbm>> -> memref<8x128xf32, #tpu.memory_space<hbm>>
        %dma_wait3A_1615 = tpu.memref_slice %arg11[%rem3A_841] : memref<2x!tpu.dma_semaphore, #tpu.memory_space<semaphore_mem>> -> memref<1x!tpu.dma_semaphore, #tpu.memory_space<semaphore_mem>>
        %dma_wait3A_1616 = tpu.memref_squeeze %dma_wait3A_1615 : memref<1x!tpu.dma_semaphore, #tpu.memory_space<semaphore_mem>> -> memref<!tpu.dma_semaphore, #tpu.memory_space<semaphore_mem>>
        %dma_wait3A_1617 = arith.constant 0 : i32
        %dma_wait3A_1618 = arith.constant 0 : i32
        %dma_wait3A_1619 = tpu.memref_slice %arg5[%dma_wait3A_1604, %dma_wait3A_1605, %dma_wait3A_1606, %dma_wait3A_1617, %dma_wait3A_1618] : memref<200x4x32x8x128xf32, #tpu.memory_space<hbm>> -> memref<1x1x1x8x128xf32, #tpu.memory_space<hbm>>
        %dma_wait3A_1620 = tpu.memref_squeeze %dma_wait3A_1619 : memref<1x1x1x8x128xf32, #tpu.memory_space<hbm>> -> memref<8x128xf32, #tpu.memory_space<hbm>>
        %dma_wait3A_1621 = arith.constant 24 : i32
        %dma_wait3A_1622 = arith.constant 0 : i32
        %dma_wait3A_1623 = tpu.memref_slice %arg8[%rem3A_841, %dma_wait3A_1603, %dma_wait3A_1621, %dma_wait3A_1622] : memref<2x4x32x129xf32, #tpu.memory_space<vmem>> -> memref<1x1x8x128xf32, #tpu.memory_space<vmem>>
        %dma_wait3A_1624 = tpu.memref_squeeze %dma_wait3A_1623 : memref<1x1x8x128xf32, #tpu.memory_space<vmem>> -> memref<8x128xf32, #tpu.memory_space<vmem>>
        tpu.wait_dma2 semaphore(%dma_wait3A_1616 : memref<!tpu.dma_semaphore, #tpu.memory_space<semaphore_mem>>) src(%dma_wait3A_1624 : memref<8x128xf32, #tpu.memory_space<vmem>>) dst(%dma_wait3A_1620 : memref<8x128xf32, #tpu.memory_space<hbm>>)
        %dma_wait3A_1625 = arith.constant 3 : i32
        %dma_wait3A_1626 = arith.constant 0 : i32
        %dma_wait3A_1627 = arith.constant 0 : i32
        %dma_wait3A_1628 = arith.constant 0 : i32
        %dma_wait3A_1629 = arith.constant 0 : i32
        %dma_wait3A_1630 = arith.constant 0 : i32
        %dma_wait3A_1631 = tpu.memref_slice %arg8[%rem3A_841, %dma_wait3A_1625, %dma_wait3A_1629, %dma_wait3A_1630] : memref<2x4x32x129xf32, #tpu.memory_space<vmem>> -> memref<1x1x8x128xf32, #tpu.memory_space<vmem>>
        %dma_wait3A_1632 = tpu.memref_squeeze %dma_wait3A_1631 : memref<1x1x8x128xf32, #tpu.memory_space<vmem>> -> memref<8x128xf32, #tpu.memory_space<vmem>>
        %dma_wait3A_1633 = arith.constant 0 : i32
        %dma_wait3A_1634 = arith.constant 0 : i32
        %dma_wait3A_1635 = tpu.memref_slice %arg5[%dma_wait3A_1626, %dma_wait3A_1627, %dma_wait3A_1628, %dma_wait3A_1633, %dma_wait3A_1634] : memref<200x4x32x8x128xf32, #tpu.memory_space<hbm>> -> memref<1x1x1x8x128xf32, #tpu.memory_space<hbm>>
        %dma_wait3A_1636 = tpu.memref_squeeze %dma_wait3A_1635 : memref<1x1x1x8x128xf32, #tpu.memory_space<hbm>> -> memref<8x128xf32, #tpu.memory_space<hbm>>
        %dma_wait3A_1637 = tpu.memref_slice %arg11[%rem3A_841] : memref<2x!tpu.dma_semaphore, #tpu.memory_space<semaphore_mem>> -> memref<1x!tpu.dma_semaphore, #tpu.memory_space<semaphore_mem>>
        %dma_wait3A_1638 = tpu.memref_squeeze %dma_wait3A_1637 : memref<1x!tpu.dma_semaphore, #tpu.memory_space<semaphore_mem>> -> memref<!tpu.dma_semaphore, #tpu.memory_space<semaphore_mem>>
        %dma_wait3A_1639 = arith.constant 0 : i32
        %dma_wait3A_1640 = arith.constant 0 : i32
        %dma_wait3A_1641 = tpu.memref_slice %arg5[%dma_wait3A_1626, %dma_wait3A_1627, %dma_wait3A_1628, %dma_wait3A_1639, %dma_wait3A_1640] : memref<200x4x32x8x128xf32, #tpu.memory_space<hbm>> -> memref<1x1x1x8x128xf32, #tpu.memory_space<hbm>>
        %dma_wait3A_1642 = tpu.memref_squeeze %dma_wait3A_1641 : memref<1x1x1x8x128xf32, #tpu.memory_space<hbm>> -> memref<8x128xf32, #tpu.memory_space<hbm>>
        %dma_wait3A_1643 = arith.constant 0 : i32
        %dma_wait3A_1644 = arith.constant 0 : i32
        %dma_wait3A_1645 = tpu.memref_slice %arg8[%rem3A_841, %dma_wait3A_1625, %dma_wait3A_1643, %dma_wait3A_1644] : memref<2x4x32x129xf32, #tpu.memory_space<vmem>> -> memref<1x1x8x128xf32, #tpu.memory_space<vmem>>
        %dma_wait3A_1646 = tpu.memref_squeeze %dma_wait3A_1645 : memref<1x1x8x128xf32, #tpu.memory_space<vmem>> -> memref<8x128xf32, #tpu.memory_space<vmem>>
        tpu.wait_dma2 semaphore(%dma_wait3A_1638 : memref<!tpu.dma_semaphore, #tpu.memory_space<semaphore_mem>>) src(%dma_wait3A_1646 : memref<8x128xf32, #tpu.memory_space<vmem>>) dst(%dma_wait3A_1642 : memref<8x128xf32, #tpu.memory_space<hbm>>)
        %dma_wait3A_1647 = arith.constant 3 : i32
        %dma_wait3A_1648 = arith.constant 0 : i32
        %dma_wait3A_1649 = arith.constant 1 : i32
        %dma_wait3A_1650 = arith.constant 0 : i32
        %dma_wait3A_1651 = arith.constant 8 : i32
        %dma_wait3A_1652 = arith.constant 0 : i32
        %dma_wait3A_1653 = tpu.memref_slice %arg8[%rem3A_841, %dma_wait3A_1647, %dma_wait3A_1651, %dma_wait3A_1652] : memref<2x4x32x129xf32, #tpu.memory_space<vmem>> -> memref<1x1x8x128xf32, #tpu.memory_space<vmem>>
        %dma_wait3A_1654 = tpu.memref_squeeze %dma_wait3A_1653 : memref<1x1x8x128xf32, #tpu.memory_space<vmem>> -> memref<8x128xf32, #tpu.memory_space<vmem>>
        %dma_wait3A_1655 = arith.constant 0 : i32
        %dma_wait3A_1656 = arith.constant 0 : i32
        %dma_wait3A_1657 = tpu.memref_slice %arg5[%dma_wait3A_1648, %dma_wait3A_1649, %dma_wait3A_1650, %dma_wait3A_1655, %dma_wait3A_1656] : memref<200x4x32x8x128xf32, #tpu.memory_space<hbm>> -> memref<1x1x1x8x128xf32, #tpu.memory_space<hbm>>
        %dma_wait3A_1658 = tpu.memref_squeeze %dma_wait3A_1657 : memref<1x1x1x8x128xf32, #tpu.memory_space<hbm>> -> memref<8x128xf32, #tpu.memory_space<hbm>>
        %dma_wait3A_1659 = tpu.memref_slice %arg11[%rem3A_841] : memref<2x!tpu.dma_semaphore, #tpu.memory_space<semaphore_mem>> -> memref<1x!tpu.dma_semaphore, #tpu.memory_space<semaphore_mem>>
        %dma_wait3A_1660 = tpu.memref_squeeze %dma_wait3A_1659 : memref<1x!tpu.dma_semaphore, #tpu.memory_space<semaphore_mem>> -> memref<!tpu.dma_semaphore, #tpu.memory_space<semaphore_mem>>
        %dma_wait3A_1661 = arith.constant 0 : i32
        %dma_wait3A_1662 = arith.constant 0 : i32
        %dma_wait3A_1663 = tpu.memref_slice %arg5[%dma_wait3A_1648, %dma_wait3A_1649, %dma_wait3A_1650, %dma_wait3A_1661, %dma_wait3A_1662] : memref<200x4x32x8x128xf32, #tpu.memory_space<hbm>> -> memref<1x1x1x8x128xf32, #tpu.memory_space<hbm>>
        %dma_wait3A_1664 = tpu.memref_squeeze %dma_wait3A_1663 : memref<1x1x1x8x128xf32, #tpu.memory_space<hbm>> -> memref<8x128xf32, #tpu.memory_space<hbm>>
        %dma_wait3A_1665 = arith.constant 8 : i32
        %dma_wait3A_1666 = arith.constant 0 : i32
        %dma_wait3A_1667 = tpu.memref_slice %arg8[%rem3A_841, %dma_wait3A_1647, %dma_wait3A_1665, %dma_wait3A_1666] : memref<2x4x32x129xf32, #tpu.memory_space<vmem>> -> memref<1x1x8x128xf32, #tpu.memory_space<vmem>>
        %dma_wait3A_1668 = tpu.memref_squeeze %dma_wait3A_1667 : memref<1x1x8x128xf32, #tpu.memory_space<vmem>> -> memref<8x128xf32, #tpu.memory_space<vmem>>
        tpu.wait_dma2 semaphore(%dma_wait3A_1660 : memref<!tpu.dma_semaphore, #tpu.memory_space<semaphore_mem>>) src(%dma_wait3A_1668 : memref<8x128xf32, #tpu.memory_space<vmem>>) dst(%dma_wait3A_1664 : memref<8x128xf32, #tpu.memory_space<hbm>>)
        %dma_wait3A_1669 = arith.constant 3 : i32
        %dma_wait3A_1670 = arith.constant 0 : i32
        %dma_wait3A_1671 = arith.constant 2 : i32
        %dma_wait3A_1672 = arith.constant 0 : i32
        %dma_wait3A_1673 = arith.constant 16 : i32
        %dma_wait3A_1674 = arith.constant 0 : i32
        %dma_wait3A_1675 = tpu.memref_slice %arg8[%rem3A_841, %dma_wait3A_1669, %dma_wait3A_1673, %dma_wait3A_1674] : memref<2x4x32x129xf32, #tpu.memory_space<vmem>> -> memref<1x1x8x128xf32, #tpu.memory_space<vmem>>
        %dma_wait3A_1676 = tpu.memref_squeeze %dma_wait3A_1675 : memref<1x1x8x128xf32, #tpu.memory_space<vmem>> -> memref<8x128xf32, #tpu.memory_space<vmem>>
        %dma_wait3A_1677 = arith.constant 0 : i32
        %dma_wait3A_1678 = arith.constant 0 : i32
        %dma_wait3A_1679 = tpu.memref_slice %arg5[%dma_wait3A_1670, %dma_wait3A_1671, %dma_wait3A_1672, %dma_wait3A_1677, %dma_wait3A_1678] : memref<200x4x32x8x128xf32, #tpu.memory_space<hbm>> -> memref<1x1x1x8x128xf32, #tpu.memory_space<hbm>>
        %dma_wait3A_1680 = tpu.memref_squeeze %dma_wait3A_1679 : memref<1x1x1x8x128xf32, #tpu.memory_space<hbm>> -> memref<8x128xf32, #tpu.memory_space<hbm>>
        %dma_wait3A_1681 = tpu.memref_slice %arg11[%rem3A_841] : memref<2x!tpu.dma_semaphore, #tpu.memory_space<semaphore_mem>> -> memref<1x!tpu.dma_semaphore, #tpu.memory_space<semaphore_mem>>
        %dma_wait3A_1682 = tpu.memref_squeeze %dma_wait3A_1681 : memref<1x!tpu.dma_semaphore, #tpu.memory_space<semaphore_mem>> -> memref<!tpu.dma_semaphore, #tpu.memory_space<semaphore_mem>>
        %dma_wait3A_1683 = arith.constant 0 : i32
        %dma_wait3A_1684 = arith.constant 0 : i32
        %dma_wait3A_1685 = tpu.memref_slice %arg5[%dma_wait3A_1670, %dma_wait3A_1671, %dma_wait3A_1672, %dma_wait3A_1683, %dma_wait3A_1684] : memref<200x4x32x8x128xf32, #tpu.memory_space<hbm>> -> memref<1x1x1x8x128xf32, #tpu.memory_space<hbm>>
        %dma_wait3A_1686 = tpu.memref_squeeze %dma_wait3A_1685 : memref<1x1x1x8x128xf32, #tpu.memory_space<hbm>> -> memref<8x128xf32, #tpu.memory_space<hbm>>
        %dma_wait3A_1687 = arith.constant 16 : i32
        %dma_wait3A_1688 = arith.constant 0 : i32
        %dma_wait3A_1689 = tpu.memref_slice %arg8[%rem3A_841, %dma_wait3A_1669, %dma_wait3A_1687, %dma_wait3A_1688] : memref<2x4x32x129xf32, #tpu.memory_space<vmem>> -> memref<1x1x8x128xf32, #tpu.memory_space<vmem>>
        %dma_wait3A_1690 = tpu.memref_squeeze %dma_wait3A_1689 : memref<1x1x8x128xf32, #tpu.memory_space<vmem>> -> memref<8x128xf32, #tpu.memory_space<vmem>>
        tpu.wait_dma2 semaphore(%dma_wait3A_1682 : memref<!tpu.dma_semaphore, #tpu.memory_space<semaphore_mem>>) src(%dma_wait3A_1690 : memref<8x128xf32, #tpu.memory_space<vmem>>) dst(%dma_wait3A_1686 : memref<8x128xf32, #tpu.memory_space<hbm>>)
        %dma_wait3A_1691 = arith.constant 3 : i32
        %dma_wait3A_1692 = arith.constant 0 : i32
        %dma_wait3A_1693 = arith.constant 3 : i32
        %dma_wait3A_1694 = arith.constant 0 : i32
        %dma_wait3A_1695 = arith.constant 24 : i32
        %dma_wait3A_1696 = arith.constant 0 : i32
        %dma_wait3A_1697 = tpu.memref_slice %arg8[%rem3A_841, %dma_wait3A_1691, %dma_wait3A_1695, %dma_wait3A_1696] : memref<2x4x32x129xf32, #tpu.memory_space<vmem>> -> memref<1x1x8x128xf32, #tpu.memory_space<vmem>>
        %dma_wait3A_1698 = tpu.memref_squeeze %dma_wait3A_1697 : memref<1x1x8x128xf32, #tpu.memory_space<vmem>> -> memref<8x128xf32, #tpu.memory_space<vmem>>
        %dma_wait3A_1699 = arith.constant 0 : i32
        %dma_wait3A_1700 = arith.constant 0 : i32
        %dma_wait3A_1701 = tpu.memref_slice %arg5[%dma_wait3A_1692, %dma_wait3A_1693, %dma_wait3A_1694, %dma_wait3A_1699, %dma_wait3A_1700] : memref<200x4x32x8x128xf32, #tpu.memory_space<hbm>> -> memref<1x1x1x8x128xf32, #tpu.memory_space<hbm>>
        %dma_wait3A_1702 = tpu.memref_squeeze %dma_wait3A_1701 : memref<1x1x1x8x128xf32, #tpu.memory_space<hbm>> -> memref<8x128xf32, #tpu.memory_space<hbm>>
        %dma_wait3A_1703 = tpu.memref_slice %arg11[%rem3A_841] : memref<2x!tpu.dma_semaphore, #tpu.memory_space<semaphore_mem>> -> memref<1x!tpu.dma_semaphore, #tpu.memory_space<semaphore_mem>>
        %dma_wait3A_1704 = tpu.memref_squeeze %dma_wait3A_1703 : memref<1x!tpu.dma_semaphore, #tpu.memory_space<semaphore_mem>> -> memref<!tpu.dma_semaphore, #tpu.memory_space<semaphore_mem>>
        %dma_wait3A_1705 = arith.constant 0 : i32
        %dma_wait3A_1706 = arith.constant 0 : i32
        %dma_wait3A_1707 = tpu.memref_slice %arg5[%dma_wait3A_1692, %dma_wait3A_1693, %dma_wait3A_1694, %dma_wait3A_1705, %dma_wait3A_1706] : memref<200x4x32x8x128xf32, #tpu.memory_space<hbm>> -> memref<1x1x1x8x128xf32, #tpu.memory_space<hbm>>
        %dma_wait3A_1708 = tpu.memref_squeeze %dma_wait3A_1707 : memref<1x1x1x8x128xf32, #tpu.memory_space<hbm>> -> memref<8x128xf32, #tpu.memory_space<hbm>>
        %dma_wait3A_1709 = arith.constant 24 : i32
        %dma_wait3A_1710 = arith.constant 0 : i32
        %dma_wait3A_1711 = tpu.memref_slice %arg8[%rem3A_841, %dma_wait3A_1691, %dma_wait3A_1709, %dma_wait3A_1710] : memref<2x4x32x129xf32, #tpu.memory_space<vmem>> -> memref<1x1x8x128xf32, #tpu.memory_space<vmem>>
        %dma_wait3A_1712 = tpu.memref_squeeze %dma_wait3A_1711 : memref<1x1x8x128xf32, #tpu.memory_space<vmem>> -> memref<8x128xf32, #tpu.memory_space<vmem>>
        tpu.wait_dma2 semaphore(%dma_wait3A_1704 : memref<!tpu.dma_semaphore, #tpu.memory_space<semaphore_mem>>) src(%dma_wait3A_1712 : memref<8x128xf32, #tpu.memory_space<vmem>>) dst(%dma_wait3A_1708 : memref<8x128xf32, #tpu.memory_space<hbm>>)
      } else {
      }
      %mul3A_918 = arith.constant 4 : i32
      %mul3A_919 = arith.muli %scan3A_838, %mul3A_918 : i32
      %add3A_920 = arith.constant 0 : i32
      %add3A_921 = arith.addi %mul3A_919, %add3A_920 : i32
      %get3A = arith.index_cast %add3A_921 : i32 to index
      %get3A_922 = arith.constant 0 : index
      %get3A_923 = tpu.vector_load %arg9[%get3A, %get3A_922] {strides = array<i32>} : memref<200x32xf32, #tpu.memory_space<vmem>>, vector<16xf32>,
      %get3A_924 = arith.index_cast %add3A_921 : i32 to index
      %get3A_925 = arith.constant 16 : index
      %get3A_926 = tpu.vector_load %arg9[%get3A_924, %get3A_925] {strides = array<i32>} : memref<200x32xf32, #tpu.memory_space<vmem>>, vector<16xf32>,
      %parallel_loop3A = arith.constant 0 : i32
      %parallel_loop3A_927 = arith.constant 128 : i32
      %parallel_loop3A_928 = arith.constant 1 : i32
      %parallel_loop3A_929 = arith.constant 0 : i32
      %parallel_loop3A_930 = arith.constant 0 : i32
      scf.for %parallel_loop3A_1361 = %parallel_loop3A to %parallel_loop3A_927 step %parallel_loop3A_928  : i32 {
        %parallel_loop3A_1362 = vector.broadcast %parallel_loop3A_1361 : i32 to vector<16xi32>
        %parallel_loop3A_1363 = arith.constant 0 : i32
        %parallel_loop3A_1364 = arith.constant 0 : i32
        %parallel_loop3A_1365 = tpu.memref_slice %arg7[%rem3A_841, %parallel_loop3A_929, %parallel_loop3A_1363, %parallel_loop3A_1364] : memref<2x4x128x32xf32, #tpu.memory_space<vmem>> -> memref<1x1x128x32xf32, #tpu.memory_space<vmem>>
        %parallel_loop3A_1366 = tpu.memref_squeeze %parallel_loop3A_1365 : memref<1x1x128x32xf32, #tpu.memory_space<vmem>> -> memref<128x32xf32, #tpu.memory_space<vmem>>
        %parallel_loop3A_1367 = arith.index_cast %parallel_loop3A_1361 : i32 to index
        %parallel_loop3A_1368 = arith.constant 0 : index
        %parallel_loop3A_1369 = tpu.vector_load %parallel_loop3A_1366[%parallel_loop3A_1367, %parallel_loop3A_1368] {strides = array<i32>} : memref<128x32xf32, #tpu.memory_space<vmem>>, vector<16xf32>,
        %parallel_loop3A_1370 = arith.addf %parallel_loop3A_1369, %get3A_923 : vector<16xf32>
        %parallel_loop3A_1371 = arith.constant 0 : i32
        %parallel_loop3A_1372 = arith.constant 0 : i32
        %parallel_loop3A_1373 = tpu.memref_slice %arg7[%rem3A_841, %parallel_loop3A_929, %parallel_loop3A_1371, %parallel_loop3A_1372] : memref<2x4x128x32xf32, #tpu.memory_space<vmem>> -> memref<1x1x128x32xf32, #tpu.memory_space<vmem>>
        %parallel_loop3A_1374 = tpu.memref_squeeze %parallel_loop3A_1373 : memref<1x1x128x32xf32, #tpu.memory_space<vmem>> -> memref<128x32xf32, #tpu.memory_space<vmem>>
        %parallel_loop3A_1375 = arith.index_cast %parallel_loop3A_1361 : i32 to index
        %parallel_loop3A_1376 = arith.constant 16 : index
        %parallel_loop3A_1377 = tpu.vector_load %parallel_loop3A_1374[%parallel_loop3A_1375, %parallel_loop3A_1376] {strides = array<i32>} : memref<128x32xf32, #tpu.memory_space<vmem>>, vector<16xf32>,
        %parallel_loop3A_1378 = arith.addf %parallel_loop3A_1377, %get3A_926 : vector<16xf32>
        %parallel_loop3A_1379 = arith.constant 0 : i32
        %parallel_loop3A_1380 = arith.constant 0 : i32
        %parallel_loop3A_1381 = tpu.memref_slice %arg8[%rem3A_841, %parallel_loop3A_930, %parallel_loop3A_1379, %parallel_loop3A_1380] : memref<2x4x32x129xf32, #tpu.memory_space<vmem>> -> memref<1x1x32x129xf32, #tpu.memory_space<vmem>>
        %parallel_loop3A_1382 = tpu.memref_squeeze %parallel_loop3A_1381 : memref<1x1x32x129xf32, #tpu.memory_space<vmem>> -> memref<32x129xf32, #tpu.memory_space<vmem>>
        tpu.vector_store_idx %parallel_loop3A_1382[%iota3A, %parallel_loop3A_1362], %parallel_loop3A_1370 : memref<32x129xf32, #tpu.memory_space<vmem>>[vector<16xi32>, vector<16xi32>], vector<16xf32>,
        %parallel_loop3A_1383 = arith.constant 16 : i32
        %parallel_loop3A_1384 = vector.broadcast %parallel_loop3A_1383 : i32 to vector<16xi32>
        %parallel_loop3A_1385 = arith.addi %iota3A, %parallel_loop3A_1384 : vector<16xi32>
        %parallel_loop3A_1386 = arith.constant 0 : i32
        %parallel_loop3A_1387 = arith.constant 0 : i32
        %parallel_loop3A_1388 = tpu.memref_slice %arg8[%rem3A_841, %parallel_loop3A_930, %parallel_loop3A_1386, %parallel_loop3A_1387] : memref<2x4x32x129xf32, #tpu.memory_space<vmem>> -> memref<1x1x32x129xf32, #tpu.memory_space<vmem>>
        %parallel_loop3A_1389 = tpu.memref_squeeze %parallel_loop3A_1388 : memref<1x1x32x129xf32, #tpu.memory_space<vmem>> -> memref<32x129xf32, #tpu.memory_space<vmem>>
        tpu.vector_store_idx %parallel_loop3A_1389[%parallel_loop3A_1385, %parallel_loop3A_1362], %parallel_loop3A_1378 : memref<32x129xf32, #tpu.memory_space<vmem>>[vector<16xi32>, vector<16xi32>], vector<16xf32>,
      } {sc.loop_unroll_factor = 8 : i64, sc.parallel_access}
      %mul3A_931 = arith.constant 4 : i32
      %mul3A_932 = arith.muli %scan3A_838, %mul3A_931 : i32
      %add3A_933 = arith.constant 1 : i32
      %add3A_934 = arith.addi %mul3A_932, %add3A_933 : i32
      %get3A_935 = arith.index_cast %add3A_934 : i32 to index
      %get3A_936 = arith.constant 0 : index
      %get3A_937 = tpu.vector_load %arg9[%get3A_935, %get3A_936] {strides = array<i32>} : memref<200x32xf32, #tpu.memory_space<vmem>>, vector<16xf32>,
      %get3A_938 = arith.index_cast %add3A_934 : i32 to index
      %get3A_939 = arith.constant 16 : index
      %get3A_940 = tpu.vector_load %arg9[%get3A_938, %get3A_939] {strides = array<i32>} : memref<200x32xf32, #tpu.memory_space<vmem>>, vector<16xf32>,
      %parallel_loop3A_941 = arith.constant 0 : i32
      %parallel_loop3A_942 = arith.constant 128 : i32
      %parallel_loop3A_943 = arith.constant 1 : i32
      %parallel_loop3A_944 = arith.constant 1 : i32
      %parallel_loop3A_945 = arith.constant 1 : i32
      scf.for %parallel_loop3A_1361 = %parallel_loop3A_941 to %parallel_loop3A_942 step %parallel_loop3A_943  : i32 {
        %parallel_loop3A_1362 = vector.broadcast %parallel_loop3A_1361 : i32 to vector<16xi32>
        %parallel_loop3A_1363 = arith.constant 0 : i32
        %parallel_loop3A_1364 = arith.constant 0 : i32
        %parallel_loop3A_1365 = tpu.memref_slice %arg7[%rem3A_841, %parallel_loop3A_944, %parallel_loop3A_1363, %parallel_loop3A_1364] : memref<2x4x128x32xf32, #tpu.memory_space<vmem>> -> memref<1x1x128x32xf32, #tpu.memory_space<vmem>>
        %parallel_loop3A_1366 = tpu.memref_squeeze %parallel_loop3A_1365 : memref<1x1x128x32xf32, #tpu.memory_space<vmem>> -> memref<128x32xf32, #tpu.memory_space<vmem>>
        %parallel_loop3A_1367 = arith.index_cast %parallel_loop3A_1361 : i32 to index
        %parallel_loop3A_1368 = arith.constant 0 : index
        %parallel_loop3A_1369 = tpu.vector_load %parallel_loop3A_1366[%parallel_loop3A_1367, %parallel_loop3A_1368] {strides = array<i32>} : memref<128x32xf32, #tpu.memory_space<vmem>>, vector<16xf32>,
        %parallel_loop3A_1370 = arith.addf %parallel_loop3A_1369, %get3A_937 : vector<16xf32>
        %parallel_loop3A_1371 = arith.constant 0 : i32
        %parallel_loop3A_1372 = arith.constant 0 : i32
        %parallel_loop3A_1373 = tpu.memref_slice %arg7[%rem3A_841, %parallel_loop3A_944, %parallel_loop3A_1371, %parallel_loop3A_1372] : memref<2x4x128x32xf32, #tpu.memory_space<vmem>> -> memref<1x1x128x32xf32, #tpu.memory_space<vmem>>
        %parallel_loop3A_1374 = tpu.memref_squeeze %parallel_loop3A_1373 : memref<1x1x128x32xf32, #tpu.memory_space<vmem>> -> memref<128x32xf32, #tpu.memory_space<vmem>>
        %parallel_loop3A_1375 = arith.index_cast %parallel_loop3A_1361 : i32 to index
        %parallel_loop3A_1376 = arith.constant 16 : index
        %parallel_loop3A_1377 = tpu.vector_load %parallel_loop3A_1374[%parallel_loop3A_1375, %parallel_loop3A_1376] {strides = array<i32>} : memref<128x32xf32, #tpu.memory_space<vmem>>, vector<16xf32>,
        %parallel_loop3A_1378 = arith.addf %parallel_loop3A_1377, %get3A_940 : vector<16xf32>
        %parallel_loop3A_1379 = arith.constant 0 : i32
        %parallel_loop3A_1380 = arith.constant 0 : i32
        %parallel_loop3A_1381 = tpu.memref_slice %arg8[%rem3A_841, %parallel_loop3A_945, %parallel_loop3A_1379, %parallel_loop3A_1380] : memref<2x4x32x129xf32, #tpu.memory_space<vmem>> -> memref<1x1x32x129xf32, #tpu.memory_space<vmem>>
        %parallel_loop3A_1382 = tpu.memref_squeeze %parallel_loop3A_1381 : memref<1x1x32x129xf32, #tpu.memory_space<vmem>> -> memref<32x129xf32, #tpu.memory_space<vmem>>
        tpu.vector_store_idx %parallel_loop3A_1382[%iota3A, %parallel_loop3A_1362], %parallel_loop3A_1370 : memref<32x129xf32, #tpu.memory_space<vmem>>[vector<16xi32>, vector<16xi32>], vector<16xf32>,
        %parallel_loop3A_1383 = arith.constant 16 : i32
        %parallel_loop3A_1384 = vector.broadcast %parallel_loop3A_1383 : i32 to vector<16xi32>
        %parallel_loop3A_1385 = arith.addi %iota3A, %parallel_loop3A_1384 : vector<16xi32>
        %parallel_loop3A_1386 = arith.constant 0 : i32
        %parallel_loop3A_1387 = arith.constant 0 : i32
        %parallel_loop3A_1388 = tpu.memref_slice %arg8[%rem3A_841, %parallel_loop3A_945, %parallel_loop3A_1386, %parallel_loop3A_1387] : memref<2x4x32x129xf32, #tpu.memory_space<vmem>> -> memref<1x1x32x129xf32, #tpu.memory_space<vmem>>
        %parallel_loop3A_1389 = tpu.memref_squeeze %parallel_loop3A_1388 : memref<1x1x32x129xf32, #tpu.memory_space<vmem>> -> memref<32x129xf32, #tpu.memory_space<vmem>>
        tpu.vector_store_idx %parallel_loop3A_1389[%parallel_loop3A_1385, %parallel_loop3A_1362], %parallel_loop3A_1378 : memref<32x129xf32, #tpu.memory_space<vmem>>[vector<16xi32>, vector<16xi32>], vector<16xf32>,
      } {sc.loop_unroll_factor = 8 : i64, sc.parallel_access}
      %mul3A_946 = arith.constant 4 : i32
      %mul3A_947 = arith.muli %scan3A_838, %mul3A_946 : i32
      %add3A_948 = arith.constant 2 : i32
      %add3A_949 = arith.addi %mul3A_947, %add3A_948 : i32
      %get3A_950 = arith.index_cast %add3A_949 : i32 to index
      %get3A_951 = arith.constant 0 : index
      %get3A_952 = tpu.vector_load %arg9[%get3A_950, %get3A_951] {strides = array<i32>} : memref<200x32xf32, #tpu.memory_space<vmem>>, vector<16xf32>,
      %get3A_953 = arith.index_cast %add3A_949 : i32 to index
      %get3A_954 = arith.constant 16 : index
      %get3A_955 = tpu.vector_load %arg9[%get3A_953, %get3A_954] {strides = array<i32>} : memref<200x32xf32, #tpu.memory_space<vmem>>, vector<16xf32>,
      %parallel_loop3A_956 = arith.constant 0 : i32
      %parallel_loop3A_957 = arith.constant 128 : i32
      %parallel_loop3A_958 = arith.constant 1 : i32
      %parallel_loop3A_959 = arith.constant 2 : i32
      %parallel_loop3A_960 = arith.constant 2 : i32
      scf.for %parallel_loop3A_1361 = %parallel_loop3A_956 to %parallel_loop3A_957 step %parallel_loop3A_958  : i32 {
        %parallel_loop3A_1362 = vector.broadcast %parallel_loop3A_1361 : i32 to vector<16xi32>
        %parallel_loop3A_1363 = arith.constant 0 : i32
        %parallel_loop3A_1364 = arith.constant 0 : i32
        %parallel_loop3A_1365 = tpu.memref_slice %arg7[%rem3A_841, %parallel_loop3A_959, %parallel_loop3A_1363, %parallel_loop3A_1364] : memref<2x4x128x32xf32, #tpu.memory_space<vmem>> -> memref<1x1x128x32xf32, #tpu.memory_space<vmem>>
        %parallel_loop3A_1366 = tpu.memref_squeeze %parallel_loop3A_1365 : memref<1x1x128x32xf32, #tpu.memory_space<vmem>> -> memref<128x32xf32, #tpu.memory_space<vmem>>
        %parallel_loop3A_1367 = arith.index_cast %parallel_loop3A_1361 : i32 to index
        %parallel_loop3A_1368 = arith.constant 0 : index
        %parallel_loop3A_1369 = tpu.vector_load %parallel_loop3A_1366[%parallel_loop3A_1367, %parallel_loop3A_1368] {strides = array<i32>} : memref<128x32xf32, #tpu.memory_space<vmem>>, vector<16xf32>,
        %parallel_loop3A_1370 = arith.addf %parallel_loop3A_1369, %get3A_952 : vector<16xf32>
        %parallel_loop3A_1371 = arith.constant 0 : i32
        %parallel_loop3A_1372 = arith.constant 0 : i32
        %parallel_loop3A_1373 = tpu.memref_slice %arg7[%rem3A_841, %parallel_loop3A_959, %parallel_loop3A_1371, %parallel_loop3A_1372] : memref<2x4x128x32xf32, #tpu.memory_space<vmem>> -> memref<1x1x128x32xf32, #tpu.memory_space<vmem>>
        %parallel_loop3A_1374 = tpu.memref_squeeze %parallel_loop3A_1373 : memref<1x1x128x32xf32, #tpu.memory_space<vmem>> -> memref<128x32xf32, #tpu.memory_space<vmem>>
        %parallel_loop3A_1375 = arith.index_cast %parallel_loop3A_1361 : i32 to index
        %parallel_loop3A_1376 = arith.constant 16 : index
        %parallel_loop3A_1377 = tpu.vector_load %parallel_loop3A_1374[%parallel_loop3A_1375, %parallel_loop3A_1376] {strides = array<i32>} : memref<128x32xf32, #tpu.memory_space<vmem>>, vector<16xf32>,
        %parallel_loop3A_1378 = arith.addf %parallel_loop3A_1377, %get3A_955 : vector<16xf32>
        %parallel_loop3A_1379 = arith.constant 0 : i32
        %parallel_loop3A_1380 = arith.constant 0 : i32
        %parallel_loop3A_1381 = tpu.memref_slice %arg8[%rem3A_841, %parallel_loop3A_960, %parallel_loop3A_1379, %parallel_loop3A_1380] : memref<2x4x32x129xf32, #tpu.memory_space<vmem>> -> memref<1x1x32x129xf32, #tpu.memory_space<vmem>>
        %parallel_loop3A_1382 = tpu.memref_squeeze %parallel_loop3A_1381 : memref<1x1x32x129xf32, #tpu.memory_space<vmem>> -> memref<32x129xf32, #tpu.memory_space<vmem>>
        tpu.vector_store_idx %parallel_loop3A_1382[%iota3A, %parallel_loop3A_1362], %parallel_loop3A_1370 : memref<32x129xf32, #tpu.memory_space<vmem>>[vector<16xi32>, vector<16xi32>], vector<16xf32>,
        %parallel_loop3A_1383 = arith.constant 16 : i32
        %parallel_loop3A_1384 = vector.broadcast %parallel_loop3A_1383 : i32 to vector<16xi32>
        %parallel_loop3A_1385 = arith.addi %iota3A, %parallel_loop3A_1384 : vector<16xi32>
        %parallel_loop3A_1386 = arith.constant 0 : i32
        %parallel_loop3A_1387 = arith.constant 0 : i32
        %parallel_loop3A_1388 = tpu.memref_slice %arg8[%rem3A_841, %parallel_loop3A_960, %parallel_loop3A_1386, %parallel_loop3A_1387] : memref<2x4x32x129xf32, #tpu.memory_space<vmem>> -> memref<1x1x32x129xf32, #tpu.memory_space<vmem>>
        %parallel_loop3A_1389 = tpu.memref_squeeze %parallel_loop3A_1388 : memref<1x1x32x129xf32, #tpu.memory_space<vmem>> -> memref<32x129xf32, #tpu.memory_space<vmem>>
        tpu.vector_store_idx %parallel_loop3A_1389[%parallel_loop3A_1385, %parallel_loop3A_1362], %parallel_loop3A_1378 : memref<32x129xf32, #tpu.memory_space<vmem>>[vector<16xi32>, vector<16xi32>], vector<16xf32>,
      } {sc.loop_unroll_factor = 8 : i64, sc.parallel_access}
      %mul3A_961 = arith.constant 4 : i32
      %mul3A_962 = arith.muli %scan3A_838, %mul3A_961 : i32
      %add3A_963 = arith.constant 3 : i32
      %add3A_964 = arith.addi %mul3A_962, %add3A_963 : i32
      %get3A_965 = arith.index_cast %add3A_964 : i32 to index
      %get3A_966 = arith.constant 0 : index
      %get3A_967 = tpu.vector_load %arg9[%get3A_965, %get3A_966] {strides = array<i32>} : memref<200x32xf32, #tpu.memory_space<vmem>>, vector<16xf32>,
      %get3A_968 = arith.index_cast %add3A_964 : i32 to index
      %get3A_969 = arith.constant 16 : index
      %get3A_970 = tpu.vector_load %arg9[%get3A_968, %get3A_969] {strides = array<i32>} : memref<200x32xf32, #tpu.memory_space<vmem>>, vector<16xf32>,
      %parallel_loop3A_971 = arith.constant 0 : i32
      %parallel_loop3A_972 = arith.constant 128 : i32
      %parallel_loop3A_973 = arith.constant 1 : i32
      %parallel_loop3A_974 = arith.constant 3 : i32
      %parallel_loop3A_975 = arith.constant 3 : i32
      scf.for %parallel_loop3A_1361 = %parallel_loop3A_971 to %parallel_loop3A_972 step %parallel_loop3A_973  : i32 {
        %parallel_loop3A_1362 = vector.broadcast %parallel_loop3A_1361 : i32 to vector<16xi32>
        %parallel_loop3A_1363 = arith.constant 0 : i32
        %parallel_loop3A_1364 = arith.constant 0 : i32
        %parallel_loop3A_1365 = tpu.memref_slice %arg7[%rem3A_841, %parallel_loop3A_974, %parallel_loop3A_1363, %parallel_loop3A_1364] : memref<2x4x128x32xf32, #tpu.memory_space<vmem>> -> memref<1x1x128x32xf32, #tpu.memory_space<vmem>>
        %parallel_loop3A_1366 = tpu.memref_squeeze %parallel_loop3A_1365 : memref<1x1x128x32xf32, #tpu.memory_space<vmem>> -> memref<128x32xf32, #tpu.memory_space<vmem>>
        %parallel_loop3A_1367 = arith.index_cast %parallel_loop3A_1361 : i32 to index
        %parallel_loop3A_1368 = arith.constant 0 : index
        %parallel_loop3A_1369 = tpu.vector_load %parallel_loop3A_1366[%parallel_loop3A_1367, %parallel_loop3A_1368] {strides = array<i32>} : memref<128x32xf32, #tpu.memory_space<vmem>>, vector<16xf32>,
        %parallel_loop3A_1370 = arith.addf %parallel_loop3A_1369, %get3A_967 : vector<16xf32>
        %parallel_loop3A_1371 = arith.constant 0 : i32
        %parallel_loop3A_1372 = arith.constant 0 : i32
        %parallel_loop3A_1373 = tpu.memref_slice %arg7[%rem3A_841, %parallel_loop3A_974, %parallel_loop3A_1371, %parallel_loop3A_1372] : memref<2x4x128x32xf32, #tpu.memory_space<vmem>> -> memref<1x1x128x32xf32, #tpu.memory_space<vmem>>
        %parallel_loop3A_1374 = tpu.memref_squeeze %parallel_loop3A_1373 : memref<1x1x128x32xf32, #tpu.memory_space<vmem>> -> memref<128x32xf32, #tpu.memory_space<vmem>>
        %parallel_loop3A_1375 = arith.index_cast %parallel_loop3A_1361 : i32 to index
        %parallel_loop3A_1376 = arith.constant 16 : index
        %parallel_loop3A_1377 = tpu.vector_load %parallel_loop3A_1374[%parallel_loop3A_1375, %parallel_loop3A_1376] {strides = array<i32>} : memref<128x32xf32, #tpu.memory_space<vmem>>, vector<16xf32>,
        %parallel_loop3A_1378 = arith.addf %parallel_loop3A_1377, %get3A_970 : vector<16xf32>
        %parallel_loop3A_1379 = arith.constant 0 : i32
        %parallel_loop3A_1380 = arith.constant 0 : i32
        %parallel_loop3A_1381 = tpu.memref_slice %arg8[%rem3A_841, %parallel_loop3A_975, %parallel_loop3A_1379, %parallel_loop3A_1380] : memref<2x4x32x129xf32, #tpu.memory_space<vmem>> -> memref<1x1x32x129xf32, #tpu.memory_space<vmem>>
        %parallel_loop3A_1382 = tpu.memref_squeeze %parallel_loop3A_1381 : memref<1x1x32x129xf32, #tpu.memory_space<vmem>> -> memref<32x129xf32, #tpu.memory_space<vmem>>
        tpu.vector_store_idx %parallel_loop3A_1382[%iota3A, %parallel_loop3A_1362], %parallel_loop3A_1370 : memref<32x129xf32, #tpu.memory_space<vmem>>[vector<16xi32>, vector<16xi32>], vector<16xf32>,
        %parallel_loop3A_1383 = arith.constant 16 : i32
        %parallel_loop3A_1384 = vector.broadcast %parallel_loop3A_1383 : i32 to vector<16xi32>
        %parallel_loop3A_1385 = arith.addi %iota3A, %parallel_loop3A_1384 : vector<16xi32>
        %parallel_loop3A_1386 = arith.constant 0 : i32
        %parallel_loop3A_1387 = arith.constant 0 : i32
        %parallel_loop3A_1388 = tpu.memref_slice %arg8[%rem3A_841, %parallel_loop3A_975, %parallel_loop3A_1386, %parallel_loop3A_1387] : memref<2x4x32x129xf32, #tpu.memory_space<vmem>> -> memref<1x1x32x129xf32, #tpu.memory_space<vmem>>
        %parallel_loop3A_1389 = tpu.memref_squeeze %parallel_loop3A_1388 : memref<1x1x32x129xf32, #tpu.memory_space<vmem>> -> memref<32x129xf32, #tpu.memory_space<vmem>>
        tpu.vector_store_idx %parallel_loop3A_1389[%parallel_loop3A_1385, %parallel_loop3A_1362], %parallel_loop3A_1378 : memref<32x129xf32, #tpu.memory_space<vmem>>[vector<16xi32>, vector<16xi32>], vector<16xf32>,
      } {sc.loop_unroll_factor = 8 : i64, sc.parallel_access}
      %mul3A_976 = arith.constant 4 : i32
      %mul3A_977 = arith.muli %scan3A_838, %mul3A_976 : i32
      %add3A_978 = arith.constant 0 : i32
      %add3A_979 = arith.addi %mul3A_977, %add3A_978 : i32
      %dma_start3A_980 = arith.constant 0 : i32
      %dma_start3A_981 = arith.constant 0 : i32
      %dma_start3A_982 = arith.constant 0 : i32
      %dma_start3A_983 = arith.constant 0 : i32
      %dma_start3A_984 = tpu.memref_slice %arg8[%rem3A_841, %dma_start3A_980, %dma_start3A_982, %dma_start3A_983] : memref<2x4x32x129xf32, #tpu.memory_space<vmem>> -> memref<1x1x8x128xf32, #tpu.memory_space<vmem>>
      %dma_start3A_985 = tpu.memref_squeeze %dma_start3A_984 : memref<1x1x8x128xf32, #tpu.memory_space<vmem>> -> memref<8x128xf32, #tpu.memory_space<vmem>>
      %dma_start3A_986 = arith.constant 0 : i32
      %dma_start3A_987 = arith.constant 0 : i32
      %dma_start3A_988 = tpu.memref_slice %arg5[%add3A_979, %dma_start3A_981, %add3A, %dma_start3A_986, %dma_start3A_987] : memref<200x4x32x8x128xf32, #tpu.memory_space<hbm>> -> memref<1x1x1x8x128xf32, #tpu.memory_space<hbm>>
      %dma_start3A_989 = tpu.memref_squeeze %dma_start3A_988 : memref<1x1x1x8x128xf32, #tpu.memory_space<hbm>> -> memref<8x128xf32, #tpu.memory_space<hbm>>
      %dma_start3A_990 = tpu.memref_slice %arg11[%rem3A_841] : memref<2x!tpu.dma_semaphore, #tpu.memory_space<semaphore_mem>> -> memref<1x!tpu.dma_semaphore, #tpu.memory_space<semaphore_mem>>
      %dma_start3A_991 = tpu.memref_squeeze %dma_start3A_990 : memref<1x!tpu.dma_semaphore, #tpu.memory_space<semaphore_mem>> -> memref<!tpu.dma_semaphore, #tpu.memory_space<semaphore_mem>>
      %dma_start3A_992 = arith.constant 0 : i32
      %dma_start3A_993 = arith.constant 0 : i32
      %dma_start3A_994 = tpu.memref_slice %arg5[%add3A_979, %dma_start3A_981, %add3A, %dma_start3A_992, %dma_start3A_993] : memref<200x4x32x8x128xf32, #tpu.memory_space<hbm>> -> memref<1x1x1x8x128xf32, #tpu.memory_space<hbm>>
      %dma_start3A_995 = tpu.memref_squeeze %dma_start3A_994 : memref<1x1x1x8x128xf32, #tpu.memory_space<hbm>> -> memref<8x128xf32, #tpu.memory_space<hbm>>
      %dma_start3A_996 = arith.constant 0 : i32
      %dma_start3A_997 = arith.constant 0 : i32
      %dma_start3A_998 = tpu.memref_slice %arg8[%rem3A_841, %dma_start3A_980, %dma_start3A_996, %dma_start3A_997] : memref<2x4x32x129xf32, #tpu.memory_space<vmem>> -> memref<1x1x8x128xf32, #tpu.memory_space<vmem>>
      %dma_start3A_999 = tpu.memref_squeeze %dma_start3A_998 : memref<1x1x8x128xf32, #tpu.memory_space<vmem>> -> memref<8x128xf32, #tpu.memory_space<vmem>>
      tpu.enqueue_dma source(%dma_start3A_999 : memref<8x128xf32, #tpu.memory_space<vmem>>) target(%dma_start3A_995 : memref<8x128xf32, #tpu.memory_space<hbm>>) target_semaphore(%dma_start3A_991 : memref<!tpu.dma_semaphore, #tpu.memory_space<semaphore_mem>>)
      %mul3A_1000 = arith.constant 4 : i32
      %mul3A_1001 = arith.muli %scan3A_838, %mul3A_1000 : i32
      %add3A_1002 = arith.constant 0 : i32
      %add3A_1003 = arith.addi %mul3A_1001, %add3A_1002 : i32
      %dma_start3A_1004 = arith.constant 0 : i32
      %dma_start3A_1005 = arith.constant 1 : i32
      %dma_start3A_1006 = arith.constant 8 : i32
      %dma_start3A_1007 = arith.constant 0 : i32
      %dma_start3A_1008 = tpu.memref_slice %arg8[%rem3A_841, %dma_start3A_1004, %dma_start3A_1006, %dma_start3A_1007] : memref<2x4x32x129xf32, #tpu.memory_space<vmem>> -> memref<1x1x8x128xf32, #tpu.memory_space<vmem>>
      %dma_start3A_1009 = tpu.memref_squeeze %dma_start3A_1008 : memref<1x1x8x128xf32, #tpu.memory_space<vmem>> -> memref<8x128xf32, #tpu.memory_space<vmem>>
      %dma_start3A_1010 = arith.constant 0 : i32
      %dma_start3A_1011 = arith.constant 0 : i32
      %dma_start3A_1012 = tpu.memref_slice %arg5[%add3A_1003, %dma_start3A_1005, %add3A, %dma_start3A_1010, %dma_start3A_1011] : memref<200x4x32x8x128xf32, #tpu.memory_space<hbm>> -> memref<1x1x1x8x128xf32, #tpu.memory_space<hbm>>
      %dma_start3A_1013 = tpu.memref_squeeze %dma_start3A_1012 : memref<1x1x1x8x128xf32, #tpu.memory_space<hbm>> -> memref<8x128xf32, #tpu.memory_space<hbm>>
      %dma_start3A_1014 = tpu.memref_slice %arg11[%rem3A_841] : memref<2x!tpu.dma_semaphore, #tpu.memory_space<semaphore_mem>> -> memref<1x!tpu.dma_semaphore, #tpu.memory_space<semaphore_mem>>
      %dma_start3A_1015 = tpu.memref_squeeze %dma_start3A_1014 : memref<1x!tpu.dma_semaphore, #tpu.memory_space<semaphore_mem>> -> memref<!tpu.dma_semaphore, #tpu.memory_space<semaphore_mem>>
      %dma_start3A_1016 = arith.constant 0 : i32
      %dma_start3A_1017 = arith.constant 0 : i32
      %dma_start3A_1018 = tpu.memref_slice %arg5[%add3A_1003, %dma_start3A_1005, %add3A, %dma_start3A_1016, %dma_start3A_1017] : memref<200x4x32x8x128xf32, #tpu.memory_space<hbm>> -> memref<1x1x1x8x128xf32, #tpu.memory_space<hbm>>
      %dma_start3A_1019 = tpu.memref_squeeze %dma_start3A_1018 : memref<1x1x1x8x128xf32, #tpu.memory_space<hbm>> -> memref<8x128xf32, #tpu.memory_space<hbm>>
      %dma_start3A_1020 = arith.constant 8 : i32
      %dma_start3A_1021 = arith.constant 0 : i32
      %dma_start3A_1022 = tpu.memref_slice %arg8[%rem3A_841, %dma_start3A_1004, %dma_start3A_1020, %dma_start3A_1021] : memref<2x4x32x129xf32, #tpu.memory_space<vmem>> -> memref<1x1x8x128xf32, #tpu.memory_space<vmem>>
      %dma_start3A_1023 = tpu.memref_squeeze %dma_start3A_1022 : memref<1x1x8x128xf32, #tpu.memory_space<vmem>> -> memref<8x128xf32, #tpu.memory_space<vmem>>
      tpu.enqueue_dma source(%dma_start3A_1023 : memref<8x128xf32, #tpu.memory_space<vmem>>) target(%dma_start3A_1019 : memref<8x128xf32, #tpu.memory_space<hbm>>) target_semaphore(%dma_start3A_1015 : memref<!tpu.dma_semaphore, #tpu.memory_space<semaphore_mem>>)
      %mul3A_1024 = arith.constant 4 : i32
      %mul3A_1025 = arith.muli %scan3A_838, %mul3A_1024 : i32
      %add3A_1026 = arith.constant 0 : i32
      %add3A_1027 = arith.addi %mul3A_1025, %add3A_1026 : i32
      %dma_start3A_1028 = arith.constant 0 : i32
      %dma_start3A_1029 = arith.constant 2 : i32
      %dma_start3A_1030 = arith.constant 16 : i32
      %dma_start3A_1031 = arith.constant 0 : i32
      %dma_start3A_1032 = tpu.memref_slice %arg8[%rem3A_841, %dma_start3A_1028, %dma_start3A_1030, %dma_start3A_1031] : memref<2x4x32x129xf32, #tpu.memory_space<vmem>> -> memref<1x1x8x128xf32, #tpu.memory_space<vmem>>
      %dma_start3A_1033 = tpu.memref_squeeze %dma_start3A_1032 : memref<1x1x8x128xf32, #tpu.memory_space<vmem>> -> memref<8x128xf32, #tpu.memory_space<vmem>>
      %dma_start3A_1034 = arith.constant 0 : i32
      %dma_start3A_1035 = arith.constant 0 : i32
      %dma_start3A_1036 = tpu.memref_slice %arg5[%add3A_1027, %dma_start3A_1029, %add3A, %dma_start3A_1034, %dma_start3A_1035] : memref<200x4x32x8x128xf32, #tpu.memory_space<hbm>> -> memref<1x1x1x8x128xf32, #tpu.memory_space<hbm>>
      %dma_start3A_1037 = tpu.memref_squeeze %dma_start3A_1036 : memref<1x1x1x8x128xf32, #tpu.memory_space<hbm>> -> memref<8x128xf32, #tpu.memory_space<hbm>>
      %dma_start3A_1038 = tpu.memref_slice %arg11[%rem3A_841] : memref<2x!tpu.dma_semaphore, #tpu.memory_space<semaphore_mem>> -> memref<1x!tpu.dma_semaphore, #tpu.memory_space<semaphore_mem>>
      %dma_start3A_1039 = tpu.memref_squeeze %dma_start3A_1038 : memref<1x!tpu.dma_semaphore, #tpu.memory_space<semaphore_mem>> -> memref<!tpu.dma_semaphore, #tpu.memory_space<semaphore_mem>>
      %dma_start3A_1040 = arith.constant 0 : i32
      %dma_start3A_1041 = arith.constant 0 : i32
      %dma_start3A_1042 = tpu.memref_slice %arg5[%add3A_1027, %dma_start3A_1029, %add3A, %dma_start3A_1040, %dma_start3A_1041] : memref<200x4x32x8x128xf32, #tpu.memory_space<hbm>> -> memref<1x1x1x8x128xf32, #tpu.memory_space<hbm>>
      %dma_start3A_1043 = tpu.memref_squeeze %dma_start3A_1042 : memref<1x1x1x8x128xf32, #tpu.memory_space<hbm>> -> memref<8x128xf32, #tpu.memory_space<hbm>>
      %dma_start3A_1044 = arith.constant 16 : i32
      %dma_start3A_1045 = arith.constant 0 : i32
      %dma_start3A_1046 = tpu.memref_slice %arg8[%rem3A_841, %dma_start3A_1028, %dma_start3A_1044, %dma_start3A_1045] : memref<2x4x32x129xf32, #tpu.memory_space<vmem>> -> memref<1x1x8x128xf32, #tpu.memory_space<vmem>>
      %dma_start3A_1047 = tpu.memref_squeeze %dma_start3A_1046 : memref<1x1x8x128xf32, #tpu.memory_space<vmem>> -> memref<8x128xf32, #tpu.memory_space<vmem>>
      tpu.enqueue_dma source(%dma_start3A_1047 : memref<8x128xf32, #tpu.memory_space<vmem>>) target(%dma_start3A_1043 : memref<8x128xf32, #tpu.memory_space<hbm>>) target_semaphore(%dma_start3A_1039 : memref<!tpu.dma_semaphore, #tpu.memory_space<semaphore_mem>>)
      %mul3A_1048 = arith.constant 4 : i32
      %mul3A_1049 = arith.muli %scan3A_838, %mul3A_1048 : i32
      %add3A_1050 = arith.constant 0 : i32
      %add3A_1051 = arith.addi %mul3A_1049, %add3A_1050 : i32
      %dma_start3A_1052 = arith.constant 0 : i32
      %dma_start3A_1053 = arith.constant 3 : i32
      %dma_start3A_1054 = arith.constant 24 : i32
      %dma_start3A_1055 = arith.constant 0 : i32
      %dma_start3A_1056 = tpu.memref_slice %arg8[%rem3A_841, %dma_start3A_1052, %dma_start3A_1054, %dma_start3A_1055] : memref<2x4x32x129xf32, #tpu.memory_space<vmem>> -> memref<1x1x8x128xf32, #tpu.memory_space<vmem>>
      %dma_start3A_1057 = tpu.memref_squeeze %dma_start3A_1056 : memref<1x1x8x128xf32, #tpu.memory_space<vmem>> -> memref<8x128xf32, #tpu.memory_space<vmem>>
      %dma_start3A_1058 = arith.constant 0 : i32
      %dma_start3A_1059 = arith.constant 0 : i32
      %dma_start3A_1060 = tpu.memref_slice %arg5[%add3A_1051, %dma_start3A_1053, %add3A, %dma_start3A_1058, %dma_start3A_1059] : memref<200x4x32x8x128xf32, #tpu.memory_space<hbm>> -> memref<1x1x1x8x128xf32, #tpu.memory_space<hbm>>
      %dma_start3A_1061 = tpu.memref_squeeze %dma_start3A_1060 : memref<1x1x1x8x128xf32, #tpu.memory_space<hbm>> -> memref<8x128xf32, #tpu.memory_space<hbm>>
      %dma_start3A_1062 = tpu.memref_slice %arg11[%rem3A_841] : memref<2x!tpu.dma_semaphore, #tpu.memory_space<semaphore_mem>> -> memref<1x!tpu.dma_semaphore, #tpu.memory_space<semaphore_mem>>
      %dma_start3A_1063 = tpu.memref_squeeze %dma_start3A_1062 : memref<1x!tpu.dma_semaphore, #tpu.memory_space<semaphore_mem>> -> memref<!tpu.dma_semaphore, #tpu.memory_space<semaphore_mem>>
      %dma_start3A_1064 = arith.constant 0 : i32
      %dma_start3A_1065 = arith.constant 0 : i32
      %dma_start3A_1066 = tpu.memref_slice %arg5[%add3A_1051, %dma_start3A_1053, %add3A, %dma_start3A_1064, %dma_start3A_1065] : memref<200x4x32x8x128xf32, #tpu.memory_space<hbm>> -> memref<1x1x1x8x128xf32, #tpu.memory_space<hbm>>
      %dma_start3A_1067 = tpu.memref_squeeze %dma_start3A_1066 : memref<1x1x1x8x128xf32, #tpu.memory_space<hbm>> -> memref<8x128xf32, #tpu.memory_space<hbm>>
      %dma_start3A_1068 = arith.constant 24 : i32
      %dma_start3A_1069 = arith.constant 0 : i32
      %dma_start3A_1070 = tpu.memref_slice %arg8[%rem3A_841, %dma_start3A_1052, %dma_start3A_1068, %dma_start3A_1069] : memref<2x4x32x129xf32, #tpu.memory_space<vmem>> -> memref<1x1x8x128xf32, #tpu.memory_space<vmem>>
      %dma_start3A_1071 = tpu.memref_squeeze %dma_start3A_1070 : memref<1x1x8x128xf32, #tpu.memory_space<vmem>> -> memref<8x128xf32, #tpu.memory_space<vmem>>
      tpu.enqueue_dma source(%dma_start3A_1071 : memref<8x128xf32, #tpu.memory_space<vmem>>) target(%dma_start3A_1067 : memref<8x128xf32, #tpu.memory_space<hbm>>) target_semaphore(%dma_start3A_1063 : memref<!tpu.dma_semaphore, #tpu.memory_space<semaphore_mem>>)
      %mul3A_1072 = arith.constant 4 : i32
      %mul3A_1073 = arith.muli %scan3A_838, %mul3A_1072 : i32
      %add3A_1074 = arith.constant 1 : i32
      %add3A_1075 = arith.addi %mul3A_1073, %add3A_1074 : i32
      %dma_start3A_1076 = arith.constant 1 : i32
      %dma_start3A_1077 = arith.constant 0 : i32
      %dma_start3A_1078 = arith.constant 0 : i32
      %dma_start3A_1079 = arith.constant 0 : i32
      %dma_start3A_1080 = tpu.memref_slice %arg8[%rem3A_841, %dma_start3A_1076, %dma_start3A_1078, %dma_start3A_1079] : memref<2x4x32x129xf32, #tpu.memory_space<vmem>> -> memref<1x1x8x128xf32, #tpu.memory_space<vmem>>
      %dma_start3A_1081 = tpu.memref_squeeze %dma_start3A_1080 : memref<1x1x8x128xf32, #tpu.memory_space<vmem>> -> memref<8x128xf32, #tpu.memory_space<vmem>>
      %dma_start3A_1082 = arith.constant 0 : i32
      %dma_start3A_1083 = arith.constant 0 : i32
      %dma_start3A_1084 = tpu.memref_slice %arg5[%add3A_1075, %dma_start3A_1077, %add3A, %dma_start3A_1082, %dma_start3A_1083] : memref<200x4x32x8x128xf32, #tpu.memory_space<hbm>> -> memref<1x1x1x8x128xf32, #tpu.memory_space<hbm>>
      %dma_start3A_1085 = tpu.memref_squeeze %dma_start3A_1084 : memref<1x1x1x8x128xf32, #tpu.memory_space<hbm>> -> memref<8x128xf32, #tpu.memory_space<hbm>>
      %dma_start3A_1086 = tpu.memref_slice %arg11[%rem3A_841] : memref<2x!tpu.dma_semaphore, #tpu.memory_space<semaphore_mem>> -> memref<1x!tpu.dma_semaphore, #tpu.memory_space<semaphore_mem>>
      %dma_start3A_1087 = tpu.memref_squeeze %dma_start3A_1086 : memref<1x!tpu.dma_semaphore, #tpu.memory_space<semaphore_mem>> -> memref<!tpu.dma_semaphore, #tpu.memory_space<semaphore_mem>>
      %dma_start3A_1088 = arith.constant 0 : i32
      %dma_start3A_1089 = arith.constant 0 : i32
      %dma_start3A_1090 = tpu.memref_slice %arg5[%add3A_1075, %dma_start3A_1077, %add3A, %dma_start3A_1088, %dma_start3A_1089] : memref<200x4x32x8x128xf32, #tpu.memory_space<hbm>> -> memref<1x1x1x8x128xf32, #tpu.memory_space<hbm>>
      %dma_start3A_1091 = tpu.memref_squeeze %dma_start3A_1090 : memref<1x1x1x8x128xf32, #tpu.memory_space<hbm>> -> memref<8x128xf32, #tpu.memory_space<hbm>>
      %dma_start3A_1092 = arith.constant 0 : i32
      %dma_start3A_1093 = arith.constant 0 : i32
      %dma_start3A_1094 = tpu.memref_slice %arg8[%rem3A_841, %dma_start3A_1076, %dma_start3A_1092, %dma_start3A_1093] : memref<2x4x32x129xf32, #tpu.memory_space<vmem>> -> memref<1x1x8x128xf32, #tpu.memory_space<vmem>>
      %dma_start3A_1095 = tpu.memref_squeeze %dma_start3A_1094 : memref<1x1x8x128xf32, #tpu.memory_space<vmem>> -> memref<8x128xf32, #tpu.memory_space<vmem>>
      tpu.enqueue_dma source(%dma_start3A_1095 : memref<8x128xf32, #tpu.memory_space<vmem>>) target(%dma_start3A_1091 : memref<8x128xf32, #tpu.memory_space<hbm>>) target_semaphore(%dma_start3A_1087 : memref<!tpu.dma_semaphore, #tpu.memory_space<semaphore_mem>>)
      %mul3A_1096 = arith.constant 4 : i32
      %mul3A_1097 = arith.muli %scan3A_838, %mul3A_1096 : i32
      %add3A_1098 = arith.constant 1 : i32
      %add3A_1099 = arith.addi %mul3A_1097, %add3A_1098 : i32
      %dma_start3A_1100 = arith.constant 1 : i32
      %dma_start3A_1101 = arith.constant 1 : i32
      %dma_start3A_1102 = arith.constant 8 : i32
      %dma_start3A_1103 = arith.constant 0 : i32
      %dma_start3A_1104 = tpu.memref_slice %arg8[%rem3A_841, %dma_start3A_1100, %dma_start3A_1102, %dma_start3A_1103] : memref<2x4x32x129xf32, #tpu.memory_space<vmem>> -> memref<1x1x8x128xf32, #tpu.memory_space<vmem>>
      %dma_start3A_1105 = tpu.memref_squeeze %dma_start3A_1104 : memref<1x1x8x128xf32, #tpu.memory_space<vmem>> -> memref<8x128xf32, #tpu.memory_space<vmem>>
      %dma_start3A_1106 = arith.constant 0 : i32
      %dma_start3A_1107 = arith.constant 0 : i32
      %dma_start3A_1108 = tpu.memref_slice %arg5[%add3A_1099, %dma_start3A_1101, %add3A, %dma_start3A_1106, %dma_start3A_1107] : memref<200x4x32x8x128xf32, #tpu.memory_space<hbm>> -> memref<1x1x1x8x128xf32, #tpu.memory_space<hbm>>
      %dma_start3A_1109 = tpu.memref_squeeze %dma_start3A_1108 : memref<1x1x1x8x128xf32, #tpu.memory_space<hbm>> -> memref<8x128xf32, #tpu.memory_space<hbm>>
      %dma_start3A_1110 = tpu.memref_slice %arg11[%rem3A_841] : memref<2x!tpu.dma_semaphore, #tpu.memory_space<semaphore_mem>> -> memref<1x!tpu.dma_semaphore, #tpu.memory_space<semaphore_mem>>
      %dma_start3A_1111 = tpu.memref_squeeze %dma_start3A_1110 : memref<1x!tpu.dma_semaphore, #tpu.memory_space<semaphore_mem>> -> memref<!tpu.dma_semaphore, #tpu.memory_space<semaphore_mem>>
      %dma_start3A_1112 = arith.constant 0 : i32
      %dma_start3A_1113 = arith.constant 0 : i32
      %dma_start3A_1114 = tpu.memref_slice %arg5[%add3A_1099, %dma_start3A_1101, %add3A, %dma_start3A_1112, %dma_start3A_1113] : memref<200x4x32x8x128xf32, #tpu.memory_space<hbm>> -> memref<1x1x1x8x128xf32, #tpu.memory_space<hbm>>
      %dma_start3A_1115 = tpu.memref_squeeze %dma_start3A_1114 : memref<1x1x1x8x128xf32, #tpu.memory_space<hbm>> -> memref<8x128xf32, #tpu.memory_space<hbm>>
      %dma_start3A_1116 = arith.constant 8 : i32
      %dma_start3A_1117 = arith.constant 0 : i32
      %dma_start3A_1118 = tpu.memref_slice %arg8[%rem3A_841, %dma_start3A_1100, %dma_start3A_1116, %dma_start3A_1117] : memref<2x4x32x129xf32, #tpu.memory_space<vmem>> -> memref<1x1x8x128xf32, #tpu.memory_space<vmem>>
      %dma_start3A_1119 = tpu.memref_squeeze %dma_start3A_1118 : memref<1x1x8x128xf32, #tpu.memory_space<vmem>> -> memref<8x128xf32, #tpu.memory_space<vmem>>
      tpu.enqueue_dma source(%dma_start3A_1119 : memref<8x128xf32, #tpu.memory_space<vmem>>) target(%dma_start3A_1115 : memref<8x128xf32, #tpu.memory_space<hbm>>) target_semaphore(%dma_start3A_1111 : memref<!tpu.dma_semaphore, #tpu.memory_space<semaphore_mem>>)
      %mul3A_1120 = arith.constant 4 : i32
      %mul3A_1121 = arith.muli %scan3A_838, %mul3A_1120 : i32
      %add3A_1122 = arith.constant 1 : i32
      %add3A_1123 = arith.addi %mul3A_1121, %add3A_1122 : i32
      %dma_start3A_1124 = arith.constant 1 : i32
      %dma_start3A_1125 = arith.constant 2 : i32
      %dma_start3A_1126 = arith.constant 16 : i32
      %dma_start3A_1127 = arith.constant 0 : i32
      %dma_start3A_1128 = tpu.memref_slice %arg8[%rem3A_841, %dma_start3A_1124, %dma_start3A_1126, %dma_start3A_1127] : memref<2x4x32x129xf32, #tpu.memory_space<vmem>> -> memref<1x1x8x128xf32, #tpu.memory_space<vmem>>
      %dma_start3A_1129 = tpu.memref_squeeze %dma_start3A_1128 : memref<1x1x8x128xf32, #tpu.memory_space<vmem>> -> memref<8x128xf32, #tpu.memory_space<vmem>>
      %dma_start3A_1130 = arith.constant 0 : i32
      %dma_start3A_1131 = arith.constant 0 : i32
      %dma_start3A_1132 = tpu.memref_slice %arg5[%add3A_1123, %dma_start3A_1125, %add3A, %dma_start3A_1130, %dma_start3A_1131] : memref<200x4x32x8x128xf32, #tpu.memory_space<hbm>> -> memref<1x1x1x8x128xf32, #tpu.memory_space<hbm>>
      %dma_start3A_1133 = tpu.memref_squeeze %dma_start3A_1132 : memref<1x1x1x8x128xf32, #tpu.memory_space<hbm>> -> memref<8x128xf32, #tpu.memory_space<hbm>>
      %dma_start3A_1134 = tpu.memref_slice %arg11[%rem3A_841] : memref<2x!tpu.dma_semaphore, #tpu.memory_space<semaphore_mem>> -> memref<1x!tpu.dma_semaphore, #tpu.memory_space<semaphore_mem>>
      %dma_start3A_1135 = tpu.memref_squeeze %dma_start3A_1134 : memref<1x!tpu.dma_semaphore, #tpu.memory_space<semaphore_mem>> -> memref<!tpu.dma_semaphore, #tpu.memory_space<semaphore_mem>>
      %dma_start3A_1136 = arith.constant 0 : i32
      %dma_start3A_1137 = arith.constant 0 : i32
      %dma_start3A_1138 = tpu.memref_slice %arg5[%add3A_1123, %dma_start3A_1125, %add3A, %dma_start3A_1136, %dma_start3A_1137] : memref<200x4x32x8x128xf32, #tpu.memory_space<hbm>> -> memref<1x1x1x8x128xf32, #tpu.memory_space<hbm>>
      %dma_start3A_1139 = tpu.memref_squeeze %dma_start3A_1138 : memref<1x1x1x8x128xf32, #tpu.memory_space<hbm>> -> memref<8x128xf32, #tpu.memory_space<hbm>>
      %dma_start3A_1140 = arith.constant 16 : i32
      %dma_start3A_1141 = arith.constant 0 : i32
      %dma_start3A_1142 = tpu.memref_slice %arg8[%rem3A_841, %dma_start3A_1124, %dma_start3A_1140, %dma_start3A_1141] : memref<2x4x32x129xf32, #tpu.memory_space<vmem>> -> memref<1x1x8x128xf32, #tpu.memory_space<vmem>>
      %dma_start3A_1143 = tpu.memref_squeeze %dma_start3A_1142 : memref<1x1x8x128xf32, #tpu.memory_space<vmem>> -> memref<8x128xf32, #tpu.memory_space<vmem>>
      tpu.enqueue_dma source(%dma_start3A_1143 : memref<8x128xf32, #tpu.memory_space<vmem>>) target(%dma_start3A_1139 : memref<8x128xf32, #tpu.memory_space<hbm>>) target_semaphore(%dma_start3A_1135 : memref<!tpu.dma_semaphore, #tpu.memory_space<semaphore_mem>>)
      %mul3A_1144 = arith.constant 4 : i32
      %mul3A_1145 = arith.muli %scan3A_838, %mul3A_1144 : i32
      %add3A_1146 = arith.constant 1 : i32
      %add3A_1147 = arith.addi %mul3A_1145, %add3A_1146 : i32
      %dma_start3A_1148 = arith.constant 1 : i32
      %dma_start3A_1149 = arith.constant 3 : i32
      %dma_start3A_1150 = arith.constant 24 : i32
      %dma_start3A_1151 = arith.constant 0 : i32
      %dma_start3A_1152 = tpu.memref_slice %arg8[%rem3A_841, %dma_start3A_1148, %dma_start3A_1150, %dma_start3A_1151] : memref<2x4x32x129xf32, #tpu.memory_space<vmem>> -> memref<1x1x8x128xf32, #tpu.memory_space<vmem>>
      %dma_start3A_1153 = tpu.memref_squeeze %dma_start3A_1152 : memref<1x1x8x128xf32, #tpu.memory_space<vmem>> -> memref<8x128xf32, #tpu.memory_space<vmem>>
      %dma_start3A_1154 = arith.constant 0 : i32
      %dma_start3A_1155 = arith.constant 0 : i32
      %dma_start3A_1156 = tpu.memref_slice %arg5[%add3A_1147, %dma_start3A_1149, %add3A, %dma_start3A_1154, %dma_start3A_1155] : memref<200x4x32x8x128xf32, #tpu.memory_space<hbm>> -> memref<1x1x1x8x128xf32, #tpu.memory_space<hbm>>
      %dma_start3A_1157 = tpu.memref_squeeze %dma_start3A_1156 : memref<1x1x1x8x128xf32, #tpu.memory_space<hbm>> -> memref<8x128xf32, #tpu.memory_space<hbm>>
      %dma_start3A_1158 = tpu.memref_slice %arg11[%rem3A_841] : memref<2x!tpu.dma_semaphore, #tpu.memory_space<semaphore_mem>> -> memref<1x!tpu.dma_semaphore, #tpu.memory_space<semaphore_mem>>
      %dma_start3A_1159 = tpu.memref_squeeze %dma_start3A_1158 : memref<1x!tpu.dma_semaphore, #tpu.memory_space<semaphore_mem>> -> memref<!tpu.dma_semaphore, #tpu.memory_space<semaphore_mem>>
      %dma_start3A_1160 = arith.constant 0 : i32
      %dma_start3A_1161 = arith.constant 0 : i32
      %dma_start3A_1162 = tpu.memref_slice %arg5[%add3A_1147, %dma_start3A_1149, %add3A, %dma_start3A_1160, %dma_start3A_1161] : memref<200x4x32x8x128xf32, #tpu.memory_space<hbm>> -> memref<1x1x1x8x128xf32, #tpu.memory_space<hbm>>
      %dma_start3A_1163 = tpu.memref_squeeze %dma_start3A_1162 : memref<1x1x1x8x128xf32, #tpu.memory_space<hbm>> -> memref<8x128xf32, #tpu.memory_space<hbm>>
      %dma_start3A_1164 = arith.constant 24 : i32
      %dma_start3A_1165 = arith.constant 0 : i32
      %dma_start3A_1166 = tpu.memref_slice %arg8[%rem3A_841, %dma_start3A_1148, %dma_start3A_1164, %dma_start3A_1165] : memref<2x4x32x129xf32, #tpu.memory_space<vmem>> -> memref<1x1x8x128xf32, #tpu.memory_space<vmem>>
      %dma_start3A_1167 = tpu.memref_squeeze %dma_start3A_1166 : memref<1x1x8x128xf32, #tpu.memory_space<vmem>> -> memref<8x128xf32, #tpu.memory_space<vmem>>
      tpu.enqueue_dma source(%dma_start3A_1167 : memref<8x128xf32, #tpu.memory_space<vmem>>) target(%dma_start3A_1163 : memref<8x128xf32, #tpu.memory_space<hbm>>) target_semaphore(%dma_start3A_1159 : memref<!tpu.dma_semaphore, #tpu.memory_space<semaphore_mem>>)
      %mul3A_1168 = arith.constant 4 : i32
      %mul3A_1169 = arith.muli %scan3A_838, %mul3A_1168 : i32
      %add3A_1170 = arith.constant 2 : i32
      %add3A_1171 = arith.addi %mul3A_1169, %add3A_1170 : i32
      %dma_start3A_1172 = arith.constant 2 : i32
      %dma_start3A_1173 = arith.constant 0 : i32
      %dma_start3A_1174 = arith.constant 0 : i32
      %dma_start3A_1175 = arith.constant 0 : i32
      %dma_start3A_1176 = tpu.memref_slice %arg8[%rem3A_841, %dma_start3A_1172, %dma_start3A_1174, %dma_start3A_1175] : memref<2x4x32x129xf32, #tpu.memory_space<vmem>> -> memref<1x1x8x128xf32, #tpu.memory_space<vmem>>
      %dma_start3A_1177 = tpu.memref_squeeze %dma_start3A_1176 : memref<1x1x8x128xf32, #tpu.memory_space<vmem>> -> memref<8x128xf32, #tpu.memory_space<vmem>>
      %dma_start3A_1178 = arith.constant 0 : i32
      %dma_start3A_1179 = arith.constant 0 : i32
      %dma_start3A_1180 = tpu.memref_slice %arg5[%add3A_1171, %dma_start3A_1173, %add3A, %dma_start3A_1178, %dma_start3A_1179] : memref<200x4x32x8x128xf32, #tpu.memory_space<hbm>> -> memref<1x1x1x8x128xf32, #tpu.memory_space<hbm>>
      %dma_start3A_1181 = tpu.memref_squeeze %dma_start3A_1180 : memref<1x1x1x8x128xf32, #tpu.memory_space<hbm>> -> memref<8x128xf32, #tpu.memory_space<hbm>>
      %dma_start3A_1182 = tpu.memref_slice %arg11[%rem3A_841] : memref<2x!tpu.dma_semaphore, #tpu.memory_space<semaphore_mem>> -> memref<1x!tpu.dma_semaphore, #tpu.memory_space<semaphore_mem>>
      %dma_start3A_1183 = tpu.memref_squeeze %dma_start3A_1182 : memref<1x!tpu.dma_semaphore, #tpu.memory_space<semaphore_mem>> -> memref<!tpu.dma_semaphore, #tpu.memory_space<semaphore_mem>>
      %dma_start3A_1184 = arith.constant 0 : i32
      %dma_start3A_1185 = arith.constant 0 : i32
      %dma_start3A_1186 = tpu.memref_slice %arg5[%add3A_1171, %dma_start3A_1173, %add3A, %dma_start3A_1184, %dma_start3A_1185] : memref<200x4x32x8x128xf32, #tpu.memory_space<hbm>> -> memref<1x1x1x8x128xf32, #tpu.memory_space<hbm>>
      %dma_start3A_1187 = tpu.memref_squeeze %dma_start3A_1186 : memref<1x1x1x8x128xf32, #tpu.memory_space<hbm>> -> memref<8x128xf32, #tpu.memory_space<hbm>>
      %dma_start3A_1188 = arith.constant 0 : i32
      %dma_start3A_1189 = arith.constant 0 : i32
      %dma_start3A_1190 = tpu.memref_slice %arg8[%rem3A_841, %dma_start3A_1172, %dma_start3A_1188, %dma_start3A_1189] : memref<2x4x32x129xf32, #tpu.memory_space<vmem>> -> memref<1x1x8x128xf32, #tpu.memory_space<vmem>>
      %dma_start3A_1191 = tpu.memref_squeeze %dma_start3A_1190 : memref<1x1x8x128xf32, #tpu.memory_space<vmem>> -> memref<8x128xf32, #tpu.memory_space<vmem>>
      tpu.enqueue_dma source(%dma_start3A_1191 : memref<8x128xf32, #tpu.memory_space<vmem>>) target(%dma_start3A_1187 : memref<8x128xf32, #tpu.memory_space<hbm>>) target_semaphore(%dma_start3A_1183 : memref<!tpu.dma_semaphore, #tpu.memory_space<semaphore_mem>>)
      %mul3A_1192 = arith.constant 4 : i32
      %mul3A_1193 = arith.muli %scan3A_838, %mul3A_1192 : i32
      %add3A_1194 = arith.constant 2 : i32
      %add3A_1195 = arith.addi %mul3A_1193, %add3A_1194 : i32
      %dma_start3A_1196 = arith.constant 2 : i32
      %dma_start3A_1197 = arith.constant 1 : i32
      %dma_start3A_1198 = arith.constant 8 : i32
      %dma_start3A_1199 = arith.constant 0 : i32
      %dma_start3A_1200 = tpu.memref_slice %arg8[%rem3A_841, %dma_start3A_1196, %dma_start3A_1198, %dma_start3A_1199] : memref<2x4x32x129xf32, #tpu.memory_space<vmem>> -> memref<1x1x8x128xf32, #tpu.memory_space<vmem>>
      %dma_start3A_1201 = tpu.memref_squeeze %dma_start3A_1200 : memref<1x1x8x128xf32, #tpu.memory_space<vmem>> -> memref<8x128xf32, #tpu.memory_space<vmem>>
      %dma_start3A_1202 = arith.constant 0 : i32
      %dma_start3A_1203 = arith.constant 0 : i32
      %dma_start3A_1204 = tpu.memref_slice %arg5[%add3A_1195, %dma_start3A_1197, %add3A, %dma_start3A_1202, %dma_start3A_1203] : memref<200x4x32x8x128xf32, #tpu.memory_space<hbm>> -> memref<1x1x1x8x128xf32, #tpu.memory_space<hbm>>
      %dma_start3A_1205 = tpu.memref_squeeze %dma_start3A_1204 : memref<1x1x1x8x128xf32, #tpu.memory_space<hbm>> -> memref<8x128xf32, #tpu.memory_space<hbm>>
      %dma_start3A_1206 = tpu.memref_slice %arg11[%rem3A_841] : memref<2x!tpu.dma_semaphore, #tpu.memory_space<semaphore_mem>> -> memref<1x!tpu.dma_semaphore, #tpu.memory_space<semaphore_mem>>
      %dma_start3A_1207 = tpu.memref_squeeze %dma_start3A_1206 : memref<1x!tpu.dma_semaphore, #tpu.memory_space<semaphore_mem>> -> memref<!tpu.dma_semaphore, #tpu.memory_space<semaphore_mem>>
      %dma_start3A_1208 = arith.constant 0 : i32
      %dma_start3A_1209 = arith.constant 0 : i32
      %dma_start3A_1210 = tpu.memref_slice %arg5[%add3A_1195, %dma_start3A_1197, %add3A, %dma_start3A_1208, %dma_start3A_1209] : memref<200x4x32x8x128xf32, #tpu.memory_space<hbm>> -> memref<1x1x1x8x128xf32, #tpu.memory_space<hbm>>
      %dma_start3A_1211 = tpu.memref_squeeze %dma_start3A_1210 : memref<1x1x1x8x128xf32, #tpu.memory_space<hbm>> -> memref<8x128xf32, #tpu.memory_space<hbm>>
      %dma_start3A_1212 = arith.constant 8 : i32
      %dma_start3A_1213 = arith.constant 0 : i32
      %dma_start3A_1214 = tpu.memref_slice %arg8[%rem3A_841, %dma_start3A_1196, %dma_start3A_1212, %dma_start3A_1213] : memref<2x4x32x129xf32, #tpu.memory_space<vmem>> -> memref<1x1x8x128xf32, #tpu.memory_space<vmem>>
      %dma_start3A_1215 = tpu.memref_squeeze %dma_start3A_1214 : memref<1x1x8x128xf32, #tpu.memory_space<vmem>> -> memref<8x128xf32, #tpu.memory_space<vmem>>
      tpu.enqueue_dma source(%dma_start3A_1215 : memref<8x128xf32, #tpu.memory_space<vmem>>) target(%dma_start3A_1211 : memref<8x128xf32, #tpu.memory_space<hbm>>) target_semaphore(%dma_start3A_1207 : memref<!tpu.dma_semaphore, #tpu.memory_space<semaphore_mem>>)
      %mul3A_1216 = arith.constant 4 : i32
      %mul3A_1217 = arith.muli %scan3A_838, %mul3A_1216 : i32
      %add3A_1218 = arith.constant 2 : i32
      %add3A_1219 = arith.addi %mul3A_1217, %add3A_1218 : i32
      %dma_start3A_1220 = arith.constant 2 : i32
      %dma_start3A_1221 = arith.constant 2 : i32
      %dma_start3A_1222 = arith.constant 16 : i32
      %dma_start3A_1223 = arith.constant 0 : i32
      %dma_start3A_1224 = tpu.memref_slice %arg8[%rem3A_841, %dma_start3A_1220, %dma_start3A_1222, %dma_start3A_1223] : memref<2x4x32x129xf32, #tpu.memory_space<vmem>> -> memref<1x1x8x128xf32, #tpu.memory_space<vmem>>
      %dma_start3A_1225 = tpu.memref_squeeze %dma_start3A_1224 : memref<1x1x8x128xf32, #tpu.memory_space<vmem>> -> memref<8x128xf32, #tpu.memory_space<vmem>>
      %dma_start3A_1226 = arith.constant 0 : i32
      %dma_start3A_1227 = arith.constant 0 : i32
      %dma_start3A_1228 = tpu.memref_slice %arg5[%add3A_1219, %dma_start3A_1221, %add3A, %dma_start3A_1226, %dma_start3A_1227] : memref<200x4x32x8x128xf32, #tpu.memory_space<hbm>> -> memref<1x1x1x8x128xf32, #tpu.memory_space<hbm>>
      %dma_start3A_1229 = tpu.memref_squeeze %dma_start3A_1228 : memref<1x1x1x8x128xf32, #tpu.memory_space<hbm>> -> memref<8x128xf32, #tpu.memory_space<hbm>>
      %dma_start3A_1230 = tpu.memref_slice %arg11[%rem3A_841] : memref<2x!tpu.dma_semaphore, #tpu.memory_space<semaphore_mem>> -> memref<1x!tpu.dma_semaphore, #tpu.memory_space<semaphore_mem>>
      %dma_start3A_1231 = tpu.memref_squeeze %dma_start3A_1230 : memref<1x!tpu.dma_semaphore, #tpu.memory_space<semaphore_mem>> -> memref<!tpu.dma_semaphore, #tpu.memory_space<semaphore_mem>>
      %dma_start3A_1232 = arith.constant 0 : i32
      %dma_start3A_1233 = arith.constant 0 : i32
      %dma_start3A_1234 = tpu.memref_slice %arg5[%add3A_1219, %dma_start3A_1221, %add3A, %dma_start3A_1232, %dma_start3A_1233] : memref<200x4x32x8x128xf32, #tpu.memory_space<hbm>> -> memref<1x1x1x8x128xf32, #tpu.memory_space<hbm>>
      %dma_start3A_1235 = tpu.memref_squeeze %dma_start3A_1234 : memref<1x1x1x8x128xf32, #tpu.memory_space<hbm>> -> memref<8x128xf32, #tpu.memory_space<hbm>>
      %dma_start3A_1236 = arith.constant 16 : i32
      %dma_start3A_1237 = arith.constant 0 : i32
      %dma_start3A_1238 = tpu.memref_slice %arg8[%rem3A_841, %dma_start3A_1220, %dma_start3A_1236, %dma_start3A_1237] : memref<2x4x32x129xf32, #tpu.memory_space<vmem>> -> memref<1x1x8x128xf32, #tpu.memory_space<vmem>>
      %dma_start3A_1239 = tpu.memref_squeeze %dma_start3A_1238 : memref<1x1x8x128xf32, #tpu.memory_space<vmem>> -> memref<8x128xf32, #tpu.memory_space<vmem>>
      tpu.enqueue_dma source(%dma_start3A_1239 : memref<8x128xf32, #tpu.memory_space<vmem>>) target(%dma_start3A_1235 : memref<8x128xf32, #tpu.memory_space<hbm>>) target_semaphore(%dma_start3A_1231 : memref<!tpu.dma_semaphore, #tpu.memory_space<semaphore_mem>>)
      %mul3A_1240 = arith.constant 4 : i32
      %mul3A_1241 = arith.muli %scan3A_838, %mul3A_1240 : i32
      %add3A_1242 = arith.constant 2 : i32
      %add3A_1243 = arith.addi %mul3A_1241, %add3A_1242 : i32
      %dma_start3A_1244 = arith.constant 2 : i32
      %dma_start3A_1245 = arith.constant 3 : i32
      %dma_start3A_1246 = arith.constant 24 : i32
      %dma_start3A_1247 = arith.constant 0 : i32
      %dma_start3A_1248 = tpu.memref_slice %arg8[%rem3A_841, %dma_start3A_1244, %dma_start3A_1246, %dma_start3A_1247] : memref<2x4x32x129xf32, #tpu.memory_space<vmem>> -> memref<1x1x8x128xf32, #tpu.memory_space<vmem>>
      %dma_start3A_1249 = tpu.memref_squeeze %dma_start3A_1248 : memref<1x1x8x128xf32, #tpu.memory_space<vmem>> -> memref<8x128xf32, #tpu.memory_space<vmem>>
      %dma_start3A_1250 = arith.constant 0 : i32
      %dma_start3A_1251 = arith.constant 0 : i32
      %dma_start3A_1252 = tpu.memref_slice %arg5[%add3A_1243, %dma_start3A_1245, %add3A, %dma_start3A_1250, %dma_start3A_1251] : memref<200x4x32x8x128xf32, #tpu.memory_space<hbm>> -> memref<1x1x1x8x128xf32, #tpu.memory_space<hbm>>
      %dma_start3A_1253 = tpu.memref_squeeze %dma_start3A_1252 : memref<1x1x1x8x128xf32, #tpu.memory_space<hbm>> -> memref<8x128xf32, #tpu.memory_space<hbm>>
      %dma_start3A_1254 = tpu.memref_slice %arg11[%rem3A_841] : memref<2x!tpu.dma_semaphore, #tpu.memory_space<semaphore_mem>> -> memref<1x!tpu.dma_semaphore, #tpu.memory_space<semaphore_mem>>
      %dma_start3A_1255 = tpu.memref_squeeze %dma_start3A_1254 : memref<1x!tpu.dma_semaphore, #tpu.memory_space<semaphore_mem>> -> memref<!tpu.dma_semaphore, #tpu.memory_space<semaphore_mem>>
      %dma_start3A_1256 = arith.constant 0 : i32
      %dma_start3A_1257 = arith.constant 0 : i32
      %dma_start3A_1258 = tpu.memref_slice %arg5[%add3A_1243, %dma_start3A_1245, %add3A, %dma_start3A_1256, %dma_start3A_1257] : memref<200x4x32x8x128xf32, #tpu.memory_space<hbm>> -> memref<1x1x1x8x128xf32, #tpu.memory_space<hbm>>
      %dma_start3A_1259 = tpu.memref_squeeze %dma_start3A_1258 : memref<1x1x1x8x128xf32, #tpu.memory_space<hbm>> -> memref<8x128xf32, #tpu.memory_space<hbm>>
      %dma_start3A_1260 = arith.constant 24 : i32
      %dma_start3A_1261 = arith.constant 0 : i32
      %dma_start3A_1262 = tpu.memref_slice %arg8[%rem3A_841, %dma_start3A_1244, %dma_start3A_1260, %dma_start3A_1261] : memref<2x4x32x129xf32, #tpu.memory_space<vmem>> -> memref<1x1x8x128xf32, #tpu.memory_space<vmem>>
      %dma_start3A_1263 = tpu.memref_squeeze %dma_start3A_1262 : memref<1x1x8x128xf32, #tpu.memory_space<vmem>> -> memref<8x128xf32, #tpu.memory_space<vmem>>
      tpu.enqueue_dma source(%dma_start3A_1263 : memref<8x128xf32, #tpu.memory_space<vmem>>) target(%dma_start3A_1259 : memref<8x128xf32, #tpu.memory_space<hbm>>) target_semaphore(%dma_start3A_1255 : memref<!tpu.dma_semaphore, #tpu.memory_space<semaphore_mem>>)
      %mul3A_1264 = arith.constant 4 : i32
      %mul3A_1265 = arith.muli %scan3A_838, %mul3A_1264 : i32
      %add3A_1266 = arith.constant 3 : i32
      %add3A_1267 = arith.addi %mul3A_1265, %add3A_1266 : i32
      %dma_start3A_1268 = arith.constant 3 : i32
      %dma_start3A_1269 = arith.constant 0 : i32
      %dma_start3A_1270 = arith.constant 0 : i32
      %dma_start3A_1271 = arith.constant 0 : i32
      %dma_start3A_1272 = tpu.memref_slice %arg8[%rem3A_841, %dma_start3A_1268, %dma_start3A_1270, %dma_start3A_1271] : memref<2x4x32x129xf32, #tpu.memory_space<vmem>> -> memref<1x1x8x128xf32, #tpu.memory_space<vmem>>
      %dma_start3A_1273 = tpu.memref_squeeze %dma_start3A_1272 : memref<1x1x8x128xf32, #tpu.memory_space<vmem>> -> memref<8x128xf32, #tpu.memory_space<vmem>>
      %dma_start3A_1274 = arith.constant 0 : i32
      %dma_start3A_1275 = arith.constant 0 : i32
      %dma_start3A_1276 = tpu.memref_slice %arg5[%add3A_1267, %dma_start3A_1269, %add3A, %dma_start3A_1274, %dma_start3A_1275] : memref<200x4x32x8x128xf32, #tpu.memory_space<hbm>> -> memref<1x1x1x8x128xf32, #tpu.memory_space<hbm>>
      %dma_start3A_1277 = tpu.memref_squeeze %dma_start3A_1276 : memref<1x1x1x8x128xf32, #tpu.memory_space<hbm>> -> memref<8x128xf32, #tpu.memory_space<hbm>>
      %dma_start3A_1278 = tpu.memref_slice %arg11[%rem3A_841] : memref<2x!tpu.dma_semaphore, #tpu.memory_space<semaphore_mem>> -> memref<1x!tpu.dma_semaphore, #tpu.memory_space<semaphore_mem>>
      %dma_start3A_1279 = tpu.memref_squeeze %dma_start3A_1278 : memref<1x!tpu.dma_semaphore, #tpu.memory_space<semaphore_mem>> -> memref<!tpu.dma_semaphore, #tpu.memory_space<semaphore_mem>>
      %dma_start3A_1280 = arith.constant 0 : i32
      %dma_start3A_1281 = arith.constant 0 : i32
      %dma_start3A_1282 = tpu.memref_slice %arg5[%add3A_1267, %dma_start3A_1269, %add3A, %dma_start3A_1280, %dma_start3A_1281] : memref<200x4x32x8x128xf32, #tpu.memory_space<hbm>> -> memref<1x1x1x8x128xf32, #tpu.memory_space<hbm>>
      %dma_start3A_1283 = tpu.memref_squeeze %dma_start3A_1282 : memref<1x1x1x8x128xf32, #tpu.memory_space<hbm>> -> memref<8x128xf32, #tpu.memory_space<hbm>>
      %dma_start3A_1284 = arith.constant 0 : i32
      %dma_start3A_1285 = arith.constant 0 : i32
      %dma_start3A_1286 = tpu.memref_slice %arg8[%rem3A_841, %dma_start3A_1268, %dma_start3A_1284, %dma_start3A_1285] : memref<2x4x32x129xf32, #tpu.memory_space<vmem>> -> memref<1x1x8x128xf32, #tpu.memory_space<vmem>>
      %dma_start3A_1287 = tpu.memref_squeeze %dma_start3A_1286 : memref<1x1x8x128xf32, #tpu.memory_space<vmem>> -> memref<8x128xf32, #tpu.memory_space<vmem>>
      tpu.enqueue_dma source(%dma_start3A_1287 : memref<8x128xf32, #tpu.memory_space<vmem>>) target(%dma_start3A_1283 : memref<8x128xf32, #tpu.memory_space<hbm>>) target_semaphore(%dma_start3A_1279 : memref<!tpu.dma_semaphore, #tpu.memory_space<semaphore_mem>>)
      %mul3A_1288 = arith.constant 4 : i32
      %mul3A_1289 = arith.muli %scan3A_838, %mul3A_1288 : i32
      %add3A_1290 = arith.constant 3 : i32
      %add3A_1291 = arith.addi %mul3A_1289, %add3A_1290 : i32
      %dma_start3A_1292 = arith.constant 3 : i32
      %dma_start3A_1293 = arith.constant 1 : i32
      %dma_start3A_1294 = arith.constant 8 : i32
      %dma_start3A_1295 = arith.constant 0 : i32
      %dma_start3A_1296 = tpu.memref_slice %arg8[%rem3A_841, %dma_start3A_1292, %dma_start3A_1294, %dma_start3A_1295] : memref<2x4x32x129xf32, #tpu.memory_space<vmem>> -> memref<1x1x8x128xf32, #tpu.memory_space<vmem>>
      %dma_start3A_1297 = tpu.memref_squeeze %dma_start3A_1296 : memref<1x1x8x128xf32, #tpu.memory_space<vmem>> -> memref<8x128xf32, #tpu.memory_space<vmem>>
      %dma_start3A_1298 = arith.constant 0 : i32
      %dma_start3A_1299 = arith.constant 0 : i32
      %dma_start3A_1300 = tpu.memref_slice %arg5[%add3A_1291, %dma_start3A_1293, %add3A, %dma_start3A_1298, %dma_start3A_1299] : memref<200x4x32x8x128xf32, #tpu.memory_space<hbm>> -> memref<1x1x1x8x128xf32, #tpu.memory_space<hbm>>
      %dma_start3A_1301 = tpu.memref_squeeze %dma_start3A_1300 : memref<1x1x1x8x128xf32, #tpu.memory_space<hbm>> -> memref<8x128xf32, #tpu.memory_space<hbm>>
      %dma_start3A_1302 = tpu.memref_slice %arg11[%rem3A_841] : memref<2x!tpu.dma_semaphore, #tpu.memory_space<semaphore_mem>> -> memref<1x!tpu.dma_semaphore, #tpu.memory_space<semaphore_mem>>
      %dma_start3A_1303 = tpu.memref_squeeze %dma_start3A_1302 : memref<1x!tpu.dma_semaphore, #tpu.memory_space<semaphore_mem>> -> memref<!tpu.dma_semaphore, #tpu.memory_space<semaphore_mem>>
      %dma_start3A_1304 = arith.constant 0 : i32
      %dma_start3A_1305 = arith.constant 0 : i32
      %dma_start3A_1306 = tpu.memref_slice %arg5[%add3A_1291, %dma_start3A_1293, %add3A, %dma_start3A_1304, %dma_start3A_1305] : memref<200x4x32x8x128xf32, #tpu.memory_space<hbm>> -> memref<1x1x1x8x128xf32, #tpu.memory_space<hbm>>
      %dma_start3A_1307 = tpu.memref_squeeze %dma_start3A_1306 : memref<1x1x1x8x128xf32, #tpu.memory_space<hbm>> -> memref<8x128xf32, #tpu.memory_space<hbm>>
      %dma_start3A_1308 = arith.constant 8 : i32
      %dma_start3A_1309 = arith.constant 0 : i32
      %dma_start3A_1310 = tpu.memref_slice %arg8[%rem3A_841, %dma_start3A_1292, %dma_start3A_1308, %dma_start3A_1309] : memref<2x4x32x129xf32, #tpu.memory_space<vmem>> -> memref<1x1x8x128xf32, #tpu.memory_space<vmem>>
      %dma_start3A_1311 = tpu.memref_squeeze %dma_start3A_1310 : memref<1x1x8x128xf32, #tpu.memory_space<vmem>> -> memref<8x128xf32, #tpu.memory_space<vmem>>
      tpu.enqueue_dma source(%dma_start3A_1311 : memref<8x128xf32, #tpu.memory_space<vmem>>) target(%dma_start3A_1307 : memref<8x128xf32, #tpu.memory_space<hbm>>) target_semaphore(%dma_start3A_1303 : memref<!tpu.dma_semaphore, #tpu.memory_space<semaphore_mem>>)
      %mul3A_1312 = arith.constant 4 : i32
      %mul3A_1313 = arith.muli %scan3A_838, %mul3A_1312 : i32
      %add3A_1314 = arith.constant 3 : i32
      %add3A_1315 = arith.addi %mul3A_1313, %add3A_1314 : i32
      %dma_start3A_1316 = arith.constant 3 : i32
      %dma_start3A_1317 = arith.constant 2 : i32
      %dma_start3A_1318 = arith.constant 16 : i32
      %dma_start3A_1319 = arith.constant 0 : i32
      %dma_start3A_1320 = tpu.memref_slice %arg8[%rem3A_841, %dma_start3A_1316, %dma_start3A_1318, %dma_start3A_1319] : memref<2x4x32x129xf32, #tpu.memory_space<vmem>> -> memref<1x1x8x128xf32, #tpu.memory_space<vmem>>
      %dma_start3A_1321 = tpu.memref_squeeze %dma_start3A_1320 : memref<1x1x8x128xf32, #tpu.memory_space<vmem>> -> memref<8x128xf32, #tpu.memory_space<vmem>>
      %dma_start3A_1322 = arith.constant 0 : i32
      %dma_start3A_1323 = arith.constant 0 : i32
      %dma_start3A_1324 = tpu.memref_slice %arg5[%add3A_1315, %dma_start3A_1317, %add3A, %dma_start3A_1322, %dma_start3A_1323] : memref<200x4x32x8x128xf32, #tpu.memory_space<hbm>> -> memref<1x1x1x8x128xf32, #tpu.memory_space<hbm>>
      %dma_start3A_1325 = tpu.memref_squeeze %dma_start3A_1324 : memref<1x1x1x8x128xf32, #tpu.memory_space<hbm>> -> memref<8x128xf32, #tpu.memory_space<hbm>>
      %dma_start3A_1326 = tpu.memref_slice %arg11[%rem3A_841] : memref<2x!tpu.dma_semaphore, #tpu.memory_space<semaphore_mem>> -> memref<1x!tpu.dma_semaphore, #tpu.memory_space<semaphore_mem>>
      %dma_start3A_1327 = tpu.memref_squeeze %dma_start3A_1326 : memref<1x!tpu.dma_semaphore, #tpu.memory_space<semaphore_mem>> -> memref<!tpu.dma_semaphore, #tpu.memory_space<semaphore_mem>>
      %dma_start3A_1328 = arith.constant 0 : i32
      %dma_start3A_1329 = arith.constant 0 : i32
      %dma_start3A_1330 = tpu.memref_slice %arg5[%add3A_1315, %dma_start3A_1317, %add3A, %dma_start3A_1328, %dma_start3A_1329] : memref<200x4x32x8x128xf32, #tpu.memory_space<hbm>> -> memref<1x1x1x8x128xf32, #tpu.memory_space<hbm>>
      %dma_start3A_1331 = tpu.memref_squeeze %dma_start3A_1330 : memref<1x1x1x8x128xf32, #tpu.memory_space<hbm>> -> memref<8x128xf32, #tpu.memory_space<hbm>>
      %dma_start3A_1332 = arith.constant 16 : i32
      %dma_start3A_1333 = arith.constant 0 : i32
      %dma_start3A_1334 = tpu.memref_slice %arg8[%rem3A_841, %dma_start3A_1316, %dma_start3A_1332, %dma_start3A_1333] : memref<2x4x32x129xf32, #tpu.memory_space<vmem>> -> memref<1x1x8x128xf32, #tpu.memory_space<vmem>>
      %dma_start3A_1335 = tpu.memref_squeeze %dma_start3A_1334 : memref<1x1x8x128xf32, #tpu.memory_space<vmem>> -> memref<8x128xf32, #tpu.memory_space<vmem>>
      tpu.enqueue_dma source(%dma_start3A_1335 : memref<8x128xf32, #tpu.memory_space<vmem>>) target(%dma_start3A_1331 : memref<8x128xf32, #tpu.memory_space<hbm>>) target_semaphore(%dma_start3A_1327 : memref<!tpu.dma_semaphore, #tpu.memory_space<semaphore_mem>>)
      %mul3A_1336 = arith.constant 4 : i32
      %mul3A_1337 = arith.muli %scan3A_838, %mul3A_1336 : i32
      %add3A_1338 = arith.constant 3 : i32
      %add3A_1339 = arith.addi %mul3A_1337, %add3A_1338 : i32
      %dma_start3A_1340 = arith.constant 3 : i32
      %dma_start3A_1341 = arith.constant 3 : i32
      %dma_start3A_1342 = arith.constant 24 : i32
      %dma_start3A_1343 = arith.constant 0 : i32
      %dma_start3A_1344 = tpu.memref_slice %arg8[%rem3A_841, %dma_start3A_1340, %dma_start3A_1342, %dma_start3A_1343] : memref<2x4x32x129xf32, #tpu.memory_space<vmem>> -> memref<1x1x8x128xf32, #tpu.memory_space<vmem>>
      %dma_start3A_1345 = tpu.memref_squeeze %dma_start3A_1344 : memref<1x1x8x128xf32, #tpu.memory_space<vmem>> -> memref<8x128xf32, #tpu.memory_space<vmem>>
      %dma_start3A_1346 = arith.constant 0 : i32
      %dma_start3A_1347 = arith.constant 0 : i32
      %dma_start3A_1348 = tpu.memref_slice %arg5[%add3A_1339, %dma_start3A_1341, %add3A, %dma_start3A_1346, %dma_start3A_1347] : memref<200x4x32x8x128xf32, #tpu.memory_space<hbm>> -> memref<1x1x1x8x128xf32, #tpu.memory_space<hbm>>
      %dma_start3A_1349 = tpu.memref_squeeze %dma_start3A_1348 : memref<1x1x1x8x128xf32, #tpu.memory_space<hbm>> -> memref<8x128xf32, #tpu.memory_space<hbm>>
      %dma_start3A_1350 = tpu.memref_slice %arg11[%rem3A_841] : memref<2x!tpu.dma_semaphore, #tpu.memory_space<semaphore_mem>> -> memref<1x!tpu.dma_semaphore, #tpu.memory_space<semaphore_mem>>
      %dma_start3A_1351 = tpu.memref_squeeze %dma_start3A_1350 : memref<1x!tpu.dma_semaphore, #tpu.memory_space<semaphore_mem>> -> memref<!tpu.dma_semaphore, #tpu.memory_space<semaphore_mem>>
      %dma_start3A_1352 = arith.constant 0 : i32
      %dma_start3A_1353 = arith.constant 0 : i32
      %dma_start3A_1354 = tpu.memref_slice %arg5[%add3A_1339, %dma_start3A_1341, %add3A, %dma_start3A_1352, %dma_start3A_1353] : memref<200x4x32x8x128xf32, #tpu.memory_space<hbm>> -> memref<1x1x1x8x128xf32, #tpu.memory_space<hbm>>
      %dma_start3A_1355 = tpu.memref_squeeze %dma_start3A_1354 : memref<1x1x1x8x128xf32, #tpu.memory_space<hbm>> -> memref<8x128xf32, #tpu.memory_space<hbm>>
      %dma_start3A_1356 = arith.constant 24 : i32
      %dma_start3A_1357 = arith.constant 0 : i32
      %dma_start3A_1358 = tpu.memref_slice %arg8[%rem3A_841, %dma_start3A_1340, %dma_start3A_1356, %dma_start3A_1357] : memref<2x4x32x129xf32, #tpu.memory_space<vmem>> -> memref<1x1x8x128xf32, #tpu.memory_space<vmem>>
      %dma_start3A_1359 = tpu.memref_squeeze %dma_start3A_1358 : memref<1x1x8x128xf32, #tpu.memory_space<vmem>> -> memref<8x128xf32, #tpu.memory_space<vmem>>
      tpu.enqueue_dma source(%dma_start3A_1359 : memref<8x128xf32, #tpu.memory_space<vmem>>) target(%dma_start3A_1355 : memref<8x128xf32, #tpu.memory_space<hbm>>) target_semaphore(%dma_start3A_1351 : memref<!tpu.dma_semaphore, #tpu.memory_space<semaphore_mem>>)
      %scan3A_1360 = arith.constant 0 : i32
      scf.yield %scan3A_1360 : i32
    }
    %scan3A_70 = arith.constant 50 : i32
    %dma_wait3A = arith.constant 0 : i32
    %dma_wait3A_71 = arith.constant 0 : i32
    %dma_wait3A_72 = arith.constant 0 : i32
    %dma_wait3A_73 = arith.constant 0 : i32
    %dma_wait3A_74 = arith.constant 0 : i32
    %dma_wait3A_75 = arith.constant 0 : i32
    %dma_wait3A_76 = arith.constant 0 : i32
    %dma_wait3A_77 = arith.constant 0 : i32
    %dma_wait3A_78 = tpu.memref_slice %arg8[%dma_wait3A, %dma_wait3A_71, %dma_wait3A_76, %dma_wait3A_77] : memref<2x4x32x129xf32, #tpu.memory_space<vmem>> -> memref<1x1x8x128xf32, #tpu.memory_space<vmem>>
    %dma_wait3A_79 = tpu.memref_squeeze %dma_wait3A_78 : memref<1x1x8x128xf32, #tpu.memory_space<vmem>> -> memref<8x128xf32, #tpu.memory_space<vmem>>
    %dma_wait3A_80 = arith.constant 0 : i32
    %dma_wait3A_81 = arith.constant 0 : i32
    %dma_wait3A_82 = tpu.memref_slice %arg5[%dma_wait3A_72, %dma_wait3A_73, %dma_wait3A_74, %dma_wait3A_80, %dma_wait3A_81] : memref<200x4x32x8x128xf32, #tpu.memory_space<hbm>> -> memref<1x1x1x8x128xf32, #tpu.memory_space<hbm>>
    %dma_wait3A_83 = tpu.memref_squeeze %dma_wait3A_82 : memref<1x1x1x8x128xf32, #tpu.memory_space<hbm>> -> memref<8x128xf32, #tpu.memory_space<hbm>>
    %dma_wait3A_84 = tpu.memref_slice %arg11[%dma_wait3A_75] : memref<2x!tpu.dma_semaphore, #tpu.memory_space<semaphore_mem>> -> memref<1x!tpu.dma_semaphore, #tpu.memory_space<semaphore_mem>>
    %dma_wait3A_85 = tpu.memref_squeeze %dma_wait3A_84 : memref<1x!tpu.dma_semaphore, #tpu.memory_space<semaphore_mem>> -> memref<!tpu.dma_semaphore, #tpu.memory_space<semaphore_mem>>
    %dma_wait3A_86 = arith.constant 0 : i32
    %dma_wait3A_87 = arith.constant 0 : i32
    %dma_wait3A_88 = tpu.memref_slice %arg5[%dma_wait3A_72, %dma_wait3A_73, %dma_wait3A_74, %dma_wait3A_86, %dma_wait3A_87] : memref<200x4x32x8x128xf32, #tpu.memory_space<hbm>> -> memref<1x1x1x8x128xf32, #tpu.memory_space<hbm>>
    %dma_wait3A_89 = tpu.memref_squeeze %dma_wait3A_88 : memref<1x1x1x8x128xf32, #tpu.memory_space<hbm>> -> memref<8x128xf32, #tpu.memory_space<hbm>>
    %dma_wait3A_90 = arith.constant 0 : i32
    %dma_wait3A_91 = arith.constant 0 : i32
    %dma_wait3A_92 = tpu.memref_slice %arg8[%dma_wait3A, %dma_wait3A_71, %dma_wait3A_90, %dma_wait3A_91] : memref<2x4x32x129xf32, #tpu.memory_space<vmem>> -> memref<1x1x8x128xf32, #tpu.memory_space<vmem>>
    %dma_wait3A_93 = tpu.memref_squeeze %dma_wait3A_92 : memref<1x1x8x128xf32, #tpu.memory_space<vmem>> -> memref<8x128xf32, #tpu.memory_space<vmem>>
    tpu.wait_dma2 semaphore(%dma_wait3A_85 : memref<!tpu.dma_semaphore, #tpu.memory_space<semaphore_mem>>) src(%dma_wait3A_93 : memref<8x128xf32, #tpu.memory_space<vmem>>) dst(%dma_wait3A_89 : memref<8x128xf32, #tpu.memory_space<hbm>>)
    %dma_wait3A_94 = arith.constant 0 : i32
    %dma_wait3A_95 = arith.constant 0 : i32
    %dma_wait3A_96 = arith.constant 0 : i32
    %dma_wait3A_97 = arith.constant 1 : i32
    %dma_wait3A_98 = arith.constant 0 : i32
    %dma_wait3A_99 = arith.constant 0 : i32
    %dma_wait3A_100 = arith.constant 8 : i32
    %dma_wait3A_101 = arith.constant 0 : i32
    %dma_wait3A_102 = tpu.memref_slice %arg8[%dma_wait3A_94, %dma_wait3A_95, %dma_wait3A_100, %dma_wait3A_101] : memref<2x4x32x129xf32, #tpu.memory_space<vmem>> -> memref<1x1x8x128xf32, #tpu.memory_space<vmem>>
    %dma_wait3A_103 = tpu.memref_squeeze %dma_wait3A_102 : memref<1x1x8x128xf32, #tpu.memory_space<vmem>> -> memref<8x128xf32, #tpu.memory_space<vmem>>
    %dma_wait3A_104 = arith.constant 0 : i32
    %dma_wait3A_105 = arith.constant 0 : i32
    %dma_wait3A_106 = tpu.memref_slice %arg5[%dma_wait3A_96, %dma_wait3A_97, %dma_wait3A_98, %dma_wait3A_104, %dma_wait3A_105] : memref<200x4x32x8x128xf32, #tpu.memory_space<hbm>> -> memref<1x1x1x8x128xf32, #tpu.memory_space<hbm>>
    %dma_wait3A_107 = tpu.memref_squeeze %dma_wait3A_106 : memref<1x1x1x8x128xf32, #tpu.memory_space<hbm>> -> memref<8x128xf32, #tpu.memory_space<hbm>>
    %dma_wait3A_108 = tpu.memref_slice %arg11[%dma_wait3A_99] : memref<2x!tpu.dma_semaphore, #tpu.memory_space<semaphore_mem>> -> memref<1x!tpu.dma_semaphore, #tpu.memory_space<semaphore_mem>>
    %dma_wait3A_109 = tpu.memref_squeeze %dma_wait3A_108 : memref<1x!tpu.dma_semaphore, #tpu.memory_space<semaphore_mem>> -> memref<!tpu.dma_semaphore, #tpu.memory_space<semaphore_mem>>
    %dma_wait3A_110 = arith.constant 0 : i32
    %dma_wait3A_111 = arith.constant 0 : i32
    %dma_wait3A_112 = tpu.memref_slice %arg5[%dma_wait3A_96, %dma_wait3A_97, %dma_wait3A_98, %dma_wait3A_110, %dma_wait3A_111] : memref<200x4x32x8x128xf32, #tpu.memory_space<hbm>> -> memref<1x1x1x8x128xf32, #tpu.memory_space<hbm>>
    %dma_wait3A_113 = tpu.memref_squeeze %dma_wait3A_112 : memref<1x1x1x8x128xf32, #tpu.memory_space<hbm>> -> memref<8x128xf32, #tpu.memory_space<hbm>>
    %dma_wait3A_114 = arith.constant 8 : i32
    %dma_wait3A_115 = arith.constant 0 : i32
    %dma_wait3A_116 = tpu.memref_slice %arg8[%dma_wait3A_94, %dma_wait3A_95, %dma_wait3A_114, %dma_wait3A_115] : memref<2x4x32x129xf32, #tpu.memory_space<vmem>> -> memref<1x1x8x128xf32, #tpu.memory_space<vmem>>
    %dma_wait3A_117 = tpu.memref_squeeze %dma_wait3A_116 : memref<1x1x8x128xf32, #tpu.memory_space<vmem>> -> memref<8x128xf32, #tpu.memory_space<vmem>>
    tpu.wait_dma2 semaphore(%dma_wait3A_109 : memref<!tpu.dma_semaphore, #tpu.memory_space<semaphore_mem>>) src(%dma_wait3A_117 : memref<8x128xf32, #tpu.memory_space<vmem>>) dst(%dma_wait3A_113 : memref<8x128xf32, #tpu.memory_space<hbm>>)
    %dma_wait3A_118 = arith.constant 0 : i32
    %dma_wait3A_119 = arith.constant 0 : i32
    %dma_wait3A_120 = arith.constant 0 : i32
    %dma_wait3A_121 = arith.constant 2 : i32
    %dma_wait3A_122 = arith.constant 0 : i32
    %dma_wait3A_123 = arith.constant 0 : i32
    %dma_wait3A_124 = arith.constant 16 : i32
    %dma_wait3A_125 = arith.constant 0 : i32
    %dma_wait3A_126 = tpu.memref_slice %arg8[%dma_wait3A_118, %dma_wait3A_119, %dma_wait3A_124, %dma_wait3A_125] : memref<2x4x32x129xf32, #tpu.memory_space<vmem>> -> memref<1x1x8x128xf32, #tpu.memory_space<vmem>>
    %dma_wait3A_127 = tpu.memref_squeeze %dma_wait3A_126 : memref<1x1x8x128xf32, #tpu.memory_space<vmem>> -> memref<8x128xf32, #tpu.memory_space<vmem>>
    %dma_wait3A_128 = arith.constant 0 : i32
    %dma_wait3A_129 = arith.constant 0 : i32
    %dma_wait3A_130 = tpu.memref_slice %arg5[%dma_wait3A_120, %dma_wait3A_121, %dma_wait3A_122, %dma_wait3A_128, %dma_wait3A_129] : memref<200x4x32x8x128xf32, #tpu.memory_space<hbm>> -> memref<1x1x1x8x128xf32, #tpu.memory_space<hbm>>
    %dma_wait3A_131 = tpu.memref_squeeze %dma_wait3A_130 : memref<1x1x1x8x128xf32, #tpu.memory_space<hbm>> -> memref<8x128xf32, #tpu.memory_space<hbm>>
    %dma_wait3A_132 = tpu.memref_slice %arg11[%dma_wait3A_123] : memref<2x!tpu.dma_semaphore, #tpu.memory_space<semaphore_mem>> -> memref<1x!tpu.dma_semaphore, #tpu.memory_space<semaphore_mem>>
    %dma_wait3A_133 = tpu.memref_squeeze %dma_wait3A_132 : memref<1x!tpu.dma_semaphore, #tpu.memory_space<semaphore_mem>> -> memref<!tpu.dma_semaphore, #tpu.memory_space<semaphore_mem>>
    %dma_wait3A_134 = arith.constant 0 : i32
    %dma_wait3A_135 = arith.constant 0 : i32
    %dma_wait3A_136 = tpu.memref_slice %arg5[%dma_wait3A_120, %dma_wait3A_121, %dma_wait3A_122, %dma_wait3A_134, %dma_wait3A_135] : memref<200x4x32x8x128xf32, #tpu.memory_space<hbm>> -> memref<1x1x1x8x128xf32, #tpu.memory_space<hbm>>
    %dma_wait3A_137 = tpu.memref_squeeze %dma_wait3A_136 : memref<1x1x1x8x128xf32, #tpu.memory_space<hbm>> -> memref<8x128xf32, #tpu.memory_space<hbm>>
    %dma_wait3A_138 = arith.constant 16 : i32
    %dma_wait3A_139 = arith.constant 0 : i32
    %dma_wait3A_140 = tpu.memref_slice %arg8[%dma_wait3A_118, %dma_wait3A_119, %dma_wait3A_138, %dma_wait3A_139] : memref<2x4x32x129xf32, #tpu.memory_space<vmem>> -> memref<1x1x8x128xf32, #tpu.memory_space<vmem>>
    %dma_wait3A_141 = tpu.memref_squeeze %dma_wait3A_140 : memref<1x1x8x128xf32, #tpu.memory_space<vmem>> -> memref<8x128xf32, #tpu.memory_space<vmem>>
    tpu.wait_dma2 semaphore(%dma_wait3A_133 : memref<!tpu.dma_semaphore, #tpu.memory_space<semaphore_mem>>) src(%dma_wait3A_141 : memref<8x128xf32, #tpu.memory_space<vmem>>) dst(%dma_wait3A_137 : memref<8x128xf32, #tpu.memory_space<hbm>>)
    %dma_wait3A_142 = arith.constant 0 : i32
    %dma_wait3A_143 = arith.constant 0 : i32
    %dma_wait3A_144 = arith.constant 0 : i32
    %dma_wait3A_145 = arith.constant 3 : i32
    %dma_wait3A_146 = arith.constant 0 : i32
    %dma_wait3A_147 = arith.constant 0 : i32
    %dma_wait3A_148 = arith.constant 24 : i32
    %dma_wait3A_149 = arith.constant 0 : i32
    %dma_wait3A_150 = tpu.memref_slice %arg8[%dma_wait3A_142, %dma_wait3A_143, %dma_wait3A_148, %dma_wait3A_149] : memref<2x4x32x129xf32, #tpu.memory_space<vmem>> -> memref<1x1x8x128xf32, #tpu.memory_space<vmem>>
    %dma_wait3A_151 = tpu.memref_squeeze %dma_wait3A_150 : memref<1x1x8x128xf32, #tpu.memory_space<vmem>> -> memref<8x128xf32, #tpu.memory_space<vmem>>
    %dma_wait3A_152 = arith.constant 0 : i32
    %dma_wait3A_153 = arith.constant 0 : i32
    %dma_wait3A_154 = tpu.memref_slice %arg5[%dma_wait3A_144, %dma_wait3A_145, %dma_wait3A_146, %dma_wait3A_152, %dma_wait3A_153] : memref<200x4x32x8x128xf32, #tpu.memory_space<hbm>> -> memref<1x1x1x8x128xf32, #tpu.memory_space<hbm>>
    %dma_wait3A_155 = tpu.memref_squeeze %dma_wait3A_154 : memref<1x1x1x8x128xf32, #tpu.memory_space<hbm>> -> memref<8x128xf32, #tpu.memory_space<hbm>>
    %dma_wait3A_156 = tpu.memref_slice %arg11[%dma_wait3A_147] : memref<2x!tpu.dma_semaphore, #tpu.memory_space<semaphore_mem>> -> memref<1x!tpu.dma_semaphore, #tpu.memory_space<semaphore_mem>>
    %dma_wait3A_157 = tpu.memref_squeeze %dma_wait3A_156 : memref<1x!tpu.dma_semaphore, #tpu.memory_space<semaphore_mem>> -> memref<!tpu.dma_semaphore, #tpu.memory_space<semaphore_mem>>
    %dma_wait3A_158 = arith.constant 0 : i32
    %dma_wait3A_159 = arith.constant 0 : i32
    %dma_wait3A_160 = tpu.memref_slice %arg5[%dma_wait3A_144, %dma_wait3A_145, %dma_wait3A_146, %dma_wait3A_158, %dma_wait3A_159] : memref<200x4x32x8x128xf32, #tpu.memory_space<hbm>> -> memref<1x1x1x8x128xf32, #tpu.memory_space<hbm>>
    %dma_wait3A_161 = tpu.memref_squeeze %dma_wait3A_160 : memref<1x1x1x8x128xf32, #tpu.memory_space<hbm>> -> memref<8x128xf32, #tpu.memory_space<hbm>>
    %dma_wait3A_162 = arith.constant 24 : i32
    %dma_wait3A_163 = arith.constant 0 : i32
    %dma_wait3A_164 = tpu.memref_slice %arg8[%dma_wait3A_142, %dma_wait3A_143, %dma_wait3A_162, %dma_wait3A_163] : memref<2x4x32x129xf32, #tpu.memory_space<vmem>> -> memref<1x1x8x128xf32, #tpu.memory_space<vmem>>
    %dma_wait3A_165 = tpu.memref_squeeze %dma_wait3A_164 : memref<1x1x8x128xf32, #tpu.memory_space<vmem>> -> memref<8x128xf32, #tpu.memory_space<vmem>>
    tpu.wait_dma2 semaphore(%dma_wait3A_157 : memref<!tpu.dma_semaphore, #tpu.memory_space<semaphore_mem>>) src(%dma_wait3A_165 : memref<8x128xf32, #tpu.memory_space<vmem>>) dst(%dma_wait3A_161 : memref<8x128xf32, #tpu.memory_space<hbm>>)
    %dma_wait3A_166 = arith.constant 0 : i32
    %dma_wait3A_167 = arith.constant 1 : i32
    %dma_wait3A_168 = arith.constant 0 : i32
    %dma_wait3A_169 = arith.constant 0 : i32
    %dma_wait3A_170 = arith.constant 0 : i32
    %dma_wait3A_171 = arith.constant 0 : i32
    %dma_wait3A_172 = arith.constant 0 : i32
    %dma_wait3A_173 = arith.constant 0 : i32
    %dma_wait3A_174 = tpu.memref_slice %arg8[%dma_wait3A_166, %dma_wait3A_167, %dma_wait3A_172, %dma_wait3A_173] : memref<2x4x32x129xf32, #tpu.memory_space<vmem>> -> memref<1x1x8x128xf32, #tpu.memory_space<vmem>>
    %dma_wait3A_175 = tpu.memref_squeeze %dma_wait3A_174 : memref<1x1x8x128xf32, #tpu.memory_space<vmem>> -> memref<8x128xf32, #tpu.memory_space<vmem>>
    %dma_wait3A_176 = arith.constant 0 : i32
    %dma_wait3A_177 = arith.constant 0 : i32
    %dma_wait3A_178 = tpu.memref_slice %arg5[%dma_wait3A_168, %dma_wait3A_169, %dma_wait3A_170, %dma_wait3A_176, %dma_wait3A_177] : memref<200x4x32x8x128xf32, #tpu.memory_space<hbm>> -> memref<1x1x1x8x128xf32, #tpu.memory_space<hbm>>
    %dma_wait3A_179 = tpu.memref_squeeze %dma_wait3A_178 : memref<1x1x1x8x128xf32, #tpu.memory_space<hbm>> -> memref<8x128xf32, #tpu.memory_space<hbm>>
    %dma_wait3A_180 = tpu.memref_slice %arg11[%dma_wait3A_171] : memref<2x!tpu.dma_semaphore, #tpu.memory_space<semaphore_mem>> -> memref<1x!tpu.dma_semaphore, #tpu.memory_space<semaphore_mem>>
    %dma_wait3A_181 = tpu.memref_squeeze %dma_wait3A_180 : memref<1x!tpu.dma_semaphore, #tpu.memory_space<semaphore_mem>> -> memref<!tpu.dma_semaphore, #tpu.memory_space<semaphore_mem>>
    %dma_wait3A_182 = arith.constant 0 : i32
    %dma_wait3A_183 = arith.constant 0 : i32
    %dma_wait3A_184 = tpu.memref_slice %arg5[%dma_wait3A_168, %dma_wait3A_169, %dma_wait3A_170, %dma_wait3A_182, %dma_wait3A_183] : memref<200x4x32x8x128xf32, #tpu.memory_space<hbm>> -> memref<1x1x1x8x128xf32, #tpu.memory_space<hbm>>
    %dma_wait3A_185 = tpu.memref_squeeze %dma_wait3A_184 : memref<1x1x1x8x128xf32, #tpu.memory_space<hbm>> -> memref<8x128xf32, #tpu.memory_space<hbm>>
    %dma_wait3A_186 = arith.constant 0 : i32
    %dma_wait3A_187 = arith.constant 0 : i32
    %dma_wait3A_188 = tpu.memref_slice %arg8[%dma_wait3A_166, %dma_wait3A_167, %dma_wait3A_186, %dma_wait3A_187] : memref<2x4x32x129xf32, #tpu.memory_space<vmem>> -> memref<1x1x8x128xf32, #tpu.memory_space<vmem>>
    %dma_wait3A_189 = tpu.memref_squeeze %dma_wait3A_188 : memref<1x1x8x128xf32, #tpu.memory_space<vmem>> -> memref<8x128xf32, #tpu.memory_space<vmem>>
    tpu.wait_dma2 semaphore(%dma_wait3A_181 : memref<!tpu.dma_semaphore, #tpu.memory_space<semaphore_mem>>) src(%dma_wait3A_189 : memref<8x128xf32, #tpu.memory_space<vmem>>) dst(%dma_wait3A_185 : memref<8x128xf32, #tpu.memory_space<hbm>>)
    %dma_wait3A_190 = arith.constant 0 : i32
    %dma_wait3A_191 = arith.constant 1 : i32
    %dma_wait3A_192 = arith.constant 0 : i32
    %dma_wait3A_193 = arith.constant 1 : i32
    %dma_wait3A_194 = arith.constant 0 : i32
    %dma_wait3A_195 = arith.constant 0 : i32
    %dma_wait3A_196 = arith.constant 8 : i32
    %dma_wait3A_197 = arith.constant 0 : i32
    %dma_wait3A_198 = tpu.memref_slice %arg8[%dma_wait3A_190, %dma_wait3A_191, %dma_wait3A_196, %dma_wait3A_197] : memref<2x4x32x129xf32, #tpu.memory_space<vmem>> -> memref<1x1x8x128xf32, #tpu.memory_space<vmem>>
    %dma_wait3A_199 = tpu.memref_squeeze %dma_wait3A_198 : memref<1x1x8x128xf32, #tpu.memory_space<vmem>> -> memref<8x128xf32, #tpu.memory_space<vmem>>
    %dma_wait3A_200 = arith.constant 0 : i32
    %dma_wait3A_201 = arith.constant 0 : i32
    %dma_wait3A_202 = tpu.memref_slice %arg5[%dma_wait3A_192, %dma_wait3A_193, %dma_wait3A_194, %dma_wait3A_200, %dma_wait3A_201] : memref<200x4x32x8x128xf32, #tpu.memory_space<hbm>> -> memref<1x1x1x8x128xf32, #tpu.memory_space<hbm>>
    %dma_wait3A_203 = tpu.memref_squeeze %dma_wait3A_202 : memref<1x1x1x8x128xf32, #tpu.memory_space<hbm>> -> memref<8x128xf32, #tpu.memory_space<hbm>>
    %dma_wait3A_204 = tpu.memref_slice %arg11[%dma_wait3A_195] : memref<2x!tpu.dma_semaphore, #tpu.memory_space<semaphore_mem>> -> memref<1x!tpu.dma_semaphore, #tpu.memory_space<semaphore_mem>>
    %dma_wait3A_205 = tpu.memref_squeeze %dma_wait3A_204 : memref<1x!tpu.dma_semaphore, #tpu.memory_space<semaphore_mem>> -> memref<!tpu.dma_semaphore, #tpu.memory_space<semaphore_mem>>
    %dma_wait3A_206 = arith.constant 0 : i32
    %dma_wait3A_207 = arith.constant 0 : i32
    %dma_wait3A_208 = tpu.memref_slice %arg5[%dma_wait3A_192, %dma_wait3A_193, %dma_wait3A_194, %dma_wait3A_206, %dma_wait3A_207] : memref<200x4x32x8x128xf32, #tpu.memory_space<hbm>> -> memref<1x1x1x8x128xf32, #tpu.memory_space<hbm>>
    %dma_wait3A_209 = tpu.memref_squeeze %dma_wait3A_208 : memref<1x1x1x8x128xf32, #tpu.memory_space<hbm>> -> memref<8x128xf32, #tpu.memory_space<hbm>>
    %dma_wait3A_210 = arith.constant 8 : i32
    %dma_wait3A_211 = arith.constant 0 : i32
    %dma_wait3A_212 = tpu.memref_slice %arg8[%dma_wait3A_190, %dma_wait3A_191, %dma_wait3A_210, %dma_wait3A_211] : memref<2x4x32x129xf32, #tpu.memory_space<vmem>> -> memref<1x1x8x128xf32, #tpu.memory_space<vmem>>
    %dma_wait3A_213 = tpu.memref_squeeze %dma_wait3A_212 : memref<1x1x8x128xf32, #tpu.memory_space<vmem>> -> memref<8x128xf32, #tpu.memory_space<vmem>>
    tpu.wait_dma2 semaphore(%dma_wait3A_205 : memref<!tpu.dma_semaphore, #tpu.memory_space<semaphore_mem>>) src(%dma_wait3A_213 : memref<8x128xf32, #tpu.memory_space<vmem>>) dst(%dma_wait3A_209 : memref<8x128xf32, #tpu.memory_space<hbm>>)
    %dma_wait3A_214 = arith.constant 0 : i32
    %dma_wait3A_215 = arith.constant 1 : i32
    %dma_wait3A_216 = arith.constant 0 : i32
    %dma_wait3A_217 = arith.constant 2 : i32
    %dma_wait3A_218 = arith.constant 0 : i32
    %dma_wait3A_219 = arith.constant 0 : i32
    %dma_wait3A_220 = arith.constant 16 : i32
    %dma_wait3A_221 = arith.constant 0 : i32
    %dma_wait3A_222 = tpu.memref_slice %arg8[%dma_wait3A_214, %dma_wait3A_215, %dma_wait3A_220, %dma_wait3A_221] : memref<2x4x32x129xf32, #tpu.memory_space<vmem>> -> memref<1x1x8x128xf32, #tpu.memory_space<vmem>>
    %dma_wait3A_223 = tpu.memref_squeeze %dma_wait3A_222 : memref<1x1x8x128xf32, #tpu.memory_space<vmem>> -> memref<8x128xf32, #tpu.memory_space<vmem>>
    %dma_wait3A_224 = arith.constant 0 : i32
    %dma_wait3A_225 = arith.constant 0 : i32
    %dma_wait3A_226 = tpu.memref_slice %arg5[%dma_wait3A_216, %dma_wait3A_217, %dma_wait3A_218, %dma_wait3A_224, %dma_wait3A_225] : memref<200x4x32x8x128xf32, #tpu.memory_space<hbm>> -> memref<1x1x1x8x128xf32, #tpu.memory_space<hbm>>
    %dma_wait3A_227 = tpu.memref_squeeze %dma_wait3A_226 : memref<1x1x1x8x128xf32, #tpu.memory_space<hbm>> -> memref<8x128xf32, #tpu.memory_space<hbm>>
    %dma_wait3A_228 = tpu.memref_slice %arg11[%dma_wait3A_219] : memref<2x!tpu.dma_semaphore, #tpu.memory_space<semaphore_mem>> -> memref<1x!tpu.dma_semaphore, #tpu.memory_space<semaphore_mem>>
    %dma_wait3A_229 = tpu.memref_squeeze %dma_wait3A_228 : memref<1x!tpu.dma_semaphore, #tpu.memory_space<semaphore_mem>> -> memref<!tpu.dma_semaphore, #tpu.memory_space<semaphore_mem>>
    %dma_wait3A_230 = arith.constant 0 : i32
    %dma_wait3A_231 = arith.constant 0 : i32
    %dma_wait3A_232 = tpu.memref_slice %arg5[%dma_wait3A_216, %dma_wait3A_217, %dma_wait3A_218, %dma_wait3A_230, %dma_wait3A_231] : memref<200x4x32x8x128xf32, #tpu.memory_space<hbm>> -> memref<1x1x1x8x128xf32, #tpu.memory_space<hbm>>
    %dma_wait3A_233 = tpu.memref_squeeze %dma_wait3A_232 : memref<1x1x1x8x128xf32, #tpu.memory_space<hbm>> -> memref<8x128xf32, #tpu.memory_space<hbm>>
    %dma_wait3A_234 = arith.constant 16 : i32
    %dma_wait3A_235 = arith.constant 0 : i32
    %dma_wait3A_236 = tpu.memref_slice %arg8[%dma_wait3A_214, %dma_wait3A_215, %dma_wait3A_234, %dma_wait3A_235] : memref<2x4x32x129xf32, #tpu.memory_space<vmem>> -> memref<1x1x8x128xf32, #tpu.memory_space<vmem>>
    %dma_wait3A_237 = tpu.memref_squeeze %dma_wait3A_236 : memref<1x1x8x128xf32, #tpu.memory_space<vmem>> -> memref<8x128xf32, #tpu.memory_space<vmem>>
    tpu.wait_dma2 semaphore(%dma_wait3A_229 : memref<!tpu.dma_semaphore, #tpu.memory_space<semaphore_mem>>) src(%dma_wait3A_237 : memref<8x128xf32, #tpu.memory_space<vmem>>) dst(%dma_wait3A_233 : memref<8x128xf32, #tpu.memory_space<hbm>>)
    %dma_wait3A_238 = arith.constant 0 : i32
    %dma_wait3A_239 = arith.constant 1 : i32
    %dma_wait3A_240 = arith.constant 0 : i32
    %dma_wait3A_241 = arith.constant 3 : i32
    %dma_wait3A_242 = arith.constant 0 : i32
    %dma_wait3A_243 = arith.constant 0 : i32
    %dma_wait3A_244 = arith.constant 24 : i32
    %dma_wait3A_245 = arith.constant 0 : i32
    %dma_wait3A_246 = tpu.memref_slice %arg8[%dma_wait3A_238, %dma_wait3A_239, %dma_wait3A_244, %dma_wait3A_245] : memref<2x4x32x129xf32, #tpu.memory_space<vmem>> -> memref<1x1x8x128xf32, #tpu.memory_space<vmem>>
    %dma_wait3A_247 = tpu.memref_squeeze %dma_wait3A_246 : memref<1x1x8x128xf32, #tpu.memory_space<vmem>> -> memref<8x128xf32, #tpu.memory_space<vmem>>
    %dma_wait3A_248 = arith.constant 0 : i32
    %dma_wait3A_249 = arith.constant 0 : i32
    %dma_wait3A_250 = tpu.memref_slice %arg5[%dma_wait3A_240, %dma_wait3A_241, %dma_wait3A_242, %dma_wait3A_248, %dma_wait3A_249] : memref<200x4x32x8x128xf32, #tpu.memory_space<hbm>> -> memref<1x1x1x8x128xf32, #tpu.memory_space<hbm>>
    %dma_wait3A_251 = tpu.memref_squeeze %dma_wait3A_250 : memref<1x1x1x8x128xf32, #tpu.memory_space<hbm>> -> memref<8x128xf32, #tpu.memory_space<hbm>>
    %dma_wait3A_252 = tpu.memref_slice %arg11[%dma_wait3A_243] : memref<2x!tpu.dma_semaphore, #tpu.memory_space<semaphore_mem>> -> memref<1x!tpu.dma_semaphore, #tpu.memory_space<semaphore_mem>>
    %dma_wait3A_253 = tpu.memref_squeeze %dma_wait3A_252 : memref<1x!tpu.dma_semaphore, #tpu.memory_space<semaphore_mem>> -> memref<!tpu.dma_semaphore, #tpu.memory_space<semaphore_mem>>
    %dma_wait3A_254 = arith.constant 0 : i32
    %dma_wait3A_255 = arith.constant 0 : i32
    %dma_wait3A_256 = tpu.memref_slice %arg5[%dma_wait3A_240, %dma_wait3A_241, %dma_wait3A_242, %dma_wait3A_254, %dma_wait3A_255] : memref<200x4x32x8x128xf32, #tpu.memory_space<hbm>> -> memref<1x1x1x8x128xf32, #tpu.memory_space<hbm>>
    %dma_wait3A_257 = tpu.memref_squeeze %dma_wait3A_256 : memref<1x1x1x8x128xf32, #tpu.memory_space<hbm>> -> memref<8x128xf32, #tpu.memory_space<hbm>>
    %dma_wait3A_258 = arith.constant 24 : i32
    %dma_wait3A_259 = arith.constant 0 : i32
    %dma_wait3A_260 = tpu.memref_slice %arg8[%dma_wait3A_238, %dma_wait3A_239, %dma_wait3A_258, %dma_wait3A_259] : memref<2x4x32x129xf32, #tpu.memory_space<vmem>> -> memref<1x1x8x128xf32, #tpu.memory_space<vmem>>
    %dma_wait3A_261 = tpu.memref_squeeze %dma_wait3A_260 : memref<1x1x8x128xf32, #tpu.memory_space<vmem>> -> memref<8x128xf32, #tpu.memory_space<vmem>>
    tpu.wait_dma2 semaphore(%dma_wait3A_253 : memref<!tpu.dma_semaphore, #tpu.memory_space<semaphore_mem>>) src(%dma_wait3A_261 : memref<8x128xf32, #tpu.memory_space<vmem>>) dst(%dma_wait3A_257 : memref<8x128xf32, #tpu.memory_space<hbm>>)
    %dma_wait3A_262 = arith.constant 0 : i32
    %dma_wait3A_263 = arith.constant 2 : i32
    %dma_wait3A_264 = arith.constant 0 : i32
    %dma_wait3A_265 = arith.constant 0 : i32
    %dma_wait3A_266 = arith.constant 0 : i32
    %dma_wait3A_267 = arith.constant 0 : i32
    %dma_wait3A_268 = arith.constant 0 : i32
    %dma_wait3A_269 = arith.constant 0 : i32
    %dma_wait3A_270 = tpu.memref_slice %arg8[%dma_wait3A_262, %dma_wait3A_263, %dma_wait3A_268, %dma_wait3A_269] : memref<2x4x32x129xf32, #tpu.memory_space<vmem>> -> memref<1x1x8x128xf32, #tpu.memory_space<vmem>>
    %dma_wait3A_271 = tpu.memref_squeeze %dma_wait3A_270 : memref<1x1x8x128xf32, #tpu.memory_space<vmem>> -> memref<8x128xf32, #tpu.memory_space<vmem>>
    %dma_wait3A_272 = arith.constant 0 : i32
    %dma_wait3A_273 = arith.constant 0 : i32
    %dma_wait3A_274 = tpu.memref_slice %arg5[%dma_wait3A_264, %dma_wait3A_265, %dma_wait3A_266, %dma_wait3A_272, %dma_wait3A_273] : memref<200x4x32x8x128xf32, #tpu.memory_space<hbm>> -> memref<1x1x1x8x128xf32, #tpu.memory_space<hbm>>
    %dma_wait3A_275 = tpu.memref_squeeze %dma_wait3A_274 : memref<1x1x1x8x128xf32, #tpu.memory_space<hbm>> -> memref<8x128xf32, #tpu.memory_space<hbm>>
    %dma_wait3A_276 = tpu.memref_slice %arg11[%dma_wait3A_267] : memref<2x!tpu.dma_semaphore, #tpu.memory_space<semaphore_mem>> -> memref<1x!tpu.dma_semaphore, #tpu.memory_space<semaphore_mem>>
    %dma_wait3A_277 = tpu.memref_squeeze %dma_wait3A_276 : memref<1x!tpu.dma_semaphore, #tpu.memory_space<semaphore_mem>> -> memref<!tpu.dma_semaphore, #tpu.memory_space<semaphore_mem>>
    %dma_wait3A_278 = arith.constant 0 : i32
    %dma_wait3A_279 = arith.constant 0 : i32
    %dma_wait3A_280 = tpu.memref_slice %arg5[%dma_wait3A_264, %dma_wait3A_265, %dma_wait3A_266, %dma_wait3A_278, %dma_wait3A_279] : memref<200x4x32x8x128xf32, #tpu.memory_space<hbm>> -> memref<1x1x1x8x128xf32, #tpu.memory_space<hbm>>
    %dma_wait3A_281 = tpu.memref_squeeze %dma_wait3A_280 : memref<1x1x1x8x128xf32, #tpu.memory_space<hbm>> -> memref<8x128xf32, #tpu.memory_space<hbm>>
    %dma_wait3A_282 = arith.constant 0 : i32
    %dma_wait3A_283 = arith.constant 0 : i32
    %dma_wait3A_284 = tpu.memref_slice %arg8[%dma_wait3A_262, %dma_wait3A_263, %dma_wait3A_282, %dma_wait3A_283] : memref<2x4x32x129xf32, #tpu.memory_space<vmem>> -> memref<1x1x8x128xf32, #tpu.memory_space<vmem>>
    %dma_wait3A_285 = tpu.memref_squeeze %dma_wait3A_284 : memref<1x1x8x128xf32, #tpu.memory_space<vmem>> -> memref<8x128xf32, #tpu.memory_space<vmem>>
    tpu.wait_dma2 semaphore(%dma_wait3A_277 : memref<!tpu.dma_semaphore, #tpu.memory_space<semaphore_mem>>) src(%dma_wait3A_285 : memref<8x128xf32, #tpu.memory_space<vmem>>) dst(%dma_wait3A_281 : memref<8x128xf32, #tpu.memory_space<hbm>>)
    %dma_wait3A_286 = arith.constant 0 : i32
    %dma_wait3A_287 = arith.constant 2 : i32
    %dma_wait3A_288 = arith.constant 0 : i32
    %dma_wait3A_289 = arith.constant 1 : i32
    %dma_wait3A_290 = arith.constant 0 : i32
    %dma_wait3A_291 = arith.constant 0 : i32
    %dma_wait3A_292 = arith.constant 8 : i32
    %dma_wait3A_293 = arith.constant 0 : i32
    %dma_wait3A_294 = tpu.memref_slice %arg8[%dma_wait3A_286, %dma_wait3A_287, %dma_wait3A_292, %dma_wait3A_293] : memref<2x4x32x129xf32, #tpu.memory_space<vmem>> -> memref<1x1x8x128xf32, #tpu.memory_space<vmem>>
    %dma_wait3A_295 = tpu.memref_squeeze %dma_wait3A_294 : memref<1x1x8x128xf32, #tpu.memory_space<vmem>> -> memref<8x128xf32, #tpu.memory_space<vmem>>
    %dma_wait3A_296 = arith.constant 0 : i32
    %dma_wait3A_297 = arith.constant 0 : i32
    %dma_wait3A_298 = tpu.memref_slice %arg5[%dma_wait3A_288, %dma_wait3A_289, %dma_wait3A_290, %dma_wait3A_296, %dma_wait3A_297] : memref<200x4x32x8x128xf32, #tpu.memory_space<hbm>> -> memref<1x1x1x8x128xf32, #tpu.memory_space<hbm>>
    %dma_wait3A_299 = tpu.memref_squeeze %dma_wait3A_298 : memref<1x1x1x8x128xf32, #tpu.memory_space<hbm>> -> memref<8x128xf32, #tpu.memory_space<hbm>>
    %dma_wait3A_300 = tpu.memref_slice %arg11[%dma_wait3A_291] : memref<2x!tpu.dma_semaphore, #tpu.memory_space<semaphore_mem>> -> memref<1x!tpu.dma_semaphore, #tpu.memory_space<semaphore_mem>>
    %dma_wait3A_301 = tpu.memref_squeeze %dma_wait3A_300 : memref<1x!tpu.dma_semaphore, #tpu.memory_space<semaphore_mem>> -> memref<!tpu.dma_semaphore, #tpu.memory_space<semaphore_mem>>
    %dma_wait3A_302 = arith.constant 0 : i32
    %dma_wait3A_303 = arith.constant 0 : i32
    %dma_wait3A_304 = tpu.memref_slice %arg5[%dma_wait3A_288, %dma_wait3A_289, %dma_wait3A_290, %dma_wait3A_302, %dma_wait3A_303] : memref<200x4x32x8x128xf32, #tpu.memory_space<hbm>> -> memref<1x1x1x8x128xf32, #tpu.memory_space<hbm>>
    %dma_wait3A_305 = tpu.memref_squeeze %dma_wait3A_304 : memref<1x1x1x8x128xf32, #tpu.memory_space<hbm>> -> memref<8x128xf32, #tpu.memory_space<hbm>>
    %dma_wait3A_306 = arith.constant 8 : i32
    %dma_wait3A_307 = arith.constant 0 : i32
    %dma_wait3A_308 = tpu.memref_slice %arg8[%dma_wait3A_286, %dma_wait3A_287, %dma_wait3A_306, %dma_wait3A_307] : memref<2x4x32x129xf32, #tpu.memory_space<vmem>> -> memref<1x1x8x128xf32, #tpu.memory_space<vmem>>
    %dma_wait3A_309 = tpu.memref_squeeze %dma_wait3A_308 : memref<1x1x8x128xf32, #tpu.memory_space<vmem>> -> memref<8x128xf32, #tpu.memory_space<vmem>>
    tpu.wait_dma2 semaphore(%dma_wait3A_301 : memref<!tpu.dma_semaphore, #tpu.memory_space<semaphore_mem>>) src(%dma_wait3A_309 : memref<8x128xf32, #tpu.memory_space<vmem>>) dst(%dma_wait3A_305 : memref<8x128xf32, #tpu.memory_space<hbm>>)
    %dma_wait3A_310 = arith.constant 0 : i32
    %dma_wait3A_311 = arith.constant 2 : i32
    %dma_wait3A_312 = arith.constant 0 : i32
    %dma_wait3A_313 = arith.constant 2 : i32
    %dma_wait3A_314 = arith.constant 0 : i32
    %dma_wait3A_315 = arith.constant 0 : i32
    %dma_wait3A_316 = arith.constant 16 : i32
    %dma_wait3A_317 = arith.constant 0 : i32
    %dma_wait3A_318 = tpu.memref_slice %arg8[%dma_wait3A_310, %dma_wait3A_311, %dma_wait3A_316, %dma_wait3A_317] : memref<2x4x32x129xf32, #tpu.memory_space<vmem>> -> memref<1x1x8x128xf32, #tpu.memory_space<vmem>>
    %dma_wait3A_319 = tpu.memref_squeeze %dma_wait3A_318 : memref<1x1x8x128xf32, #tpu.memory_space<vmem>> -> memref<8x128xf32, #tpu.memory_space<vmem>>
    %dma_wait3A_320 = arith.constant 0 : i32
    %dma_wait3A_321 = arith.constant 0 : i32
    %dma_wait3A_322 = tpu.memref_slice %arg5[%dma_wait3A_312, %dma_wait3A_313, %dma_wait3A_314, %dma_wait3A_320, %dma_wait3A_321] : memref<200x4x32x8x128xf32, #tpu.memory_space<hbm>> -> memref<1x1x1x8x128xf32, #tpu.memory_space<hbm>>
    %dma_wait3A_323 = tpu.memref_squeeze %dma_wait3A_322 : memref<1x1x1x8x128xf32, #tpu.memory_space<hbm>> -> memref<8x128xf32, #tpu.memory_space<hbm>>
    %dma_wait3A_324 = tpu.memref_slice %arg11[%dma_wait3A_315] : memref<2x!tpu.dma_semaphore, #tpu.memory_space<semaphore_mem>> -> memref<1x!tpu.dma_semaphore, #tpu.memory_space<semaphore_mem>>
    %dma_wait3A_325 = tpu.memref_squeeze %dma_wait3A_324 : memref<1x!tpu.dma_semaphore, #tpu.memory_space<semaphore_mem>> -> memref<!tpu.dma_semaphore, #tpu.memory_space<semaphore_mem>>
    %dma_wait3A_326 = arith.constant 0 : i32
    %dma_wait3A_327 = arith.constant 0 : i32
    %dma_wait3A_328 = tpu.memref_slice %arg5[%dma_wait3A_312, %dma_wait3A_313, %dma_wait3A_314, %dma_wait3A_326, %dma_wait3A_327] : memref<200x4x32x8x128xf32, #tpu.memory_space<hbm>> -> memref<1x1x1x8x128xf32, #tpu.memory_space<hbm>>
    %dma_wait3A_329 = tpu.memref_squeeze %dma_wait3A_328 : memref<1x1x1x8x128xf32, #tpu.memory_space<hbm>> -> memref<8x128xf32, #tpu.memory_space<hbm>>
    %dma_wait3A_330 = arith.constant 16 : i32
    %dma_wait3A_331 = arith.constant 0 : i32
    %dma_wait3A_332 = tpu.memref_slice %arg8[%dma_wait3A_310, %dma_wait3A_311, %dma_wait3A_330, %dma_wait3A_331] : memref<2x4x32x129xf32, #tpu.memory_space<vmem>> -> memref<1x1x8x128xf32, #tpu.memory_space<vmem>>
    %dma_wait3A_333 = tpu.memref_squeeze %dma_wait3A_332 : memref<1x1x8x128xf32, #tpu.memory_space<vmem>> -> memref<8x128xf32, #tpu.memory_space<vmem>>
    tpu.wait_dma2 semaphore(%dma_wait3A_325 : memref<!tpu.dma_semaphore, #tpu.memory_space<semaphore_mem>>) src(%dma_wait3A_333 : memref<8x128xf32, #tpu.memory_space<vmem>>) dst(%dma_wait3A_329 : memref<8x128xf32, #tpu.memory_space<hbm>>)
    %dma_wait3A_334 = arith.constant 0 : i32
    %dma_wait3A_335 = arith.constant 2 : i32
    %dma_wait3A_336 = arith.constant 0 : i32
    %dma_wait3A_337 = arith.constant 3 : i32
    %dma_wait3A_338 = arith.constant 0 : i32
    %dma_wait3A_339 = arith.constant 0 : i32
    %dma_wait3A_340 = arith.constant 24 : i32
    %dma_wait3A_341 = arith.constant 0 : i32
    %dma_wait3A_342 = tpu.memref_slice %arg8[%dma_wait3A_334, %dma_wait3A_335, %dma_wait3A_340, %dma_wait3A_341] : memref<2x4x32x129xf32, #tpu.memory_space<vmem>> -> memref<1x1x8x128xf32, #tpu.memory_space<vmem>>
    %dma_wait3A_343 = tpu.memref_squeeze %dma_wait3A_342 : memref<1x1x8x128xf32, #tpu.memory_space<vmem>> -> memref<8x128xf32, #tpu.memory_space<vmem>>
    %dma_wait3A_344 = arith.constant 0 : i32
    %dma_wait3A_345 = arith.constant 0 : i32
    %dma_wait3A_346 = tpu.memref_slice %arg5[%dma_wait3A_336, %dma_wait3A_337, %dma_wait3A_338, %dma_wait3A_344, %dma_wait3A_345] : memref<200x4x32x8x128xf32, #tpu.memory_space<hbm>> -> memref<1x1x1x8x128xf32, #tpu.memory_space<hbm>>
    %dma_wait3A_347 = tpu.memref_squeeze %dma_wait3A_346 : memref<1x1x1x8x128xf32, #tpu.memory_space<hbm>> -> memref<8x128xf32, #tpu.memory_space<hbm>>
    %dma_wait3A_348 = tpu.memref_slice %arg11[%dma_wait3A_339] : memref<2x!tpu.dma_semaphore, #tpu.memory_space<semaphore_mem>> -> memref<1x!tpu.dma_semaphore, #tpu.memory_space<semaphore_mem>>
    %dma_wait3A_349 = tpu.memref_squeeze %dma_wait3A_348 : memref<1x!tpu.dma_semaphore, #tpu.memory_space<semaphore_mem>> -> memref<!tpu.dma_semaphore, #tpu.memory_space<semaphore_mem>>
    %dma_wait3A_350 = arith.constant 0 : i32
    %dma_wait3A_351 = arith.constant 0 : i32
    %dma_wait3A_352 = tpu.memref_slice %arg5[%dma_wait3A_336, %dma_wait3A_337, %dma_wait3A_338, %dma_wait3A_350, %dma_wait3A_351] : memref<200x4x32x8x128xf32, #tpu.memory_space<hbm>> -> memref<1x1x1x8x128xf32, #tpu.memory_space<hbm>>
    %dma_wait3A_353 = tpu.memref_squeeze %dma_wait3A_352 : memref<1x1x1x8x128xf32, #tpu.memory_space<hbm>> -> memref<8x128xf32, #tpu.memory_space<hbm>>
    %dma_wait3A_354 = arith.constant 24 : i32
    %dma_wait3A_355 = arith.constant 0 : i32
    %dma_wait3A_356 = tpu.memref_slice %arg8[%dma_wait3A_334, %dma_wait3A_335, %dma_wait3A_354, %dma_wait3A_355] : memref<2x4x32x129xf32, #tpu.memory_space<vmem>> -> memref<1x1x8x128xf32, #tpu.memory_space<vmem>>
    %dma_wait3A_357 = tpu.memref_squeeze %dma_wait3A_356 : memref<1x1x8x128xf32, #tpu.memory_space<vmem>> -> memref<8x128xf32, #tpu.memory_space<vmem>>
    tpu.wait_dma2 semaphore(%dma_wait3A_349 : memref<!tpu.dma_semaphore, #tpu.memory_space<semaphore_mem>>) src(%dma_wait3A_357 : memref<8x128xf32, #tpu.memory_space<vmem>>) dst(%dma_wait3A_353 : memref<8x128xf32, #tpu.memory_space<hbm>>)
    %dma_wait3A_358 = arith.constant 0 : i32
    %dma_wait3A_359 = arith.constant 3 : i32
    %dma_wait3A_360 = arith.constant 0 : i32
    %dma_wait3A_361 = arith.constant 0 : i32
    %dma_wait3A_362 = arith.constant 0 : i32
    %dma_wait3A_363 = arith.constant 0 : i32
    %dma_wait3A_364 = arith.constant 0 : i32
    %dma_wait3A_365 = arith.constant 0 : i32
    %dma_wait3A_366 = tpu.memref_slice %arg8[%dma_wait3A_358, %dma_wait3A_359, %dma_wait3A_364, %dma_wait3A_365] : memref<2x4x32x129xf32, #tpu.memory_space<vmem>> -> memref<1x1x8x128xf32, #tpu.memory_space<vmem>>
    %dma_wait3A_367 = tpu.memref_squeeze %dma_wait3A_366 : memref<1x1x8x128xf32, #tpu.memory_space<vmem>> -> memref<8x128xf32, #tpu.memory_space<vmem>>
    %dma_wait3A_368 = arith.constant 0 : i32
    %dma_wait3A_369 = arith.constant 0 : i32
    %dma_wait3A_370 = tpu.memref_slice %arg5[%dma_wait3A_360, %dma_wait3A_361, %dma_wait3A_362, %dma_wait3A_368, %dma_wait3A_369] : memref<200x4x32x8x128xf32, #tpu.memory_space<hbm>> -> memref<1x1x1x8x128xf32, #tpu.memory_space<hbm>>
    %dma_wait3A_371 = tpu.memref_squeeze %dma_wait3A_370 : memref<1x1x1x8x128xf32, #tpu.memory_space<hbm>> -> memref<8x128xf32, #tpu.memory_space<hbm>>
    %dma_wait3A_372 = tpu.memref_slice %arg11[%dma_wait3A_363] : memref<2x!tpu.dma_semaphore, #tpu.memory_space<semaphore_mem>> -> memref<1x!tpu.dma_semaphore, #tpu.memory_space<semaphore_mem>>
    %dma_wait3A_373 = tpu.memref_squeeze %dma_wait3A_372 : memref<1x!tpu.dma_semaphore, #tpu.memory_space<semaphore_mem>> -> memref<!tpu.dma_semaphore, #tpu.memory_space<semaphore_mem>>
    %dma_wait3A_374 = arith.constant 0 : i32
    %dma_wait3A_375 = arith.constant 0 : i32
    %dma_wait3A_376 = tpu.memref_slice %arg5[%dma_wait3A_360, %dma_wait3A_361, %dma_wait3A_362, %dma_wait3A_374, %dma_wait3A_375] : memref<200x4x32x8x128xf32, #tpu.memory_space<hbm>> -> memref<1x1x1x8x128xf32, #tpu.memory_space<hbm>>
    %dma_wait3A_377 = tpu.memref_squeeze %dma_wait3A_376 : memref<1x1x1x8x128xf32, #tpu.memory_space<hbm>> -> memref<8x128xf32, #tpu.memory_space<hbm>>
    %dma_wait3A_378 = arith.constant 0 : i32
    %dma_wait3A_379 = arith.constant 0 : i32
    %dma_wait3A_380 = tpu.memref_slice %arg8[%dma_wait3A_358, %dma_wait3A_359, %dma_wait3A_378, %dma_wait3A_379] : memref<2x4x32x129xf32, #tpu.memory_space<vmem>> -> memref<1x1x8x128xf32, #tpu.memory_space<vmem>>
    %dma_wait3A_381 = tpu.memref_squeeze %dma_wait3A_380 : memref<1x1x8x128xf32, #tpu.memory_space<vmem>> -> memref<8x128xf32, #tpu.memory_space<vmem>>
    tpu.wait_dma2 semaphore(%dma_wait3A_373 : memref<!tpu.dma_semaphore, #tpu.memory_space<semaphore_mem>>) src(%dma_wait3A_381 : memref<8x128xf32, #tpu.memory_space<vmem>>) dst(%dma_wait3A_377 : memref<8x128xf32, #tpu.memory_space<hbm>>)
    %dma_wait3A_382 = arith.constant 0 : i32
    %dma_wait3A_383 = arith.constant 3 : i32
    %dma_wait3A_384 = arith.constant 0 : i32
    %dma_wait3A_385 = arith.constant 1 : i32
    %dma_wait3A_386 = arith.constant 0 : i32
    %dma_wait3A_387 = arith.constant 0 : i32
    %dma_wait3A_388 = arith.constant 8 : i32
    %dma_wait3A_389 = arith.constant 0 : i32
    %dma_wait3A_390 = tpu.memref_slice %arg8[%dma_wait3A_382, %dma_wait3A_383, %dma_wait3A_388, %dma_wait3A_389] : memref<2x4x32x129xf32, #tpu.memory_space<vmem>> -> memref<1x1x8x128xf32, #tpu.memory_space<vmem>>
    %dma_wait3A_391 = tpu.memref_squeeze %dma_wait3A_390 : memref<1x1x8x128xf32, #tpu.memory_space<vmem>> -> memref<8x128xf32, #tpu.memory_space<vmem>>
    %dma_wait3A_392 = arith.constant 0 : i32
    %dma_wait3A_393 = arith.constant 0 : i32
    %dma_wait3A_394 = tpu.memref_slice %arg5[%dma_wait3A_384, %dma_wait3A_385, %dma_wait3A_386, %dma_wait3A_392, %dma_wait3A_393] : memref<200x4x32x8x128xf32, #tpu.memory_space<hbm>> -> memref<1x1x1x8x128xf32, #tpu.memory_space<hbm>>
    %dma_wait3A_395 = tpu.memref_squeeze %dma_wait3A_394 : memref<1x1x1x8x128xf32, #tpu.memory_space<hbm>> -> memref<8x128xf32, #tpu.memory_space<hbm>>
    %dma_wait3A_396 = tpu.memref_slice %arg11[%dma_wait3A_387] : memref<2x!tpu.dma_semaphore, #tpu.memory_space<semaphore_mem>> -> memref<1x!tpu.dma_semaphore, #tpu.memory_space<semaphore_mem>>
    %dma_wait3A_397 = tpu.memref_squeeze %dma_wait3A_396 : memref<1x!tpu.dma_semaphore, #tpu.memory_space<semaphore_mem>> -> memref<!tpu.dma_semaphore, #tpu.memory_space<semaphore_mem>>
    %dma_wait3A_398 = arith.constant 0 : i32
    %dma_wait3A_399 = arith.constant 0 : i32
    %dma_wait3A_400 = tpu.memref_slice %arg5[%dma_wait3A_384, %dma_wait3A_385, %dma_wait3A_386, %dma_wait3A_398, %dma_wait3A_399] : memref<200x4x32x8x128xf32, #tpu.memory_space<hbm>> -> memref<1x1x1x8x128xf32, #tpu.memory_space<hbm>>
    %dma_wait3A_401 = tpu.memref_squeeze %dma_wait3A_400 : memref<1x1x1x8x128xf32, #tpu.memory_space<hbm>> -> memref<8x128xf32, #tpu.memory_space<hbm>>
    %dma_wait3A_402 = arith.constant 8 : i32
    %dma_wait3A_403 = arith.constant 0 : i32
    %dma_wait3A_404 = tpu.memref_slice %arg8[%dma_wait3A_382, %dma_wait3A_383, %dma_wait3A_402, %dma_wait3A_403] : memref<2x4x32x129xf32, #tpu.memory_space<vmem>> -> memref<1x1x8x128xf32, #tpu.memory_space<vmem>>
    %dma_wait3A_405 = tpu.memref_squeeze %dma_wait3A_404 : memref<1x1x8x128xf32, #tpu.memory_space<vmem>> -> memref<8x128xf32, #tpu.memory_space<vmem>>
    tpu.wait_dma2 semaphore(%dma_wait3A_397 : memref<!tpu.dma_semaphore, #tpu.memory_space<semaphore_mem>>) src(%dma_wait3A_405 : memref<8x128xf32, #tpu.memory_space<vmem>>) dst(%dma_wait3A_401 : memref<8x128xf32, #tpu.memory_space<hbm>>)
    %dma_wait3A_406 = arith.constant 0 : i32
    %dma_wait3A_407 = arith.constant 3 : i32
    %dma_wait3A_408 = arith.constant 0 : i32
    %dma_wait3A_409 = arith.constant 2 : i32
    %dma_wait3A_410 = arith.constant 0 : i32
    %dma_wait3A_411 = arith.constant 0 : i32
    %dma_wait3A_412 = arith.constant 16 : i32
    %dma_wait3A_413 = arith.constant 0 : i32
    %dma_wait3A_414 = tpu.memref_slice %arg8[%dma_wait3A_406, %dma_wait3A_407, %dma_wait3A_412, %dma_wait3A_413] : memref<2x4x32x129xf32, #tpu.memory_space<vmem>> -> memref<1x1x8x128xf32, #tpu.memory_space<vmem>>
    %dma_wait3A_415 = tpu.memref_squeeze %dma_wait3A_414 : memref<1x1x8x128xf32, #tpu.memory_space<vmem>> -> memref<8x128xf32, #tpu.memory_space<vmem>>
    %dma_wait3A_416 = arith.constant 0 : i32
    %dma_wait3A_417 = arith.constant 0 : i32
    %dma_wait3A_418 = tpu.memref_slice %arg5[%dma_wait3A_408, %dma_wait3A_409, %dma_wait3A_410, %dma_wait3A_416, %dma_wait3A_417] : memref<200x4x32x8x128xf32, #tpu.memory_space<hbm>> -> memref<1x1x1x8x128xf32, #tpu.memory_space<hbm>>
    %dma_wait3A_419 = tpu.memref_squeeze %dma_wait3A_418 : memref<1x1x1x8x128xf32, #tpu.memory_space<hbm>> -> memref<8x128xf32, #tpu.memory_space<hbm>>
    %dma_wait3A_420 = tpu.memref_slice %arg11[%dma_wait3A_411] : memref<2x!tpu.dma_semaphore, #tpu.memory_space<semaphore_mem>> -> memref<1x!tpu.dma_semaphore, #tpu.memory_space<semaphore_mem>>
    %dma_wait3A_421 = tpu.memref_squeeze %dma_wait3A_420 : memref<1x!tpu.dma_semaphore, #tpu.memory_space<semaphore_mem>> -> memref<!tpu.dma_semaphore, #tpu.memory_space<semaphore_mem>>
    %dma_wait3A_422 = arith.constant 0 : i32
    %dma_wait3A_423 = arith.constant 0 : i32
    %dma_wait3A_424 = tpu.memref_slice %arg5[%dma_wait3A_408, %dma_wait3A_409, %dma_wait3A_410, %dma_wait3A_422, %dma_wait3A_423] : memref<200x4x32x8x128xf32, #tpu.memory_space<hbm>> -> memref<1x1x1x8x128xf32, #tpu.memory_space<hbm>>
    %dma_wait3A_425 = tpu.memref_squeeze %dma_wait3A_424 : memref<1x1x1x8x128xf32, #tpu.memory_space<hbm>> -> memref<8x128xf32, #tpu.memory_space<hbm>>
    %dma_wait3A_426 = arith.constant 16 : i32
    %dma_wait3A_427 = arith.constant 0 : i32
    %dma_wait3A_428 = tpu.memref_slice %arg8[%dma_wait3A_406, %dma_wait3A_407, %dma_wait3A_426, %dma_wait3A_427] : memref<2x4x32x129xf32, #tpu.memory_space<vmem>> -> memref<1x1x8x128xf32, #tpu.memory_space<vmem>>
    %dma_wait3A_429 = tpu.memref_squeeze %dma_wait3A_428 : memref<1x1x8x128xf32, #tpu.memory_space<vmem>> -> memref<8x128xf32, #tpu.memory_space<vmem>>
    tpu.wait_dma2 semaphore(%dma_wait3A_421 : memref<!tpu.dma_semaphore, #tpu.memory_space<semaphore_mem>>) src(%dma_wait3A_429 : memref<8x128xf32, #tpu.memory_space<vmem>>) dst(%dma_wait3A_425 : memref<8x128xf32, #tpu.memory_space<hbm>>)
    %dma_wait3A_430 = arith.constant 0 : i32
    %dma_wait3A_431 = arith.constant 3 : i32
    %dma_wait3A_432 = arith.constant 0 : i32
    %dma_wait3A_433 = arith.constant 3 : i32
    %dma_wait3A_434 = arith.constant 0 : i32
    %dma_wait3A_435 = arith.constant 0 : i32
    %dma_wait3A_436 = arith.constant 24 : i32
    %dma_wait3A_437 = arith.constant 0 : i32
    %dma_wait3A_438 = tpu.memref_slice %arg8[%dma_wait3A_430, %dma_wait3A_431, %dma_wait3A_436, %dma_wait3A_437] : memref<2x4x32x129xf32, #tpu.memory_space<vmem>> -> memref<1x1x8x128xf32, #tpu.memory_space<vmem>>
    %dma_wait3A_439 = tpu.memref_squeeze %dma_wait3A_438 : memref<1x1x8x128xf32, #tpu.memory_space<vmem>> -> memref<8x128xf32, #tpu.memory_space<vmem>>
    %dma_wait3A_440 = arith.constant 0 : i32
    %dma_wait3A_441 = arith.constant 0 : i32
    %dma_wait3A_442 = tpu.memref_slice %arg5[%dma_wait3A_432, %dma_wait3A_433, %dma_wait3A_434, %dma_wait3A_440, %dma_wait3A_441] : memref<200x4x32x8x128xf32, #tpu.memory_space<hbm>> -> memref<1x1x1x8x128xf32, #tpu.memory_space<hbm>>
    %dma_wait3A_443 = tpu.memref_squeeze %dma_wait3A_442 : memref<1x1x1x8x128xf32, #tpu.memory_space<hbm>> -> memref<8x128xf32, #tpu.memory_space<hbm>>
    %dma_wait3A_444 = tpu.memref_slice %arg11[%dma_wait3A_435] : memref<2x!tpu.dma_semaphore, #tpu.memory_space<semaphore_mem>> -> memref<1x!tpu.dma_semaphore, #tpu.memory_space<semaphore_mem>>
    %dma_wait3A_445 = tpu.memref_squeeze %dma_wait3A_444 : memref<1x!tpu.dma_semaphore, #tpu.memory_space<semaphore_mem>> -> memref<!tpu.dma_semaphore, #tpu.memory_space<semaphore_mem>>
    %dma_wait3A_446 = arith.constant 0 : i32
    %dma_wait3A_447 = arith.constant 0 : i32
    %dma_wait3A_448 = tpu.memref_slice %arg5[%dma_wait3A_432, %dma_wait3A_433, %dma_wait3A_434, %dma_wait3A_446, %dma_wait3A_447] : memref<200x4x32x8x128xf32, #tpu.memory_space<hbm>> -> memref<1x1x1x8x128xf32, #tpu.memory_space<hbm>>
    %dma_wait3A_449 = tpu.memref_squeeze %dma_wait3A_448 : memref<1x1x1x8x128xf32, #tpu.memory_space<hbm>> -> memref<8x128xf32, #tpu.memory_space<hbm>>
    %dma_wait3A_450 = arith.constant 24 : i32
    %dma_wait3A_451 = arith.constant 0 : i32
    %dma_wait3A_452 = tpu.memref_slice %arg8[%dma_wait3A_430, %dma_wait3A_431, %dma_wait3A_450, %dma_wait3A_451] : memref<2x4x32x129xf32, #tpu.memory_space<vmem>> -> memref<1x1x8x128xf32, #tpu.memory_space<vmem>>
    %dma_wait3A_453 = tpu.memref_squeeze %dma_wait3A_452 : memref<1x1x8x128xf32, #tpu.memory_space<vmem>> -> memref<8x128xf32, #tpu.memory_space<vmem>>
    tpu.wait_dma2 semaphore(%dma_wait3A_445 : memref<!tpu.dma_semaphore, #tpu.memory_space<semaphore_mem>>) src(%dma_wait3A_453 : memref<8x128xf32, #tpu.memory_space<vmem>>) dst(%dma_wait3A_449 : memref<8x128xf32, #tpu.memory_space<hbm>>)
    %dma_wait3A_454 = arith.constant 1 : i32
    %dma_wait3A_455 = arith.constant 0 : i32
    %dma_wait3A_456 = arith.constant 0 : i32
    %dma_wait3A_457 = arith.constant 0 : i32
    %dma_wait3A_458 = arith.constant 0 : i32
    %dma_wait3A_459 = arith.constant 1 : i32
    %dma_wait3A_460 = arith.constant 0 : i32
    %dma_wait3A_461 = arith.constant 0 : i32
    %dma_wait3A_462 = tpu.memref_slice %arg8[%dma_wait3A_454, %dma_wait3A_455, %dma_wait3A_460, %dma_wait3A_461] : memref<2x4x32x129xf32, #tpu.memory_space<vmem>> -> memref<1x1x8x128xf32, #tpu.memory_space<vmem>>
    %dma_wait3A_463 = tpu.memref_squeeze %dma_wait3A_462 : memref<1x1x8x128xf32, #tpu.memory_space<vmem>> -> memref<8x128xf32, #tpu.memory_space<vmem>>
    %dma_wait3A_464 = arith.constant 0 : i32
    %dma_wait3A_465 = arith.constant 0 : i32
    %dma_wait3A_466 = tpu.memref_slice %arg5[%dma_wait3A_456, %dma_wait3A_457, %dma_wait3A_458, %dma_wait3A_464, %dma_wait3A_465] : memref<200x4x32x8x128xf32, #tpu.memory_space<hbm>> -> memref<1x1x1x8x128xf32, #tpu.memory_space<hbm>>
    %dma_wait3A_467 = tpu.memref_squeeze %dma_wait3A_466 : memref<1x1x1x8x128xf32, #tpu.memory_space<hbm>> -> memref<8x128xf32, #tpu.memory_space<hbm>>
    %dma_wait3A_468 = tpu.memref_slice %arg11[%dma_wait3A_459] : memref<2x!tpu.dma_semaphore, #tpu.memory_space<semaphore_mem>> -> memref<1x!tpu.dma_semaphore, #tpu.memory_space<semaphore_mem>>
    %dma_wait3A_469 = tpu.memref_squeeze %dma_wait3A_468 : memref<1x!tpu.dma_semaphore, #tpu.memory_space<semaphore_mem>> -> memref<!tpu.dma_semaphore, #tpu.memory_space<semaphore_mem>>
    %dma_wait3A_470 = arith.constant 0 : i32
    %dma_wait3A_471 = arith.constant 0 : i32
    %dma_wait3A_472 = tpu.memref_slice %arg5[%dma_wait3A_456, %dma_wait3A_457, %dma_wait3A_458, %dma_wait3A_470, %dma_wait3A_471] : memref<200x4x32x8x128xf32, #tpu.memory_space<hbm>> -> memref<1x1x1x8x128xf32, #tpu.memory_space<hbm>>
    %dma_wait3A_473 = tpu.memref_squeeze %dma_wait3A_472 : memref<1x1x1x8x128xf32, #tpu.memory_space<hbm>> -> memref<8x128xf32, #tpu.memory_space<hbm>>
    %dma_wait3A_474 = arith.constant 0 : i32
    %dma_wait3A_475 = arith.constant 0 : i32
    %dma_wait3A_476 = tpu.memref_slice %arg8[%dma_wait3A_454, %dma_wait3A_455, %dma_wait3A_474, %dma_wait3A_475] : memref<2x4x32x129xf32, #tpu.memory_space<vmem>> -> memref<1x1x8x128xf32, #tpu.memory_space<vmem>>
    %dma_wait3A_477 = tpu.memref_squeeze %dma_wait3A_476 : memref<1x1x8x128xf32, #tpu.memory_space<vmem>> -> memref<8x128xf32, #tpu.memory_space<vmem>>
    tpu.wait_dma2 semaphore(%dma_wait3A_469 : memref<!tpu.dma_semaphore, #tpu.memory_space<semaphore_mem>>) src(%dma_wait3A_477 : memref<8x128xf32, #tpu.memory_space<vmem>>) dst(%dma_wait3A_473 : memref<8x128xf32, #tpu.memory_space<hbm>>)
    %dma_wait3A_478 = arith.constant 1 : i32
    %dma_wait3A_479 = arith.constant 0 : i32
    %dma_wait3A_480 = arith.constant 0 : i32
    %dma_wait3A_481 = arith.constant 1 : i32
    %dma_wait3A_482 = arith.constant 0 : i32
    %dma_wait3A_483 = arith.constant 1 : i32
    %dma_wait3A_484 = arith.constant 8 : i32
    %dma_wait3A_485 = arith.constant 0 : i32
    %dma_wait3A_486 = tpu.memref_slice %arg8[%dma_wait3A_478, %dma_wait3A_479, %dma_wait3A_484, %dma_wait3A_485] : memref<2x4x32x129xf32, #tpu.memory_space<vmem>> -> memref<1x1x8x128xf32, #tpu.memory_space<vmem>>
    %dma_wait3A_487 = tpu.memref_squeeze %dma_wait3A_486 : memref<1x1x8x128xf32, #tpu.memory_space<vmem>> -> memref<8x128xf32, #tpu.memory_space<vmem>>
    %dma_wait3A_488 = arith.constant 0 : i32
    %dma_wait3A_489 = arith.constant 0 : i32
    %dma_wait3A_490 = tpu.memref_slice %arg5[%dma_wait3A_480, %dma_wait3A_481, %dma_wait3A_482, %dma_wait3A_488, %dma_wait3A_489] : memref<200x4x32x8x128xf32, #tpu.memory_space<hbm>> -> memref<1x1x1x8x128xf32, #tpu.memory_space<hbm>>
    %dma_wait3A_491 = tpu.memref_squeeze %dma_wait3A_490 : memref<1x1x1x8x128xf32, #tpu.memory_space<hbm>> -> memref<8x128xf32, #tpu.memory_space<hbm>>
    %dma_wait3A_492 = tpu.memref_slice %arg11[%dma_wait3A_483] : memref<2x!tpu.dma_semaphore, #tpu.memory_space<semaphore_mem>> -> memref<1x!tpu.dma_semaphore, #tpu.memory_space<semaphore_mem>>
    %dma_wait3A_493 = tpu.memref_squeeze %dma_wait3A_492 : memref<1x!tpu.dma_semaphore, #tpu.memory_space<semaphore_mem>> -> memref<!tpu.dma_semaphore, #tpu.memory_space<semaphore_mem>>
    %dma_wait3A_494 = arith.constant 0 : i32
    %dma_wait3A_495 = arith.constant 0 : i32
    %dma_wait3A_496 = tpu.memref_slice %arg5[%dma_wait3A_480, %dma_wait3A_481, %dma_wait3A_482, %dma_wait3A_494, %dma_wait3A_495] : memref<200x4x32x8x128xf32, #tpu.memory_space<hbm>> -> memref<1x1x1x8x128xf32, #tpu.memory_space<hbm>>
    %dma_wait3A_497 = tpu.memref_squeeze %dma_wait3A_496 : memref<1x1x1x8x128xf32, #tpu.memory_space<hbm>> -> memref<8x128xf32, #tpu.memory_space<hbm>>
    %dma_wait3A_498 = arith.constant 8 : i32
    %dma_wait3A_499 = arith.constant 0 : i32
    %dma_wait3A_500 = tpu.memref_slice %arg8[%dma_wait3A_478, %dma_wait3A_479, %dma_wait3A_498, %dma_wait3A_499] : memref<2x4x32x129xf32, #tpu.memory_space<vmem>> -> memref<1x1x8x128xf32, #tpu.memory_space<vmem>>
    %dma_wait3A_501 = tpu.memref_squeeze %dma_wait3A_500 : memref<1x1x8x128xf32, #tpu.memory_space<vmem>> -> memref<8x128xf32, #tpu.memory_space<vmem>>
    tpu.wait_dma2 semaphore(%dma_wait3A_493 : memref<!tpu.dma_semaphore, #tpu.memory_space<semaphore_mem>>) src(%dma_wait3A_501 : memref<8x128xf32, #tpu.memory_space<vmem>>) dst(%dma_wait3A_497 : memref<8x128xf32, #tpu.memory_space<hbm>>)
    %dma_wait3A_502 = arith.constant 1 : i32
    %dma_wait3A_503 = arith.constant 0 : i32
    %dma_wait3A_504 = arith.constant 0 : i32
    %dma_wait3A_505 = arith.constant 2 : i32
    %dma_wait3A_506 = arith.constant 0 : i32
    %dma_wait3A_507 = arith.constant 1 : i32
    %dma_wait3A_508 = arith.constant 16 : i32
    %dma_wait3A_509 = arith.constant 0 : i32
    %dma_wait3A_510 = tpu.memref_slice %arg8[%dma_wait3A_502, %dma_wait3A_503, %dma_wait3A_508, %dma_wait3A_509] : memref<2x4x32x129xf32, #tpu.memory_space<vmem>> -> memref<1x1x8x128xf32, #tpu.memory_space<vmem>>
    %dma_wait3A_511 = tpu.memref_squeeze %dma_wait3A_510 : memref<1x1x8x128xf32, #tpu.memory_space<vmem>> -> memref<8x128xf32, #tpu.memory_space<vmem>>
    %dma_wait3A_512 = arith.constant 0 : i32
    %dma_wait3A_513 = arith.constant 0 : i32
    %dma_wait3A_514 = tpu.memref_slice %arg5[%dma_wait3A_504, %dma_wait3A_505, %dma_wait3A_506, %dma_wait3A_512, %dma_wait3A_513] : memref<200x4x32x8x128xf32, #tpu.memory_space<hbm>> -> memref<1x1x1x8x128xf32, #tpu.memory_space<hbm>>
    %dma_wait3A_515 = tpu.memref_squeeze %dma_wait3A_514 : memref<1x1x1x8x128xf32, #tpu.memory_space<hbm>> -> memref<8x128xf32, #tpu.memory_space<hbm>>
    %dma_wait3A_516 = tpu.memref_slice %arg11[%dma_wait3A_507] : memref<2x!tpu.dma_semaphore, #tpu.memory_space<semaphore_mem>> -> memref<1x!tpu.dma_semaphore, #tpu.memory_space<semaphore_mem>>
    %dma_wait3A_517 = tpu.memref_squeeze %dma_wait3A_516 : memref<1x!tpu.dma_semaphore, #tpu.memory_space<semaphore_mem>> -> memref<!tpu.dma_semaphore, #tpu.memory_space<semaphore_mem>>
    %dma_wait3A_518 = arith.constant 0 : i32
    %dma_wait3A_519 = arith.constant 0 : i32
    %dma_wait3A_520 = tpu.memref_slice %arg5[%dma_wait3A_504, %dma_wait3A_505, %dma_wait3A_506, %dma_wait3A_518, %dma_wait3A_519] : memref<200x4x32x8x128xf32, #tpu.memory_space<hbm>> -> memref<1x1x1x8x128xf32, #tpu.memory_space<hbm>>
    %dma_wait3A_521 = tpu.memref_squeeze %dma_wait3A_520 : memref<1x1x1x8x128xf32, #tpu.memory_space<hbm>> -> memref<8x128xf32, #tpu.memory_space<hbm>>
    %dma_wait3A_522 = arith.constant 16 : i32
    %dma_wait3A_523 = arith.constant 0 : i32
    %dma_wait3A_524 = tpu.memref_slice %arg8[%dma_wait3A_502, %dma_wait3A_503, %dma_wait3A_522, %dma_wait3A_523] : memref<2x4x32x129xf32, #tpu.memory_space<vmem>> -> memref<1x1x8x128xf32, #tpu.memory_space<vmem>>
    %dma_wait3A_525 = tpu.memref_squeeze %dma_wait3A_524 : memref<1x1x8x128xf32, #tpu.memory_space<vmem>> -> memref<8x128xf32, #tpu.memory_space<vmem>>
    tpu.wait_dma2 semaphore(%dma_wait3A_517 : memref<!tpu.dma_semaphore, #tpu.memory_space<semaphore_mem>>) src(%dma_wait3A_525 : memref<8x128xf32, #tpu.memory_space<vmem>>) dst(%dma_wait3A_521 : memref<8x128xf32, #tpu.memory_space<hbm>>)
    %dma_wait3A_526 = arith.constant 1 : i32
    %dma_wait3A_527 = arith.constant 0 : i32
    %dma_wait3A_528 = arith.constant 0 : i32
    %dma_wait3A_529 = arith.constant 3 : i32
    %dma_wait3A_530 = arith.constant 0 : i32
    %dma_wait3A_531 = arith.constant 1 : i32
    %dma_wait3A_532 = arith.constant 24 : i32
    %dma_wait3A_533 = arith.constant 0 : i32
    %dma_wait3A_534 = tpu.memref_slice %arg8[%dma_wait3A_526, %dma_wait3A_527, %dma_wait3A_532, %dma_wait3A_533] : memref<2x4x32x129xf32, #tpu.memory_space<vmem>> -> memref<1x1x8x128xf32, #tpu.memory_space<vmem>>
    %dma_wait3A_535 = tpu.memref_squeeze %dma_wait3A_534 : memref<1x1x8x128xf32, #tpu.memory_space<vmem>> -> memref<8x128xf32, #tpu.memory_space<vmem>>
    %dma_wait3A_536 = arith.constant 0 : i32
    %dma_wait3A_537 = arith.constant 0 : i32
    %dma_wait3A_538 = tpu.memref_slice %arg5[%dma_wait3A_528, %dma_wait3A_529, %dma_wait3A_530, %dma_wait3A_536, %dma_wait3A_537] : memref<200x4x32x8x128xf32, #tpu.memory_space<hbm>> -> memref<1x1x1x8x128xf32, #tpu.memory_space<hbm>>
    %dma_wait3A_539 = tpu.memref_squeeze %dma_wait3A_538 : memref<1x1x1x8x128xf32, #tpu.memory_space<hbm>> -> memref<8x128xf32, #tpu.memory_space<hbm>>
    %dma_wait3A_540 = tpu.memref_slice %arg11[%dma_wait3A_531] : memref<2x!tpu.dma_semaphore, #tpu.memory_space<semaphore_mem>> -> memref<1x!tpu.dma_semaphore, #tpu.memory_space<semaphore_mem>>
    %dma_wait3A_541 = tpu.memref_squeeze %dma_wait3A_540 : memref<1x!tpu.dma_semaphore, #tpu.memory_space<semaphore_mem>> -> memref<!tpu.dma_semaphore, #tpu.memory_space<semaphore_mem>>
    %dma_wait3A_542 = arith.constant 0 : i32
    %dma_wait3A_543 = arith.constant 0 : i32
    %dma_wait3A_544 = tpu.memref_slice %arg5[%dma_wait3A_528, %dma_wait3A_529, %dma_wait3A_530, %dma_wait3A_542, %dma_wait3A_543] : memref<200x4x32x8x128xf32, #tpu.memory_space<hbm>> -> memref<1x1x1x8x128xf32, #tpu.memory_space<hbm>>
    %dma_wait3A_545 = tpu.memref_squeeze %dma_wait3A_544 : memref<1x1x1x8x128xf32, #tpu.memory_space<hbm>> -> memref<8x128xf32, #tpu.memory_space<hbm>>
    %dma_wait3A_546 = arith.constant 24 : i32
    %dma_wait3A_547 = arith.constant 0 : i32
    %dma_wait3A_548 = tpu.memref_slice %arg8[%dma_wait3A_526, %dma_wait3A_527, %dma_wait3A_546, %dma_wait3A_547] : memref<2x4x32x129xf32, #tpu.memory_space<vmem>> -> memref<1x1x8x128xf32, #tpu.memory_space<vmem>>
    %dma_wait3A_549 = tpu.memref_squeeze %dma_wait3A_548 : memref<1x1x8x128xf32, #tpu.memory_space<vmem>> -> memref<8x128xf32, #tpu.memory_space<vmem>>
    tpu.wait_dma2 semaphore(%dma_wait3A_541 : memref<!tpu.dma_semaphore, #tpu.memory_space<semaphore_mem>>) src(%dma_wait3A_549 : memref<8x128xf32, #tpu.memory_space<vmem>>) dst(%dma_wait3A_545 : memref<8x128xf32, #tpu.memory_space<hbm>>)
    %dma_wait3A_550 = arith.constant 1 : i32
    %dma_wait3A_551 = arith.constant 1 : i32
    %dma_wait3A_552 = arith.constant 0 : i32
    %dma_wait3A_553 = arith.constant 0 : i32
    %dma_wait3A_554 = arith.constant 0 : i32
    %dma_wait3A_555 = arith.constant 1 : i32
    %dma_wait3A_556 = arith.constant 0 : i32
    %dma_wait3A_557 = arith.constant 0 : i32
    %dma_wait3A_558 = tpu.memref_slice %arg8[%dma_wait3A_550, %dma_wait3A_551, %dma_wait3A_556, %dma_wait3A_557] : memref<2x4x32x129xf32, #tpu.memory_space<vmem>> -> memref<1x1x8x128xf32, #tpu.memory_space<vmem>>
    %dma_wait3A_559 = tpu.memref_squeeze %dma_wait3A_558 : memref<1x1x8x128xf32, #tpu.memory_space<vmem>> -> memref<8x128xf32, #tpu.memory_space<vmem>>
    %dma_wait3A_560 = arith.constant 0 : i32
    %dma_wait3A_561 = arith.constant 0 : i32
    %dma_wait3A_562 = tpu.memref_slice %arg5[%dma_wait3A_552, %dma_wait3A_553, %dma_wait3A_554, %dma_wait3A_560, %dma_wait3A_561] : memref<200x4x32x8x128xf32, #tpu.memory_space<hbm>> -> memref<1x1x1x8x128xf32, #tpu.memory_space<hbm>>
    %dma_wait3A_563 = tpu.memref_squeeze %dma_wait3A_562 : memref<1x1x1x8x128xf32, #tpu.memory_space<hbm>> -> memref<8x128xf32, #tpu.memory_space<hbm>>
    %dma_wait3A_564 = tpu.memref_slice %arg11[%dma_wait3A_555] : memref<2x!tpu.dma_semaphore, #tpu.memory_space<semaphore_mem>> -> memref<1x!tpu.dma_semaphore, #tpu.memory_space<semaphore_mem>>
    %dma_wait3A_565 = tpu.memref_squeeze %dma_wait3A_564 : memref<1x!tpu.dma_semaphore, #tpu.memory_space<semaphore_mem>> -> memref<!tpu.dma_semaphore, #tpu.memory_space<semaphore_mem>>
    %dma_wait3A_566 = arith.constant 0 : i32
    %dma_wait3A_567 = arith.constant 0 : i32
    %dma_wait3A_568 = tpu.memref_slice %arg5[%dma_wait3A_552, %dma_wait3A_553, %dma_wait3A_554, %dma_wait3A_566, %dma_wait3A_567] : memref<200x4x32x8x128xf32, #tpu.memory_space<hbm>> -> memref<1x1x1x8x128xf32, #tpu.memory_space<hbm>>
    %dma_wait3A_569 = tpu.memref_squeeze %dma_wait3A_568 : memref<1x1x1x8x128xf32, #tpu.memory_space<hbm>> -> memref<8x128xf32, #tpu.memory_space<hbm>>
    %dma_wait3A_570 = arith.constant 0 : i32
    %dma_wait3A_571 = arith.constant 0 : i32
    %dma_wait3A_572 = tpu.memref_slice %arg8[%dma_wait3A_550, %dma_wait3A_551, %dma_wait3A_570, %dma_wait3A_571] : memref<2x4x32x129xf32, #tpu.memory_space<vmem>> -> memref<1x1x8x128xf32, #tpu.memory_space<vmem>>
    %dma_wait3A_573 = tpu.memref_squeeze %dma_wait3A_572 : memref<1x1x8x128xf32, #tpu.memory_space<vmem>> -> memref<8x128xf32, #tpu.memory_space<vmem>>
    tpu.wait_dma2 semaphore(%dma_wait3A_565 : memref<!tpu.dma_semaphore, #tpu.memory_space<semaphore_mem>>) src(%dma_wait3A_573 : memref<8x128xf32, #tpu.memory_space<vmem>>) dst(%dma_wait3A_569 : memref<8x128xf32, #tpu.memory_space<hbm>>)
    %dma_wait3A_574 = arith.constant 1 : i32
    %dma_wait3A_575 = arith.constant 1 : i32
    %dma_wait3A_576 = arith.constant 0 : i32
    %dma_wait3A_577 = arith.constant 1 : i32
    %dma_wait3A_578 = arith.constant 0 : i32
    %dma_wait3A_579 = arith.constant 1 : i32
    %dma_wait3A_580 = arith.constant 8 : i32
    %dma_wait3A_581 = arith.constant 0 : i32
    %dma_wait3A_582 = tpu.memref_slice %arg8[%dma_wait3A_574, %dma_wait3A_575, %dma_wait3A_580, %dma_wait3A_581] : memref<2x4x32x129xf32, #tpu.memory_space<vmem>> -> memref<1x1x8x128xf32, #tpu.memory_space<vmem>>
    %dma_wait3A_583 = tpu.memref_squeeze %dma_wait3A_582 : memref<1x1x8x128xf32, #tpu.memory_space<vmem>> -> memref<8x128xf32, #tpu.memory_space<vmem>>
    %dma_wait3A_584 = arith.constant 0 : i32
    %dma_wait3A_585 = arith.constant 0 : i32
    %dma_wait3A_586 = tpu.memref_slice %arg5[%dma_wait3A_576, %dma_wait3A_577, %dma_wait3A_578, %dma_wait3A_584, %dma_wait3A_585] : memref<200x4x32x8x128xf32, #tpu.memory_space<hbm>> -> memref<1x1x1x8x128xf32, #tpu.memory_space<hbm>>
    %dma_wait3A_587 = tpu.memref_squeeze %dma_wait3A_586 : memref<1x1x1x8x128xf32, #tpu.memory_space<hbm>> -> memref<8x128xf32, #tpu.memory_space<hbm>>
    %dma_wait3A_588 = tpu.memref_slice %arg11[%dma_wait3A_579] : memref<2x!tpu.dma_semaphore, #tpu.memory_space<semaphore_mem>> -> memref<1x!tpu.dma_semaphore, #tpu.memory_space<semaphore_mem>>
    %dma_wait3A_589 = tpu.memref_squeeze %dma_wait3A_588 : memref<1x!tpu.dma_semaphore, #tpu.memory_space<semaphore_mem>> -> memref<!tpu.dma_semaphore, #tpu.memory_space<semaphore_mem>>
    %dma_wait3A_590 = arith.constant 0 : i32
    %dma_wait3A_591 = arith.constant 0 : i32
    %dma_wait3A_592 = tpu.memref_slice %arg5[%dma_wait3A_576, %dma_wait3A_577, %dma_wait3A_578, %dma_wait3A_590, %dma_wait3A_591] : memref<200x4x32x8x128xf32, #tpu.memory_space<hbm>> -> memref<1x1x1x8x128xf32, #tpu.memory_space<hbm>>
    %dma_wait3A_593 = tpu.memref_squeeze %dma_wait3A_592 : memref<1x1x1x8x128xf32, #tpu.memory_space<hbm>> -> memref<8x128xf32, #tpu.memory_space<hbm>>
    %dma_wait3A_594 = arith.constant 8 : i32
    %dma_wait3A_595 = arith.constant 0 : i32
    %dma_wait3A_596 = tpu.memref_slice %arg8[%dma_wait3A_574, %dma_wait3A_575, %dma_wait3A_594, %dma_wait3A_595] : memref<2x4x32x129xf32, #tpu.memory_space<vmem>> -> memref<1x1x8x128xf32, #tpu.memory_space<vmem>>
    %dma_wait3A_597 = tpu.memref_squeeze %dma_wait3A_596 : memref<1x1x8x128xf32, #tpu.memory_space<vmem>> -> memref<8x128xf32, #tpu.memory_space<vmem>>
    tpu.wait_dma2 semaphore(%dma_wait3A_589 : memref<!tpu.dma_semaphore, #tpu.memory_space<semaphore_mem>>) src(%dma_wait3A_597 : memref<8x128xf32, #tpu.memory_space<vmem>>) dst(%dma_wait3A_593 : memref<8x128xf32, #tpu.memory_space<hbm>>)
    %dma_wait3A_598 = arith.constant 1 : i32
    %dma_wait3A_599 = arith.constant 1 : i32
    %dma_wait3A_600 = arith.constant 0 : i32
    %dma_wait3A_601 = arith.constant 2 : i32
    %dma_wait3A_602 = arith.constant 0 : i32
    %dma_wait3A_603 = arith.constant 1 : i32
    %dma_wait3A_604 = arith.constant 16 : i32
    %dma_wait3A_605 = arith.constant 0 : i32
    %dma_wait3A_606 = tpu.memref_slice %arg8[%dma_wait3A_598, %dma_wait3A_599, %dma_wait3A_604, %dma_wait3A_605] : memref<2x4x32x129xf32, #tpu.memory_space<vmem>> -> memref<1x1x8x128xf32, #tpu.memory_space<vmem>>
    %dma_wait3A_607 = tpu.memref_squeeze %dma_wait3A_606 : memref<1x1x8x128xf32, #tpu.memory_space<vmem>> -> memref<8x128xf32, #tpu.memory_space<vmem>>
    %dma_wait3A_608 = arith.constant 0 : i32
    %dma_wait3A_609 = arith.constant 0 : i32
    %dma_wait3A_610 = tpu.memref_slice %arg5[%dma_wait3A_600, %dma_wait3A_601, %dma_wait3A_602, %dma_wait3A_608, %dma_wait3A_609] : memref<200x4x32x8x128xf32, #tpu.memory_space<hbm>> -> memref<1x1x1x8x128xf32, #tpu.memory_space<hbm>>
    %dma_wait3A_611 = tpu.memref_squeeze %dma_wait3A_610 : memref<1x1x1x8x128xf32, #tpu.memory_space<hbm>> -> memref<8x128xf32, #tpu.memory_space<hbm>>
    %dma_wait3A_612 = tpu.memref_slice %arg11[%dma_wait3A_603] : memref<2x!tpu.dma_semaphore, #tpu.memory_space<semaphore_mem>> -> memref<1x!tpu.dma_semaphore, #tpu.memory_space<semaphore_mem>>
    %dma_wait3A_613 = tpu.memref_squeeze %dma_wait3A_612 : memref<1x!tpu.dma_semaphore, #tpu.memory_space<semaphore_mem>> -> memref<!tpu.dma_semaphore, #tpu.memory_space<semaphore_mem>>
    %dma_wait3A_614 = arith.constant 0 : i32
    %dma_wait3A_615 = arith.constant 0 : i32
    %dma_wait3A_616 = tpu.memref_slice %arg5[%dma_wait3A_600, %dma_wait3A_601, %dma_wait3A_602, %dma_wait3A_614, %dma_wait3A_615] : memref<200x4x32x8x128xf32, #tpu.memory_space<hbm>> -> memref<1x1x1x8x128xf32, #tpu.memory_space<hbm>>
    %dma_wait3A_617 = tpu.memref_squeeze %dma_wait3A_616 : memref<1x1x1x8x128xf32, #tpu.memory_space<hbm>> -> memref<8x128xf32, #tpu.memory_space<hbm>>
    %dma_wait3A_618 = arith.constant 16 : i32
    %dma_wait3A_619 = arith.constant 0 : i32
    %dma_wait3A_620 = tpu.memref_slice %arg8[%dma_wait3A_598, %dma_wait3A_599, %dma_wait3A_618, %dma_wait3A_619] : memref<2x4x32x129xf32, #tpu.memory_space<vmem>> -> memref<1x1x8x128xf32, #tpu.memory_space<vmem>>
    %dma_wait3A_621 = tpu.memref_squeeze %dma_wait3A_620 : memref<1x1x8x128xf32, #tpu.memory_space<vmem>> -> memref<8x128xf32, #tpu.memory_space<vmem>>
    tpu.wait_dma2 semaphore(%dma_wait3A_613 : memref<!tpu.dma_semaphore, #tpu.memory_space<semaphore_mem>>) src(%dma_wait3A_621 : memref<8x128xf32, #tpu.memory_space<vmem>>) dst(%dma_wait3A_617 : memref<8x128xf32, #tpu.memory_space<hbm>>)
    %dma_wait3A_622 = arith.constant 1 : i32
    %dma_wait3A_623 = arith.constant 1 : i32
    %dma_wait3A_624 = arith.constant 0 : i32
    %dma_wait3A_625 = arith.constant 3 : i32
    %dma_wait3A_626 = arith.constant 0 : i32
    %dma_wait3A_627 = arith.constant 1 : i32
    %dma_wait3A_628 = arith.constant 24 : i32
    %dma_wait3A_629 = arith.constant 0 : i32
    %dma_wait3A_630 = tpu.memref_slice %arg8[%dma_wait3A_622, %dma_wait3A_623, %dma_wait3A_628, %dma_wait3A_629] : memref<2x4x32x129xf32, #tpu.memory_space<vmem>> -> memref<1x1x8x128xf32, #tpu.memory_space<vmem>>
    %dma_wait3A_631 = tpu.memref_squeeze %dma_wait3A_630 : memref<1x1x8x128xf32, #tpu.memory_space<vmem>> -> memref<8x128xf32, #tpu.memory_space<vmem>>
    %dma_wait3A_632 = arith.constant 0 : i32
    %dma_wait3A_633 = arith.constant 0 : i32
    %dma_wait3A_634 = tpu.memref_slice %arg5[%dma_wait3A_624, %dma_wait3A_625, %dma_wait3A_626, %dma_wait3A_632, %dma_wait3A_633] : memref<200x4x32x8x128xf32, #tpu.memory_space<hbm>> -> memref<1x1x1x8x128xf32, #tpu.memory_space<hbm>>
    %dma_wait3A_635 = tpu.memref_squeeze %dma_wait3A_634 : memref<1x1x1x8x128xf32, #tpu.memory_space<hbm>> -> memref<8x128xf32, #tpu.memory_space<hbm>>
    %dma_wait3A_636 = tpu.memref_slice %arg11[%dma_wait3A_627] : memref<2x!tpu.dma_semaphore, #tpu.memory_space<semaphore_mem>> -> memref<1x!tpu.dma_semaphore, #tpu.memory_space<semaphore_mem>>
    %dma_wait3A_637 = tpu.memref_squeeze %dma_wait3A_636 : memref<1x!tpu.dma_semaphore, #tpu.memory_space<semaphore_mem>> -> memref<!tpu.dma_semaphore, #tpu.memory_space<semaphore_mem>>
    %dma_wait3A_638 = arith.constant 0 : i32
    %dma_wait3A_639 = arith.constant 0 : i32
    %dma_wait3A_640 = tpu.memref_slice %arg5[%dma_wait3A_624, %dma_wait3A_625, %dma_wait3A_626, %dma_wait3A_638, %dma_wait3A_639] : memref<200x4x32x8x128xf32, #tpu.memory_space<hbm>> -> memref<1x1x1x8x128xf32, #tpu.memory_space<hbm>>
    %dma_wait3A_641 = tpu.memref_squeeze %dma_wait3A_640 : memref<1x1x1x8x128xf32, #tpu.memory_space<hbm>> -> memref<8x128xf32, #tpu.memory_space<hbm>>
    %dma_wait3A_642 = arith.constant 24 : i32
    %dma_wait3A_643 = arith.constant 0 : i32
    %dma_wait3A_644 = tpu.memref_slice %arg8[%dma_wait3A_622, %dma_wait3A_623, %dma_wait3A_642, %dma_wait3A_643] : memref<2x4x32x129xf32, #tpu.memory_space<vmem>> -> memref<1x1x8x128xf32, #tpu.memory_space<vmem>>
    %dma_wait3A_645 = tpu.memref_squeeze %dma_wait3A_644 : memref<1x1x8x128xf32, #tpu.memory_space<vmem>> -> memref<8x128xf32, #tpu.memory_space<vmem>>
    tpu.wait_dma2 semaphore(%dma_wait3A_637 : memref<!tpu.dma_semaphore, #tpu.memory_space<semaphore_mem>>) src(%dma_wait3A_645 : memref<8x128xf32, #tpu.memory_space<vmem>>) dst(%dma_wait3A_641 : memref<8x128xf32, #tpu.memory_space<hbm>>)
    %dma_wait3A_646 = arith.constant 1 : i32
    %dma_wait3A_647 = arith.constant 2 : i32
    %dma_wait3A_648 = arith.constant 0 : i32
    %dma_wait3A_649 = arith.constant 0 : i32
    %dma_wait3A_650 = arith.constant 0 : i32
    %dma_wait3A_651 = arith.constant 1 : i32
    %dma_wait3A_652 = arith.constant 0 : i32
    %dma_wait3A_653 = arith.constant 0 : i32
    %dma_wait3A_654 = tpu.memref_slice %arg8[%dma_wait3A_646, %dma_wait3A_647, %dma_wait3A_652, %dma_wait3A_653] : memref<2x4x32x129xf32, #tpu.memory_space<vmem>> -> memref<1x1x8x128xf32, #tpu.memory_space<vmem>>
    %dma_wait3A_655 = tpu.memref_squeeze %dma_wait3A_654 : memref<1x1x8x128xf32, #tpu.memory_space<vmem>> -> memref<8x128xf32, #tpu.memory_space<vmem>>
    %dma_wait3A_656 = arith.constant 0 : i32
    %dma_wait3A_657 = arith.constant 0 : i32
    %dma_wait3A_658 = tpu.memref_slice %arg5[%dma_wait3A_648, %dma_wait3A_649, %dma_wait3A_650, %dma_wait3A_656, %dma_wait3A_657] : memref<200x4x32x8x128xf32, #tpu.memory_space<hbm>> -> memref<1x1x1x8x128xf32, #tpu.memory_space<hbm>>
    %dma_wait3A_659 = tpu.memref_squeeze %dma_wait3A_658 : memref<1x1x1x8x128xf32, #tpu.memory_space<hbm>> -> memref<8x128xf32, #tpu.memory_space<hbm>>
    %dma_wait3A_660 = tpu.memref_slice %arg11[%dma_wait3A_651] : memref<2x!tpu.dma_semaphore, #tpu.memory_space<semaphore_mem>> -> memref<1x!tpu.dma_semaphore, #tpu.memory_space<semaphore_mem>>
    %dma_wait3A_661 = tpu.memref_squeeze %dma_wait3A_660 : memref<1x!tpu.dma_semaphore, #tpu.memory_space<semaphore_mem>> -> memref<!tpu.dma_semaphore, #tpu.memory_space<semaphore_mem>>
    %dma_wait3A_662 = arith.constant 0 : i32
    %dma_wait3A_663 = arith.constant 0 : i32
    %dma_wait3A_664 = tpu.memref_slice %arg5[%dma_wait3A_648, %dma_wait3A_649, %dma_wait3A_650, %dma_wait3A_662, %dma_wait3A_663] : memref<200x4x32x8x128xf32, #tpu.memory_space<hbm>> -> memref<1x1x1x8x128xf32, #tpu.memory_space<hbm>>
    %dma_wait3A_665 = tpu.memref_squeeze %dma_wait3A_664 : memref<1x1x1x8x128xf32, #tpu.memory_space<hbm>> -> memref<8x128xf32, #tpu.memory_space<hbm>>
    %dma_wait3A_666 = arith.constant 0 : i32
    %dma_wait3A_667 = arith.constant 0 : i32
    %dma_wait3A_668 = tpu.memref_slice %arg8[%dma_wait3A_646, %dma_wait3A_647, %dma_wait3A_666, %dma_wait3A_667] : memref<2x4x32x129xf32, #tpu.memory_space<vmem>> -> memref<1x1x8x128xf32, #tpu.memory_space<vmem>>
    %dma_wait3A_669 = tpu.memref_squeeze %dma_wait3A_668 : memref<1x1x8x128xf32, #tpu.memory_space<vmem>> -> memref<8x128xf32, #tpu.memory_space<vmem>>
    tpu.wait_dma2 semaphore(%dma_wait3A_661 : memref<!tpu.dma_semaphore, #tpu.memory_space<semaphore_mem>>) src(%dma_wait3A_669 : memref<8x128xf32, #tpu.memory_space<vmem>>) dst(%dma_wait3A_665 : memref<8x128xf32, #tpu.memory_space<hbm>>)
    %dma_wait3A_670 = arith.constant 1 : i32
    %dma_wait3A_671 = arith.constant 2 : i32
    %dma_wait3A_672 = arith.constant 0 : i32
    %dma_wait3A_673 = arith.constant 1 : i32
    %dma_wait3A_674 = arith.constant 0 : i32
    %dma_wait3A_675 = arith.constant 1 : i32
    %dma_wait3A_676 = arith.constant 8 : i32
    %dma_wait3A_677 = arith.constant 0 : i32
    %dma_wait3A_678 = tpu.memref_slice %arg8[%dma_wait3A_670, %dma_wait3A_671, %dma_wait3A_676, %dma_wait3A_677] : memref<2x4x32x129xf32, #tpu.memory_space<vmem>> -> memref<1x1x8x128xf32, #tpu.memory_space<vmem>>
    %dma_wait3A_679 = tpu.memref_squeeze %dma_wait3A_678 : memref<1x1x8x128xf32, #tpu.memory_space<vmem>> -> memref<8x128xf32, #tpu.memory_space<vmem>>
    %dma_wait3A_680 = arith.constant 0 : i32
    %dma_wait3A_681 = arith.constant 0 : i32
    %dma_wait3A_682 = tpu.memref_slice %arg5[%dma_wait3A_672, %dma_wait3A_673, %dma_wait3A_674, %dma_wait3A_680, %dma_wait3A_681] : memref<200x4x32x8x128xf32, #tpu.memory_space<hbm>> -> memref<1x1x1x8x128xf32, #tpu.memory_space<hbm>>
    %dma_wait3A_683 = tpu.memref_squeeze %dma_wait3A_682 : memref<1x1x1x8x128xf32, #tpu.memory_space<hbm>> -> memref<8x128xf32, #tpu.memory_space<hbm>>
    %dma_wait3A_684 = tpu.memref_slice %arg11[%dma_wait3A_675] : memref<2x!tpu.dma_semaphore, #tpu.memory_space<semaphore_mem>> -> memref<1x!tpu.dma_semaphore, #tpu.memory_space<semaphore_mem>>
    %dma_wait3A_685 = tpu.memref_squeeze %dma_wait3A_684 : memref<1x!tpu.dma_semaphore, #tpu.memory_space<semaphore_mem>> -> memref<!tpu.dma_semaphore, #tpu.memory_space<semaphore_mem>>
    %dma_wait3A_686 = arith.constant 0 : i32
    %dma_wait3A_687 = arith.constant 0 : i32
    %dma_wait3A_688 = tpu.memref_slice %arg5[%dma_wait3A_672, %dma_wait3A_673, %dma_wait3A_674, %dma_wait3A_686, %dma_wait3A_687] : memref<200x4x32x8x128xf32, #tpu.memory_space<hbm>> -> memref<1x1x1x8x128xf32, #tpu.memory_space<hbm>>
    %dma_wait3A_689 = tpu.memref_squeeze %dma_wait3A_688 : memref<1x1x1x8x128xf32, #tpu.memory_space<hbm>> -> memref<8x128xf32, #tpu.memory_space<hbm>>
    %dma_wait3A_690 = arith.constant 8 : i32
    %dma_wait3A_691 = arith.constant 0 : i32
    %dma_wait3A_692 = tpu.memref_slice %arg8[%dma_wait3A_670, %dma_wait3A_671, %dma_wait3A_690, %dma_wait3A_691] : memref<2x4x32x129xf32, #tpu.memory_space<vmem>> -> memref<1x1x8x128xf32, #tpu.memory_space<vmem>>
    %dma_wait3A_693 = tpu.memref_squeeze %dma_wait3A_692 : memref<1x1x8x128xf32, #tpu.memory_space<vmem>> -> memref<8x128xf32, #tpu.memory_space<vmem>>
    tpu.wait_dma2 semaphore(%dma_wait3A_685 : memref<!tpu.dma_semaphore, #tpu.memory_space<semaphore_mem>>) src(%dma_wait3A_693 : memref<8x128xf32, #tpu.memory_space<vmem>>) dst(%dma_wait3A_689 : memref<8x128xf32, #tpu.memory_space<hbm>>)
    %dma_wait3A_694 = arith.constant 1 : i32
    %dma_wait3A_695 = arith.constant 2 : i32
    %dma_wait3A_696 = arith.constant 0 : i32
    %dma_wait3A_697 = arith.constant 2 : i32
    %dma_wait3A_698 = arith.constant 0 : i32
    %dma_wait3A_699 = arith.constant 1 : i32
    %dma_wait3A_700 = arith.constant 16 : i32
    %dma_wait3A_701 = arith.constant 0 : i32
    %dma_wait3A_702 = tpu.memref_slice %arg8[%dma_wait3A_694, %dma_wait3A_695, %dma_wait3A_700, %dma_wait3A_701] : memref<2x4x32x129xf32, #tpu.memory_space<vmem>> -> memref<1x1x8x128xf32, #tpu.memory_space<vmem>>
    %dma_wait3A_703 = tpu.memref_squeeze %dma_wait3A_702 : memref<1x1x8x128xf32, #tpu.memory_space<vmem>> -> memref<8x128xf32, #tpu.memory_space<vmem>>
    %dma_wait3A_704 = arith.constant 0 : i32
    %dma_wait3A_705 = arith.constant 0 : i32
    %dma_wait3A_706 = tpu.memref_slice %arg5[%dma_wait3A_696, %dma_wait3A_697, %dma_wait3A_698, %dma_wait3A_704, %dma_wait3A_705] : memref<200x4x32x8x128xf32, #tpu.memory_space<hbm>> -> memref<1x1x1x8x128xf32, #tpu.memory_space<hbm>>
    %dma_wait3A_707 = tpu.memref_squeeze %dma_wait3A_706 : memref<1x1x1x8x128xf32, #tpu.memory_space<hbm>> -> memref<8x128xf32, #tpu.memory_space<hbm>>
    %dma_wait3A_708 = tpu.memref_slice %arg11[%dma_wait3A_699] : memref<2x!tpu.dma_semaphore, #tpu.memory_space<semaphore_mem>> -> memref<1x!tpu.dma_semaphore, #tpu.memory_space<semaphore_mem>>
    %dma_wait3A_709 = tpu.memref_squeeze %dma_wait3A_708 : memref<1x!tpu.dma_semaphore, #tpu.memory_space<semaphore_mem>> -> memref<!tpu.dma_semaphore, #tpu.memory_space<semaphore_mem>>
    %dma_wait3A_710 = arith.constant 0 : i32
    %dma_wait3A_711 = arith.constant 0 : i32
    %dma_wait3A_712 = tpu.memref_slice %arg5[%dma_wait3A_696, %dma_wait3A_697, %dma_wait3A_698, %dma_wait3A_710, %dma_wait3A_711] : memref<200x4x32x8x128xf32, #tpu.memory_space<hbm>> -> memref<1x1x1x8x128xf32, #tpu.memory_space<hbm>>
    %dma_wait3A_713 = tpu.memref_squeeze %dma_wait3A_712 : memref<1x1x1x8x128xf32, #tpu.memory_space<hbm>> -> memref<8x128xf32, #tpu.memory_space<hbm>>
    %dma_wait3A_714 = arith.constant 16 : i32
    %dma_wait3A_715 = arith.constant 0 : i32
    %dma_wait3A_716 = tpu.memref_slice %arg8[%dma_wait3A_694, %dma_wait3A_695, %dma_wait3A_714, %dma_wait3A_715] : memref<2x4x32x129xf32, #tpu.memory_space<vmem>> -> memref<1x1x8x128xf32, #tpu.memory_space<vmem>>
    %dma_wait3A_717 = tpu.memref_squeeze %dma_wait3A_716 : memref<1x1x8x128xf32, #tpu.memory_space<vmem>> -> memref<8x128xf32, #tpu.memory_space<vmem>>
    tpu.wait_dma2 semaphore(%dma_wait3A_709 : memref<!tpu.dma_semaphore, #tpu.memory_space<semaphore_mem>>) src(%dma_wait3A_717 : memref<8x128xf32, #tpu.memory_space<vmem>>) dst(%dma_wait3A_713 : memref<8x128xf32, #tpu.memory_space<hbm>>)
    %dma_wait3A_718 = arith.constant 1 : i32
    %dma_wait3A_719 = arith.constant 2 : i32
    %dma_wait3A_720 = arith.constant 0 : i32
    %dma_wait3A_721 = arith.constant 3 : i32
    %dma_wait3A_722 = arith.constant 0 : i32
    %dma_wait3A_723 = arith.constant 1 : i32
    %dma_wait3A_724 = arith.constant 24 : i32
    %dma_wait3A_725 = arith.constant 0 : i32
    %dma_wait3A_726 = tpu.memref_slice %arg8[%dma_wait3A_718, %dma_wait3A_719, %dma_wait3A_724, %dma_wait3A_725] : memref<2x4x32x129xf32, #tpu.memory_space<vmem>> -> memref<1x1x8x128xf32, #tpu.memory_space<vmem>>
    %dma_wait3A_727 = tpu.memref_squeeze %dma_wait3A_726 : memref<1x1x8x128xf32, #tpu.memory_space<vmem>> -> memref<8x128xf32, #tpu.memory_space<vmem>>
    %dma_wait3A_728 = arith.constant 0 : i32
    %dma_wait3A_729 = arith.constant 0 : i32
    %dma_wait3A_730 = tpu.memref_slice %arg5[%dma_wait3A_720, %dma_wait3A_721, %dma_wait3A_722, %dma_wait3A_728, %dma_wait3A_729] : memref<200x4x32x8x128xf32, #tpu.memory_space<hbm>> -> memref<1x1x1x8x128xf32, #tpu.memory_space<hbm>>
    %dma_wait3A_731 = tpu.memref_squeeze %dma_wait3A_730 : memref<1x1x1x8x128xf32, #tpu.memory_space<hbm>> -> memref<8x128xf32, #tpu.memory_space<hbm>>
    %dma_wait3A_732 = tpu.memref_slice %arg11[%dma_wait3A_723] : memref<2x!tpu.dma_semaphore, #tpu.memory_space<semaphore_mem>> -> memref<1x!tpu.dma_semaphore, #tpu.memory_space<semaphore_mem>>
    %dma_wait3A_733 = tpu.memref_squeeze %dma_wait3A_732 : memref<1x!tpu.dma_semaphore, #tpu.memory_space<semaphore_mem>> -> memref<!tpu.dma_semaphore, #tpu.memory_space<semaphore_mem>>
    %dma_wait3A_734 = arith.constant 0 : i32
    %dma_wait3A_735 = arith.constant 0 : i32
    %dma_wait3A_736 = tpu.memref_slice %arg5[%dma_wait3A_720, %dma_wait3A_721, %dma_wait3A_722, %dma_wait3A_734, %dma_wait3A_735] : memref<200x4x32x8x128xf32, #tpu.memory_space<hbm>> -> memref<1x1x1x8x128xf32, #tpu.memory_space<hbm>>
    %dma_wait3A_737 = tpu.memref_squeeze %dma_wait3A_736 : memref<1x1x1x8x128xf32, #tpu.memory_space<hbm>> -> memref<8x128xf32, #tpu.memory_space<hbm>>
    %dma_wait3A_738 = arith.constant 24 : i32
    %dma_wait3A_739 = arith.constant 0 : i32
    %dma_wait3A_740 = tpu.memref_slice %arg8[%dma_wait3A_718, %dma_wait3A_719, %dma_wait3A_738, %dma_wait3A_739] : memref<2x4x32x129xf32, #tpu.memory_space<vmem>> -> memref<1x1x8x128xf32, #tpu.memory_space<vmem>>
    %dma_wait3A_741 = tpu.memref_squeeze %dma_wait3A_740 : memref<1x1x8x128xf32, #tpu.memory_space<vmem>> -> memref<8x128xf32, #tpu.memory_space<vmem>>
    tpu.wait_dma2 semaphore(%dma_wait3A_733 : memref<!tpu.dma_semaphore, #tpu.memory_space<semaphore_mem>>) src(%dma_wait3A_741 : memref<8x128xf32, #tpu.memory_space<vmem>>) dst(%dma_wait3A_737 : memref<8x128xf32, #tpu.memory_space<hbm>>)
    %dma_wait3A_742 = arith.constant 1 : i32
    %dma_wait3A_743 = arith.constant 3 : i32
    %dma_wait3A_744 = arith.constant 0 : i32
    %dma_wait3A_745 = arith.constant 0 : i32
    %dma_wait3A_746 = arith.constant 0 : i32
    %dma_wait3A_747 = arith.constant 1 : i32
    %dma_wait3A_748 = arith.constant 0 : i32
    %dma_wait3A_749 = arith.constant 0 : i32
    %dma_wait3A_750 = tpu.memref_slice %arg8[%dma_wait3A_742, %dma_wait3A_743, %dma_wait3A_748, %dma_wait3A_749] : memref<2x4x32x129xf32, #tpu.memory_space<vmem>> -> memref<1x1x8x128xf32, #tpu.memory_space<vmem>>
    %dma_wait3A_751 = tpu.memref_squeeze %dma_wait3A_750 : memref<1x1x8x128xf32, #tpu.memory_space<vmem>> -> memref<8x128xf32, #tpu.memory_space<vmem>>
    %dma_wait3A_752 = arith.constant 0 : i32
    %dma_wait3A_753 = arith.constant 0 : i32
    %dma_wait3A_754 = tpu.memref_slice %arg5[%dma_wait3A_744, %dma_wait3A_745, %dma_wait3A_746, %dma_wait3A_752, %dma_wait3A_753] : memref<200x4x32x8x128xf32, #tpu.memory_space<hbm>> -> memref<1x1x1x8x128xf32, #tpu.memory_space<hbm>>
    %dma_wait3A_755 = tpu.memref_squeeze %dma_wait3A_754 : memref<1x1x1x8x128xf32, #tpu.memory_space<hbm>> -> memref<8x128xf32, #tpu.memory_space<hbm>>
    %dma_wait3A_756 = tpu.memref_slice %arg11[%dma_wait3A_747] : memref<2x!tpu.dma_semaphore, #tpu.memory_space<semaphore_mem>> -> memref<1x!tpu.dma_semaphore, #tpu.memory_space<semaphore_mem>>
    %dma_wait3A_757 = tpu.memref_squeeze %dma_wait3A_756 : memref<1x!tpu.dma_semaphore, #tpu.memory_space<semaphore_mem>> -> memref<!tpu.dma_semaphore, #tpu.memory_space<semaphore_mem>>
    %dma_wait3A_758 = arith.constant 0 : i32
    %dma_wait3A_759 = arith.constant 0 : i32
    %dma_wait3A_760 = tpu.memref_slice %arg5[%dma_wait3A_744, %dma_wait3A_745, %dma_wait3A_746, %dma_wait3A_758, %dma_wait3A_759] : memref<200x4x32x8x128xf32, #tpu.memory_space<hbm>> -> memref<1x1x1x8x128xf32, #tpu.memory_space<hbm>>
    %dma_wait3A_761 = tpu.memref_squeeze %dma_wait3A_760 : memref<1x1x1x8x128xf32, #tpu.memory_space<hbm>> -> memref<8x128xf32, #tpu.memory_space<hbm>>
    %dma_wait3A_762 = arith.constant 0 : i32
    %dma_wait3A_763 = arith.constant 0 : i32
    %dma_wait3A_764 = tpu.memref_slice %arg8[%dma_wait3A_742, %dma_wait3A_743, %dma_wait3A_762, %dma_wait3A_763] : memref<2x4x32x129xf32, #tpu.memory_space<vmem>> -> memref<1x1x8x128xf32, #tpu.memory_space<vmem>>
    %dma_wait3A_765 = tpu.memref_squeeze %dma_wait3A_764 : memref<1x1x8x128xf32, #tpu.memory_space<vmem>> -> memref<8x128xf32, #tpu.memory_space<vmem>>
    tpu.wait_dma2 semaphore(%dma_wait3A_757 : memref<!tpu.dma_semaphore, #tpu.memory_space<semaphore_mem>>) src(%dma_wait3A_765 : memref<8x128xf32, #tpu.memory_space<vmem>>) dst(%dma_wait3A_761 : memref<8x128xf32, #tpu.memory_space<hbm>>)
    %dma_wait3A_766 = arith.constant 1 : i32
    %dma_wait3A_767 = arith.constant 3 : i32
    %dma_wait3A_768 = arith.constant 0 : i32
    %dma_wait3A_769 = arith.constant 1 : i32
    %dma_wait3A_770 = arith.constant 0 : i32
    %dma_wait3A_771 = arith.constant 1 : i32
    %dma_wait3A_772 = arith.constant 8 : i32
    %dma_wait3A_773 = arith.constant 0 : i32
    %dma_wait3A_774 = tpu.memref_slice %arg8[%dma_wait3A_766, %dma_wait3A_767, %dma_wait3A_772, %dma_wait3A_773] : memref<2x4x32x129xf32, #tpu.memory_space<vmem>> -> memref<1x1x8x128xf32, #tpu.memory_space<vmem>>
    %dma_wait3A_775 = tpu.memref_squeeze %dma_wait3A_774 : memref<1x1x8x128xf32, #tpu.memory_space<vmem>> -> memref<8x128xf32, #tpu.memory_space<vmem>>
    %dma_wait3A_776 = arith.constant 0 : i32
    %dma_wait3A_777 = arith.constant 0 : i32
    %dma_wait3A_778 = tpu.memref_slice %arg5[%dma_wait3A_768, %dma_wait3A_769, %dma_wait3A_770, %dma_wait3A_776, %dma_wait3A_777] : memref<200x4x32x8x128xf32, #tpu.memory_space<hbm>> -> memref<1x1x1x8x128xf32, #tpu.memory_space<hbm>>
    %dma_wait3A_779 = tpu.memref_squeeze %dma_wait3A_778 : memref<1x1x1x8x128xf32, #tpu.memory_space<hbm>> -> memref<8x128xf32, #tpu.memory_space<hbm>>
    %dma_wait3A_780 = tpu.memref_slice %arg11[%dma_wait3A_771] : memref<2x!tpu.dma_semaphore, #tpu.memory_space<semaphore_mem>> -> memref<1x!tpu.dma_semaphore, #tpu.memory_space<semaphore_mem>>
    %dma_wait3A_781 = tpu.memref_squeeze %dma_wait3A_780 : memref<1x!tpu.dma_semaphore, #tpu.memory_space<semaphore_mem>> -> memref<!tpu.dma_semaphore, #tpu.memory_space<semaphore_mem>>
    %dma_wait3A_782 = arith.constant 0 : i32
    %dma_wait3A_783 = arith.constant 0 : i32
    %dma_wait3A_784 = tpu.memref_slice %arg5[%dma_wait3A_768, %dma_wait3A_769, %dma_wait3A_770, %dma_wait3A_782, %dma_wait3A_783] : memref<200x4x32x8x128xf32, #tpu.memory_space<hbm>> -> memref<1x1x1x8x128xf32, #tpu.memory_space<hbm>>
    %dma_wait3A_785 = tpu.memref_squeeze %dma_wait3A_784 : memref<1x1x1x8x128xf32, #tpu.memory_space<hbm>> -> memref<8x128xf32, #tpu.memory_space<hbm>>
    %dma_wait3A_786 = arith.constant 8 : i32
    %dma_wait3A_787 = arith.constant 0 : i32
    %dma_wait3A_788 = tpu.memref_slice %arg8[%dma_wait3A_766, %dma_wait3A_767, %dma_wait3A_786, %dma_wait3A_787] : memref<2x4x32x129xf32, #tpu.memory_space<vmem>> -> memref<1x1x8x128xf32, #tpu.memory_space<vmem>>
    %dma_wait3A_789 = tpu.memref_squeeze %dma_wait3A_788 : memref<1x1x8x128xf32, #tpu.memory_space<vmem>> -> memref<8x128xf32, #tpu.memory_space<vmem>>
    tpu.wait_dma2 semaphore(%dma_wait3A_781 : memref<!tpu.dma_semaphore, #tpu.memory_space<semaphore_mem>>) src(%dma_wait3A_789 : memref<8x128xf32, #tpu.memory_space<vmem>>) dst(%dma_wait3A_785 : memref<8x128xf32, #tpu.memory_space<hbm>>)
    %dma_wait3A_790 = arith.constant 1 : i32
    %dma_wait3A_791 = arith.constant 3 : i32
    %dma_wait3A_792 = arith.constant 0 : i32
    %dma_wait3A_793 = arith.constant 2 : i32
    %dma_wait3A_794 = arith.constant 0 : i32
    %dma_wait3A_795 = arith.constant 1 : i32
    %dma_wait3A_796 = arith.constant 16 : i32
    %dma_wait3A_797 = arith.constant 0 : i32
    %dma_wait3A_798 = tpu.memref_slice %arg8[%dma_wait3A_790, %dma_wait3A_791, %dma_wait3A_796, %dma_wait3A_797] : memref<2x4x32x129xf32, #tpu.memory_space<vmem>> -> memref<1x1x8x128xf32, #tpu.memory_space<vmem>>
    %dma_wait3A_799 = tpu.memref_squeeze %dma_wait3A_798 : memref<1x1x8x128xf32, #tpu.memory_space<vmem>> -> memref<8x128xf32, #tpu.memory_space<vmem>>
    %dma_wait3A_800 = arith.constant 0 : i32
    %dma_wait3A_801 = arith.constant 0 : i32
    %dma_wait3A_802 = tpu.memref_slice %arg5[%dma_wait3A_792, %dma_wait3A_793, %dma_wait3A_794, %dma_wait3A_800, %dma_wait3A_801] : memref<200x4x32x8x128xf32, #tpu.memory_space<hbm>> -> memref<1x1x1x8x128xf32, #tpu.memory_space<hbm>>
    %dma_wait3A_803 = tpu.memref_squeeze %dma_wait3A_802 : memref<1x1x1x8x128xf32, #tpu.memory_space<hbm>> -> memref<8x128xf32, #tpu.memory_space<hbm>>
    %dma_wait3A_804 = tpu.memref_slice %arg11[%dma_wait3A_795] : memref<2x!tpu.dma_semaphore, #tpu.memory_space<semaphore_mem>> -> memref<1x!tpu.dma_semaphore, #tpu.memory_space<semaphore_mem>>
    %dma_wait3A_805 = tpu.memref_squeeze %dma_wait3A_804 : memref<1x!tpu.dma_semaphore, #tpu.memory_space<semaphore_mem>> -> memref<!tpu.dma_semaphore, #tpu.memory_space<semaphore_mem>>
    %dma_wait3A_806 = arith.constant 0 : i32
    %dma_wait3A_807 = arith.constant 0 : i32
    %dma_wait3A_808 = tpu.memref_slice %arg5[%dma_wait3A_792, %dma_wait3A_793, %dma_wait3A_794, %dma_wait3A_806, %dma_wait3A_807] : memref<200x4x32x8x128xf32, #tpu.memory_space<hbm>> -> memref<1x1x1x8x128xf32, #tpu.memory_space<hbm>>
    %dma_wait3A_809 = tpu.memref_squeeze %dma_wait3A_808 : memref<1x1x1x8x128xf32, #tpu.memory_space<hbm>> -> memref<8x128xf32, #tpu.memory_space<hbm>>
    %dma_wait3A_810 = arith.constant 16 : i32
    %dma_wait3A_811 = arith.constant 0 : i32
    %dma_wait3A_812 = tpu.memref_slice %arg8[%dma_wait3A_790, %dma_wait3A_791, %dma_wait3A_810, %dma_wait3A_811] : memref<2x4x32x129xf32, #tpu.memory_space<vmem>> -> memref<1x1x8x128xf32, #tpu.memory_space<vmem>>
    %dma_wait3A_813 = tpu.memref_squeeze %dma_wait3A_812 : memref<1x1x8x128xf32, #tpu.memory_space<vmem>> -> memref<8x128xf32, #tpu.memory_space<vmem>>
    tpu.wait_dma2 semaphore(%dma_wait3A_805 : memref<!tpu.dma_semaphore, #tpu.memory_space<semaphore_mem>>) src(%dma_wait3A_813 : memref<8x128xf32, #tpu.memory_space<vmem>>) dst(%dma_wait3A_809 : memref<8x128xf32, #tpu.memory_space<hbm>>)
    %dma_wait3A_814 = arith.constant 1 : i32
    %dma_wait3A_815 = arith.constant 3 : i32
    %dma_wait3A_816 = arith.constant 0 : i32
    %dma_wait3A_817 = arith.constant 3 : i32
    %dma_wait3A_818 = arith.constant 0 : i32
    %dma_wait3A_819 = arith.constant 1 : i32
    %dma_wait3A_820 = arith.constant 24 : i32
    %dma_wait3A_821 = arith.constant 0 : i32
    %dma_wait3A_822 = tpu.memref_slice %arg8[%dma_wait3A_814, %dma_wait3A_815, %dma_wait3A_820, %dma_wait3A_821] : memref<2x4x32x129xf32, #tpu.memory_space<vmem>> -> memref<1x1x8x128xf32, #tpu.memory_space<vmem>>
    %dma_wait3A_823 = tpu.memref_squeeze %dma_wait3A_822 : memref<1x1x8x128xf32, #tpu.memory_space<vmem>> -> memref<8x128xf32, #tpu.memory_space<vmem>>
    %dma_wait3A_824 = arith.constant 0 : i32
    %dma_wait3A_825 = arith.constant 0 : i32
    %dma_wait3A_826 = tpu.memref_slice %arg5[%dma_wait3A_816, %dma_wait3A_817, %dma_wait3A_818, %dma_wait3A_824, %dma_wait3A_825] : memref<200x4x32x8x128xf32, #tpu.memory_space<hbm>> -> memref<1x1x1x8x128xf32, #tpu.memory_space<hbm>>
    %dma_wait3A_827 = tpu.memref_squeeze %dma_wait3A_826 : memref<1x1x1x8x128xf32, #tpu.memory_space<hbm>> -> memref<8x128xf32, #tpu.memory_space<hbm>>
    %dma_wait3A_828 = tpu.memref_slice %arg11[%dma_wait3A_819] : memref<2x!tpu.dma_semaphore, #tpu.memory_space<semaphore_mem>> -> memref<1x!tpu.dma_semaphore, #tpu.memory_space<semaphore_mem>>
    %dma_wait3A_829 = tpu.memref_squeeze %dma_wait3A_828 : memref<1x!tpu.dma_semaphore, #tpu.memory_space<semaphore_mem>> -> memref<!tpu.dma_semaphore, #tpu.memory_space<semaphore_mem>>
    %dma_wait3A_830 = arith.constant 0 : i32
    %dma_wait3A_831 = arith.constant 0 : i32
    %dma_wait3A_832 = tpu.memref_slice %arg5[%dma_wait3A_816, %dma_wait3A_817, %dma_wait3A_818, %dma_wait3A_830, %dma_wait3A_831] : memref<200x4x32x8x128xf32, #tpu.memory_space<hbm>> -> memref<1x1x1x8x128xf32, #tpu.memory_space<hbm>>
    %dma_wait3A_833 = tpu.memref_squeeze %dma_wait3A_832 : memref<1x1x1x8x128xf32, #tpu.memory_space<hbm>> -> memref<8x128xf32, #tpu.memory_space<hbm>>
    %dma_wait3A_834 = arith.constant 24 : i32
    %dma_wait3A_835 = arith.constant 0 : i32
    %dma_wait3A_836 = tpu.memref_slice %arg8[%dma_wait3A_814, %dma_wait3A_815, %dma_wait3A_834, %dma_wait3A_835] : memref<2x4x32x129xf32, #tpu.memory_space<vmem>> -> memref<1x1x8x128xf32, #tpu.memory_space<vmem>>
    %dma_wait3A_837 = tpu.memref_squeeze %dma_wait3A_836 : memref<1x1x8x128xf32, #tpu.memory_space<vmem>> -> memref<8x128xf32, #tpu.memory_space<vmem>>
    tpu.wait_dma2 semaphore(%dma_wait3A_829 : memref<!tpu.dma_semaphore, #tpu.memory_space<semaphore_mem>>) src(%dma_wait3A_837 : memref<8x128xf32, #tpu.memory_space<vmem>>) dst(%dma_wait3A_833 : memref<8x128xf32, #tpu.memory_space<hbm>>)
    return
  }
}

</mosaic_0001>

<sc_bundles>
// kernel: _emb.3.cloned.1.call-start
scs
__scs_entry_jumppad:
0x0: {  	(pc) =	sbr.rel $0x88, $3  }
0x1: {  	(tag) =	ssettag $0x0;
	lr =	simm.s32 $0x1  }
0x2: {  	[smem:$0x3F9E] =	sst lr;
	_ =	strace $0xD0000000  }
0x3: {  	_ = 	snop  }
0x4: {  	_ = 	snop  }
0x5: {  	_ = 	snop  }
0x6: {  	_ = 	snop  }
0x7: {  	_ = 	snop  }
__scs_overlays_trampoline_lowered:
0x8: {  	[smem:$0x3FAD] =	sst s0  }
0x9: {  	[smem:$0x3FAE] =	sst s1  }
0xa: {  	[smem:$0x3FAF] =	sst s2  }
0xb: {  	[smem:$0x3FB0] =	sst s3  }
0xc: {  	[smem:$0x3FB1] =	sst s4  }
0xd: {  	[smem:$0x3FB2] =	sst s5  }
0xe: {  	[smem:$0x3FB3] =	sst s6  }
0xf: {  	[smem:$0x3FB4] =	sst s7  }
0x10: {  	[smem:$0x3FB5] =	sst s8  }
0x11: {  	[smem:$0x3FB6] =	sst s9;
	s0 =	simm.s32 @!p0 $0x0  }
0x12: {  	s1 =	sld [smem:$0x3F9C];
	s0 =	simm.s32 @p0 $0x1  }
0x13: {  	[smem:$0x3FB7] =	sst s0;
	s0 =	simm.s32 @!p1 $0x0  }
0x14: {  	s2 =	sld [smem:$0x3F9B];
	s0 =	simm.s32 @p1 $0x1  }
0x15: {  	[smem:$0x3FB8] =	sst s0;
	s0 =	simm.s32 @!p2 $0x0  }
0x16: {  	s3 =	sld [smem:$0x3FDB];
	s0 =	simm.s32 @p2 $0x1  }
0x17: {  	s4 =	simm.s32 $0x1BF5;
	[smem:$0x3FBA] =	sst s0  }
0x18: {  	s0 =	sld [smem:$0x3F9D];
	_ =	swait.ge [sflag:s4], $0x0  }
0x19: {  	s7 =	sld [smem:$0x3F9E]  }
0x1a: {  	s8 =	sadd.s32 $0xFFFFE003, lr  }
0x1b: {  	s9 =	sadd.s32 $0xFFFFFEF7, lr;
	s5 =	simm.s32 $0xFFFFFFFF;
	p2 =	slt.u32 s8, $0xFFFFF086  }
0x1c: {  	p1 =	slt.u32 s9, $0xF7A;
	s5 =	simm.s32 @!p2 $0x0  }
0x1d: {  	s5 =	simm.s32 @p1 $0x1;
	p0 =	seq.s32 s7, s2  }
0x1e: {  	s7 =	smul.u32 @!p0 $0xF7A, s2;
	p2 =	seq.s32 @!p0 s5, $0x0  }
0x1f: {  	s9 =	smul.u32 $0xF7A, s1;
	s8 =	simm.s32 @!p0 $0x1BF5;
	p2 =	por !p2, p0  }
0x20: {  	[sflag:s8] =	ssyncset.s32 @!p0 $0xFFFFF086;
	s6 =	sadd.s32 @!p0 s3, s7;
	s7 =	simm.s32 @!p0 $0x108  }
0x21: {  	s3 =	sadd.s32 s3, s9;
	s6 =	sadd.s32 @!p0 $0x88, s6;
	s7 =	simm.s32 @p2 $0x1082  }
0x22: {  	[simem:s7], [sflag:s8] =	dma.local @!p0 [hbm:s6], $0xF7A  }
0x23: {  	s9 =	sor.u32 $0xD0000000, s2;
	s6 =	simm.s32 $0x108;
	_ =	swait.ge @!p0 [sflag:s8], $0x0  }
0x24: {  	s3 =	sadd.s32 $0x88, s3;
	s6 =	simm.s32 @!p1 $0x1082;
	[sflag:s4] =	ssyncset.s32 $0xFFFFF086  }
0x25: {  	[simem:s6], [sflag:s4] =	dma.local [hbm:s3], $0xF7A  }
0x26: {  	[smem:$0x3F9E] =	sst s1;
	(tag) =	ssettag s2;
	_ =	strace s9  }
0x27: {  	s1 =	sld [smem:$0x3FAE]  }
0x28: {  	s2 =	sld [smem:$0x3FAF]  }
0x29: {  	s4 =	sld [smem:$0x3FB1]  }
0x2a: {  	p0 =	seq.s32 s5, $0x0;
	s5 =	sld [smem:$0x3FB2]  }
0x2b: {  	s6 =	sld [smem:$0x3FB3]  }
0x2c: {  	s7 =	sld [smem:$0x3FB4]  }
0x2d: {  	s3 =	simm.s32 $0x108;
	s8 =	sld [smem:$0x3FB5]  }
0x2e: {  	s3 =	simm.s32 @!p0 $0x1082;
	s9 =	sld [smem:$0x3FB6]  }
0x2f: {  	lr =	sadd.s32 s0, s3;
	s0 =	sld [smem:$0x3FAD]  }
0x30: {  	s3 =	sld [smem:$0x3FB0]  }
0x31: {  	[smem:$0x3FB9] =	sst s10  }
0x32: {  	s10 =	sld [smem:$0x3FB7];
	_ =	sdelay $0x3  }
0x33: {  	p0 =	seq.s32 s10, $0x1;
	s10 =	sld [smem:$0x3FB9];
	_ =	sdelay $0x3  }
0x34: {  	[smem:$0x3FB9] =	sst s10  }
0x35: {  	s10 =	sld [smem:$0x3FB8];
	_ =	sdelay $0x3  }
0x36: {  	p1 =	seq.s32 s10, $0x1;
	s10 =	sld [smem:$0x3FB9];
	_ =	sdelay $0x3  }
0x37: {  	[smem:$0x3FB9] =	sst s10  }
0x38: {  	s10 =	sld [smem:$0x3FBA]  }
0x39: {  	_ = 	snop;
	(pc) =	sbr.ind lr, $3  }
0x3a: {  	_ = 	snop  }
0x3b: {  	_ = 	snop  }
0x3c: {  	p2 =	seq.s32 s10, $0x1;
	s10 =	sld [smem:$0x3FB9]  }
0x3d: {  	_ =	shalt  }
0x3e: {  	_ =	shalt  }
0x3f: {  	_ =	shalt  }
0x40: {  	_ =	shalt  }
0x41: {  	_ =	shalt  }
0x42: {  	_ =	shalt  }
0x43: {  	_ =	shalt  }
0x44: {  	_ =	shalt  }
0x45: {  	_ =	shalt  }
0x46: {  	_ =	shalt  }
0x47: {  	_ =	shalt  }
0x48: {  	_ =	shalt  }
0x49: {  	_ =	shalt  }
0x4a: {  	_ =	shalt  }
0x4b: {  	_ =	shalt  }
0x4c: {  	_ =	shalt  }
0x4d: {  	_ =	shalt  }
0x4e: {  	_ =	shalt  }
0x4f: {  	_ =	shalt  }
0x50: {  	_ =	shalt  }
0x51: {  	_ =	shalt  }
0x52: {  	_ =	shalt  }
0x53: {  	_ =	shalt  }
0x54: {  	_ =	shalt  }
0x55: {  	_ =	shalt  }
0x56: {  	_ =	shalt  }
0x57: {  	_ =	shalt  }
0x58: {  	_ =	shalt  }
0x59: {  	_ =	shalt  }
0x5a: {  	_ =	shalt  }
0x5b: {  	_ =	shalt  }
0x5c: {  	_ =	shalt  }
0x5d: {  	_ =	shalt  }
0x5e: {  	_ =	shalt  }
0x5f: {  	_ =	shalt  }
0x60: {  	_ =	shalt  }
0x61: {  	_ =	shalt  }
0x62: {  	_ =	shalt  }
0x63: {  	_ =	shalt  }
0x64: {  	_ =	shalt  }
0x65: {  	_ =	shalt  }
0x66: {  	_ =	shalt  }
0x67: {  	_ =	shalt  }
0x68: {  	_ =	shalt  }
0x69: {  	_ =	shalt  }
0x6a: {  	_ =	shalt  }
0x6b: {  	_ =	shalt  }
0x6c: {  	_ =	shalt  }
0x6d: {  	_ =	shalt  }
0x6e: {  	_ =	shalt  }
0x6f: {  	_ =	shalt  }
0x70: {  	_ =	shalt  }
0x71: {  	_ =	shalt  }
0x72: {  	_ =	shalt  }
0x73: {  	_ =	shalt  }
0x74: {  	_ =	shalt  }
0x75: {  	_ =	shalt  }
0x76: {  	_ =	shalt  }
0x77: {  	_ =	shalt  }
0x78: {  	_ =	shalt  }
0x79: {  	_ =	shalt  }
0x7a: {  	_ =	shalt  }
0x7b: {  	_ =	shalt  }
0x7c: {  	_ =	shalt  }
0x7d: {  	_ =	shalt  }
0x7e: {  	_ =	shalt  }
0x7f: {  	_ =	shalt  }
0x80: {  	_ =	shalt  }
0x81: {  	_ =	shalt  }
0x82: {  	_ =	shalt  }
0x83: {  	_ =	shalt  }
0x84: {  	_ =	shalt  }
0x85: {  	_ =	shalt  }
0x86: {  	_ =	shalt  }
0x87: {  	_ =	shalt  }
.Lfunc_end0:
.L_simem_size_0:
called_computation_lowered:
.L_overlay_start_0:
0x88: {  	s2 =	sld [smem:$0x3FD9]  }
0x89: {  	s3 =	sld [smem:$0x3FFE];
	_ =	sdelay $0x1  }
0x8a: {  	s1 =	srdreg.scid  }
0x8b: {  	s0 =	sand.u32 $0x1, s1  }
0x8c: {  	s17 =	sshll.u32 s0, $0xA;
	s2 =	sadd.s32 s3, s2  }
0x8d: {  	s2 =	sadd.s32 s2, s17  }
0x8e: {  	[smem:$0x3FC5] =	sst s2  }
0x8f: {  	_ = 	snop  }
0x90: {  	s2 =	sld [smem:$0x3FC9]  }
0x91: {  	s18 =	sld [smem:$0x3FD0];
	(tm) =	ssettm $0x1  }
0x92: {  	s4 =	sld [smem:$0x3FFB];
	_ =	sdelay $0x3  }
0x93: {  	_ =	strace s4  }
0x94: {  	s4 =	sld [smem:$0x3FFC];
	_ =	sdelay $0x3  }
0x95: {  	_ =	strace s4  }
0x96: {  	s4 =	sld [smem:$0x3FFD];
	_ =	sdelay $0x3  }
0x97: {  	_ =	strace s4  }
0x98: {  	_ =	strace $0x8FFFFFFF  }
0x99: {  	s19 =	sld [smem:$0x3FDB];
	_ =	sdelay $0x1  }
0x9a: {  	s5 =	simm.s32 $_scs_section_size  }
0x9b: {  	s6 =	simm.s32 $_size__tile_overlayer_lowered;
	s7 =	simm.s32 $_tile_overlayer_lowered  }
0x9c: {  	s22 =	simm.s32 $0x1BFF;
	s21 =	sshll.u32 s7, $0x1;
	s4 =	sadd.s32 s5, s19  }
0x9d: {  	s8 =	simm.s32 $0x0;
	s20 =	sshll.u32 s6, $0x1;
	s6 =	sadd.s32 s21, s4  }
0x9e: {  	[timem:s8], [sflag:s22] =	dma.local [hbm:s6], s20  }
0x9f: {  	_ =	swait.ge [sflag:s22], s20  }
0xa0: {  	s5 =	ssub.s32 $0x0, s20;
	[sflag:s22] =	ssyncset.done $0x0  }
0xa1: {  	[sflag:s22] =	ssyncadd.s32 s5;
	_ =	sdelay $0x1  }
0xa2: {  	s23 =	simm.s32 $0x1B8B  }
0xa3: {  	_ =	swait.ge [sflag:s23], $0x1  }
0xa4: {  	[sflag:s23] =	ssyncset.done $0x0  }
0xa5: {  	s25 =	simm.s32 $0x1B8E;
	s24 =	sld [smem:$0x3FFE];
	[sflag:s23] =	ssyncadd.s32 $0xFFFFFFFF  }
0xa6: {  	s26 =	simm.s32 $execute0_lowered;
	[smem:$0x3FD2] =	sst s25  }
0xa7: {  	s6 =	sshll.u32 s26, $0x1;
	_ =	strace $0x80000046;
	[dreg:$0x1] =	wrdreg $0xFFFFFFFF  }
0xa8: {  	s28 =	simm.s32 $_size_execute0_lowered;
	s4 =	sadd.s32 s4, s6;
	[dreg:$0x0] =	wrdreg $0x0  }
0xa9: {  	s6 =	sshll.u32 s28, $0x1;
	[dreg:$0x2] =	wrdreg s4  }
0xaa: {  	[dreg:$0x3] =	wrdreg s6  }
0xab: {  	[dreg:$0x4] =	wrdreg $0xC0  }
0xac: {  	_ =	task [dreg:s8], $0x5FFFF  }
0xad: {  	[dreg:$0x1] =	wrdreg $0xFFFFFFFF  }
0xae: {  	[dreg:$0x0] =	wrdreg $0x60  }
0xaf: {  	[dreg:$0x2] =	wrdreg s2  }
0xb0: {  	[dreg:$0x3] =	wrdreg s24  }
0xb1: {  	[dreg:$0x4] =	wrdreg s18  }
0xb2: {  	[dreg:$0x5] =	wrdreg $0x9  }
0xb3: {  	_ =	task.clear_ibuf [dreg:s8], $0x6FFFF;
	_ =	strace $0x90000046  }
0xb4: {  	s29 =	simm.s32 $0x9;
	_ =	strace $0x80000048  }
0xb5: {  	_ =	swait.ge [sflag:s29], $0x1  }
0xb6: {  	[sflag:s29] =	ssyncadd.s32 $0xFFFFFFFF  }
0xb7: {  	_ =	strace $0x90000048  }
0xb8: {  	_ =	sfence  }
0xb9: {  	s30 =	sld [smem:$0x0];
	_ =	sdelay $0x2  }
0xba: {  	s31 =	sshll.u32 s1, $0xD;
	s1 =	sshrl.u32 s1, $0x2  }
0xbb: {  	s3 =	sand.u32 $0x4000, s31;
	s1 =	sadd.s32 s1, s30  }
0xbc: {  	s0 =	sor.u32 s3, s0;
	s1 =	sshll.u32 s1, $0x11  }
0xbd: {  	s0 =	sor.u32 s1, s0  }
0xbe: {  	s0 =	sadd.s32 $0x8F2B, s0  }
0xbf: {  	[sflag:s0] =	ssyncadd.remote.s32 $0x1  }
0xc0: {  	_ =	sfence.sel $0xFFFF  }
0xc1: {  	[dreg:$0x0] =	wrdreg $0xFFFFFFFF;
	(pc) =	sbr.abs _section_cstart, $3  }
0xc2: {  	[dreg:$0x1] =	wrdreg $0xFFFFFFFF  }
0xc3: {  	_ =	task.clear_ibuf [dreg:s8], $0x2FFFF;
	_ =	strace $0x9FFFFFFF  }
0xc4: {  	(tm) =	ssettm $0x7FFFFFFF  }
0xc5: {  	_ =	shalt  }
tec
execute0_lowered:
.L_overlay_start_1:
0x0: {  	(tag) =	ssettag $0x1  }
0x1: {  	s1 =	rddreg [dreg:$0x0]  }
0x2: {  	s0 =	rddreg [dreg:$0x1]  }
0x3: {  	s2 =	rddreg [dreg:$0x2];
	s4 =	simm.s32 $0x0  }
0x4: {  	s3 =	srdreg.scid;
	s5 =	stileid.u32;
	v0 =	vlaneseq.u32;
	s14 =	simm.s32 $0x5  }
0x5: {  	v1 =	vimm.s32 $0x0;
	vm0 =	vcmask $0x300;
	s15 =	simm.s32 $0x80;
	s22 =	simm.s32 $0x3;
	s23 =	simm.s32 $0x4;
	v0 =	vmul.u32 $0x88, v0  }
0x6: {  	s24 =	simm.s32 $0x0;
	[smem:$0x7FF] =	sst s4;
	s3 =	sand.u32 $0x1, s3;
	v1 =	vsel vm0, $0x3, v1  }
0x7: {  	s6 =	sshll.u32 s5, $0xB;
	s5 =	sadd.s32 $0xF42A00, s0;
	s9 =	sadd.s32 $0x1000, s2;
	v2 =	vadd.s32 $0x880, v0;
	v3 =	vor.u32 $0x1, v0;
	v4 =	vadd.s32 $0x881, v0  }
0x8: {  	s10 =	sadd.s32 $0x2000, s2;
	s7 =	sshll.u32 s3, $0xA;
	s3 =	ssub.s32 $0x2, s3;
	v5 =	vor.u32 $0x2, v0;
	v6 =	vadd.s32 $0x882, v0;
	v7 =	vor.u32 $0x3, v0  }
0x9: {  	s11 =	sadd.s32 $0x3000, s2;
	s6 =	sor.u32 s7, s6;
	s31 =	sshrl.u32 s3, $0x1;
	v8 =	vadd.s32 $0x883, v0;
	v9 =	vor.u32 $0x4, v0;
	v10 =	vadd.s32 $0x884, v0  }
0xa: {  	s7 =	sadd.s32 $0x600, s0;
	v11 =	vor.u32 $0x5, v0;
	v12 =	vadd.s32 $0x885, v0;
	v13 =	vor.u32 $0x6, v0;
	s8 =	sshrl.u32 s6, $0x3;
	s0 =	ssub.s32 s3, s31  }
0xb: {  	_ =	strace $0x80000047;
	v14 =	vadd.s32 $0x886, v0;
	v15 =	vor.u32 $0x7, v0;
	v16 =	vadd.s32 $0x887, v0;
	s8 =	sadd.s32 s1, s8;
	s12 =	smax.u32 s0, $0x1  }
.LBB2_1:
0xc: {  	s0 =	simm.s32 $0x10C00  }
0xd: {  	[tilespmem:s0], [sflag:$0x5] =	stream.linear.gather [hbm4b:s7+s4], $0x1900, $0x38;
	[tilespmem:$0x12500] =	vst v63  }
0xe: {  	_ =	swait.ge [sflag:s14], $0x1900  }
0xf: {  	[sflag:s14] =	ssyncset.done $0x0  }
0x10: {  	[sflag:s14] =	ssyncadd.s32 $0xFFFFE700  }
0x11: {  	[tilespmem:s4], [sflag:$0x5] =	stream.linear.gather [hbm4b:s8+s4], $0x200, $0x38;
	[tilespmem:$0x12500] =	vst v63  }
0x12: {  	_ =	swait.ge [sflag:s14], $0x200  }
0x13: {  	[sflag:s14] =	ssyncset.done $0x0  }
0x14: {  	s25 =	simm.s32 $0x400;
	[sflag:s14] =	ssyncadd.s32 $0xFFFFFE00  }
0x15: {  	[tilespmem:s25], [sflag:$0x1] =	stream.indirect.gather [hbm4b:s5+s15], $0x20, s4, s15, $0xb8;
	[tilespmem:$0x12500] =	vst v63  }
0x16: {  	s26 =	simm.s32 $0x1400  }
0x17: {  	[tilespmem:s26], [sflag:$0x1] =	stream.indirect.gather [hbm4b:s5+s15], $0x20, s15, s15, $0xb8;
	[tilespmem:$0x12500] =	vst v63  }
0x18: {  	s29 =	simm.s32 $0x100;
	s3 =	simm.s32 $0x2400;
	s30 =	simm.s32 $0x180  }
0x19: {  	[tilespmem:s3], [sflag:$0x1] =	stream.indirect.gather [hbm4b:s5+s15], $0x20, s29, s15, $0xb8;
	[tilespmem:$0x12500] =	vst v63  }
0x1a: {  	s31 =	simm.s32 $0x3400;
	p0 =	por $0x0, $0x0;
	s28 =	simm.s32 $0x0  }
0x1b: {  	[tilespmem:s31], [sflag:$0x1] =	stream.indirect.gather [hbm4b:s5+s15], $0x20, s30, s15, $0xb8;
	[tilespmem:$0x12500] =	vst v63  }
.LBB2_2:
0x1c: {  	s25 =	sadd.s32 $0x1, s28;
	p1 =	seq.s32 s28, $0x31  }
0x1d: {  	s0 =	sshll.u32 @!p1 s25, $0xE  }
0x1e: {  	s3 =	sand.u32 @!p1 $0x1, s25;
	s0 =	sand.u32 @!p1 $0x1F8000, s0  }
0x1f: {  	s13 =	sshll.u32 @!p1 s3, $0x9;
	s0 =	sor.u32 @!p1 s0, s6  }
0x20: {  	s0 =	sor.u32 @!p1 s13, s0  }
0x21: {  	s0 =	sshrl.u32 @!p1 s0, $0x3  }
0x22: {  	s16 =	simm.s32 @!p1 $0x0;
	s0 =	sadd.s32 @!p1 s1, s0  }
0x23: {  	[tilespmem:s13], [sflag:$0x5] =	stream.linear.gather @!p1 [hbm4b:s0+s16], $0x200, $0x38;
	[tilespmem:$0x12500] =	vst v63  }
0x24: {  	s0 =	simm.s32 @!p1 $0x5  }
0x25: {  	_ =	swait.ge @!p1 [sflag:s0], $0x200  }
0x26: {  	[sflag:s0] =	ssyncset.done @!p1 $0x0  }
0x27: {  	[sflag:s0] =	ssyncadd.s32 @!p1 $0xFFFFFE00;
	s0 =	sshll.u32 @!p1 s3, $0xE  }
0x28: {  	s17 =	simm.s32 @!p1 $0x80;
	s3 =	sadd.s32 @!p1 $0x1, s3;
	s16 =	sor.u32 @!p1 $0x400, s0  }
0x29: {  	[tilespmem:s16], [sflag:s3] =	stream.indirect.gather @!p1 [hbm4b:s5+s17], $0x20, s13, s17, $0xb8;
	[tilespmem:$0x12500] =	vst v63  }
0x2a: {  	s18 =	sor.u32 @!p1 $0x80, s13;
	s16 =	sor.u32 @!p1 $0x1400, s0  }
0x2b: {  	[tilespmem:s16], [sflag:s3] =	stream.indirect.gather @!p1 [hbm4b:s5+s17], $0x20, s18, s17, $0xb8;
	[tilespmem:$0x12500] =	vst v63  }
0x2c: {  	s29 =	sand.u32 $0x1, s28;
	s16 =	sor.u32 @!p1 $0x2400, s0;
	s18 =	sor.u32 @!p1 $0x100, s13  }
0x2d: {  	[tilespmem:s16], [sflag:s3] =	stream.indirect.gather @!p1 [hbm4b:s5+s17], $0x20, s18, s17, $0xb8;
	[tilespmem:$0x12500] =	vst v63  }
0x2e: {  	s21 =	sadd.s32 $0x1, s29;
	s0 =	sor.u32 @!p1 $0x3400, s0;
	s13 =	sor.u32 @!p1 $0x180, s13  }
0x2f: {  	[tilespmem:s0], [sflag:s3] =	stream.indirect.gather @!p1 [hbm4b:s5+s17], $0x20, s13, s17, $0xb8;
	[tilespmem:$0x12500] =	vst v63  }
0x30: {  	_ =	swait.ge [sflag:s21], $0x1000  }
0x31: {  	[sflag:s21] =	ssyncset.done $0x0  }
0x32: {  	[sflag:s21] =	ssyncadd.s32 $0xFFFFF000  }
0x33: {  	_ =	swait.ge [sflag:s21], $0x1000  }
0x34: {  	[sflag:s21] =	ssyncset.done $0x0  }
0x35: {  	[sflag:s21] =	ssyncadd.s32 $0xFFFFF000  }
0x36: {  	_ =	swait.ge [sflag:s21], $0x1000  }
0x37: {  	[sflag:s21] =	ssyncset.done $0x0  }
0x38: {  	[sflag:s21] =	ssyncadd.s32 $0xFFFFF000  }
0x39: {  	_ =	swait.ge [sflag:s21], $0x1000  }
0x3a: {  	p1 =	slt.u32 s28, $0x2;
	[sflag:s21] =	ssyncset.done $0x0  }
0x3b: {  	s0 =	sadd.s32 @!p1 $0x3, s29;
	[sflag:s21] =	ssyncadd.s32 $0xFFFFF000  }
0x3c: {  	_ =	swait.ge @!p1 [sflag:s0], $0x400  }
0x3d: {  	[sflag:s0] =	ssyncset.done @!p1 $0x0  }
0x3e: {  	[sflag:s0] =	ssyncadd.s32 @!p1 $0xFFFFFC00  }
0x3f: {  	_ =	swait.ge @!p1 [sflag:s0], $0x400  }
0x40: {  	[sflag:s0] =	ssyncset.done @!p1 $0x0  }
0x41: {  	[sflag:s0] =	ssyncadd.s32 @!p1 $0xFFFFFC00  }
0x42: {  	_ =	swait.ge @!p1 [sflag:s0], $0x400  }
0x43: {  	[sflag:s0] =	ssyncset.done @!p1 $0x0  }
0x44: {  	[sflag:s0] =	ssyncadd.s32 @!p1 $0xFFFFFC00  }
0x45: {  	_ =	swait.ge @!p1 [sflag:s0], $0x400  }
0x46: {  	[sflag:s0] =	ssyncset.done @!p1 $0x0  }
0x47: {  	[sflag:s0] =	ssyncadd.s32 @!p1 $0xFFFFFC00  }
0x48: {  	_ =	swait.ge @!p1 [sflag:s0], $0x400  }
0x49: {  	[sflag:s0] =	ssyncset.done @!p1 $0x0  }
0x4a: {  	[sflag:s0] =	ssyncadd.s32 @!p1 $0xFFFFFC00  }
0x4b: {  	_ =	swait.ge @!p1 [sflag:s0], $0x400  }
0x4c: {  	[sflag:s0] =	ssyncset.done @!p1 $0x0  }
0x4d: {  	[sflag:s0] =	ssyncadd.s32 @!p1 $0xFFFFFC00  }
0x4e: {  	_ =	swait.ge @!p1 [sflag:s0], $0x400  }
0x4f: {  	[sflag:s0] =	ssyncset.done @!p1 $0x0  }
0x50: {  	[sflag:s0] =	ssyncadd.s32 @!p1 $0xFFFFFC00  }
0x51: {  	_ =	swait.ge @!p1 [sflag:s0], $0x400  }
0x52: {  	[sflag:s0] =	ssyncset.done @!p1 $0x0  }
0x53: {  	[sflag:s0] =	ssyncadd.s32 @!p1 $0xFFFFFC00  }
0x54: {  	_ =	swait.ge @!p1 [sflag:s0], $0x400  }
0x55: {  	[sflag:s0] =	ssyncset.done @!p1 $0x0  }
0x56: {  	[sflag:s0] =	ssyncadd.s32 @!p1 $0xFFFFFC00  }
0x57: {  	_ =	swait.ge @!p1 [sflag:s0], $0x400  }
0x58: {  	[sflag:s0] =	ssyncset.done @!p1 $0x0  }
0x59: {  	[sflag:s0] =	ssyncadd.s32 @!p1 $0xFFFFFC00  }
0x5a: {  	_ =	swait.ge @!p1 [sflag:s0], $0x400  }
0x5b: {  	[sflag:s0] =	ssyncset.done @!p1 $0x0  }
0x5c: {  	[sflag:s0] =	ssyncadd.s32 @!p1 $0xFFFFFC00  }
0x5d: {  	_ =	swait.ge @!p1 [sflag:s0], $0x400  }
0x5e: {  	[sflag:s0] =	ssyncset.done @!p1 $0x0  }
0x5f: {  	[sflag:s0] =	ssyncadd.s32 @!p1 $0xFFFFFC00  }
0x60: {  	_ =	swait.ge @!p1 [sflag:s0], $0x400  }
0x61: {  	[sflag:s0] =	ssyncset.done @!p1 $0x0  }
0x62: {  	[sflag:s0] =	ssyncadd.s32 @!p1 $0xFFFFFC00  }
0x63: {  	_ =	swait.ge @!p1 [sflag:s0], $0x400  }
0x64: {  	[sflag:s0] =	ssyncset.done @!p1 $0x0  }
0x65: {  	[sflag:s0] =	ssyncadd.s32 @!p1 $0xFFFFFC00  }
0x66: {  	_ =	swait.ge @!p1 [sflag:s0], $0x400  }
0x67: {  	[sflag:s0] =	ssyncset.done @!p1 $0x0  }
0x68: {  	s26 =	simm.s32 $0x0;
	s19 =	simm.s32 $0x3;
	[sflag:s0] =	ssyncadd.s32 @!p1 $0xFFFFFC00  }
0x69: {  	s20 =	simm.s32 $0x4;
	v17 =	vmov s26;
	s26 =	simm.s32 $0x7;
	_ =	swait.ge @!p1 [sflag:s0], $0x400  }
0x6a: {  	v21 =	vmov s19;
	v22 =	vmov s20;
	v18 =	vshrl.u32 v17, $0x3;
	s16 =	sshll.u32 s28, $0x7;
	s3 =	simm.s32 $0x1;
	[sflag:s0] =	ssyncset.done @!p1 $0x0  }
0x6b: {  	v24 =	vmov s26;
	v22 =	vshrl.u32 v22, $0x3;
	v26 =	vshll.u32 v18, v1;
	s16 =	sand.u32 $0x3FFFFF80, s16;
	s3 =	simm.s32 @!p0 $0x0;
	[sflag:s0] =	ssyncadd.s32 @!p1 $0xFFFFFC00  }
0x6c: {  	v24 =	vshrl.u32 v24, $0x3;
	v22 =	vshll.u32 v22, v1;
	v26 =	vbroadcast v26, $0x0;
	s3 =	sshll.u32 s3, $0xE;
	v17 =	vld [tilespmem:s16+$0x10C00]  }
0x6d: {  	v21 =	vshrl.u32 v21, $0x3;
	v24 =	vshll.u32 v24, v1;
	v22 =	vbroadcast v22, $0x0;
	s0 =	sor.u32 $0x480, s3;
	v18 =	vld [tilespmem:s16+$0x10C10]  }
0x6e: {  	v21 =	vshll.u32 v21, v1;
	v24 =	vbroadcast v24, $0x0;
	v32 =	vadd.s32 v0, v26;
	s17 =	simm.s32 $0x1;
	v27 =	vld [tilespmem:s0+$0x60]  }
0x6f: {  	v26 =	vadd.s32 v2, v26;
	v59 =	vadd.s32 v9, v22;
	s18 =	simm.s32 $0x2;
	v19 =	vmov s17;
	v28 =	vld [tilespmem:s0+$0x70]  }
0x70: {  	v30 =	vadd.s32 v15, v24;
	v20 =	vmov s18;
	s17 =	simm.s32 $0x6;
	v19 =	vshrl.u32 v19, $0x3;
	v29 =	vld [tilespmem:s0+$0xFFFFFF80]  }
0x71: {  	v20 =	vshrl.u32 v20, $0x3;
	v25 =	vmov s17;
	v19 =	vshll.u32 v19, v1;
	v31 =	vld [tilespmem:s0+$0xFFFFFF90]  }
0x72: {  	s19 =	smul.u32 $0x11000, s29;
	v20 =	vshll.u32 v20, v1;
	v25 =	vshrl.u32 v25, $0x3;
	v19 =	vbroadcast v19, $0x0;
	v33 =	vld [tilespmem:s0+$0xFFFFFFA0]  }
0x73: {  	v24 =	vadd.s32 v16, v24;
	v20 =	vbroadcast v20, $0x0;
	v25 =	vshll.u32 v25, v1;
	s21 =	simm.s32 $0x5;
	v34 =	vld [tilespmem:s0+$0xFFFFFFB0]  }
0x74: {  	s26 =	sshrl.u32 s19, $0x2;
	v35 =	vadd.s32 v3, v19;
	v23 =	vmov s21;
	v36 =	vld [tilespmem:s0+$0xFFFFFFC0];
	v27 =	vadd.f32 v27, v17  }
0x75: {  	s30 =	sadd.s32 $0x8400, s26;
	v19 =	vadd.s32 v4, v19;
	v23 =	vshrl.u32 v23, $0x3;
	v37 =	vld [tilespmem:s0+$0xFFFFFFD0];
	v29 =	vadd.f32 v29, v17  }
0x76: {  	v23 =	vshll.u32 v23, v1;
	v60 =	vld [tilespmem:s0+$0x20];
	v28 =	vadd.f32 v28, v18;
	[tilespmem:v30+s30+$0x0] =	vst.idx.msk $0xffff, v27  }
0x77: {  	v21 =	vbroadcast v21, $0x0;
	v27 =	vadd.f32 v31, v18;
	v30 =	vadd.s32 v5, v20;
	v31 =	vld [tilespmem:s0+$0xFFFFFFE0];
	[tilespmem:v32+s30+$0x0] =	vst.idx.msk $0xffff, v29  }
0x78: {  	v20 =	vadd.s32 v6, v20;
	[tilespmem:v24+s30+$0x0] =	vst.idx.msk $0xffff, v28;
	v24 =	vadd.f32 v33, v17;
	v28 =	vld [tilespmem:s0+$0xFFFFFFF0]  }
0x79: {  	v23 =	vbroadcast v23, $0x0;
	v29 =	vld [tilespmem:s0+$0x0];
	[tilespmem:v26+s30+$0x0] =	vst.idx.msk $0xffff, v27;
	v26 =	vadd.f32 v34, v18;
	v27 =	vadd.s32 v7, v21  }
0x7a: {  	v58 =	vld [tilespmem:s0+$0x10];
	v21 =	vadd.s32 v8, v21;
	[tilespmem:v35+s30+$0x0] =	vst.idx.msk $0xffff, v24;
	v24 =	vadd.f32 v36, v17  }
0x7b: {  	s20 =	simm.s32 $0x8;
	v61 =	vadd.s32 v11, v23;
	[tilespmem:v19+s30+$0x0] =	vst.idx.msk $0xffff, v26;
	v26 =	vadd.f32 v37, v18  }
0x7c: {  	v57 =	vmov s20;
	v23 =	vadd.s32 v12, v23;
	[tilespmem:v30+s30+$0x0] =	vst.idx.msk $0xffff, v24;
	v24 =	vadd.f32 v31, v17;
	v31 =	vld [tilespmem:s0+$0x30]  }
0x7d: {  	v62 =	vld [tilespmem:s0+$0x40];
	v30 =	vadd.s32 v10, v22;
	[tilespmem:v20+s30+$0x0] =	vst.idx.msk $0xffff, v26;
	v20 =	vadd.f32 v28, v18;
	v26 =	vbroadcast v25, $0x0  }
0x7e: {  	s21 =	simm.s32 $0x9;
	v63 =	vadd.f32 v60, v17;
	v19 =	vshrl.u32 v57, $0x3;
	[tilespmem:v27+s30+$0x0] =	vst.idx.msk $0xffff, v24;
	v27 =	vadd.f32 v29, v17;
	v29 =	vld [tilespmem:s0+$0x50]  }
0x7f: {  	s17 =	simm.s32 $0xB;
	v22 =	vmov s21;
	s21 =	simm.s32 $0xF;
	v28 =	vadd.f32 v58, v18;
	[tilespmem:v21+s30+$0x0] =	vst.idx.msk $0xffff, v20;
	v21 =	vadd.s32 v13, v26  }
0x80: {  	s19 =	simm.s32 $0xD;
	s16 =	simm.s32 $0xA;
	[tilespmem:v61+s30+$0x0] =	vst.idx.msk $0xffff, v63;
	v25 =	vmov s17;
	v32 =	vmov s21;
	v20 =	vadd.s32 v14, v26  }
0x81: {  	s20 =	simm.s32 $0xE;
	s18 =	simm.s32 $0xC;
	s31 =	sor.u32 $0x34F0, s3;
	v24 =	vmov s16;
	v26 =	vmov s19;
	[tilespmem:v59+s30+$0x0] =	vst.idx.msk $0xffff, v27;
	v31 =	vadd.f32 v31, v18  }
0x82: {  	s13 =	sor.u32 $0x14F0, s3;
	s17 =	sor.u32 $0x24F0, s3;
	s3 =	simm.s32 $0x10;
	v27 =	vmov s18;
	[tilespmem:v30+s30+$0x0] =	vst.idx.msk $0xffff, v28;
	v28 =	vmov s20;
	v30 =	vadd.f32 v62, v17  }
.LBB2_3:
0x83: {  	p1 =	slt.u32 s3, $0x78;
	v19 =	vshll.u32 v19, v1;
	v32 =	vshrl.u32 v32, $0x3;
	[tilespmem:v23+s30+$0x0] =	vst.idx.msk $0xffff, v31;
	v23 =	vadd.f32 v29, v18  }
0x84: {  	v22 =	vshrl.u32 v22, $0x3;
	v24 =	vshrl.u32 v24, $0x3;
	s0 =	sadd.s32 $0x100, s0;
	v29 =	vshll.u32 v32, v1;
	[tilespmem:v21+s30+$0x0] =	vst.idx.msk $0xffff, v30  }
0x85: {  	v21 =	vshrl.u32 v25, $0x3;
	v25 =	vshrl.u32 v27, $0x3;
	v27 =	vld [tilespmem:s0+$0x60];
	v29 =	vbroadcast v29, $0x0;
	[tilespmem:v20+s30+$0x0] =	vst.idx.msk $0xffff, v23  }
0x86: {  	v19 =	vbroadcast v19, $0x0;
	v20 =	vshrl.u32 v26, $0x3;
	v23 =	vshrl.u32 v28, $0x3;
	v26 =	vld [tilespmem:s0+$0x70]  }
0x87: {  	v22 =	vshll.u32 v22, v1;
	v24 =	vshll.u32 v24, v1;
	v28 =	vld [tilespmem:s0+$0xFFFFFF80];
	v30 =	vadd.s32 v15, v29  }
0x88: {  	v21 =	vshll.u32 v21, v1;
	v25 =	vshll.u32 v25, v1;
	v29 =	vadd.s32 v16, v29;
	v31 =	vld [tilespmem:s0+$0xFFFFFF90]  }
0x89: {  	v22 =	vbroadcast v22, $0x0;
	v32 =	vadd.s32 v0, v19;
	v20 =	vshll.u32 v20, v1;
	v33 =	vld [tilespmem:s0+$0xFFFFFFA0]  }
0x8a: {  	v19 =	vadd.s32 v2, v19;
	v23 =	vshll.u32 v23, v1;
	v34 =	vld [tilespmem:s0+$0xFFFFFFB0];
	v27 =	vadd.f32 v27, v17  }
0x8b: {  	v24 =	vbroadcast v24, $0x0;
	v35 =	vadd.s32 v3, v22;
	v36 =	vld [tilespmem:s0+$0xFFFFFFC0];
	v26 =	vadd.f32 v26, v18  }
0x8c: {  	v22 =	vadd.s32 v4, v22;
	v28 =	vadd.f32 v28, v17;
	v37 =	vld [tilespmem:s0+$0xFFFFFFD0];
	[tilespmem:v30+s30+$0x0] =	vst.idx.msk $0xffff, v27  }
0x8d: {  	v21 =	vbroadcast v21, $0x0;
	v30 =	vadd.s32 v5, v24;
	v27 =	vadd.f32 v31, v18;
	v31 =	vld [tilespmem:s0+$0xFFFFFFE0];
	[tilespmem:v29+s30+$0x0] =	vst.idx.msk $0xffff, v26  }
0x8e: {  	v24 =	vadd.s32 v6, v24;
	[tilespmem:v32+s30+$0x0] =	vst.idx.msk $0xffff, v28;
	v26 =	vadd.f32 v33, v17;
	v28 =	vld [tilespmem:s0+$0xFFFFFFF0]  }
0x8f: {  	v25 =	vbroadcast v25, $0x0;
	[tilespmem:v19+s30+$0x0] =	vst.idx.msk $0xffff, v27;
	v19 =	vadd.f32 v34, v18;
	v27 =	vadd.s32 v7, v21;
	v29 =	vld [tilespmem:s0+$0x0]  }
0x90: {  	v32 =	vmov s3;
	v21 =	vadd.s32 v8, v21;
	[tilespmem:v35+s30+$0x0] =	vst.idx.msk $0xffff, v26;
	v26 =	vadd.f32 v36, v17;
	v33 =	vld [tilespmem:s0+$0x10]  }
0x91: {  	v20 =	vbroadcast v20, $0x0;
	v34 =	vadd.s32 v9, v25;
	[tilespmem:v22+s30+$0x0] =	vst.idx.msk $0xffff, v19;
	v22 =	vadd.f32 v37, v18;
	v35 =	vld [tilespmem:s0+$0x20]  }
0x92: {  	v19 =	vshrl.u32 v32, $0x3;
	[tilespmem:v30+s30+$0x0] =	vst.idx.msk $0xffff, v26;
	v26 =	vadd.f32 v31, v17;
	v30 =	vadd.s32 v10, v25;
	v31 =	vld [tilespmem:s0+$0x30]  }
0x93: {  	s16 =	sadd.s32 $0x1, s3;
	v36 =	vadd.s32 v11, v20;
	[tilespmem:v24+s30+$0x0] =	vst.idx.msk $0xffff, v22;
	v25 =	vadd.f32 v28, v18;
	v37 =	vld [tilespmem:s0+$0x40];
	v28 =	vbroadcast v23, $0x0  }
.Ltmp0:
0x94: {  	v22 =	vmov s16;
	s16 =	sadd.s32 $0x2, s3;
	v23 =	vadd.s32 v12, v20;
	[tilespmem:v27+s30+$0x0] =	vst.idx.msk $0xffff, v26;
	v26 =	vadd.f32 v29, v17;
	v29 =	vld [tilespmem:s0+$0x50];
	(pc) =	sbr.rel @p1 .LBB2_3-.Ltmp0, $4  }
0x95: {  	v24 =	vmov s16;
	s16 =	sadd.s32 $0x3, s3;
	[tilespmem:v21+s30+$0x0] =	vst.idx.msk $0xffff, v25;
	v32 =	vadd.f32 v33, v18;
	v21 =	vadd.s32 v13, v28  }
0x96: {  	s18 =	sadd.s32 $0x5, s3;
	v25 =	vmov s16;
	s16 =	sadd.s32 $0x4, s3;
	v20 =	vadd.s32 v14, v28;
	[tilespmem:v34+s30+$0x0] =	vst.idx.msk $0xffff, v26;
	v33 =	vadd.f32 v35, v17  }
0x97: {  	v27 =	vmov s16;
	v26 =	vmov s18;
	s16 =	sadd.s32 $0x6, s3;
	s18 =	sadd.s32 $0x7, s3;
	[tilespmem:v30+s30+$0x0] =	vst.idx.msk $0xffff, v32;
	v31 =	vadd.f32 v31, v18  }
0x98: {  	s3 =	sadd.s32 $0x8, s3;
	v28 =	vmov s16;
	v32 =	vmov s18;
	[tilespmem:v36+s30+$0x0] =	vst.idx.msk $0xffff, v33;
	v30 =	vadd.f32 v37, v17  }
0x99: {  	_ =	sdelay $0x1  }
0x9a: {  	v19 =	vshll.u32 v19, v1;
	v32 =	vshrl.u32 v32, $0x3;
	v29 =	vadd.f32 v29, v18  }
0x9b: {  	v22 =	vshrl.u32 v22, $0x3;
	v24 =	vshrl.u32 v24, $0x3;
	s0 =	sadd.s32 $0x100, s0;
	v25 =	vshrl.u32 v25, $0x3  }
0x9c: {  	v27 =	vshrl.u32 v27, $0x3;
	[tilespmem:v23+s30+$0x0] =	vst.idx.msk $0xffff, v31;
	v32 =	vshll.u32 v32, v1;
	v19 =	vbroadcast v19, $0x0;
	v31 =	vld [tilespmem:s0+$0xFFFFFF80]  }
0x9d: {  	v23 =	vshrl.u32 v26, $0x3;
	v33 =	vld [tilespmem:s0+$0x60];
	v22 =	vshll.u32 v22, v1;
	v32 =	vbroadcast v32, $0x0  }
0x9e: {  	v26 =	vshrl.u32 v28, $0x3;
	v28 =	vld [tilespmem:s0+$0x70];
	v24 =	vshll.u32 v24, v1;
	[tilespmem:v21+s30+$0x0] =	vst.idx.msk $0xffff, v30;
	v21 =	vadd.s32 v0, v19  }
0x9f: {  	v35 =	vld [tilespmem:s0+$0xFFFFFF90];
	v25 =	vshll.u32 v25, v1;
	v27 =	vshll.u32 v27, v1;
	v34 =	vadd.s32 v15, v32  }
0xa0: {  	v30 =	vld [tilespmem:s0+$0xFFFFFFA0];
	v23 =	vshll.u32 v23, v1;
	v22 =	vbroadcast v22, $0x0;
	v32 =	vadd.s32 v16, v32  }
0xa1: {  	v36 =	vld [tilespmem:s0+$0xFFFFFFB0];
	v26 =	vshll.u32 v26, v1;
	v19 =	vadd.s32 v2, v19;
	v31 =	vadd.f32 v31, v17  }
0xa2: {  	[tilespmem:v20+s30+$0x0] =	vst.idx.msk $0xffff, v29;
	v29 =	vld [tilespmem:s0+$0xFFFFFFC0];
	v24 =	vbroadcast v24, $0x0;
	v20 =	vadd.s32 v3, v22;
	v33 =	vadd.f32 v33, v17  }
0xa3: {  	v37 =	vld [tilespmem:s0+$0xFFFFFFD0];
	v22 =	vadd.s32 v4, v22;
	v28 =	vadd.f32 v28, v18;
	[tilespmem:v21+s30+$0x0] =	vst.idx.msk $0xffff, v31  }
0xa4: {  	v51 =	vld [tilespmem:s0+$0xFFFFFFE0];
	v25 =	vbroadcast v25, $0x0;
	v50 =	vadd.s32 v5, v24;
	v49 =	vadd.f32 v35, v18;
	[tilespmem:v34+s30+$0x0] =	vst.idx.msk $0xffff, v33  }
0xa5: {  	v24 =	vadd.s32 v6, v24;
	v21 =	vadd.f32 v30, v17;
	[tilespmem:v32+s30+$0x0] =	vst.idx.msk $0xffff, v28;
	v28 =	vld [tilespmem:s0+$0xFFFFFFF0]  }
0xa6: {  	v27 =	vbroadcast v27, $0x0;
	v30 =	vadd.s32 v7, v25;
	v31 =	vld [tilespmem:s0+$0x0];
	[tilespmem:v19+s30+$0x0] =	vst.idx.msk $0xffff, v49;
	v19 =	vadd.f32 v36, v18  }
0xa7: {  	[tilespmem:v20+s30+$0x0] =	vst.idx.msk $0xffff, v21;
	v20 =	vadd.f32 v29, v17;
	v21 =	vadd.s32 v8, v25;
	v25 =	vld [tilespmem:s0+$0x10]  }
0xa8: {  	v23 =	vbroadcast v23, $0x0;
	v29 =	vld [tilespmem:s0+$0x20];
	[tilespmem:v22+s30+$0x0] =	vst.idx.msk $0xffff, v19;
	v19 =	vadd.f32 v37, v18;
	v22 =	vadd.s32 v9, v27  }
0xa9: {  	v52 =	vld [tilespmem:s0+$0x30];
	v27 =	vadd.s32 v10, v27;
	[tilespmem:v50+s30+$0x0] =	vst.idx.msk $0xffff, v20;
	v20 =	vadd.f32 v51, v17  }
0xaa: {  	v26 =	vbroadcast v26, $0x0;
	[tilespmem:v24+s30+$0x0] =	vst.idx.msk $0xffff, v19;
	v24 =	vadd.s32 v11, v23;
	v19 =	vadd.f32 v28, v18;
	v28 =	vld [tilespmem:s0+$0x40]  }
0xab: {  	v23 =	vadd.s32 v12, v23;
	[tilespmem:v30+s30+$0x0] =	vst.idx.msk $0xffff, v20;
	v20 =	vadd.f32 v31, v17;
	v30 =	vld [tilespmem:s0+$0x50]  }
0xac: {  	[tilespmem:v21+s30+$0x0] =	vst.idx.msk $0xffff, v19;
	v19 =	vadd.f32 v25, v18;
	v21 =	vadd.s32 v13, v26  }
0xad: {  	[tilespmem:v22+s30+$0x0] =	vst.idx.msk $0xffff, v20;
	v20 =	vadd.f32 v29, v17;
	v22 =	vadd.s32 v14, v26  }
0xae: {  	[tilespmem:v27+s30+$0x0] =	vst.idx.msk $0xffff, v19;
	v19 =	vadd.f32 v52, v18  }
0xaf: {  	s18 =	sshll.u32 s28, $0x2;
	[tilespmem:v24+s30+$0x0] =	vst.idx.msk $0xffff, v20;
	v17 =	vadd.f32 v28, v17  }
0xb0: {  	s3 =	simm.s32 $0x0;
	s0 =	sor.u32 $0x1, s18;
	v18 =	vadd.f32 v30, v18;
	[tilespmem:v23+s30+$0x0] =	vst.idx.msk $0xffff, v19  }
0xb1: {  	s20 =	simm.s32 $0x3;
	v19 =	vmov s3;
	s3 =	sshll.u32 s0, $0x5;
	[tilespmem:v21+s30+$0x0] =	vst.idx.msk $0xffff, v17  }
0xb2: {  	v23 =	vmov s20;
	s20 =	simm.s32 $0x7;
	s3 =	sand.u32 $0x3FFFFFA0, s3;
	[tilespmem:v22+s30+$0x0] =	vst.idx.msk $0xffff, v18  }
0xb3: {  	s16 =	simm.s32 $0x1;
	v17 =	vshrl.u32 v19, $0x3;
	v22 =	vmov s20;
	v18 =	vld [tilespmem:s3+$0x10C00]  }
0xb4: {  	v20 =	vmov s16;
	v26 =	vshll.u32 v17, v1;
	v22 =	vshrl.u32 v22, $0x3;
	v17 =	vld [tilespmem:s3+$0x10C10]  }
0xb5: {  	v20 =	vshrl.u32 v20, $0x3;
	v26 =	vbroadcast v26, $0x0;
	v29 =	vld [tilespmem:s13+$0xFFFFFF10];
	v22 =	vshll.u32 v22, v1  }
0xb6: {  	s19 =	simm.s32 $0x4;
	v20 =	vshll.u32 v20, v1;
	v27 =	vld [tilespmem:s13+$0xFFFFFFF0];
	v22 =	vbroadcast v22, $0x0  }
0xb7: {  	s16 =	simm.s32 $0x2;
	v24 =	vmov s19;
	v20 =	vbroadcast v20, $0x0;
	v28 =	vld [tilespmem:s13+$0x0];
	v53 =	vadd.s32 v0, v26  }
0xb8: {  	v21 =	vmov s16;
	v23 =	vshrl.u32 v23, $0x3;
	v31 =	vld [tilespmem:s13+$0xFFFFFF20];
	v30 =	vadd.s32 v15, v22  }
0xb9: {  	v21 =	vshrl.u32 v21, $0x3;
	v23 =	vshll.u32 v23, v1;
	v33 =	vld [tilespmem:s13+$0xFFFFFF30];
	v22 =	vadd.s32 v16, v22  }
0xba: {  	v21 =	vshll.u32 v21, v1;
	v34 =	vld [tilespmem:s13+$0xFFFFFF40];
	v26 =	vadd.s32 v2, v26;
	v29 =	vadd.f32 v29, v18  }
0xbb: {  	v54 =	vadd.s32 v3, v20;
	s3 =	sadd.s32 $0x9500, s26;
	v55 =	vld [tilespmem:s13+$0xFFFFFF50];
	v21 =	vbroadcast v21, $0x0;
	v27 =	vadd.f32 v27, v18  }
0xbc: {  	v24 =	vshrl.u32 v24, $0x3;
	v20 =	vadd.s32 v4, v20;
	v28 =	vadd.f32 v28, v17;
	[tilespmem:v53+s3+$0x0] =	vst.idx.msk $0xffff, v29  }
0xbd: {  	v23 =	vbroadcast v23, $0x0;
	[tilespmem:v30+s3+$0x0] =	vst.idx.msk $0xffff, v27;
	v27 =	vadd.f32 v31, v17;
	v30 =	vadd.s32 v5, v21;
	v31 =	vld [tilespmem:s13+$0xFFFFFF70]  }
0xbe: {  	v24 =	vshll.u32 v24, v1;
	v56 =	vld [tilespmem:s13+$0xFFFFFF60];
	[tilespmem:v22+s3+$0x0] =	vst.idx.msk $0xffff, v28;
	v22 =	vadd.f32 v33, v18  }
0xbf: {  	s21 =	simm.s32 $0x5;
	v24 =	vbroadcast v24, $0x0;
	v29 =	vld [tilespmem:s13+$0xFFFFFF90];
	[tilespmem:v26+s3+$0x0] =	vst.idx.msk $0xffff, v27;
	v26 =	vadd.f32 v34, v17;
	v27 =	vadd.s32 v7, v23  }
0xc0: {  	v19 =	vmov s21;
	s21 =	simm.s32 $0x6;
	v59 =	vld [tilespmem:s13+$0xFFFFFFA0];
	v21 =	vadd.s32 v6, v21;
	[tilespmem:v54+s3+$0x0] =	vst.idx.msk $0xffff, v22;
	v22 =	vadd.f32 v55, v18  }
0xc1: {  	v25 =	vmov s21;
	v28 =	vld [tilespmem:s13+$0xFFFFFF80];
	[tilespmem:v20+s3+$0x0] =	vst.idx.msk $0xffff, v26;
	v26 =	vadd.s32 v9, v24  }
0xc2: {  	v19 =	vshrl.u32 v19, $0x3;
	[tilespmem:v30+s3+$0x0] =	vst.idx.msk $0xffff, v22;
	v30 =	vadd.f32 v31, v18;
	v31 =	vadd.s32 v10, v24  }
0xc3: {  	v25 =	vshrl.u32 v25, $0x3;
	v19 =	vshll.u32 v19, v1;
	v20 =	vadd.f32 v56, v17  }
0xc4: {  	s19 =	simm.s32 $0x8;
	v60 =	vld [tilespmem:s13+$0xFFFFFFB0];
	v58 =	vadd.s32 v8, v23;
	v23 =	vbroadcast v19, $0x0;
	[tilespmem:v27+s3+$0x0] =	vst.idx.msk $0xffff, v30;
	v27 =	vadd.f32 v29, v18  }
0xc5: {  	v57 =	vmov s19;
	v61 =	vld [tilespmem:s13+$0xFFFFFFC0];
	v25 =	vshll.u32 v25, v1;
	[tilespmem:v21+s3+$0x0] =	vst.idx.msk $0xffff, v20;
	v29 =	vadd.f32 v59, v17  }
0xc6: {  	v63 =	vld [tilespmem:s13+$0xFFFFFFD0];
	v62 =	vadd.s32 v11, v23;
	v20 =	vadd.f32 v28, v17;
	v28 =	vbroadcast v25, $0x0;
	[tilespmem:v26+s3+$0x0] =	vst.idx.msk $0xffff, v27  }
0xc7: {  	s20 =	simm.s32 $0x9;
	s21 =	simm.s32 $0xA;
	v19 =	vshrl.u32 v57, $0x3;
	v23 =	vadd.s32 v12, v23;
	[tilespmem:v31+s3+$0x0] =	vst.idx.msk $0xffff, v29;
	v29 =	vld [tilespmem:s13+$0xFFFFFFE0]  }
0xc8: {  	s19 =	simm.s32 $0xB;
	v22 =	vmov s20;
	v24 =	vmov s21;
	v21 =	vadd.s32 v13, v28  }
0xc9: {  	s20 =	simm.s32 $0xC;
	s21 =	simm.s32 $0xD;
	v25 =	vmov s19;
	v30 =	vadd.f32 v60, v18;
	[tilespmem:v58+s3+$0x0] =	vst.idx.msk $0xffff, v20;
	v20 =	vadd.s32 v14, v28  }
0xca: {  	v27 =	vmov s20;
	v26 =	vmov s21;
	s20 =	simm.s32 $0xE;
	s21 =	simm.s32 $0xF;
	v31 =	vadd.f32 v61, v17  }
0xcb: {  	s16 =	simm.s32 $0x10;
	[tilespmem:v62+s3+$0x0] =	vst.idx.msk $0xffff, v30;
	v30 =	vadd.f32 v63, v18;
	v28 =	vmov s20;
	v32 =	vmov s21  }
.LBB2_5:
0xcc: {  	p1 =	slt.u32 s16, $0x78;
	v19 =	vshll.u32 v19, v1;
	v32 =	vshrl.u32 v32, $0x3;
	[tilespmem:v23+s3+$0x0] =	vst.idx.msk $0xffff, v31;
	v23 =	vadd.f32 v29, v17  }
0xcd: {  	v22 =	vshrl.u32 v22, $0x3;
	v24 =	vshrl.u32 v24, $0x3;
	s13 =	sadd.s32 $0x100, s13;
	v29 =	vshll.u32 v32, v1;
	[tilespmem:v21+s3+$0x0] =	vst.idx.msk $0xffff, v30  }
0xce: {  	v21 =	vshrl.u32 v25, $0x3;
	v25 =	vshrl.u32 v27, $0x3;
	v27 =	vld [tilespmem:s13+$0xFFFFFFF0];
	v29 =	vbroadcast v29, $0x0;
	[tilespmem:v20+s3+$0x0] =	vst.idx.msk $0xffff, v23  }
0xcf: {  	v19 =	vbroadcast v19, $0x0;
	v20 =	vshrl.u32 v26, $0x3;
	v23 =	vshrl.u32 v28, $0x3;
	v26 =	vld [tilespmem:s13+$0x0]  }
0xd0: {  	v22 =	vshll.u32 v22, v1;
	v24 =	vshll.u32 v24, v1;
	v28 =	vld [tilespmem:s13+$0xFFFFFF10];
	v30 =	vadd.s32 v15, v29  }
0xd1: {  	v21 =	vshll.u32 v21, v1;
	v25 =	vshll.u32 v25, v1;
	v29 =	vadd.s32 v16, v29;
	v31 =	vld [tilespmem:s13+$0xFFFFFF20]  }
0xd2: {  	v22 =	vbroadcast v22, $0x0;
	v32 =	vadd.s32 v0, v19;
	v20 =	vshll.u32 v20, v1;
	v33 =	vld [tilespmem:s13+$0xFFFFFF30]  }
0xd3: {  	v19 =	vadd.s32 v2, v19;
	v23 =	vshll.u32 v23, v1;
	v34 =	vld [tilespmem:s13+$0xFFFFFF40];
	v27 =	vadd.f32 v27, v18  }
0xd4: {  	v24 =	vbroadcast v24, $0x0;
	v35 =	vadd.s32 v3, v22;
	v36 =	vld [tilespmem:s13+$0xFFFFFF50];
	v26 =	vadd.f32 v26, v17  }
0xd5: {  	v22 =	vadd.s32 v4, v22;
	v28 =	vadd.f32 v28, v18;
	v37 =	vld [tilespmem:s13+$0xFFFFFF60];
	[tilespmem:v30+s3+$0x0] =	vst.idx.msk $0xffff, v27  }
0xd6: {  	v21 =	vbroadcast v21, $0x0;
	v30 =	vadd.s32 v5, v24;
	v27 =	vadd.f32 v31, v17;
	v31 =	vld [tilespmem:s13+$0xFFFFFF70];
	[tilespmem:v29+s3+$0x0] =	vst.idx.msk $0xffff, v26  }
0xd7: {  	v24 =	vadd.s32 v6, v24;
	[tilespmem:v32+s3+$0x0] =	vst.idx.msk $0xffff, v28;
	v26 =	vadd.f32 v33, v18;
	v28 =	vld [tilespmem:s13+$0xFFFFFF80]  }
0xd8: {  	v25 =	vbroadcast v25, $0x0;
	[tilespmem:v19+s3+$0x0] =	vst.idx.msk $0xffff, v27;
	v19 =	vadd.f32 v34, v17;
	v27 =	vadd.s32 v7, v21;
	v29 =	vld [tilespmem:s13+$0xFFFFFF90]  }
0xd9: {  	v32 =	vmov s16;
	v21 =	vadd.s32 v8, v21;
	[tilespmem:v35+s3+$0x0] =	vst.idx.msk $0xffff, v26;
	v26 =	vadd.f32 v36, v18;
	v33 =	vld [tilespmem:s13+$0xFFFFFFA0]  }
0xda: {  	v20 =	vbroadcast v20, $0x0;
	v34 =	vadd.s32 v9, v25;
	[tilespmem:v22+s3+$0x0] =	vst.idx.msk $0xffff, v19;
	v22 =	vadd.f32 v37, v17;
	v35 =	vld [tilespmem:s13+$0xFFFFFFB0]  }
0xdb: {  	v19 =	vshrl.u32 v32, $0x3;
	[tilespmem:v30+s3+$0x0] =	vst.idx.msk $0xffff, v26;
	v26 =	vadd.f32 v31, v18;
	v30 =	vadd.s32 v10, v25;
	v31 =	vld [tilespmem:s13+$0xFFFFFFC0]  }
0xdc: {  	s19 =	sadd.s32 $0x1, s16;
	v36 =	vadd.s32 v11, v20;
	[tilespmem:v24+s3+$0x0] =	vst.idx.msk $0xffff, v22;
	v25 =	vadd.f32 v28, v17;
	v37 =	vld [tilespmem:s13+$0xFFFFFFD0];
	v28 =	vbroadcast v23, $0x0  }
.Ltmp1:
0xdd: {  	v22 =	vmov s19;
	s19 =	sadd.s32 $0x2, s16;
	v23 =	vadd.s32 v12, v20;
	[tilespmem:v27+s3+$0x0] =	vst.idx.msk $0xffff, v26;
	v26 =	vadd.f32 v29, v18;
	v29 =	vld [tilespmem:s13+$0xFFFFFFE0];
	(pc) =	sbr.rel @p1 .LBB2_5-.Ltmp1, $4  }
0xde: {  	v24 =	vmov s19;
	s19 =	sadd.s32 $0x3, s16;
	[tilespmem:v21+s3+$0x0] =	vst.idx.msk $0xffff, v25;
	v32 =	vadd.f32 v33, v17;
	v21 =	vadd.s32 v13, v28  }
0xdf: {  	s20 =	sadd.s32 $0x5, s16;
	v25 =	vmov s19;
	s19 =	sadd.s32 $0x4, s16;
	v20 =	vadd.s32 v14, v28;
	[tilespmem:v34+s3+$0x0] =	vst.idx.msk $0xffff, v26;
	v33 =	vadd.f32 v35, v18  }
0xe0: {  	v27 =	vmov s19;
	v26 =	vmov s20;
	s19 =	sadd.s32 $0x6, s16;
	s20 =	sadd.s32 $0x7, s16;
	[tilespmem:v30+s3+$0x0] =	vst.idx.msk $0xffff, v32;
	v31 =	vadd.f32 v31, v17  }
0xe1: {  	s16 =	sadd.s32 $0x8, s16;
	v28 =	vmov s19;
	v32 =	vmov s20;
	[tilespmem:v36+s3+$0x0] =	vst.idx.msk $0xffff, v33;
	v30 =	vadd.f32 v37, v18  }
0xe2: {  	_ =	sdelay $0x1  }
0xe3: {  	v19 =	vshll.u32 v19, v1;
	v32 =	vshrl.u32 v32, $0x3;
	v29 =	vadd.f32 v29, v17  }
0xe4: {  	v22 =	vshrl.u32 v22, $0x3;
	v24 =	vshrl.u32 v24, $0x3;
	s13 =	sadd.s32 $0x100, s13;
	v25 =	vshrl.u32 v25, $0x3  }
0xe5: {  	v27 =	vshrl.u32 v27, $0x3;
	[tilespmem:v23+s3+$0x0] =	vst.idx.msk $0xffff, v31;
	v32 =	vshll.u32 v32, v1;
	v19 =	vbroadcast v19, $0x0;
	v31 =	vld [tilespmem:s13+$0xFFFFFF10]  }
0xe6: {  	v23 =	vshrl.u32 v26, $0x3;
	v33 =	vld [tilespmem:s13+$0xFFFFFFF0];
	v22 =	vshll.u32 v22, v1;
	v32 =	vbroadcast v32, $0x0  }
0xe7: {  	v26 =	vshrl.u32 v28, $0x3;
	v28 =	vld [tilespmem:s13+$0x0];
	v24 =	vshll.u32 v24, v1;
	[tilespmem:v21+s3+$0x0] =	vst.idx.msk $0xffff, v30;
	v21 =	vadd.s32 v0, v19  }
0xe8: {  	v35 =	vld [tilespmem:s13+$0xFFFFFF20];
	v25 =	vshll.u32 v25, v1;
	v27 =	vshll.u32 v27, v1;
	v34 =	vadd.s32 v15, v32  }
0xe9: {  	v30 =	vld [tilespmem:s13+$0xFFFFFF30];
	v23 =	vshll.u32 v23, v1;
	v22 =	vbroadcast v22, $0x0;
	v32 =	vadd.s32 v16, v32  }
0xea: {  	v36 =	vld [tilespmem:s13+$0xFFFFFF40];
	v26 =	vshll.u32 v26, v1;
	v19 =	vadd.s32 v2, v19;
	v31 =	vadd.f32 v31, v18  }
0xeb: {  	[tilespmem:v20+s3+$0x0] =	vst.idx.msk $0xffff, v29;
	v29 =	vld [tilespmem:s13+$0xFFFFFF50];
	v24 =	vbroadcast v24, $0x0;
	v20 =	vadd.s32 v3, v22;
	v33 =	vadd.f32 v33, v18  }
0xec: {  	v37 =	vld [tilespmem:s13+$0xFFFFFF60];
	v22 =	vadd.s32 v4, v22;
	v28 =	vadd.f32 v28, v17;
	[tilespmem:v21+s3+$0x0] =	vst.idx.msk $0xffff, v31  }
0xed: {  	v51 =	vld [tilespmem:s13+$0xFFFFFF70];
	v25 =	vbroadcast v25, $0x0;
	v50 =	vadd.s32 v5, v24;
	v49 =	vadd.f32 v35, v17;
	[tilespmem:v34+s3+$0x0] =	vst.idx.msk $0xffff, v33  }
0xee: {  	v24 =	vadd.s32 v6, v24;
	v21 =	vadd.f32 v30, v18;
	[tilespmem:v32+s3+$0x0] =	vst.idx.msk $0xffff, v28;
	v28 =	vld [tilespmem:s13+$0xFFFFFF80]  }
0xef: {  	v27 =	vbroadcast v27, $0x0;
	v30 =	vadd.s32 v7, v25;
	v31 =	vld [tilespmem:s13+$0xFFFFFF90];
	[tilespmem:v19+s3+$0x0] =	vst.idx.msk $0xffff, v49;
	v19 =	vadd.f32 v36, v17  }
0xf0: {  	[tilespmem:v20+s3+$0x0] =	vst.idx.msk $0xffff, v21;
	v20 =	vadd.f32 v29, v18;
	v21 =	vadd.s32 v8, v25;
	v25 =	vld [tilespmem:s13+$0xFFFFFFA0]  }
0xf1: {  	v23 =	vbroadcast v23, $0x0;
	v29 =	vld [tilespmem:s13+$0xFFFFFFB0];
	[tilespmem:v22+s3+$0x0] =	vst.idx.msk $0xffff, v19;
	v19 =	vadd.f32 v37, v17;
	v22 =	vadd.s32 v9, v27  }
0xf2: {  	v52 =	vld [tilespmem:s13+$0xFFFFFFC0];
	v27 =	vadd.s32 v10, v27;
	[tilespmem:v50+s3+$0x0] =	vst.idx.msk $0xffff, v20;
	v20 =	vadd.f32 v51, v18  }
0xf3: {  	v26 =	vbroadcast v26, $0x0;
	[tilespmem:v24+s3+$0x0] =	vst.idx.msk $0xffff, v19;
	v24 =	vadd.s32 v11, v23;
	v19 =	vadd.f32 v28, v17;
	v28 =	vld [tilespmem:s13+$0xFFFFFFD0]  }
0xf4: {  	v23 =	vadd.s32 v12, v23;
	[tilespmem:v30+s3+$0x0] =	vst.idx.msk $0xffff, v20;
	v20 =	vadd.f32 v31, v18;
	v30 =	vld [tilespmem:s13+$0xFFFFFFE0]  }
0xf5: {  	[tilespmem:v21+s3+$0x0] =	vst.idx.msk $0xffff, v19;
	v19 =	vadd.f32 v25, v17;
	v21 =	vadd.s32 v13, v26  }
0xf6: {  	[tilespmem:v22+s3+$0x0] =	vst.idx.msk $0xffff, v20;
	v20 =	vadd.f32 v29, v18;
	v22 =	vadd.s32 v14, v26  }
0xf7: {  	[tilespmem:v27+s3+$0x0] =	vst.idx.msk $0xffff, v19;
	v19 =	vadd.f32 v52, v17  }
0xf8: {  	[tilespmem:v24+s3+$0x0] =	vst.idx.msk $0xffff, v20;
	v18 =	vadd.f32 v28, v18  }
0xf9: {  	s16 =	simm.s32 $0x0;
	s13 =	sor.u32 $0x2, s18;
	v17 =	vadd.f32 v30, v17;
	[tilespmem:v23+s3+$0x0] =	vst.idx.msk $0xffff, v19  }
0xfa: {  	s20 =	simm.s32 $0x4;
	v19 =	vmov s16;
	s16 =	sshll.u32 s13, $0x5;
	[tilespmem:v21+s3+$0x0] =	vst.idx.msk $0xffff, v18  }
0xfb: {  	v24 =	vmov s20;
	s20 =	simm.s32 $0x7;
	s16 =	sand.u32 $0x3FFFFFE0, s16;
	[tilespmem:v22+s3+$0x0] =	vst.idx.msk $0xffff, v17  }
0xfc: {  	s19 =	simm.s32 $0x1;
	v17 =	vshrl.u32 v19, $0x3;
	v22 =	vmov s20;
	v18 =	vld [tilespmem:s16+$0x10C00]  }
0xfd: {  	v20 =	vmov s19;
	v26 =	vshll.u32 v17, v1;
	v22 =	vshrl.u32 v22, $0x3;
	v17 =	vld [tilespmem:s16+$0x10C10]  }
0xfe: {  	v20 =	vshrl.u32 v20, $0x3;
	v29 =	vld [tilespmem:s17+$0xFFFFFF10];
	v22 =	vshll.u32 v22, v1;
	v26 =	vbroadcast v26, $0x0  }
0xff: {  	s21 =	simm.s32 $0x3;
	v20 =	vshll.u32 v20, v1;
	v27 =	vld [tilespmem:s17+$0xFFFFFFF0];
	v22 =	vbroadcast v22, $0x0  }
0x100: {  	s19 =	simm.s32 $0x2;
	v23 =	vmov s21;
	v20 =	vbroadcast v20, $0x0;
	v28 =	vld [tilespmem:s17+$0x0];
	v53 =	vadd.s32 v0, v26  }
0x101: {  	v21 =	vmov s19;
	v23 =	vshrl.u32 v23, $0x3;
	v31 =	vld [tilespmem:s17+$0xFFFFFF20];
	v30 =	vadd.s32 v15, v22  }
0x102: {  	v21 =	vshrl.u32 v21, $0x3;
	v23 =	vshll.u32 v23, v1;
	v33 =	vld [tilespmem:s17+$0xFFFFFF30];
	v22 =	vadd.s32 v16, v22  }
0x103: {  	v21 =	vshll.u32 v21, v1;
	v34 =	vld [tilespmem:s17+$0xFFFFFF40];
	v26 =	vadd.s32 v2, v26;
	v29 =	vadd.f32 v29, v18  }
0x104: {  	v54 =	vadd.s32 v3, v20;
	s16 =	sadd.s32 $0xA600, s26;
	v55 =	vld [tilespmem:s17+$0xFFFFFF50];
	v21 =	vbroadcast v21, $0x0;
	v27 =	vadd.f32 v27, v18  }
0x105: {  	v24 =	vshrl.u32 v24, $0x3;
	v20 =	vadd.s32 v4, v20;
	v28 =	vadd.f32 v28, v17;
	[tilespmem:v53+s16+$0x0] =	vst.idx.msk $0xffff, v29  }
0x106: {  	v23 =	vbroadcast v23, $0x0;
	[tilespmem:v30+s16+$0x0] =	vst.idx.msk $0xffff, v27;
	v27 =	vadd.f32 v31, v17;
	v30 =	vadd.s32 v5, v21;
	v31 =	vld [tilespmem:s17+$0xFFFFFF70]  }
0x107: {  	v24 =	vshll.u32 v24, v1;
	v56 =	vld [tilespmem:s17+$0xFFFFFF60];
	[tilespmem:v22+s16+$0x0] =	vst.idx.msk $0xffff, v28;
	v22 =	vadd.f32 v33, v18  }
0x108: {  	s21 =	simm.s32 $0x5;
	v24 =	vbroadcast v24, $0x0;
	v29 =	vld [tilespmem:s17+$0xFFFFFF90];
	[tilespmem:v26+s16+$0x0] =	vst.idx.msk $0xffff, v27;
	v26 =	vadd.f32 v34, v17;
	v27 =	vadd.s32 v7, v23  }
0x109: {  	v19 =	vmov s21;
	s21 =	simm.s32 $0x6;
	v59 =	vld [tilespmem:s17+$0xFFFFFFA0];
	v21 =	vadd.s32 v6, v21;
	[tilespmem:v54+s16+$0x0] =	vst.idx.msk $0xffff, v22;
	v22 =	vadd.f32 v55, v18  }
0x10a: {  	v25 =	vmov s21;
	v28 =	vld [tilespmem:s17+$0xFFFFFF80];
	[tilespmem:v20+s16+$0x0] =	vst.idx.msk $0xffff, v26;
	v26 =	vadd.s32 v9, v24  }
0x10b: {  	v19 =	vshrl.u32 v19, $0x3;
	[tilespmem:v30+s16+$0x0] =	vst.idx.msk $0xffff, v22;
	v30 =	vadd.f32 v31, v18;
	v31 =	vadd.s32 v10, v24  }
0x10c: {  	v25 =	vshrl.u32 v25, $0x3;
	v19 =	vshll.u32 v19, v1;
	v20 =	vadd.f32 v56, v17  }
0x10d: {  	s20 =	simm.s32 $0x8;
	v60 =	vld [tilespmem:s17+$0xFFFFFFB0];
	v58 =	vadd.s32 v8, v23;
	v23 =	vbroadcast v19, $0x0;
	[tilespmem:v27+s16+$0x0] =	vst.idx.msk $0xffff, v30;
	v27 =	vadd.f32 v29, v18  }
0x10e: {  	v57 =	vmov s20;
	v61 =	vld [tilespmem:s17+$0xFFFFFFC0];
	v25 =	vshll.u32 v25, v1;
	[tilespmem:v21+s16+$0x0] =	vst.idx.msk $0xffff, v20;
	v29 =	vadd.f32 v59, v17  }
0x10f: {  	v63 =	vld [tilespmem:s17+$0xFFFFFFD0];
	v62 =	vadd.s32 v11, v23;
	v20 =	vadd.f32 v28, v17;
	v28 =	vbroadcast v25, $0x0;
	[tilespmem:v26+s16+$0x0] =	vst.idx.msk $0xffff, v27  }
0x110: {  	s21 =	simm.s32 $0x9;
	s20 =	simm.s32 $0xA;
	v19 =	vshrl.u32 v57, $0x3;
	v23 =	vadd.s32 v12, v23;
	[tilespmem:v31+s16+$0x0] =	vst.idx.msk $0xffff, v29;
	v29 =	vld [tilespmem:s17+$0xFFFFFFE0]  }
0x111: {  	v22 =	vmov s21;
	v24 =	vmov s20;
	s21 =	simm.s32 $0xB;
	v21 =	vadd.s32 v13, v28  }
0x112: {  	s20 =	simm.s32 $0xC;
	v25 =	vmov s21;
	s21 =	simm.s32 $0xD;
	v30 =	vadd.f32 v60, v18;
	[tilespmem:v58+s16+$0x0] =	vst.idx.msk $0xffff, v20;
	v20 =	vadd.s32 v14, v28  }
0x113: {  	v27 =	vmov s20;
	v26 =	vmov s21;
	s20 =	simm.s32 $0xE;
	s21 =	simm.s32 $0xF;
	v31 =	vadd.f32 v61, v17  }
0x114: {  	s19 =	simm.s32 $0x10;
	[tilespmem:v62+s16+$0x0] =	vst.idx.msk $0xffff, v30;
	v30 =	vadd.f32 v63, v18;
	v28 =	vmov s20;
	v32 =	vmov s21  }
.LBB2_7:
0x115: {  	p1 =	slt.u32 s19, $0x78;
	v19 =	vshll.u32 v19, v1;
	v32 =	vshrl.u32 v32, $0x3;
	[tilespmem:v23+s16+$0x0] =	vst.idx.msk $0xffff, v31;
	v23 =	vadd.f32 v29, v17  }
0x116: {  	v22 =	vshrl.u32 v22, $0x3;
	v24 =	vshrl.u32 v24, $0x3;
	s17 =	sadd.s32 $0x100, s17;
	v29 =	vshll.u32 v32, v1;
	[tilespmem:v21+s16+$0x0] =	vst.idx.msk $0xffff, v30  }
0x117: {  	v21 =	vshrl.u32 v25, $0x3;
	v25 =	vshrl.u32 v27, $0x3;
	v27 =	vld [tilespmem:s17+$0xFFFFFFF0];
	v29 =	vbroadcast v29, $0x0;
	[tilespmem:v20+s16+$0x0] =	vst.idx.msk $0xffff, v23  }
0x118: {  	v19 =	vbroadcast v19, $0x0;
	v20 =	vshrl.u32 v26, $0x3;
	v23 =	vshrl.u32 v28, $0x3;
	v26 =	vld [tilespmem:s17+$0x0]  }
0x119: {  	v22 =	vshll.u32 v22, v1;
	v24 =	vshll.u32 v24, v1;
	v28 =	vld [tilespmem:s17+$0xFFFFFF10];
	v30 =	vadd.s32 v15, v29  }
0x11a: {  	v21 =	vshll.u32 v21, v1;
	v25 =	vshll.u32 v25, v1;
	v29 =	vadd.s32 v16, v29;
	v31 =	vld [tilespmem:s17+$0xFFFFFF20]  }
0x11b: {  	v22 =	vbroadcast v22, $0x0;
	v32 =	vadd.s32 v0, v19;
	v20 =	vshll.u32 v20, v1;
	v33 =	vld [tilespmem:s17+$0xFFFFFF30]  }
0x11c: {  	v19 =	vadd.s32 v2, v19;
	v23 =	vshll.u32 v23, v1;
	v34 =	vld [tilespmem:s17+$0xFFFFFF40];
	v27 =	vadd.f32 v27, v18  }
0x11d: {  	v24 =	vbroadcast v24, $0x0;
	v35 =	vadd.s32 v3, v22;
	v36 =	vld [tilespmem:s17+$0xFFFFFF50];
	v26 =	vadd.f32 v26, v17  }
0x11e: {  	v22 =	vadd.s32 v4, v22;
	v28 =	vadd.f32 v28, v18;
	v37 =	vld [tilespmem:s17+$0xFFFFFF60];
	[tilespmem:v30+s16+$0x0] =	vst.idx.msk $0xffff, v27  }
0x11f: {  	v21 =	vbroadcast v21, $0x0;
	v30 =	vadd.s32 v5, v24;
	v27 =	vadd.f32 v31, v17;
	v31 =	vld [tilespmem:s17+$0xFFFFFF70];
	[tilespmem:v29+s16+$0x0] =	vst.idx.msk $0xffff, v26  }
0x120: {  	v24 =	vadd.s32 v6, v24;
	[tilespmem:v32+s16+$0x0] =	vst.idx.msk $0xffff, v28;
	v26 =	vadd.f32 v33, v18;
	v28 =	vld [tilespmem:s17+$0xFFFFFF80]  }
0x121: {  	v25 =	vbroadcast v25, $0x0;
	[tilespmem:v19+s16+$0x0] =	vst.idx.msk $0xffff, v27;
	v19 =	vadd.f32 v34, v17;
	v27 =	vadd.s32 v7, v21;
	v29 =	vld [tilespmem:s17+$0xFFFFFF90]  }
0x122: {  	v32 =	vmov s19;
	v21 =	vadd.s32 v8, v21;
	[tilespmem:v35+s16+$0x0] =	vst.idx.msk $0xffff, v26;
	v26 =	vadd.f32 v36, v18;
	v33 =	vld [tilespmem:s17+$0xFFFFFFA0]  }
0x123: {  	v20 =	vbroadcast v20, $0x0;
	v34 =	vadd.s32 v9, v25;
	[tilespmem:v22+s16+$0x0] =	vst.idx.msk $0xffff, v19;
	v22 =	vadd.f32 v37, v17;
	v35 =	vld [tilespmem:s17+$0xFFFFFFB0]  }
0x124: {  	v19 =	vshrl.u32 v32, $0x3;
	[tilespmem:v30+s16+$0x0] =	vst.idx.msk $0xffff, v26;
	v26 =	vadd.f32 v31, v18;
	v30 =	vadd.s32 v10, v25;
	v31 =	vld [tilespmem:s17+$0xFFFFFFC0]  }
0x125: {  	s20 =	sadd.s32 $0x1, s19;
	v36 =	vadd.s32 v11, v20;
	[tilespmem:v24+s16+$0x0] =	vst.idx.msk $0xffff, v22;
	v25 =	vadd.f32 v28, v17;
	v37 =	vld [tilespmem:s17+$0xFFFFFFD0];
	v28 =	vbroadcast v23, $0x0  }
.Ltmp2:
0x126: {  	v22 =	vmov s20;
	s20 =	sadd.s32 $0x2, s19;
	v23 =	vadd.s32 v12, v20;
	[tilespmem:v27+s16+$0x0] =	vst.idx.msk $0xffff, v26;
	v26 =	vadd.f32 v29, v18;
	v29 =	vld [tilespmem:s17+$0xFFFFFFE0];
	(pc) =	sbr.rel @p1 .LBB2_7-.Ltmp2, $4  }
0x127: {  	v24 =	vmov s20;
	s20 =	sadd.s32 $0x3, s19;
	[tilespmem:v21+s16+$0x0] =	vst.idx.msk $0xffff, v25;
	v32 =	vadd.f32 v33, v17;
	v21 =	vadd.s32 v13, v28  }
0x128: {  	s21 =	sadd.s32 $0x5, s19;
	v25 =	vmov s20;
	s20 =	sadd.s32 $0x4, s19;
	v20 =	vadd.s32 v14, v28;
	[tilespmem:v34+s16+$0x0] =	vst.idx.msk $0xffff, v26;
	v33 =	vadd.f32 v35, v18  }
0x129: {  	v27 =	vmov s20;
	v26 =	vmov s21;
	s20 =	sadd.s32 $0x6, s19;
	s21 =	sadd.s32 $0x7, s19;
	[tilespmem:v30+s16+$0x0] =	vst.idx.msk $0xffff, v32;
	v31 =	vadd.f32 v31, v17  }
0x12a: {  	s19 =	sadd.s32 $0x8, s19;
	v28 =	vmov s20;
	v32 =	vmov s21;
	[tilespmem:v36+s16+$0x0] =	vst.idx.msk $0xffff, v33;
	v30 =	vadd.f32 v37, v18  }
0x12b: {  	_ =	sdelay $0x1  }
0x12c: {  	v19 =	vshll.u32 v19, v1;
	v32 =	vshrl.u32 v32, $0x3;
	v29 =	vadd.f32 v29, v17  }
0x12d: {  	v22 =	vshrl.u32 v22, $0x3;
	v24 =	vshrl.u32 v24, $0x3;
	s17 =	sadd.s32 $0x100, s17;
	v25 =	vshrl.u32 v25, $0x3  }
0x12e: {  	v27 =	vshrl.u32 v27, $0x3;
	[tilespmem:v23+s16+$0x0] =	vst.idx.msk $0xffff, v31;
	v32 =	vshll.u32 v32, v1;
	v19 =	vbroadcast v19, $0x0;
	v31 =	vld [tilespmem:s17+$0xFFFFFF10]  }
0x12f: {  	v23 =	vshrl.u32 v26, $0x3;
	v33 =	vld [tilespmem:s17+$0xFFFFFFF0];
	v22 =	vshll.u32 v22, v1;
	v32 =	vbroadcast v32, $0x0  }
0x130: {  	v26 =	vshrl.u32 v28, $0x3;
	v28 =	vld [tilespmem:s17+$0x0];
	v24 =	vshll.u32 v24, v1;
	[tilespmem:v21+s16+$0x0] =	vst.idx.msk $0xffff, v30;
	v21 =	vadd.s32 v0, v19  }
0x131: {  	v35 =	vld [tilespmem:s17+$0xFFFFFF20];
	v25 =	vshll.u32 v25, v1;
	v27 =	vshll.u32 v27, v1;
	v34 =	vadd.s32 v15, v32  }
0x132: {  	v30 =	vld [tilespmem:s17+$0xFFFFFF30];
	v23 =	vshll.u32 v23, v1;
	v22 =	vbroadcast v22, $0x0;
	v32 =	vadd.s32 v16, v32  }
0x133: {  	v36 =	vld [tilespmem:s17+$0xFFFFFF40];
	v26 =	vshll.u32 v26, v1;
	v19 =	vadd.s32 v2, v19;
	v31 =	vadd.f32 v31, v18  }
0x134: {  	[tilespmem:v20+s16+$0x0] =	vst.idx.msk $0xffff, v29;
	v29 =	vld [tilespmem:s17+$0xFFFFFF50];
	v24 =	vbroadcast v24, $0x0;
	v20 =	vadd.s32 v3, v22;
	v33 =	vadd.f32 v33, v18  }
0x135: {  	v37 =	vld [tilespmem:s17+$0xFFFFFF60];
	v22 =	vadd.s32 v4, v22;
	v28 =	vadd.f32 v28, v17;
	[tilespmem:v21+s16+$0x0] =	vst.idx.msk $0xffff, v31  }
0x136: {  	v51 =	vld [tilespmem:s17+$0xFFFFFF70];
	v25 =	vbroadcast v25, $0x0;
	v50 =	vadd.s32 v5, v24;
	v49 =	vadd.f32 v35, v17;
	[tilespmem:v34+s16+$0x0] =	vst.idx.msk $0xffff, v33  }
0x137: {  	v24 =	vadd.s32 v6, v24;
	v21 =	vadd.f32 v30, v18;
	[tilespmem:v32+s16+$0x0] =	vst.idx.msk $0xffff, v28;
	v28 =	vld [tilespmem:s17+$0xFFFFFF80]  }
0x138: {  	v27 =	vbroadcast v27, $0x0;
	v30 =	vadd.s32 v7, v25;
	v31 =	vld [tilespmem:s17+$0xFFFFFF90];
	[tilespmem:v19+s16+$0x0] =	vst.idx.msk $0xffff, v49;
	v19 =	vadd.f32 v36, v17  }
0x139: {  	[tilespmem:v20+s16+$0x0] =	vst.idx.msk $0xffff, v21;
	v20 =	vadd.f32 v29, v18;
	v21 =	vadd.s32 v8, v25;
	v25 =	vld [tilespmem:s17+$0xFFFFFFA0]  }
0x13a: {  	v23 =	vbroadcast v23, $0x0;
	v29 =	vld [tilespmem:s17+$0xFFFFFFB0];
	[tilespmem:v22+s16+$0x0] =	vst.idx.msk $0xffff, v19;
	v19 =	vadd.f32 v37, v17;
	v22 =	vadd.s32 v9, v27  }
0x13b: {  	v52 =	vld [tilespmem:s17+$0xFFFFFFC0];
	v27 =	vadd.s32 v10, v27;
	[tilespmem:v50+s16+$0x0] =	vst.idx.msk $0xffff, v20;
	v20 =	vadd.f32 v51, v18  }
0x13c: {  	v26 =	vbroadcast v26, $0x0;
	[tilespmem:v24+s16+$0x0] =	vst.idx.msk $0xffff, v19;
	v24 =	vadd.s32 v11, v23;
	v19 =	vadd.f32 v28, v17;
	v28 =	vld [tilespmem:s17+$0xFFFFFFD0]  }
0x13d: {  	v23 =	vadd.s32 v12, v23;
	[tilespmem:v30+s16+$0x0] =	vst.idx.msk $0xffff, v20;
	v20 =	vadd.f32 v31, v18;
	v30 =	vld [tilespmem:s17+$0xFFFFFFE0]  }
0x13e: {  	[tilespmem:v21+s16+$0x0] =	vst.idx.msk $0xffff, v19;
	v19 =	vadd.f32 v25, v17;
	v21 =	vadd.s32 v13, v26  }
0x13f: {  	[tilespmem:v22+s16+$0x0] =	vst.idx.msk $0xffff, v20;
	v20 =	vadd.f32 v29, v18;
	v22 =	vadd.s32 v14, v26  }
0x140: {  	[tilespmem:v27+s16+$0x0] =	vst.idx.msk $0xffff, v19;
	v19 =	vadd.f32 v52, v17  }
0x141: {  	[tilespmem:v24+s16+$0x0] =	vst.idx.msk $0xffff, v20;
	v18 =	vadd.f32 v28, v18  }
0x142: {  	s17 =	sor.u32 $0x3, s18;
	v17 =	vadd.f32 v30, v17;
	[tilespmem:v23+s16+$0x0] =	vst.idx.msk $0xffff, v19  }
0x143: {  	s21 =	simm.s32 $0x0;
	s20 =	simm.s32 $0x4;
	s18 =	sshll.u32 s17, $0x5;
	[tilespmem:v21+s16+$0x0] =	vst.idx.msk $0xffff, v18  }
0x144: {  	s18 =	sand.u32 $0x3FFFFFE0, s18;
	v24 =	vmov s20;
	s20 =	simm.s32 $0x7;
	v19 =	vmov s21;
	[tilespmem:v22+s16+$0x0] =	vst.idx.msk $0xffff, v17  }
0x145: {  	s19 =	simm.s32 $0x1;
	v18 =	vshrl.u32 v19, $0x3;
	v22 =	vmov s20;
	v17 =	vld [tilespmem:s18+$0x10C00]  }
0x146: {  	v20 =	vmov s19;
	v26 =	vshll.u32 v18, v1;
	v22 =	vshrl.u32 v22, $0x3;
	v18 =	vld [tilespmem:s18+$0x10C10]  }
0x147: {  	v20 =	vshrl.u32 v20, $0x3;
	v26 =	vbroadcast v26, $0x0;
	v29 =	vld [tilespmem:s31+$0xFFFFFF10];
	v22 =	vshll.u32 v22, v1  }
0x148: {  	s19 =	simm.s32 $0x2;
	v20 =	vshll.u32 v20, v1;
	v27 =	vld [tilespmem:s31+$0xFFFFFFF0];
	v22 =	vbroadcast v22, $0x0  }
0x149: {  	s21 =	simm.s32 $0x3;
	v20 =	vbroadcast v20, $0x0;
	v21 =	vmov s19;
	v28 =	vld [tilespmem:s31+$0x0];
	v53 =	vadd.s32 v0, v26  }
0x14a: {  	v23 =	vmov s21;
	v21 =	vshrl.u32 v21, $0x3;
	v31 =	vld [tilespmem:s31+$0xFFFFFF20];
	v30 =	vadd.s32 v15, v22  }
0x14b: {  	v23 =	vshrl.u32 v23, $0x3;
	v54 =	vadd.s32 v3, v20;
	v33 =	vld [tilespmem:s31+$0xFFFFFF30];
	v22 =	vadd.s32 v16, v22  }
0x14c: {  	v21 =	vshll.u32 v21, v1;
	v34 =	vld [tilespmem:s31+$0xFFFFFF40];
	v26 =	vadd.s32 v2, v26;
	v29 =	vadd.f32 v29, v17  }
0x14d: {  	v20 =	vadd.s32 v4, v20;
	s18 =	sadd.s32 $0xB700, s26;
	v55 =	vld [tilespmem:s31+$0xFFFFFF50];
	v21 =	vbroadcast v21, $0x0;
	v27 =	vadd.f32 v27, v17  }
0x14e: {  	v24 =	vshrl.u32 v24, $0x3;
	v23 =	vshll.u32 v23, v1;
	v28 =	vadd.f32 v28, v18;
	[tilespmem:v53+s18+$0x0] =	vst.idx.msk $0xffff, v29  }
0x14f: {  	v23 =	vbroadcast v23, $0x0;
	[tilespmem:v30+s18+$0x0] =	vst.idx.msk $0xffff, v27;
	v27 =	vadd.f32 v31, v18;
	v30 =	vadd.s32 v5, v21;
	v31 =	vld [tilespmem:s31+$0xFFFFFF70]  }
0x150: {  	v24 =	vshll.u32 v24, v1;
	v56 =	vld [tilespmem:s31+$0xFFFFFF60];
	[tilespmem:v22+s18+$0x0] =	vst.idx.msk $0xffff, v28;
	v22 =	vadd.f32 v33, v17  }
0x151: {  	v24 =	vbroadcast v24, $0x0;
	s21 =	simm.s32 $0x5;
	v29 =	vld [tilespmem:s31+$0xFFFFFF90];
	[tilespmem:v26+s18+$0x0] =	vst.idx.msk $0xffff, v27;
	v26 =	vadd.f32 v34, v18;
	v27 =	vadd.s32 v7, v23  }
0x152: {  	v19 =	vmov s21;
	s21 =	simm.s32 $0x6;
	v59 =	vld [tilespmem:s31+$0xFFFFFFA0];
	v21 =	vadd.s32 v6, v21;
	[tilespmem:v54+s18+$0x0] =	vst.idx.msk $0xffff, v22;
	v22 =	vadd.f32 v55, v17  }
0x153: {  	v25 =	vmov s21;
	v28 =	vld [tilespmem:s31+$0xFFFFFF80];
	[tilespmem:v20+s18+$0x0] =	vst.idx.msk $0xffff, v26;
	v26 =	vadd.s32 v9, v24  }
0x154: {  	v19 =	vshrl.u32 v19, $0x3;
	[tilespmem:v30+s18+$0x0] =	vst.idx.msk $0xffff, v22;
	v30 =	vadd.f32 v31, v17;
	v31 =	vadd.s32 v10, v24  }
0x155: {  	v25 =	vshrl.u32 v25, $0x3;
	v19 =	vshll.u32 v19, v1;
	v20 =	vadd.f32 v56, v18  }
0x156: {  	s20 =	simm.s32 $0x8;
	v60 =	vld [tilespmem:s31+$0xFFFFFFB0];
	v58 =	vadd.s32 v8, v23;
	v23 =	vbroadcast v19, $0x0;
	[tilespmem:v27+s18+$0x0] =	vst.idx.msk $0xffff, v30;
	v27 =	vadd.f32 v29, v17  }
0x157: {  	v57 =	vmov s20;
	v61 =	vld [tilespmem:s31+$0xFFFFFFC0];
	v25 =	vshll.u32 v25, v1;
	[tilespmem:v21+s18+$0x0] =	vst.idx.msk $0xffff, v20;
	v29 =	vadd.f32 v59, v18  }
0x158: {  	v63 =	vld [tilespmem:s31+$0xFFFFFFD0];
	v62 =	vadd.s32 v11, v23;
	v20 =	vadd.f32 v28, v18;
	v28 =	vbroadcast v25, $0x0;
	[tilespmem:v26+s18+$0x0] =	vst.idx.msk $0xffff, v27  }
0x159: {  	s21 =	simm.s32 $0x9;
	s20 =	simm.s32 $0xA;
	v19 =	vshrl.u32 v57, $0x3;
	v23 =	vadd.s32 v12, v23;
	[tilespmem:v31+s18+$0x0] =	vst.idx.msk $0xffff, v29;
	v29 =	vld [tilespmem:s31+$0xFFFFFFE0]  }
0x15a: {  	v22 =	vmov s21;
	v24 =	vmov s20;
	s21 =	simm.s32 $0xB;
	v21 =	vadd.s32 v13, v28  }
0x15b: {  	s20 =	simm.s32 $0xC;
	v25 =	vmov s21;
	s21 =	simm.s32 $0xD;
	v30 =	vadd.f32 v60, v17;
	[tilespmem:v58+s18+$0x0] =	vst.idx.msk $0xffff, v20;
	v20 =	vadd.s32 v14, v28  }
0x15c: {  	v27 =	vmov s20;
	v26 =	vmov s21;
	s20 =	simm.s32 $0xE;
	s21 =	simm.s32 $0xF;
	v31 =	vadd.f32 v61, v18  }
0x15d: {  	s19 =	simm.s32 $0x10;
	[tilespmem:v62+s18+$0x0] =	vst.idx.msk $0xffff, v30;
	v30 =	vadd.f32 v63, v17;
	v28 =	vmov s20;
	v32 =	vmov s21  }
.LBB2_9:
0x15e: {  	p1 =	slt.u32 s19, $0x78;
	v19 =	vshll.u32 v19, v1;
	v32 =	vshrl.u32 v32, $0x3;
	[tilespmem:v23+s18+$0x0] =	vst.idx.msk $0xffff, v31;
	v23 =	vadd.f32 v29, v18  }
0x15f: {  	v22 =	vshrl.u32 v22, $0x3;
	v24 =	vshrl.u32 v24, $0x3;
	s31 =	sadd.s32 $0x100, s31;
	v29 =	vshll.u32 v32, v1;
	[tilespmem:v21+s18+$0x0] =	vst.idx.msk $0xffff, v30  }
0x160: {  	v21 =	vshrl.u32 v25, $0x3;
	v25 =	vshrl.u32 v27, $0x3;
	v27 =	vld [tilespmem:s31+$0xFFFFFFF0];
	v29 =	vbroadcast v29, $0x0;
	[tilespmem:v20+s18+$0x0] =	vst.idx.msk $0xffff, v23  }
0x161: {  	v19 =	vbroadcast v19, $0x0;
	v20 =	vshrl.u32 v26, $0x3;
	v23 =	vshrl.u32 v28, $0x3;
	v26 =	vld [tilespmem:s31+$0x0]  }
0x162: {  	v22 =	vshll.u32 v22, v1;
	v24 =	vshll.u32 v24, v1;
	v28 =	vld [tilespmem:s31+$0xFFFFFF10];
	v30 =	vadd.s32 v15, v29  }
0x163: {  	v21 =	vshll.u32 v21, v1;
	v25 =	vshll.u32 v25, v1;
	v29 =	vadd.s32 v16, v29;
	v31 =	vld [tilespmem:s31+$0xFFFFFF20]  }
0x164: {  	v22 =	vbroadcast v22, $0x0;
	v32 =	vadd.s32 v0, v19;
	v20 =	vshll.u32 v20, v1;
	v33 =	vld [tilespmem:s31+$0xFFFFFF30]  }
0x165: {  	v19 =	vadd.s32 v2, v19;
	v23 =	vshll.u32 v23, v1;
	v34 =	vld [tilespmem:s31+$0xFFFFFF40];
	v27 =	vadd.f32 v27, v17  }
0x166: {  	v24 =	vbroadcast v24, $0x0;
	v35 =	vadd.s32 v3, v22;
	v36 =	vld [tilespmem:s31+$0xFFFFFF50];
	v26 =	vadd.f32 v26, v18  }
0x167: {  	v22 =	vadd.s32 v4, v22;
	v28 =	vadd.f32 v28, v17;
	v37 =	vld [tilespmem:s31+$0xFFFFFF60];
	[tilespmem:v30+s18+$0x0] =	vst.idx.msk $0xffff, v27  }
0x168: {  	v21 =	vbroadcast v21, $0x0;
	v30 =	vadd.s32 v5, v24;
	v27 =	vadd.f32 v31, v18;
	v31 =	vld [tilespmem:s31+$0xFFFFFF70];
	[tilespmem:v29+s18+$0x0] =	vst.idx.msk $0xffff, v26  }
0x169: {  	v24 =	vadd.s32 v6, v24;
	[tilespmem:v32+s18+$0x0] =	vst.idx.msk $0xffff, v28;
	v26 =	vadd.f32 v33, v17;
	v28 =	vld [tilespmem:s31+$0xFFFFFF80]  }
0x16a: {  	v25 =	vbroadcast v25, $0x0;
	[tilespmem:v19+s18+$0x0] =	vst.idx.msk $0xffff, v27;
	v19 =	vadd.f32 v34, v18;
	v27 =	vadd.s32 v7, v21;
	v29 =	vld [tilespmem:s31+$0xFFFFFF90]  }
0x16b: {  	v32 =	vmov s19;
	v21 =	vadd.s32 v8, v21;
	[tilespmem:v35+s18+$0x0] =	vst.idx.msk $0xffff, v26;
	v26 =	vadd.f32 v36, v17;
	v33 =	vld [tilespmem:s31+$0xFFFFFFA0]  }
0x16c: {  	v20 =	vbroadcast v20, $0x0;
	v34 =	vadd.s32 v9, v25;
	[tilespmem:v22+s18+$0x0] =	vst.idx.msk $0xffff, v19;
	v22 =	vadd.f32 v37, v18;
	v35 =	vld [tilespmem:s31+$0xFFFFFFB0]  }
0x16d: {  	v19 =	vshrl.u32 v32, $0x3;
	[tilespmem:v30+s18+$0x0] =	vst.idx.msk $0xffff, v26;
	v26 =	vadd.f32 v31, v17;
	v30 =	vadd.s32 v10, v25;
	v31 =	vld [tilespmem:s31+$0xFFFFFFC0]  }
0x16e: {  	s20 =	sadd.s32 $0x1, s19;
	v36 =	vadd.s32 v11, v20;
	[tilespmem:v24+s18+$0x0] =	vst.idx.msk $0xffff, v22;
	v25 =	vadd.f32 v28, v18;
	v37 =	vld [tilespmem:s31+$0xFFFFFFD0];
	v28 =	vbroadcast v23, $0x0  }
.Ltmp3:
0x16f: {  	v22 =	vmov s20;
	s20 =	sadd.s32 $0x2, s19;
	v23 =	vadd.s32 v12, v20;
	[tilespmem:v27+s18+$0x0] =	vst.idx.msk $0xffff, v26;
	v26 =	vadd.f32 v29, v17;
	v29 =	vld [tilespmem:s31+$0xFFFFFFE0];
	(pc) =	sbr.rel @p1 .LBB2_9-.Ltmp3, $4  }
0x170: {  	v24 =	vmov s20;
	s20 =	sadd.s32 $0x3, s19;
	[tilespmem:v21+s18+$0x0] =	vst.idx.msk $0xffff, v25;
	v32 =	vadd.f32 v33, v18;
	v21 =	vadd.s32 v13, v28  }
0x171: {  	s21 =	sadd.s32 $0x5, s19;
	v25 =	vmov s20;
	s20 =	sadd.s32 $0x4, s19;
	v20 =	vadd.s32 v14, v28;
	[tilespmem:v34+s18+$0x0] =	vst.idx.msk $0xffff, v26;
	v33 =	vadd.f32 v35, v17  }
0x172: {  	v27 =	vmov s20;
	v26 =	vmov s21;
	s20 =	sadd.s32 $0x6, s19;
	s21 =	sadd.s32 $0x7, s19;
	[tilespmem:v30+s18+$0x0] =	vst.idx.msk $0xffff, v32;
	v31 =	vadd.f32 v31, v18  }
0x173: {  	s19 =	sadd.s32 $0x8, s19;
	v28 =	vmov s20;
	v32 =	vmov s21;
	[tilespmem:v36+s18+$0x0] =	vst.idx.msk $0xffff, v33;
	v30 =	vadd.f32 v37, v17  }
0x174: {  	v19 =	vshll.u32 v19, v1;
	v32 =	vshrl.u32 v32, $0x3  }
0x175: {  	v29 =	vadd.f32 v29, v18;
	v22 =	vshrl.u32 v22, $0x3;
	v24 =	vshrl.u32 v24, $0x3;
	s19 =	sadd.s32 $0x100, s31  }
0x176: {  	v25 =	vshrl.u32 v25, $0x3;
	v27 =	vshrl.u32 v27, $0x3;
	v59 =	vshrl.u32 v26, $0x3;
	v33 =	vld [tilespmem:s19+$0xFFFFFFF0]  }
0x177: {  	v60 =	vshrl.u32 v28, $0x3;
	v32 =	vshll.u32 v32, v1;
	v19 =	vbroadcast v19, $0x0;
	v62 =	vld [tilespmem:s19+$0xFFFFFF10]  }
0x178: {  	v61 =	vld [tilespmem:s19+$0x0];
	v22 =	vshll.u32 v22, v1;
	v24 =	vshll.u32 v24, v1;
	v32 =	vbroadcast v32, $0x0  }
0x179: {  	v35 =	vld [tilespmem:s19+$0xFFFFFF20];
	v25 =	vshll.u32 v25, v1;
	v27 =	vshll.u32 v27, v1;
	v63 =	vadd.s32 v0, v19  }
0x17a: {  	[tilespmem:v23+s18+$0x0] =	vst.idx.msk $0xffff, v31;
	v40 =	vld [tilespmem:s19+$0xFFFFFF30];
	v23 =	vshll.u32 v59, v1;
	v22 =	vbroadcast v22, $0x0;
	v34 =	vadd.s32 v15, v32  }
0x17b: {  	[tilespmem:v21+s18+$0x0] =	vst.idx.msk $0xffff, v30;
	v26 =	vshll.u32 v60, v1;
	v42 =	vld [tilespmem:s19+$0xFFFFFF50];
	v24 =	vbroadcast v24, $0x0;
	v19 =	vadd.s32 v2, v19  }
0x17c: {  	v45 =	vld [tilespmem:s19+$0xFFFFFF70];
	[tilespmem:v20+s18+$0x0] =	vst.idx.msk $0xffff, v29;
	v25 =	vbroadcast v25, $0x0;
	v41 =	vadd.s32 v3, v22;
	v31 =	vadd.f32 v62, v17  }
0x17d: {  	v36 =	vld [tilespmem:s19+$0xFFFFFF40];
	v32 =	vadd.s32 v16, v32;
	v44 =	vadd.s32 v5, v24;
	v33 =	vadd.f32 v33, v17  }
0x17e: {  	v49 =	vld [tilespmem:s19+$0xFFFFFF90];
	v27 =	vbroadcast v27, $0x0;
	v48 =	vadd.s32 v7, v25;
	v43 =	vadd.f32 v35, v18;
	[tilespmem:v63+s18+$0x0] =	vst.idx.msk $0xffff, v31  }
0x17f: {  	v37 =	vld [tilespmem:s19+$0xFFFFFF60];
	v22 =	vadd.s32 v4, v22;
	v46 =	vadd.f32 v40, v17;
	[tilespmem:v34+s18+$0x0] =	vst.idx.msk $0xffff, v33  }
0x180: {  	v54 =	vld [tilespmem:s19+$0xFFFFFFB0];
	v23 =	vbroadcast v23, $0x0;
	v53 =	vadd.s32 v9, v27;
	v50 =	vadd.f32 v42, v17;
	[tilespmem:v19+s18+$0x0] =	vst.idx.msk $0xffff, v43  }
0x181: {  	v47 =	vld [tilespmem:s19+$0xFFFFFF80];
	v24 =	vadd.s32 v6, v24;
	v55 =	vadd.f32 v45, v17;
	[tilespmem:v41+s18+$0x0] =	vst.idx.msk $0xffff, v46  }
0x182: {  	v57 =	vadd.s32 v11, v23;
	v19 =	vadd.f32 v36, v18;
	[tilespmem:v44+s18+$0x0] =	vst.idx.msk $0xffff, v50  }
0x183: {  	v52 =	vld [tilespmem:s19+$0xFFFFFFA0];
	v51 =	vadd.s32 v8, v25;
	v59 =	vadd.f32 v49, v17;
	[tilespmem:v48+s18+$0x0] =	vst.idx.msk $0xffff, v55  }
0x184: {  	v58 =	vld [tilespmem:s19+$0xFFFFFFD0];
	v26 =	vbroadcast v26, $0x0;
	v27 =	vadd.s32 v10, v27;
	[tilespmem:v22+s18+$0x0] =	vst.idx.msk $0xffff, v19;
	v19 =	vadd.f32 v37, v18  }
0x185: {  	v56 =	vld [tilespmem:s19+$0xFFFFFFC0];
	v28 =	vadd.f32 v61, v18;
	v62 =	vadd.f32 v54, v17;
	[tilespmem:v53+s18+$0x0] =	vst.idx.msk $0xffff, v59  }
0x186: {  	v60 =	vld [tilespmem:s19+$0xFFFFFFE0];
	v61 =	vadd.s32 v13, v26;
	[tilespmem:v24+s18+$0x0] =	vst.idx.msk $0xffff, v19;
	v19 =	vadd.f32 v47, v18  }
0x187: {  	v23 =	vadd.s32 v12, v23;
	[tilespmem:v57+s18+$0x0] =	vst.idx.msk $0xffff, v62  }
0x188: {  	v63 =	vadd.s32 v14, v26;
	[tilespmem:v51+s18+$0x0] =	vst.idx.msk $0xffff, v19;
	v19 =	vadd.f32 v52, v18  }
0x189: {  	v17 =	vadd.f32 v58, v17;
	[tilespmem:v32+s18+$0x0] =	vst.idx.msk $0xffff, v28  }
0x18a: {  	s21 =	sshll.u32 s28, $0x13;
	[tilespmem:v27+s18+$0x0] =	vst.idx.msk $0xffff, v19;
	v19 =	vadd.f32 v56, v18  }
0x18b: {  	s19 =	sor.u32 s6, s21;
	[tilespmem:v61+s18+$0x0] =	vst.idx.msk $0xffff, v17;
	v18 =	vadd.f32 v60, v18  }
0x18c: {  	s19 =	sshrl.u32 s19, $0x3;
	[tilespmem:v23+s18+$0x0] =	vst.idx.msk $0xffff, v19  }
0x18d: {  	s28 =	sadd.s32 $0x3, s29;
	s20 =	sadd.s32 s2, s19;
	[tilespmem:v63+s18+$0x0] =	vst.idx.msk $0xffff, v18  }
0x18e: {  	[hbm4b:s20+s4] =	stream.linear.scatter [tilespmem:s30], [sflag:s28], $0x80, $0x38;
	[tilespmem:$0x12500] =	vst v63  }
0x18f: {  	s21 =	sadd.s32 $0x8488, s26;
	s30 =	sadd.s32 $0x10, s20  }
0x190: {  	[hbm4b:s30+s4] =	stream.linear.scatter [tilespmem:s21], [sflag:s28], $0x80, $0x38;
	[tilespmem:$0x12500] =	vst v63  }
0x191: {  	s31 =	sadd.s32 $0x8510, s26;
	s30 =	sadd.s32 $0x20, s20  }
0x192: {  	[hbm4b:s30+s4] =	stream.linear.scatter [tilespmem:s31], [sflag:s28], $0x80, $0x38;
	[tilespmem:$0x12500] =	vst v63  }
0x193: {  	s31 =	sadd.s32 $0x8598, s26;
	s30 =	sadd.s32 $0x30, s20  }
0x194: {  	[hbm4b:s30+s4] =	stream.linear.scatter [tilespmem:s31], [sflag:s28], $0x80, $0x38;
	[tilespmem:$0x12500] =	vst v63  }
0x195: {  	s31 =	sadd.s32 $0x8620, s26;
	s30 =	sadd.s32 $0x40, s20  }
0x196: {  	[hbm4b:s30+s4] =	stream.linear.scatter [tilespmem:s31], [sflag:s28], $0x80, $0x38;
	[tilespmem:$0x12500] =	vst v63  }
0x197: {  	s31 =	sadd.s32 $0x86A8, s26;
	s30 =	sadd.s32 $0x50, s20  }
0x198: {  	[hbm4b:s30+s4] =	stream.linear.scatter [tilespmem:s31], [sflag:s28], $0x80, $0x38;
	[tilespmem:$0x12500] =	vst v63  }
0x199: {  	s31 =	sadd.s32 $0x8730, s26;
	s30 =	sadd.s32 $0x60, s20  }
0x19a: {  	[hbm4b:s30+s4] =	stream.linear.scatter [tilespmem:s31], [sflag:s28], $0x80, $0x38;
	[tilespmem:$0x12500] =	vst v63  }
0x19b: {  	s20 =	sadd.s32 $0x70, s20;
	s31 =	sadd.s32 $0x87B8, s26  }
0x19c: {  	[hbm4b:s20+s4] =	stream.linear.scatter [tilespmem:s31], [sflag:s28], $0x80, $0x38;
	[tilespmem:$0x12500] =	vst v63  }
0x19d: {  	s29 =	sadd.s32 $0x8840, s26;
	s20 =	sadd.s32 s19, s9  }
0x19e: {  	[hbm4b:s20+s4] =	stream.linear.scatter [tilespmem:s29], [sflag:s28], $0x80, $0x38;
	[tilespmem:$0x12500] =	vst v63  }
0x19f: {  	s30 =	sadd.s32 $0x88C8, s26;
	s31 =	sadd.s32 $0x10, s20  }
0x1a0: {  	[hbm4b:s31+s4] =	stream.linear.scatter [tilespmem:s30], [sflag:s28], $0x80, $0x38;
	[tilespmem:$0x12500] =	vst v63  }
0x1a1: {  	s30 =	sadd.s32 $0x8950, s26;
	s31 =	sadd.s32 $0x20, s20  }
0x1a2: {  	[hbm4b:s31+s4] =	stream.linear.scatter [tilespmem:s30], [sflag:s28], $0x80, $0x38;
	[tilespmem:$0x12500] =	vst v63  }
0x1a3: {  	s30 =	sadd.s32 $0x89D8, s26;
	s31 =	sadd.s32 $0x30, s20  }
0x1a4: {  	[hbm4b:s31+s4] =	stream.linear.scatter [tilespmem:s30], [sflag:s28], $0x80, $0x38;
	[tilespmem:$0x12500] =	vst v63  }
0x1a5: {  	s30 =	sadd.s32 $0x8A60, s26;
	s31 =	sadd.s32 $0x40, s20  }
0x1a6: {  	[hbm4b:s31+s4] =	stream.linear.scatter [tilespmem:s30], [sflag:s28], $0x80, $0x38;
	[tilespmem:$0x12500] =	vst v63  }
0x1a7: {  	s30 =	sadd.s32 $0x8AE8, s26;
	s31 =	sadd.s32 $0x50, s20  }
0x1a8: {  	[hbm4b:s31+s4] =	stream.linear.scatter [tilespmem:s30], [sflag:s28], $0x80, $0x38;
	[tilespmem:$0x12500] =	vst v63  }
0x1a9: {  	s30 =	sadd.s32 $0x8B70, s26;
	s31 =	sadd.s32 $0x60, s20  }
0x1aa: {  	[hbm4b:s31+s4] =	stream.linear.scatter [tilespmem:s30], [sflag:s28], $0x80, $0x38;
	[tilespmem:$0x12500] =	vst v63  }
0x1ab: {  	s29 =	sadd.s32 $0x8BF8, s26;
	s20 =	sadd.s32 $0x70, s20  }
0x1ac: {  	[hbm4b:s20+s4] =	stream.linear.scatter [tilespmem:s29], [sflag:s28], $0x80, $0x38;
	[tilespmem:$0x12500] =	vst v63  }
0x1ad: {  	s30 =	sadd.s32 $0x8C80, s26;
	s20 =	sadd.s32 s19, s10  }
0x1ae: {  	[hbm4b:s20+s4] =	stream.linear.scatter [tilespmem:s30], [sflag:s28], $0x80, $0x38;
	[tilespmem:$0x12500] =	vst v63  }
0x1af: {  	s31 =	sadd.s32 $0x8D08, s26;
	s30 =	sadd.s32 $0x10, s20  }
0x1b0: {  	[hbm4b:s30+s4] =	stream.linear.scatter [tilespmem:s31], [sflag:s28], $0x80, $0x38;
	[tilespmem:$0x12500] =	vst v63  }
0x1b1: {  	s31 =	sadd.s32 $0x8D90, s26;
	s30 =	sadd.s32 $0x20, s20  }
0x1b2: {  	[hbm4b:s30+s4] =	stream.linear.scatter [tilespmem:s31], [sflag:s28], $0x80, $0x38;
	[tilespmem:$0x12500] =	vst v63  }
0x1b3: {  	s31 =	sadd.s32 $0x8E18, s26;
	s30 =	sadd.s32 $0x30, s20  }
0x1b4: {  	[hbm4b:s30+s4] =	stream.linear.scatter [tilespmem:s31], [sflag:s28], $0x80, $0x38;
	[tilespmem:$0x12500] =	vst v63  }
0x1b5: {  	s31 =	sadd.s32 $0x8EA0, s26;
	s30 =	sadd.s32 $0x40, s20  }
0x1b6: {  	[hbm4b:s30+s4] =	stream.linear.scatter [tilespmem:s31], [sflag:s28], $0x80, $0x38;
	[tilespmem:$0x12500] =	vst v63  }
0x1b7: {  	s31 =	sadd.s32 $0x8F28, s26;
	s30 =	sadd.s32 $0x50, s20  }
0x1b8: {  	[hbm4b:s30+s4] =	stream.linear.scatter [tilespmem:s31], [sflag:s28], $0x80, $0x38;
	[tilespmem:$0x12500] =	vst v63  }
0x1b9: {  	s31 =	sadd.s32 $0x8FB0, s26;
	s30 =	sadd.s32 $0x60, s20  }
0x1ba: {  	[hbm4b:s30+s4] =	stream.linear.scatter [tilespmem:s31], [sflag:s28], $0x80, $0x38;
	[tilespmem:$0x12500] =	vst v63  }
0x1bb: {  	s20 =	sadd.s32 $0x70, s20;
	s31 =	sadd.s32 $0x9038, s26  }
0x1bc: {  	[hbm4b:s20+s4] =	stream.linear.scatter [tilespmem:s31], [sflag:s28], $0x80, $0x38;
	[tilespmem:$0x12500] =	vst v63  }
0x1bd: {  	s19 =	sadd.s32 s19, s11;
	s29 =	sadd.s32 $0x90C0, s26  }
0x1be: {  	[hbm4b:s19+s4] =	stream.linear.scatter [tilespmem:s29], [sflag:s28], $0x80, $0x38;
	[tilespmem:$0x12500] =	vst v63  }
0x1bf: {  	s30 =	sadd.s32 $0x9148, s26;
	s31 =	sadd.s32 $0x10, s19  }
0x1c0: {  	[hbm4b:s31+s4] =	stream.linear.scatter [tilespmem:s30], [sflag:s28], $0x80, $0x38;
	[tilespmem:$0x12500] =	vst v63  }
0x1c1: {  	s21 =	sadd.s32 $0x91D0, s26;
	s29 =	sadd.s32 $0x20, s19  }
0x1c2: {  	[hbm4b:s29+s4] =	stream.linear.scatter [tilespmem:s21], [sflag:s28], $0x80, $0x38;
	[tilespmem:$0x12500] =	vst v63  }
0x1c3: {  	s30 =	sadd.s32 $0x9258, s26;
	s31 =	sadd.s32 $0x30, s19  }
0x1c4: {  	[hbm4b:s31+s4] =	stream.linear.scatter [tilespmem:s30], [sflag:s28], $0x80, $0x38;
	[tilespmem:$0x12500] =	vst v63  }
0x1c5: {  	s21 =	sadd.s32 $0x92E0, s26;
	s29 =	sadd.s32 $0x40, s19  }
0x1c6: {  	[hbm4b:s29+s4] =	stream.linear.scatter [tilespmem:s21], [sflag:s28], $0x80, $0x38;
	[tilespmem:$0x12500] =	vst v63  }
0x1c7: {  	s0 =	sshll.u32 s0, $0x11;
	s30 =	sadd.s32 $0x9368, s26;
	s31 =	sadd.s32 $0x50, s19  }
0x1c8: {  	[hbm4b:s31+s4] =	stream.linear.scatter [tilespmem:s30], [sflag:s28], $0x80, $0x38;
	[tilespmem:$0x12500] =	vst v63  }
0x1c9: {  	s0 =	sor.u32 s6, s0;
	s29 =	sadd.s32 $0x93F0, s26;
	s30 =	sadd.s32 $0x60, s19  }
0x1ca: {  	[hbm4b:s30+s4] =	stream.linear.scatter [tilespmem:s29], [sflag:s28], $0x80, $0x38;
	[tilespmem:$0x12500] =	vst v63  }
0x1cb: {  	s0 =	sshrl.u32 s0, $0x3;
	s31 =	sadd.s32 $0x9478, s26;
	s19 =	sadd.s32 $0x70, s19  }
0x1cc: {  	[hbm4b:s19+s4] =	stream.linear.scatter [tilespmem:s31], [sflag:s28], $0x80, $0x38;
	[tilespmem:$0x12500] =	vst v63  }
0x1cd: {  	s19 =	sadd.s32 s2, s0  }
0x1ce: {  	[hbm4b:s19+s4] =	stream.linear.scatter [tilespmem:s3], [sflag:s28], $0x80, $0x38;
	[tilespmem:$0x12500] =	vst v63  }
0x1cf: {  	s21 =	sadd.s32 $0x9588, s26;
	s29 =	sadd.s32 $0x10, s19  }
0x1d0: {  	[hbm4b:s29+s4] =	stream.linear.scatter [tilespmem:s21], [sflag:s28], $0x80, $0x38;
	[tilespmem:$0x12500] =	vst v63  }
0x1d1: {  	s30 =	sadd.s32 $0x9610, s26;
	s31 =	sadd.s32 $0x20, s19  }
0x1d2: {  	[hbm4b:s31+s4] =	stream.linear.scatter [tilespmem:s30], [sflag:s28], $0x80, $0x38;
	[tilespmem:$0x12500] =	vst v63  }
0x1d3: {  	s21 =	sadd.s32 $0x9698, s26;
	s29 =	sadd.s32 $0x30, s19  }
0x1d4: {  	[hbm4b:s29+s4] =	stream.linear.scatter [tilespmem:s21], [sflag:s28], $0x80, $0x38;
	[tilespmem:$0x12500] =	vst v63  }
0x1d5: {  	s30 =	sadd.s32 $0x9720, s26;
	s31 =	sadd.s32 $0x40, s19  }
0x1d6: {  	[hbm4b:s31+s4] =	stream.linear.scatter [tilespmem:s30], [sflag:s28], $0x80, $0x38;
	[tilespmem:$0x12500] =	vst v63  }
0x1d7: {  	s20 =	sadd.s32 $0x97A8, s26;
	s21 =	sadd.s32 $0x50, s19  }
0x1d8: {  	[hbm4b:s21+s4] =	stream.linear.scatter [tilespmem:s20], [sflag:s28], $0x80, $0x38;
	[tilespmem:$0x12500] =	vst v63  }
0x1d9: {  	s29 =	sadd.s32 $0x9830, s26;
	s30 =	sadd.s32 $0x60, s19  }
0x1da: {  	[hbm4b:s30+s4] =	stream.linear.scatter [tilespmem:s29], [sflag:s28], $0x80, $0x38;
	[tilespmem:$0x12500] =	vst v63  }
0x1db: {  	s31 =	sadd.s32 $0x98B8, s26;
	s19 =	sadd.s32 $0x70, s19  }
0x1dc: {  	[hbm4b:s19+s4] =	stream.linear.scatter [tilespmem:s31], [sflag:s28], $0x80, $0x38;
	[tilespmem:$0x12500] =	vst v63  }
0x1dd: {  	s3 =	sadd.s32 s0, s9;
	s20 =	sadd.s32 $0x9940, s26  }
0x1de: {  	[hbm4b:s3+s4] =	stream.linear.scatter [tilespmem:s20], [sflag:s28], $0x80, $0x38;
	[tilespmem:$0x12500] =	vst v63  }
0x1df: {  	s21 =	sadd.s32 $0x99C8, s26;
	s29 =	sadd.s32 $0x10, s3  }
0x1e0: {  	[hbm4b:s29+s4] =	stream.linear.scatter [tilespmem:s21], [sflag:s28], $0x80, $0x38;
	[tilespmem:$0x12500] =	vst v63  }
0x1e1: {  	s30 =	sadd.s32 $0x9A50, s26;
	s31 =	sadd.s32 $0x20, s3  }
0x1e2: {  	[hbm4b:s31+s4] =	stream.linear.scatter [tilespmem:s30], [sflag:s28], $0x80, $0x38;
	[tilespmem:$0x12500] =	vst v63  }
0x1e3: {  	s21 =	sadd.s32 $0x9AD8, s26;
	s29 =	sadd.s32 $0x30, s3  }
0x1e4: {  	[hbm4b:s29+s4] =	stream.linear.scatter [tilespmem:s21], [sflag:s28], $0x80, $0x38;
	[tilespmem:$0x12500] =	vst v63  }
0x1e5: {  	s30 =	sadd.s32 $0x9B60, s26;
	s31 =	sadd.s32 $0x40, s3  }
0x1e6: {  	[hbm4b:s31+s4] =	stream.linear.scatter [tilespmem:s30], [sflag:s28], $0x80, $0x38;
	[tilespmem:$0x12500] =	vst v63  }
0x1e7: {  	s20 =	sadd.s32 $0x9BE8, s26;
	s21 =	sadd.s32 $0x50, s3  }
0x1e8: {  	[hbm4b:s21+s4] =	stream.linear.scatter [tilespmem:s20], [sflag:s28], $0x80, $0x38;
	[tilespmem:$0x12500] =	vst v63  }
0x1e9: {  	s29 =	sadd.s32 $0x9C70, s26;
	s30 =	sadd.s32 $0x60, s3  }
0x1ea: {  	[hbm4b:s30+s4] =	stream.linear.scatter [tilespmem:s29], [sflag:s28], $0x80, $0x38;
	[tilespmem:$0x12500] =	vst v63  }
0x1eb: {  	s31 =	sadd.s32 $0x9CF8, s26;
	s3 =	sadd.s32 $0x70, s3  }
0x1ec: {  	[hbm4b:s3+s4] =	stream.linear.scatter [tilespmem:s31], [sflag:s28], $0x80, $0x38;
	[tilespmem:$0x12500] =	vst v63  }
0x1ed: {  	s20 =	sadd.s32 $0x9D80, s26;
	s3 =	sadd.s32 s0, s10  }
0x1ee: {  	[hbm4b:s3+s4] =	stream.linear.scatter [tilespmem:s20], [sflag:s28], $0x80, $0x38;
	[tilespmem:$0x12500] =	vst v63  }
0x1ef: {  	s21 =	sadd.s32 $0x9E08, s26;
	s29 =	sadd.s32 $0x10, s3  }
0x1f0: {  	[hbm4b:s29+s4] =	stream.linear.scatter [tilespmem:s21], [sflag:s28], $0x80, $0x38;
	[tilespmem:$0x12500] =	vst v63  }
0x1f1: {  	s30 =	sadd.s32 $0x9E90, s26;
	s31 =	sadd.s32 $0x20, s3  }
0x1f2: {  	[hbm4b:s31+s4] =	stream.linear.scatter [tilespmem:s30], [sflag:s28], $0x80, $0x38;
	[tilespmem:$0x12500] =	vst v63  }
0x1f3: {  	s21 =	sadd.s32 $0x9F18, s26;
	s29 =	sadd.s32 $0x30, s3  }
0x1f4: {  	[hbm4b:s29+s4] =	stream.linear.scatter [tilespmem:s21], [sflag:s28], $0x80, $0x38;
	[tilespmem:$0x12500] =	vst v63  }
0x1f5: {  	s30 =	sadd.s32 $0x9FA0, s26;
	s31 =	sadd.s32 $0x40, s3  }
0x1f6: {  	[hbm4b:s31+s4] =	stream.linear.scatter [tilespmem:s30], [sflag:s28], $0x80, $0x38;
	[tilespmem:$0x12500] =	vst v63  }
0x1f7: {  	s21 =	sadd.s32 $0xA028, s26;
	s29 =	sadd.s32 $0x50, s3  }
0x1f8: {  	[hbm4b:s29+s4] =	stream.linear.scatter [tilespmem:s21], [sflag:s28], $0x80, $0x38;
	[tilespmem:$0x12500] =	vst v63  }
0x1f9: {  	s30 =	sadd.s32 $0xA0B0, s26;
	s31 =	sadd.s32 $0x60, s3  }
0x1fa: {  	[hbm4b:s31+s4] =	stream.linear.scatter [tilespmem:s30], [sflag:s28], $0x80, $0x38;
	[tilespmem:$0x12500] =	vst v63  }
0x1fb: {  	s3 =	sadd.s32 $0x70, s3;
	s21 =	sadd.s32 $0xA138, s26  }
0x1fc: {  	[hbm4b:s3+s4] =	stream.linear.scatter [tilespmem:s21], [sflag:s28], $0x80, $0x38;
	[tilespmem:$0x12500] =	vst v63  }
0x1fd: {  	s0 =	sadd.s32 s0, s11;
	s29 =	sadd.s32 $0xA1C0, s26  }
0x1fe: {  	[hbm4b:s0+s4] =	stream.linear.scatter [tilespmem:s29], [sflag:s28], $0x80, $0x38;
	[tilespmem:$0x12500] =	vst v63  }
0x1ff: {  	s30 =	sadd.s32 $0xA248, s26;
	s31 =	sadd.s32 $0x10, s0  }
0x200: {  	[hbm4b:s31+s4] =	stream.linear.scatter [tilespmem:s30], [sflag:s28], $0x80, $0x38;
	[tilespmem:$0x12500] =	vst v63  }
0x201: {  	s19 =	sadd.s32 $0xA2D0, s26;
	s20 =	sadd.s32 $0x20, s0  }
0x202: {  	[hbm4b:s20+s4] =	stream.linear.scatter [tilespmem:s19], [sflag:s28], $0x80, $0x38;
	[tilespmem:$0x12500] =	vst v63  }
0x203: {  	s21 =	sadd.s32 $0xA358, s26;
	s29 =	sadd.s32 $0x30, s0  }
0x204: {  	[hbm4b:s29+s4] =	stream.linear.scatter [tilespmem:s21], [sflag:s28], $0x80, $0x38;
	[tilespmem:$0x12500] =	vst v63  }
0x205: {  	s30 =	sadd.s32 $0xA3E0, s26;
	s31 =	sadd.s32 $0x40, s0  }
0x206: {  	[hbm4b:s31+s4] =	stream.linear.scatter [tilespmem:s30], [sflag:s28], $0x80, $0x38;
	[tilespmem:$0x12500] =	vst v63  }
0x207: {  	s20 =	sadd.s32 $0xA468, s26;
	s21 =	sadd.s32 $0x50, s0  }
0x208: {  	[hbm4b:s21+s4] =	stream.linear.scatter [tilespmem:s20], [sflag:s28], $0x80, $0x38;
	[tilespmem:$0x12500] =	vst v63  }
0x209: {  	s29 =	sadd.s32 $0xA4F0, s26;
	s30 =	sadd.s32 $0x60, s0  }
0x20a: {  	[hbm4b:s30+s4] =	stream.linear.scatter [tilespmem:s29], [sflag:s28], $0x80, $0x38;
	[tilespmem:$0x12500] =	vst v63  }
0x20b: {  	s13 =	sshll.u32 s13, $0x11;
	s31 =	sadd.s32 $0xA578, s26;
	s0 =	sadd.s32 $0x70, s0  }
0x20c: {  	[hbm4b:s0+s4] =	stream.linear.scatter [tilespmem:s31], [sflag:s28], $0x80, $0x38;
	[tilespmem:$0x12500] =	vst v63  }
0x20d: {  	s0 =	sor.u32 s6, s13  }
0x20e: {  	s0 =	sshrl.u32 s0, $0x3  }
0x20f: {  	s3 =	sadd.s32 s2, s0  }
0x210: {  	[hbm4b:s3+s4] =	stream.linear.scatter [tilespmem:s16], [sflag:s28], $0x80, $0x38;
	[tilespmem:$0x12500] =	vst v63  }
0x211: {  	s19 =	sadd.s32 $0xA688, s26;
	s20 =	sadd.s32 $0x10, s3  }
0x212: {  	[hbm4b:s20+s4] =	stream.linear.scatter [tilespmem:s19], [sflag:s28], $0x80, $0x38;
	[tilespmem:$0x12500] =	vst v63  }
0x213: {  	s21 =	sadd.s32 $0xA710, s26;
	s29 =	sadd.s32 $0x20, s3  }
0x214: {  	[hbm4b:s29+s4] =	stream.linear.scatter [tilespmem:s21], [sflag:s28], $0x80, $0x38;
	[tilespmem:$0x12500] =	vst v63  }
0x215: {  	s30 =	sadd.s32 $0xA798, s26;
	s31 =	sadd.s32 $0x30, s3  }
0x216: {  	[hbm4b:s31+s4] =	stream.linear.scatter [tilespmem:s30], [sflag:s28], $0x80, $0x38;
	[tilespmem:$0x12500] =	vst v63  }
0x217: {  	s16 =	sadd.s32 $0xA820, s26;
	s19 =	sadd.s32 $0x40, s3  }
0x218: {  	[hbm4b:s19+s4] =	stream.linear.scatter [tilespmem:s16], [sflag:s28], $0x80, $0x38;
	[tilespmem:$0x12500] =	vst v63  }
0x219: {  	s20 =	sadd.s32 $0xA8A8, s26;
	s21 =	sadd.s32 $0x50, s3  }
0x21a: {  	[hbm4b:s21+s4] =	stream.linear.scatter [tilespmem:s20], [sflag:s28], $0x80, $0x38;
	[tilespmem:$0x12500] =	vst v63  }
0x21b: {  	s29 =	sadd.s32 $0xA930, s26;
	s30 =	sadd.s32 $0x60, s3  }
0x21c: {  	[hbm4b:s30+s4] =	stream.linear.scatter [tilespmem:s29], [sflag:s28], $0x80, $0x38;
	[tilespmem:$0x12500] =	vst v63  }
0x21d: {  	s31 =	sadd.s32 $0xA9B8, s26;
	s3 =	sadd.s32 $0x70, s3  }
0x21e: {  	[hbm4b:s3+s4] =	stream.linear.scatter [tilespmem:s31], [sflag:s28], $0x80, $0x38;
	[tilespmem:$0x12500] =	vst v63  }
0x21f: {  	s16 =	sadd.s32 $0xAA40, s26;
	s3 =	sadd.s32 s0, s9  }
0x220: {  	[hbm4b:s3+s4] =	stream.linear.scatter [tilespmem:s16], [sflag:s28], $0x80, $0x38;
	[tilespmem:$0x12500] =	vst v63  }
0x221: {  	s19 =	sadd.s32 $0xAAC8, s26;
	s20 =	sadd.s32 $0x10, s3  }
0x222: {  	[hbm4b:s20+s4] =	stream.linear.scatter [tilespmem:s19], [sflag:s28], $0x80, $0x38;
	[tilespmem:$0x12500] =	vst v63  }
0x223: {  	s21 =	sadd.s32 $0xAB50, s26;
	s29 =	sadd.s32 $0x20, s3  }
0x224: {  	[hbm4b:s29+s4] =	stream.linear.scatter [tilespmem:s21], [sflag:s28], $0x80, $0x38;
	[tilespmem:$0x12500] =	vst v63  }
0x225: {  	s30 =	sadd.s32 $0xABD8, s26;
	s31 =	sadd.s32 $0x30, s3  }
0x226: {  	[hbm4b:s31+s4] =	stream.linear.scatter [tilespmem:s30], [sflag:s28], $0x80, $0x38;
	[tilespmem:$0x12500] =	vst v63  }
0x227: {  	s19 =	sadd.s32 $0xAC60, s26;
	s20 =	sadd.s32 $0x40, s3  }
0x228: {  	[hbm4b:s20+s4] =	stream.linear.scatter [tilespmem:s19], [sflag:s28], $0x80, $0x38;
	[tilespmem:$0x12500] =	vst v63  }
0x229: {  	s21 =	sadd.s32 $0xACE8, s26;
	s29 =	sadd.s32 $0x50, s3  }
0x22a: {  	[hbm4b:s29+s4] =	stream.linear.scatter [tilespmem:s21], [sflag:s28], $0x80, $0x38;
	[tilespmem:$0x12500] =	vst v63  }
0x22b: {  	s30 =	sadd.s32 $0xAD70, s26;
	s31 =	sadd.s32 $0x60, s3  }
0x22c: {  	[hbm4b:s31+s4] =	stream.linear.scatter [tilespmem:s30], [sflag:s28], $0x80, $0x38;
	[tilespmem:$0x12500] =	vst v63  }
0x22d: {  	s3 =	sadd.s32 $0x70, s3;
	s19 =	sadd.s32 $0xADF8, s26  }
0x22e: {  	[hbm4b:s3+s4] =	stream.linear.scatter [tilespmem:s19], [sflag:s28], $0x80, $0x38;
	[tilespmem:$0x12500] =	vst v63  }
0x22f: {  	s20 =	sadd.s32 $0xAE80, s26;
	s3 =	sadd.s32 s0, s10  }
0x230: {  	[hbm4b:s3+s4] =	stream.linear.scatter [tilespmem:s20], [sflag:s28], $0x80, $0x38;
	[tilespmem:$0x12500] =	vst v63  }
0x231: {  	s21 =	sadd.s32 $0xAF08, s26;
	s29 =	sadd.s32 $0x10, s3  }
0x232: {  	[hbm4b:s29+s4] =	stream.linear.scatter [tilespmem:s21], [sflag:s28], $0x80, $0x38;
	[tilespmem:$0x12500] =	vst v63  }
0x233: {  	s30 =	sadd.s32 $0xAF90, s26;
	s31 =	sadd.s32 $0x20, s3  }
0x234: {  	[hbm4b:s31+s4] =	stream.linear.scatter [tilespmem:s30], [sflag:s28], $0x80, $0x38;
	[tilespmem:$0x12500] =	vst v63  }
0x235: {  	s19 =	sadd.s32 $0xB018, s26;
	s20 =	sadd.s32 $0x30, s3  }
0x236: {  	[hbm4b:s20+s4] =	stream.linear.scatter [tilespmem:s19], [sflag:s28], $0x80, $0x38;
	[tilespmem:$0x12500] =	vst v63  }
0x237: {  	s21 =	sadd.s32 $0xB0A0, s26;
	s29 =	sadd.s32 $0x40, s3  }
0x238: {  	[hbm4b:s29+s4] =	stream.linear.scatter [tilespmem:s21], [sflag:s28], $0x80, $0x38;
	[tilespmem:$0x12500] =	vst v63  }
0x239: {  	s30 =	sadd.s32 $0xB128, s26;
	s31 =	sadd.s32 $0x50, s3  }
0x23a: {  	[hbm4b:s31+s4] =	stream.linear.scatter [tilespmem:s30], [sflag:s28], $0x80, $0x38;
	[tilespmem:$0x12500] =	vst v63  }
0x23b: {  	s19 =	sadd.s32 $0xB1B0, s26;
	s20 =	sadd.s32 $0x60, s3  }
0x23c: {  	[hbm4b:s20+s4] =	stream.linear.scatter [tilespmem:s19], [sflag:s28], $0x80, $0x38;
	[tilespmem:$0x12500] =	vst v63  }
0x23d: {  	s3 =	sadd.s32 $0x70, s3;
	s21 =	sadd.s32 $0xB238, s26  }
0x23e: {  	[hbm4b:s3+s4] =	stream.linear.scatter [tilespmem:s21], [sflag:s28], $0x80, $0x38;
	[tilespmem:$0x12500] =	vst v63  }
0x23f: {  	s0 =	sadd.s32 s0, s11;
	s29 =	sadd.s32 $0xB2C0, s26  }
0x240: {  	[hbm4b:s0+s4] =	stream.linear.scatter [tilespmem:s29], [sflag:s28], $0x80, $0x38;
	[tilespmem:$0x12500] =	vst v63  }
0x241: {  	s30 =	sadd.s32 $0xB348, s26;
	s31 =	sadd.s32 $0x10, s0  }
0x242: {  	[hbm4b:s31+s4] =	stream.linear.scatter [tilespmem:s30], [sflag:s28], $0x80, $0x38;
	[tilespmem:$0x12500] =	vst v63  }
0x243: {  	s13 =	sadd.s32 $0xB3D0, s26;
	s16 =	sadd.s32 $0x20, s0  }
0x244: {  	[hbm4b:s16+s4] =	stream.linear.scatter [tilespmem:s13], [sflag:s28], $0x80, $0x38;
	[tilespmem:$0x12500] =	vst v63  }
0x245: {  	s19 =	sadd.s32 $0xB458, s26;
	s20 =	sadd.s32 $0x30, s0  }
0x246: {  	[hbm4b:s20+s4] =	stream.linear.scatter [tilespmem:s19], [sflag:s28], $0x80, $0x38;
	[tilespmem:$0x12500] =	vst v63  }
0x247: {  	s21 =	sadd.s32 $0xB4E0, s26;
	s29 =	sadd.s32 $0x40, s0  }
0x248: {  	[hbm4b:s29+s4] =	stream.linear.scatter [tilespmem:s21], [sflag:s28], $0x80, $0x38;
	[tilespmem:$0x12500] =	vst v63  }
0x249: {  	s30 =	sadd.s32 $0xB568, s26;
	s31 =	sadd.s32 $0x50, s0  }
0x24a: {  	[hbm4b:s31+s4] =	stream.linear.scatter [tilespmem:s30], [sflag:s28], $0x80, $0x38;
	[tilespmem:$0x12500] =	vst v63  }
0x24b: {  	s13 =	sadd.s32 $0xB5F0, s26;
	s16 =	sadd.s32 $0x60, s0  }
0x24c: {  	[hbm4b:s16+s4] =	stream.linear.scatter [tilespmem:s13], [sflag:s28], $0x80, $0x38;
	[tilespmem:$0x12500] =	vst v63  }
0x24d: {  	s0 =	sadd.s32 $0x70, s0;
	s19 =	sadd.s32 $0xB678, s26;
	s20 =	sshll.u32 s17, $0x11  }
0x24e: {  	[hbm4b:s0+s4] =	stream.linear.scatter [tilespmem:s19], [sflag:s28], $0x80, $0x38;
	[tilespmem:$0x12500] =	vst v63  }
0x24f: {  	s0 =	sor.u32 s6, s20  }
0x250: {  	s0 =	sshrl.u32 s0, $0x3  }
0x251: {  	s3 =	sadd.s32 s2, s0  }
0x252: {  	[hbm4b:s3+s4] =	stream.linear.scatter [tilespmem:s18], [sflag:s28], $0x80, $0x38;
	[tilespmem:$0x12500] =	vst v63  }
0x253: {  	s21 =	sadd.s32 $0xB788, s26;
	s29 =	sadd.s32 $0x10, s3  }
0x254: {  	[hbm4b:s29+s4] =	stream.linear.scatter [tilespmem:s21], [sflag:s28], $0x80, $0x38;
	[tilespmem:$0x12500] =	vst v63  }
0x255: {  	s30 =	sadd.s32 $0xB810, s26;
	s31 =	sadd.s32 $0x20, s3  }
0x256: {  	[hbm4b:s31+s4] =	stream.linear.scatter [tilespmem:s30], [sflag:s28], $0x80, $0x38;
	[tilespmem:$0x12500] =	vst v63  }
0x257: {  	s16 =	sadd.s32 $0xB898, s26;
	s17 =	sadd.s32 $0x30, s3  }
0x258: {  	[hbm4b:s17+s4] =	stream.linear.scatter [tilespmem:s16], [sflag:s28], $0x80, $0x38;
	[tilespmem:$0x12500] =	vst v63  }
0x259: {  	s18 =	sadd.s32 $0xB920, s26;
	s19 =	sadd.s32 $0x40, s3  }
0x25a: {  	[hbm4b:s19+s4] =	stream.linear.scatter [tilespmem:s18], [sflag:s28], $0x80, $0x38;
	[tilespmem:$0x12500] =	vst v63  }
0x25b: {  	s20 =	sadd.s32 $0xB9A8, s26;
	s21 =	sadd.s32 $0x50, s3  }
0x25c: {  	[hbm4b:s21+s4] =	stream.linear.scatter [tilespmem:s20], [sflag:s28], $0x80, $0x38;
	[tilespmem:$0x12500] =	vst v63  }
0x25d: {  	s29 =	sadd.s32 $0xBA30, s26;
	s30 =	sadd.s32 $0x60, s3  }
0x25e: {  	[hbm4b:s30+s4] =	stream.linear.scatter [tilespmem:s29], [sflag:s28], $0x80, $0x38;
	[tilespmem:$0x12500] =	vst v63  }
0x25f: {  	s31 =	sadd.s32 $0xBAB8, s26;
	s3 =	sadd.s32 $0x70, s3  }
0x260: {  	[hbm4b:s3+s4] =	stream.linear.scatter [tilespmem:s31], [sflag:s28], $0x80, $0x38;
	[tilespmem:$0x12500] =	vst v63  }
0x261: {  	s16 =	sadd.s32 $0xBB40, s26;
	s3 =	sadd.s32 s0, s9  }
0x262: {  	[hbm4b:s3+s4] =	stream.linear.scatter [tilespmem:s16], [sflag:s28], $0x80, $0x38;
	[tilespmem:$0x12500] =	vst v63  }
0x263: {  	s17 =	sadd.s32 $0xBBC8, s26;
	s18 =	sadd.s32 $0x10, s3  }
0x264: {  	[hbm4b:s18+s4] =	stream.linear.scatter [tilespmem:s17], [sflag:s28], $0x80, $0x38;
	[tilespmem:$0x12500] =	vst v63  }
0x265: {  	s19 =	sadd.s32 $0xBC50, s26;
	s20 =	sadd.s32 $0x20, s3  }
0x266: {  	[hbm4b:s20+s4] =	stream.linear.scatter [tilespmem:s19], [sflag:s28], $0x80, $0x38;
	[tilespmem:$0x12500] =	vst v63  }
0x267: {  	s21 =	sadd.s32 $0xBCD8, s26;
	s29 =	sadd.s32 $0x30, s3  }
0x268: {  	[hbm4b:s29+s4] =	stream.linear.scatter [tilespmem:s21], [sflag:s28], $0x80, $0x38;
	[tilespmem:$0x12500] =	vst v63  }
0x269: {  	s30 =	sadd.s32 $0xBD60, s26;
	s31 =	sadd.s32 $0x40, s3  }
0x26a: {  	[hbm4b:s31+s4] =	stream.linear.scatter [tilespmem:s30], [sflag:s28], $0x80, $0x38;
	[tilespmem:$0x12500] =	vst v63  }
0x26b: {  	s17 =	sadd.s32 $0xBDE8, s26;
	s18 =	sadd.s32 $0x50, s3  }
0x26c: {  	[hbm4b:s18+s4] =	stream.linear.scatter [tilespmem:s17], [sflag:s28], $0x80, $0x38;
	[tilespmem:$0x12500] =	vst v63  }
0x26d: {  	s19 =	sadd.s32 $0xBE70, s26;
	s20 =	sadd.s32 $0x60, s3  }
0x26e: {  	[hbm4b:s20+s4] =	stream.linear.scatter [tilespmem:s19], [sflag:s28], $0x80, $0x38;
	[tilespmem:$0x12500] =	vst v63  }
0x26f: {  	s3 =	sadd.s32 $0x70, s3;
	s21 =	sadd.s32 $0xBEF8, s26  }
0x270: {  	[hbm4b:s3+s4] =	stream.linear.scatter [tilespmem:s21], [sflag:s28], $0x80, $0x38;
	[tilespmem:$0x12500] =	vst v63  }
0x271: {  	s29 =	sadd.s32 $0xBF80, s26;
	s3 =	sadd.s32 s0, s10  }
0x272: {  	[hbm4b:s3+s4] =	stream.linear.scatter [tilespmem:s29], [sflag:s28], $0x80, $0x38;
	[tilespmem:$0x12500] =	vst v63  }
0x273: {  	s30 =	sadd.s32 $0xC008, s26;
	s31 =	sadd.s32 $0x10, s3  }
0x274: {  	[hbm4b:s31+s4] =	stream.linear.scatter [tilespmem:s30], [sflag:s28], $0x80, $0x38;
	[tilespmem:$0x12500] =	vst v63  }
0x275: {  	s17 =	sadd.s32 $0xC090, s26;
	s18 =	sadd.s32 $0x20, s3  }
0x276: {  	[hbm4b:s18+s4] =	stream.linear.scatter [tilespmem:s17], [sflag:s28], $0x80, $0x38;
	[tilespmem:$0x12500] =	vst v63  }
0x277: {  	s19 =	sadd.s32 $0xC118, s26;
	s20 =	sadd.s32 $0x30, s3  }
0x278: {  	[hbm4b:s20+s4] =	stream.linear.scatter [tilespmem:s19], [sflag:s28], $0x80, $0x38;
	[tilespmem:$0x12500] =	vst v63  }
0x279: {  	s21 =	sadd.s32 $0xC1A0, s26;
	s29 =	sadd.s32 $0x40, s3  }
0x27a: {  	[hbm4b:s29+s4] =	stream.linear.scatter [tilespmem:s21], [sflag:s28], $0x80, $0x38;
	[tilespmem:$0x12500] =	vst v63  }
0x27b: {  	s30 =	sadd.s32 $0xC228, s26;
	s31 =	sadd.s32 $0x50, s3  }
0x27c: {  	[hbm4b:s31+s4] =	stream.linear.scatter [tilespmem:s30], [sflag:s28], $0x80, $0x38;
	[tilespmem:$0x12500] =	vst v63  }
0x27d: {  	s17 =	sadd.s32 $0xC2B0, s26;
	s18 =	sadd.s32 $0x60, s3  }
0x27e: {  	[hbm4b:s18+s4] =	stream.linear.scatter [tilespmem:s17], [sflag:s28], $0x80, $0x38;
	[tilespmem:$0x12500] =	vst v63  }
0x27f: {  	s3 =	sadd.s32 $0x70, s3;
	s19 =	sadd.s32 $0xC338, s26  }
0x280: {  	[hbm4b:s3+s4] =	stream.linear.scatter [tilespmem:s19], [sflag:s28], $0x80, $0x38;
	[tilespmem:$0x12500] =	vst v63  }
0x281: {  	s0 =	sadd.s32 s0, s11;
	s20 =	sadd.s32 $0xC3C0, s26  }
0x282: {  	[hbm4b:s0+s4] =	stream.linear.scatter [tilespmem:s20], [sflag:s28], $0x80, $0x38;
	[tilespmem:$0x12500] =	vst v63  }
0x283: {  	s21 =	sadd.s32 $0xC448, s26;
	s29 =	sadd.s32 $0x10, s0  }
0x284: {  	[hbm4b:s29+s4] =	stream.linear.scatter [tilespmem:s21], [sflag:s28], $0x80, $0x38;
	[tilespmem:$0x12500] =	vst v63  }
0x285: {  	s30 =	sadd.s32 $0xC4D0, s26;
	s31 =	sadd.s32 $0x20, s0  }
0x286: {  	[hbm4b:s31+s4] =	stream.linear.scatter [tilespmem:s30], [sflag:s28], $0x80, $0x38;
	[tilespmem:$0x12500] =	vst v63  }
0x287: {  	s16 =	sadd.s32 $0xC558, s26;
	s17 =	sadd.s32 $0x30, s0  }
0x288: {  	[hbm4b:s17+s4] =	stream.linear.scatter [tilespmem:s16], [sflag:s28], $0x80, $0x38;
	[tilespmem:$0x12500] =	vst v63  }
0x289: {  	s18 =	sadd.s32 $0xC5E0, s26;
	s19 =	sadd.s32 $0x40, s0  }
0x28a: {  	[hbm4b:s19+s4] =	stream.linear.scatter [tilespmem:s18], [sflag:s28], $0x80, $0x38;
	[tilespmem:$0x12500] =	vst v63  }
0x28b: {  	p1 =	sne.s32 s25, $0x32;
	s20 =	sadd.s32 $0xC668, s26;
	s21 =	sadd.s32 $0x50, s0  }
0x28c: {  	[hbm4b:s21+s4] =	stream.linear.scatter [tilespmem:s20], [sflag:s28], $0x80, $0x38;
	[tilespmem:$0x12500] =	vst v63  }
.Ltmp4:
0x28d: {  	s29 =	sadd.s32 $0xC6F0, s26;
	s30 =	sadd.s32 $0x60, s0;
	(pc) =	sbr.rel @p1 .LBB2_2-.Ltmp4, $4  }
0x28e: {  	[hbm4b:s30+s4] =	stream.linear.scatter [tilespmem:s29], [sflag:s28], $0x80, $0x38;
	[tilespmem:$0x12500] =	vst v63  }
0x28f: {  	s31 =	sadd.s32 $0xC778, s26;
	s0 =	sadd.s32 $0x70, s0  }
0x290: {  	[hbm4b:s0+s4] =	stream.linear.scatter [tilespmem:s31], [sflag:s28], $0x80, $0x38;
	[tilespmem:$0x12500] =	vst v63  }
0x291: {  	p0 =	por !p0, !p0;
	s28 =	smov.u32 s25  }
0x292: {  	_ =	swait.ge [sflag:s22], $0x400  }
0x293: {  	[sflag:s22] =	ssyncset.done $0x0  }
0x294: {  	[sflag:s22] =	ssyncadd.s32 $0xFFFFFC00  }
0x295: {  	_ =	swait.ge [sflag:s22], $0x400  }
0x296: {  	[sflag:s22] =	ssyncset.done $0x0  }
0x297: {  	[sflag:s22] =	ssyncadd.s32 $0xFFFFFC00  }
0x298: {  	_ =	swait.ge [sflag:s22], $0x400  }
0x299: {  	[sflag:s22] =	ssyncset.done $0x0  }
0x29a: {  	[sflag:s22] =	ssyncadd.s32 $0xFFFFFC00  }
0x29b: {  	_ =	swait.ge [sflag:s22], $0x400  }
0x29c: {  	[sflag:s22] =	ssyncset.done $0x0  }
0x29d: {  	[sflag:s22] =	ssyncadd.s32 $0xFFFFFC00  }
0x29e: {  	_ =	swait.ge [sflag:s22], $0x400  }
0x29f: {  	[sflag:s22] =	ssyncset.done $0x0  }
0x2a0: {  	[sflag:s22] =	ssyncadd.s32 $0xFFFFFC00  }
0x2a1: {  	_ =	swait.ge [sflag:s22], $0x400  }
0x2a2: {  	[sflag:s22] =	ssyncset.done $0x0  }
0x2a3: {  	[sflag:s22] =	ssyncadd.s32 $0xFFFFFC00  }
0x2a4: {  	_ =	swait.ge [sflag:s22], $0x400  }
0x2a5: {  	[sflag:s22] =	ssyncset.done $0x0  }
0x2a6: {  	[sflag:s22] =	ssyncadd.s32 $0xFFFFFC00  }
0x2a7: {  	_ =	swait.ge [sflag:s22], $0x400  }
0x2a8: {  	[sflag:s22] =	ssyncset.done $0x0  }
0x2a9: {  	[sflag:s22] =	ssyncadd.s32 $0xFFFFFC00  }
0x2aa: {  	_ =	swait.ge [sflag:s22], $0x400  }
0x2ab: {  	[sflag:s22] =	ssyncset.done $0x0  }
0x2ac: {  	[sflag:s22] =	ssyncadd.s32 $0xFFFFFC00  }
0x2ad: {  	_ =	swait.ge [sflag:s22], $0x400  }
0x2ae: {  	[sflag:s22] =	ssyncset.done $0x0  }
0x2af: {  	[sflag:s22] =	ssyncadd.s32 $0xFFFFFC00  }
0x2b0: {  	_ =	swait.ge [sflag:s22], $0x400  }
0x2b1: {  	[sflag:s22] =	ssyncset.done $0x0  }
0x2b2: {  	[sflag:s22] =	ssyncadd.s32 $0xFFFFFC00  }
0x2b3: {  	_ =	swait.ge [sflag:s22], $0x400  }
0x2b4: {  	[sflag:s22] =	ssyncset.done $0x0  }
0x2b5: {  	[sflag:s22] =	ssyncadd.s32 $0xFFFFFC00  }
0x2b6: {  	_ =	swait.ge [sflag:s22], $0x400  }
0x2b7: {  	[sflag:s22] =	ssyncset.done $0x0  }
0x2b8: {  	[sflag:s22] =	ssyncadd.s32 $0xFFFFFC00  }
0x2b9: {  	_ =	swait.ge [sflag:s22], $0x400  }
0x2ba: {  	[sflag:s22] =	ssyncset.done $0x0  }
0x2bb: {  	[sflag:s22] =	ssyncadd.s32 $0xFFFFFC00  }
0x2bc: {  	_ =	swait.ge [sflag:s22], $0x400  }
0x2bd: {  	[sflag:s22] =	ssyncset.done $0x0  }
0x2be: {  	[sflag:s22] =	ssyncadd.s32 $0xFFFFFC00  }
0x2bf: {  	_ =	swait.ge [sflag:s22], $0x400  }
0x2c0: {  	[sflag:s22] =	ssyncset.done $0x0  }
0x2c1: {  	[sflag:s22] =	ssyncadd.s32 $0xFFFFFC00  }
0x2c2: {  	_ =	swait.ge [sflag:s23], $0x400  }
0x2c3: {  	[sflag:s23] =	ssyncset.done $0x0  }
0x2c4: {  	[sflag:s23] =	ssyncadd.s32 $0xFFFFFC00  }
0x2c5: {  	_ =	swait.ge [sflag:s23], $0x400  }
0x2c6: {  	[sflag:s23] =	ssyncset.done $0x0  }
0x2c7: {  	[sflag:s23] =	ssyncadd.s32 $0xFFFFFC00  }
0x2c8: {  	_ =	swait.ge [sflag:s23], $0x400  }
0x2c9: {  	[sflag:s23] =	ssyncset.done $0x0  }
0x2ca: {  	[sflag:s23] =	ssyncadd.s32 $0xFFFFFC00  }
0x2cb: {  	_ =	swait.ge [sflag:s23], $0x400  }
0x2cc: {  	[sflag:s23] =	ssyncset.done $0x0  }
0x2cd: {  	[sflag:s23] =	ssyncadd.s32 $0xFFFFFC00  }
0x2ce: {  	_ =	swait.ge [sflag:s23], $0x400  }
0x2cf: {  	[sflag:s23] =	ssyncset.done $0x0  }
0x2d0: {  	[sflag:s23] =	ssyncadd.s32 $0xFFFFFC00  }
0x2d1: {  	_ =	swait.ge [sflag:s23], $0x400  }
0x2d2: {  	[sflag:s23] =	ssyncset.done $0x0  }
0x2d3: {  	[sflag:s23] =	ssyncadd.s32 $0xFFFFFC00  }
0x2d4: {  	_ =	swait.ge [sflag:s23], $0x400  }
0x2d5: {  	[sflag:s23] =	ssyncset.done $0x0  }
0x2d6: {  	[sflag:s23] =	ssyncadd.s32 $0xFFFFFC00  }
0x2d7: {  	_ =	swait.ge [sflag:s23], $0x400  }
0x2d8: {  	[sflag:s23] =	ssyncset.done $0x0  }
0x2d9: {  	[sflag:s23] =	ssyncadd.s32 $0xFFFFFC00  }
0x2da: {  	_ =	swait.ge [sflag:s23], $0x400  }
0x2db: {  	[sflag:s23] =	ssyncset.done $0x0  }
0x2dc: {  	[sflag:s23] =	ssyncadd.s32 $0xFFFFFC00  }
0x2dd: {  	_ =	swait.ge [sflag:s23], $0x400  }
0x2de: {  	[sflag:s23] =	ssyncset.done $0x0  }
0x2df: {  	[sflag:s23] =	ssyncadd.s32 $0xFFFFFC00  }
0x2e0: {  	_ =	swait.ge [sflag:s23], $0x400  }
0x2e1: {  	[sflag:s23] =	ssyncset.done $0x0  }
0x2e2: {  	[sflag:s23] =	ssyncadd.s32 $0xFFFFFC00  }
0x2e3: {  	_ =	swait.ge [sflag:s23], $0x400  }
0x2e4: {  	[sflag:s23] =	ssyncset.done $0x0  }
0x2e5: {  	[sflag:s23] =	ssyncadd.s32 $0xFFFFFC00  }
0x2e6: {  	_ =	swait.ge [sflag:s23], $0x400  }
0x2e7: {  	[sflag:s23] =	ssyncset.done $0x0  }
0x2e8: {  	[sflag:s23] =	ssyncadd.s32 $0xFFFFFC00  }
0x2e9: {  	_ =	swait.ge [sflag:s23], $0x400  }
0x2ea: {  	[sflag:s23] =	ssyncset.done $0x0  }
0x2eb: {  	s24 =	sadd.s32 $0x1, s24;
	[sflag:s23] =	ssyncadd.s32 $0xFFFFFC00  }
0x2ec: {  	p0 =	sne.s32 s24, s12;
	_ =	swait.ge [sflag:s23], $0x400  }
.Ltmp5:
0x2ed: {  	[sflag:s23] =	ssyncset.done $0x0;
	(pc) =	sbr.rel @p0 .LBB2_1-.Ltmp5, $4  }
0x2ee: {  	[sflag:s23] =	ssyncadd.s32 $0xFFFFFC00  }
0x2ef: {  	_ =	swait.ge [sflag:s23], $0x400  }
0x2f0: {  	[sflag:s23] =	ssyncset.done $0x0  }
0x2f1: {  	[sflag:s23] =	ssyncadd.s32 $0xFFFFFC00  }
0x2f2: {  	_ =	sfence.sel $0x180000  }
0x2f3: {  	[bflag:$0x0] =	sbarrier.arrive $0xFFFF  }
0x2f4: {  	_ =	strace $0x90000047  }
0x2f5: {  	s0 =	stileid.u32;
	[bflag:$0x2] =	sbarrier.arrive $0xFFFF  }
0x2f6: {  	p0 =	sne.s32 s0, $0x0;
	s0 =	rddreg [dreg:$0x3]  }
0x2f7: {  	s0 =	sadd.s32 @!p0 $0x100000, s0  }
0x2f8: {  	[sflag:s0] =	ssyncadd.tile.s32 @!p0 $0x1;
	_ =	shalt  }
.Lfunc_end2:
_tile_overlayer_lowered:
.L_overlay_start_2:
0x2f9: {  	(tag) =	ssettag $0x2  }
0x2fa: {  	s0 =	rddreg [dreg:$0x0];
	s2 =	stileid.u32  }
0x2fb: {  	s1 =	rddreg [dreg:$0x1];
	p0 =	sne.s32 s2, $0x0  }
0x2fc: {  	s3 =	rddreg [dreg:$0x2];
	[bflag:$0x3] =	sbarrier.arrive $0xFFFF;
	s2 =	simm.s32 @!p0 $0x1C05  }
0x2fd: {  	[timem:s3], [sflag:s2] =	dma.local @!p0 [hbm:s0], s1  }
0x2fe: {  	s0 =	simm.s32 @!p0 $0x5  }
0x2ff: {  	_ =	swait.ge @!p0 [sflag:s0], s1  }
0x300: {  	s1 =	ssub.s32 @!p0 $0x0, s1;
	[sflag:s0] =	ssyncset.done @!p0 $0x0  }
0x301: {  	[sflag:s0] =	ssyncadd.s32 @!p0 s1  }
0x302: {  	[bflag:$0x3] =	sbarrier.arrive $0xFFFF  }
0x303: {  	_ =	shalt  }

</sc_bundles>
